<compile_context>
chip_gen: v7x
topology: tpu7x:2x2x1
jax: 0.10.2.dev20260603
libtpu: 0.0.44.dev20260713+nightly
codegen_flags: <defaults>
</compile_context>

<pallas_src>
import functools

import jax
import jax.numpy as jnp
from jax import lax
from jax.experimental import pallas as pl
from jax.experimental.pallas import tpu as pltpu
from jax.experimental.pallas import tpu_sc as plsc

N = 10000
E = 320000
D = 128
L = 3

NC = 2
NS = 16
NW = NC * NS
EPW = E // NW
K = 80
NCHUNK = EPW // K
NB = 4
NOUT = (NCHUNK + NB - 1) // NB
RPT = 624
RTAIL = N - NS * RPT
NR = 80
NPAD = NR * D

_f32 = jnp.float32

_MESH = plsc.VectorSubcoreMesh(core_axis_name="c", subcore_axis_name="s")


def _zero_spmem(s, z_nd, sh):
  pltpu.sync_copy(z_nd.at[pl.ds(s * RPT, RPT)], sh.at[pl.ds(s * RPT, RPT)])

  @pl.when(s == 0)
  def _():
    pltpu.sync_copy(z_nd.at[pl.ds(NS * RPT, RTAIL)],
                    sh.at[pl.ds(NS * RPT, RTAIL)])


def _flush_spmem(c, s, sh, out):
  pltpu.sync_copy(sh.at[pl.ds(s * RPT, RPT)], out.at[c, pl.ds(s * RPT, RPT)])

  @pl.when(s == 0)
  def _():
    pltpu.sync_copy(sh.at[pl.ds(NS * RPT, RTAIL)],
                    out.at[c, pl.ds(NS * RPT, RTAIL)])


@functools.partial(
    pl.kernel, mesh=_MESH,
    out_type=jax.ShapeDtypeStruct((NC, N, D), _f32),
    scratch_types=(
        [pltpu.VMEM((K,), jnp.int32)] * NB
        + [pltpu.VMEM((K,), jnp.int32)] * NB
        + [pltpu.VMEM((K, D), _f32)] * NB
        + [pltpu.VMEM_SHARED((N, D), _f32)]
        + [pltpu.SemaphoreType.DMA] * NB
        + [pltpu.SemaphoreType.DMA] * NB
    ))
def _sc_agg(h_hbm, src_hbm, dst_hbm, z_nd, out_agg, *scr):
  sbufs = scr[0:NB]
  dbufs = scr[NB:2 * NB]
  rbufs = scr[2 * NB:3 * NB]
  agg_sh = scr[3 * NB]
  gsems = scr[3 * NB + 1:4 * NB + 1]
  isems = scr[4 * NB + 1:]

  c = lax.axis_index("c")
  s = lax.axis_index("s")
  wid = c * NS + s

  _zero_spmem(s, z_nd, agg_sh)
  plsc.subcore_barrier()
  ebase = wid * EPW

  def idx_start(g, b):
    base = ebase + g * K
    pltpu.async_copy(src_hbm.at[pl.ds(base, K)], sbufs[b], isems[b])
    pltpu.async_copy(dst_hbm.at[pl.ds(base, K)], dbufs[b], isems[b])

  def idx_wait_gather_start(g, b):
    base = ebase + g * K
    pltpu.make_async_copy(src_hbm.at[pl.ds(base, K)], sbufs[b],
                          isems[b]).wait()
    pltpu.make_async_copy(dst_hbm.at[pl.ds(base, K)], dbufs[b],
                          isems[b]).wait()
    pltpu.async_copy(h_hbm.at[sbufs[b]], rbufs[b], gsems[b])

  for b in range(NB):
    idx_start(b, b)
  for b in range(NB - 1):
    idx_wait_gather_start(b, b)

  def outer(i, carry):
    g0 = i * NB
    for b in range(NB):
      g = g0 + b

      @pl.when(g < NCHUNK)
      def _():
        pltpu.make_async_copy(h_hbm.at[sbufs[b]], rbufs[b], gsems[b]).wait()
        pltpu.sync_copy(rbufs[b], agg_sh.at[dbufs[b]], add=True)
        nxt = g + NB

        @pl.when(nxt < NCHUNK)
        def _():
          idx_start(nxt, b)

        g2 = g + NB - 1
        b2 = (b + NB - 1) % NB

        @pl.when(g2 < NCHUNK)
        def _():
          idx_wait_gather_start(g2, b2)

    return carry

  lax.fori_loop(0, NOUT, outer, 0)
  plsc.subcore_barrier()
  _flush_spmem(c, s, agg_sh, out_agg)


@functools.partial(
    pl.kernel, mesh=_MESH,
    out_type=jax.ShapeDtypeStruct((NC, N, D), _f32),
    scratch_types=(
        [pltpu.VMEM((K,), jnp.int32)] * NB
        + [pltpu.VMEM((K, D), _f32)]
        + [pltpu.VMEM_SHARED((N, D), _f32)]
        + [pltpu.SemaphoreType.DMA] * NB
    ))
def _sc_deg(dst_hbm, z_nd, ones_hbm, out_deg, *scr):
  dbufs = scr[0:NB]
  ones_v = scr[NB]
  deg_sh = scr[NB + 1]
  isems = scr[NB + 2:]

  c = lax.axis_index("c")
  s = lax.axis_index("s")
  wid = c * NS + s

  _zero_spmem(s, z_nd, deg_sh)
  pltpu.sync_copy(ones_hbm, ones_v)
  plsc.subcore_barrier()

  ebase = wid * EPW

  for b in range(NB):
    pltpu.async_copy(dst_hbm.at[pl.ds(ebase + b * K, K)], dbufs[b], isems[b])

  def outer(i, carry):
    g0 = i * NB
    for b in range(NB):
      g = g0 + b

      @pl.when(g < NCHUNK)
      def _():
        pltpu.make_async_copy(dst_hbm.at[pl.ds(ebase + g * K, K)], dbufs[b],
                              isems[b]).wait()
        pltpu.sync_copy(ones_v, deg_sh.at[dbufs[b]], add=True)
        nxt = g + NB

        @pl.when(nxt < NCHUNK)
        def _():
          pltpu.async_copy(dst_hbm.at[pl.ds(ebase + nxt * K, K)], dbufs[b],
                           isems[b])

    return carry

  lax.fori_loop(0, NOUT, outer, 0)
  plsc.subcore_barrier()
  _flush_spmem(c, s, deg_sh, out_deg)


def _gelu(u):
  return u * 0.5 * (1.0 + lax.erf(u * (2.0 ** -0.5)))


def _dense_pre_body(h, Wr, b, out):
  out[...] = jnp.dot(h[...], Wr[...], preferred_element_type=_f32) + b[...]


_dense_pre = pl.pallas_call(
    _dense_pre_body,
    out_shape=jax.ShapeDtypeStruct((N, D), _f32),
)


def _deg_col_body(degp, out):
  out[...] = jnp.maximum(degp[0, :, 0:1] + degp[1, :, 0:1], 1.0)


_deg_col = pl.pallas_call(
    _deg_col_body,
    out_shape=jax.ShapeDtypeStruct((N, 1), _f32),
)


def _layer_post(add_prev, aggp, deg, hwr, h, Wl, g, be, al):
  agg = (aggp[0, :, :] + aggp[1, :, :]) / deg[...]
  u = jnp.dot(agg, Wl[...], preferred_element_type=_f32) + hwr[...]
  u = _gelu(u)
  mu = jnp.mean(u, axis=0, keepdims=True)
  sub = u - al[...] * mu
  var = jnp.mean(sub * sub, axis=0, keepdims=True)
  res = g[...] * sub * lax.rsqrt(var + 1e-5) + be[...]
  if add_prev:
    res = res + h[...]
  return res


def _dense_fin_body(add_prev, aggp, rdeg, hwr, h, Wl, g, be, al, out):
  out[...] = _layer_post(add_prev, aggp, rdeg, hwr, h, Wl, g, be, al)


def _make_dense_fin(add_prev):
  return pl.pallas_call(
      functools.partial(_dense_fin_body, add_prev),
      out_shape=jax.ShapeDtypeStruct((N, D), _f32),
  )


_dense_fin0 = _make_dense_fin(False)
_dense_fin_res = _make_dense_fin(True)


def _tail_body(aggp, rdeg, hwr, h, Wl, g, be, al, o0, o1, x, dyt_a, dyt_g,
               dyt_b, w1, b1, w2, b2, w3, b3, jw1, jb1, jw2, jb2,
               z_out, jv_out):
  o2 = _layer_post(True, aggp, rdeg, hwr, h, Wl, g, be, al)
  a = dyt_a[0, 0]
  acc = b1[...]
  for i, o in enumerate((o0[...], o1[...], o2)):
    t = dyt_g[i:i + 1, :] * jnp.tanh(a * o) + dyt_b[i:i + 1, :]
    acc = acc + jnp.dot(t, w1[i], preferred_element_type=_f32)
  z = _gelu(acc)
  z = _gelu(jnp.dot(z, w2[...], preferred_element_type=_f32) + b2[...])
  z = jnp.dot(z, w3[...], preferred_element_type=_f32) + b3[...] + x[...]
  nrm = jnp.sqrt(jnp.sum(z * z, axis=1, keepdims=True))
  z = z / (nrm + 1e-10)
  z_out[...] = z
  jm = jnp.mean(z, axis=0, keepdims=True)
  jv = _gelu(jnp.dot(jm, jw1[...], preferred_element_type=_f32) + jb1[...])
  jv = jnp.dot(jv, jw2[...], preferred_element_type=_f32) + jb2[...]
  jn = jnp.sqrt(jnp.sum(jv * jv, axis=1, keepdims=True))
  jv_out[...] = jv / (jn + 1e-10)


_tail = pl.pallas_call(
    _tail_body,
    out_shape=(jax.ShapeDtypeStruct((N, D), _f32),
               jax.ShapeDtypeStruct((1, D), _f32)),
)


def kernel(x, edge_index, sage_Wl, sage_Wr, sage_b, gn_gamma, gn_beta,
           gn_alpha, dyt_alpha, dyt_gamma, dyt_beta, lin1_W, lin1_b, lin2_W,
           lin2_b, lin3_W, lin3_b, jv1_W, jv1_b, jv2_W, jv2_b):
  ei = edge_index.astype(jnp.int32)
  src_i = ei[0]
  dst_i = ei[1]
  z_nd = jnp.zeros((N, D), _f32)
  ones_kd = jnp.ones((K, D), _f32)

  degp = _sc_deg(dst_i, z_nd, ones_kd)
  rdeg = _deg_col(degp)
  h = x
  outs = []
  for i in range(L - 1):
    aggp = _sc_agg(h, src_i, dst_i, z_nd)
    hwr = _dense_pre(h, sage_Wr[i], sage_b[i].reshape(1, D))
    dense = _dense_fin0 if i == 0 else _dense_fin_res
    h = dense(aggp, rdeg, hwr, h, sage_Wl[i], gn_gamma[i].reshape(1, D),
              gn_beta[i].reshape(1, D), gn_alpha[i].reshape(1, D))
    outs.append(h)

  aggp = _sc_agg(h, src_i, dst_i, z_nd)
  hwr = _dense_pre(h, sage_Wr[2], sage_b[2].reshape(1, D))
  z, jv = _tail(aggp, rdeg, hwr, h, sage_Wl[2], gn_gamma[2].reshape(1, D),
                gn_beta[2].reshape(1, D), gn_alpha[2].reshape(1, D),
                outs[0], outs[1], x,
                dyt_alpha.reshape(1, 1), dyt_gamma.reshape(L, D),
                dyt_beta.reshape(L, D), lin1_W.reshape(L, D, D),
                lin1_b.reshape(1, D), lin2_W, lin2_b.reshape(1, D),
                lin3_W, lin3_b.reshape(1, D), jv1_W, jv1_b.reshape(1, D),
                jv2_W, jv2_b.reshape(1, D))
  return (z, jv)

# --- scband reference (transcript-rebuilt; emitter-appended) ---
"""Pipeline reference for scband-hetero-gae-geo-decoder-pairwise-3985729650716 (READ-ONLY COPY).

The authoritative reference and input builder live on the scoring server;
editing this copy changes nothing except your own understanding.
"""

import jax, jax.numpy as jnp
import numpy as np

N = 10000
E = 320000
D = 128
L = 3
JVD = 128


def setup_inputs(seed: int = 0) -> dict:
    key = jax.random.key(seed)
    ks = jax.random.split(key, 16)
    s = 0.05
    inp = {}
    inp['x'] = jax.random.normal(ks[0], (N, D), dtype=jnp.float32)
    inp['edge_index'] = jax.random.randint(ks[1], (2, E), 0, N)
    # SAGEConv params per layer (stacked): out = aggr @ Wl + b + x @ Wr
    inp['sage_Wl'] = jax.random.normal(ks[2], (L, D, D), dtype=jnp.float32) * s
    inp['sage_Wr'] = jax.random.normal(ks[3], (L, D, D), dtype=jnp.float32) * s
    inp['sage_b'] = jnp.zeros((L, D), dtype=jnp.float32)
    # GraphNorm params per layer
    inp['gn_gamma'] = jnp.ones((L, D), dtype=jnp.float32)
    inp['gn_beta'] = jnp.zeros((L, D), dtype=jnp.float32)
    inp['gn_alpha'] = jnp.ones((L, D), dtype=jnp.float32)
    # DynamicTanh over JK-concat (L*D channels)
    inp['dyt_alpha'] = jnp.array(0.5, dtype=jnp.float32)
    inp['dyt_gamma'] = jnp.ones((L * D,), dtype=jnp.float32)
    inp['dyt_beta'] = jnp.zeros((L * D,), dtype=jnp.float32)
    # self.lin MLP: (L*D -> 128 -> 128 -> 128)
    inp['lin1_W'] = jax.random.normal(ks[4], (L * D, 128), dtype=jnp.float32) * s
    inp['lin1_b'] = jnp.zeros((128,), dtype=jnp.float32)
    inp['lin2_W'] = jax.random.normal(ks[5], (128, 128), dtype=jnp.float32) * s
    inp['lin2_b'] = jnp.zeros((128,), dtype=jnp.float32)
    inp['lin3_W'] = jax.random.normal(ks[6], (128, D), dtype=jnp.float32) * s
    inp['lin3_b'] = jnp.zeros((D,), dtype=jnp.float32)
    # jaccard_vec_proj MLP: (D -> JVD -> JVD)
    inp['jv1_W'] = jax.random.normal(ks[7], (D, JVD), dtype=jnp.float32) * s
    inp['jv1_b'] = jnp.zeros((JVD,), dtype=jnp.float32)
    inp['jv2_W'] = jax.random.normal(ks[8], (JVD, JVD), dtype=jnp.float32) * s
    inp['jv2_b'] = jnp.zeros((JVD,), dtype=jnp.float32)
    return inp


def reference(x, edge_index, sage_Wl, sage_Wr, sage_b, gn_gamma, gn_beta, gn_alpha,
              dyt_alpha, dyt_gamma, dyt_beta, lin1_W, lin1_b, lin2_W, lin2_b,
              lin3_W, lin3_b, jv1_W, jv1_b, jv2_W, jv2_b):
    src = edge_index[0]
    dst = edge_index[1]
    n = x.shape[0]
    # dropout in eval mode -> identity
    inz = x
    h = x
    deg = jnp.maximum(jax.ops.segment_sum(jnp.ones_like(src, dtype=x.dtype), dst, num_segments=n), 1.0)
    outs = []
    for i in range(L):
        prev = h
        # SAGEConv with mean aggregation: lin_l(mean_j x_j) + lin_r(x_i)
        msg = jnp.take(h, src, axis=0)
        agg = jax.ops.segment_sum(msg, dst, num_segments=n) / deg[:, None]
        h2 = agg @ sage_Wl[i] + sage_b[i] + h @ sage_Wr[i]
        h2 = jax.nn.gelu(h2, approximate=False)
        # GraphNorm (single graph): gamma * (x - alpha*mean) / sqrt(var + eps) + beta
        mean = h2.mean(axis=0, keepdims=True)
        sub = h2 - gn_alpha[i] * mean
        var = (sub * sub).mean(axis=0, keepdims=True)
        h2 = gn_gamma[i] * sub / jnp.sqrt(var + 1e-5) + gn_beta[i]
        if i > 0:
            h2 = h2 + prev
        h = h2
        outs.append(h)
    # JumpingKnowledge(mode='cat')
    zc = jnp.concatenate(outs, axis=1)
    # self.lin: Dropout (identity) -> DynamicTanh -> Linear/GELU stack
    zt = dyt_gamma * jnp.tanh(dyt_alpha * zc) + dyt_beta
    z = jax.nn.gelu(zt @ lin1_W + lin1_b, approximate=False)
    z = jax.nn.gelu(z @ lin2_W + lin2_b, approximate=False)
    z = z @ lin3_W + lin3_b
    # residual
    z = z + inz
    # normalize
    z = z / (jnp.linalg.norm(z, axis=1, keepdims=True) + 1e-10)
    # jaccard vector
    jm = z.mean(axis=0, keepdims=True)
    jv = jax.nn.gelu(jm @ jv1_W + jv1_b, approximate=False) @ jv2_W + jv2_b
    jv = jv / (jnp.linalg.norm(jv, axis=-1, keepdims=True) + 1e-10)
    return (z, jv)

if __name__ == "__main__":
    import jax
    _d = setup_inputs()
    print(jax.jit(kernel)(*tuple(_d.values())))

</pallas_src>

<mosaic_0001>
#map = affine_map<(d0, d1) -> (0, 0)>
#map1 = affine_map<(d0, d1) -> (0)>
#map2 = affine_map<(d0, d1) -> (0, 0, 0)>
module attributes {stable_mosaic.version = 14 : i64} {
  func.func @_sc_agg(%arg0: i32, %arg1: i32, %arg2: memref<10000x128xf32, #tpu.memory_space<hbm>>, %arg3: memref<320000xi32, #tpu.memory_space<hbm>>, %arg4: memref<320000xi32, #tpu.memory_space<hbm>>, %arg5: memref<10000x128xf32, #tpu.memory_space<hbm>>, %arg6: memref<2x10000x128xf32, #tpu.memory_space<hbm>>, %arg7: memref<80xi32, #tpu.memory_space<vmem>>, %arg8: memref<80xi32, #tpu.memory_space<vmem>>, %arg9: memref<80xi32, #tpu.memory_space<vmem>>, %arg10: memref<80xi32, #tpu.memory_space<vmem>>, %arg11: memref<80xi32, #tpu.memory_space<vmem>>, %arg12: memref<80xi32, #tpu.memory_space<vmem>>, %arg13: memref<80xi32, #tpu.memory_space<vmem>>, %arg14: memref<80xi32, #tpu.memory_space<vmem>>, %arg15: memref<80x128xf32, #tpu.memory_space<vmem>>, %arg16: memref<80x128xf32, #tpu.memory_space<vmem>>, %arg17: memref<80x128xf32, #tpu.memory_space<vmem>>, %arg18: memref<80x128xf32, #tpu.memory_space<vmem>>, %arg19: memref<10000x128xf32, #tpu.memory_space<vmem_shared>>, %arg20: memref<!tpu.dma_semaphore, #tpu.memory_space<semaphore_mem>>, %arg21: memref<!tpu.dma_semaphore, #tpu.memory_space<semaphore_mem>>, %arg22: memref<!tpu.dma_semaphore, #tpu.memory_space<semaphore_mem>>, %arg23: memref<!tpu.dma_semaphore, #tpu.memory_space<semaphore_mem>>, %arg24: memref<!tpu.dma_semaphore, #tpu.memory_space<semaphore_mem>>, %arg25: memref<!tpu.dma_semaphore, #tpu.memory_space<semaphore_mem>>, %arg26: memref<!tpu.dma_semaphore, #tpu.memory_space<semaphore_mem>>, %arg27: memref<!tpu.dma_semaphore, #tpu.memory_space<semaphore_mem>>) attributes {dimension_semantics = [#tpu.dimension_semantics<core_parallel>, #tpu.dimension_semantics<subcore_parallel>], iteration_bounds = array<i64: 2, 16>, scalar_prefetch = 0 : i64, scratch_operands = 21 : i64, tpu.core_type = #tpu.core_type<sc_vector_subcore>, window_params = [{transform_indices = #map}, {transform_indices = #map1}, {transform_indices = #map1}, {transform_indices = #map}, {transform_indices = #map2}]} {
    %mul3A = arith.constant 16 : i32
    %mul3A_0 = arith.muli %arg0, %mul3A : i32
    %add3A = arith.addi %mul3A_0, %arg1 : i32
    %mul3A_1 = arith.constant 624 : i32
    %mul3A_2 = arith.muli %arg1, %mul3A_1 : i32
    %mul3A_3 = arith.constant 624 : i32
    %mul3A_4 = arith.muli %arg1, %mul3A_3 : i32
    "tpu.region"() ({
      %run_scoped3A = tpu.sem_alloc : memref<!tpu.dma_semaphore, #tpu.memory_space<semaphore_mem>>
      %dma_start3A_73 = arith.constant 0 : i32
      %dma_start3A_74 = tpu.memref_slice %arg19[%mul3A_4, %dma_start3A_73] : memref<10000x128xf32, #tpu.memory_space<vmem_shared>> -> memref<624x128xf32, #tpu.memory_space<vmem_shared>>
      %dma_start3A_75 = arith.constant 0 : i32
      %dma_start3A_76 = tpu.memref_slice %arg5[%mul3A_2, %dma_start3A_75] : memref<10000x128xf32, #tpu.memory_space<hbm>> -> memref<624x128xf32, #tpu.memory_space<hbm>>
      tpu.enqueue_dma source(%dma_start3A_76 : memref<624x128xf32, #tpu.memory_space<hbm>>) target(%dma_start3A_74 : memref<624x128xf32, #tpu.memory_space<vmem_shared>>) target_semaphore(%run_scoped3A : memref<!tpu.dma_semaphore, #tpu.memory_space<semaphore_mem>>)
      %dma_wait3A_77 = arith.constant 0 : i32
      %dma_wait3A_78 = tpu.memref_slice %arg19[%mul3A_4, %dma_wait3A_77] : memref<10000x128xf32, #tpu.memory_space<vmem_shared>> -> memref<624x128xf32, #tpu.memory_space<vmem_shared>>
      %dma_wait3A_79 = arith.constant 0 : i32
      %dma_wait3A_80 = tpu.memref_slice %arg5[%mul3A_2, %dma_wait3A_79] : memref<10000x128xf32, #tpu.memory_space<hbm>> -> memref<624x128xf32, #tpu.memory_space<hbm>>
      tpu.wait_dma2 semaphore(%run_scoped3A : memref<!tpu.dma_semaphore, #tpu.memory_space<semaphore_mem>>) src(%dma_wait3A_80 : memref<624x128xf32, #tpu.memory_space<hbm>>) dst(%dma_wait3A_78 : memref<624x128xf32, #tpu.memory_space<vmem_shared>>)
      tpu.yield
    }) : () -> ()
    %eq3A = arith.constant 0 : i32
    %eq3A_5 = arith.cmpi eq, %arg1, %eq3A : i32
    %convert_element_type3A = arith.extui %eq3A_5 : i1 to i32
    %cond3A = arith.constant 0 : i32
    %cond3A_6 = arith.cmpi ne, %convert_element_type3A, %cond3A : i32
    scf.if %cond3A_6 {
      "tpu.region"() ({
        %run_scoped3A = tpu.sem_alloc : memref<!tpu.dma_semaphore, #tpu.memory_space<semaphore_mem>>
        %dma_start3A_73 = arith.constant 9984 : i32
        %dma_start3A_74 = arith.constant 0 : i32
        %dma_start3A_75 = tpu.memref_slice %arg19[%dma_start3A_73, %dma_start3A_74] : memref<10000x128xf32, #tpu.memory_space<vmem_shared>> -> memref<16x128xf32, #tpu.memory_space<vmem_shared>>
        %dma_start3A_76 = arith.constant 9984 : i32
        %dma_start3A_77 = arith.constant 0 : i32
        %dma_start3A_78 = tpu.memref_slice %arg5[%dma_start3A_76, %dma_start3A_77] : memref<10000x128xf32, #tpu.memory_space<hbm>> -> memref<16x128xf32, #tpu.memory_space<hbm>>
        tpu.enqueue_dma source(%dma_start3A_78 : memref<16x128xf32, #tpu.memory_space<hbm>>) target(%dma_start3A_75 : memref<16x128xf32, #tpu.memory_space<vmem_shared>>) target_semaphore(%run_scoped3A : memref<!tpu.dma_semaphore, #tpu.memory_space<semaphore_mem>>)
        %dma_wait3A_79 = arith.constant 9984 : i32
        %dma_wait3A_80 = arith.constant 0 : i32
        %dma_wait3A_81 = tpu.memref_slice %arg19[%dma_wait3A_79, %dma_wait3A_80] : memref<10000x128xf32, #tpu.memory_space<vmem_shared>> -> memref<16x128xf32, #tpu.memory_space<vmem_shared>>
        %dma_wait3A_82 = arith.constant 9984 : i32
        %dma_wait3A_83 = arith.constant 0 : i32
        %dma_wait3A_84 = tpu.memref_slice %arg5[%dma_wait3A_82, %dma_wait3A_83] : memref<10000x128xf32, #tpu.memory_space<hbm>> -> memref<16x128xf32, #tpu.memory_space<hbm>>
        tpu.wait_dma2 semaphore(%run_scoped3A : memref<!tpu.dma_semaphore, #tpu.memory_space<semaphore_mem>>) src(%dma_wait3A_84 : memref<16x128xf32, #tpu.memory_space<hbm>>) dst(%dma_wait3A_81 : memref<16x128xf32, #tpu.memory_space<vmem_shared>>)
        tpu.yield
      }) : () -> ()
    } else {
    }
    %barrier3A = arith.constant 0 : index
    tpu.barrier barrier_id(%barrier3A)
    %mul3A_7 = arith.constant 10000 : i32
    %mul3A_8 = arith.muli %add3A, %mul3A_7 : i32
    %add3A_9 = arith.constant 0 : i32
    %add3A_10 = arith.addi %mul3A_8, %add3A_9 : i32
    %dma_start3A = tpu.memref_slice %arg3[%add3A_10] : memref<320000xi32, #tpu.memory_space<hbm>> -> memref<80xi32, #tpu.memory_space<hbm>>
    %dma_start3A_11 = tpu.memref_slice %arg3[%add3A_10] : memref<320000xi32, #tpu.memory_space<hbm>> -> memref<80xi32, #tpu.memory_space<hbm>>
    tpu.enqueue_dma source(%dma_start3A_11 : memref<80xi32, #tpu.memory_space<hbm>>) target(%arg7 : memref<80xi32, #tpu.memory_space<vmem>>) target_semaphore(%arg24 : memref<!tpu.dma_semaphore, #tpu.memory_space<semaphore_mem>>)
    %dma_start3A_12 = tpu.memref_slice %arg4[%add3A_10] : memref<320000xi32, #tpu.memory_space<hbm>> -> memref<80xi32, #tpu.memory_space<hbm>>
    %dma_start3A_13 = tpu.memref_slice %arg4[%add3A_10] : memref<320000xi32, #tpu.memory_space<hbm>> -> memref<80xi32, #tpu.memory_space<hbm>>
    tpu.enqueue_dma source(%dma_start3A_13 : memref<80xi32, #tpu.memory_space<hbm>>) target(%arg11 : memref<80xi32, #tpu.memory_space<vmem>>) target_semaphore(%arg24 : memref<!tpu.dma_semaphore, #tpu.memory_space<semaphore_mem>>)
    %add3A_14 = arith.constant 80 : i32
    %add3A_15 = arith.addi %mul3A_8, %add3A_14 : i32
    %dma_start3A_16 = tpu.memref_slice %arg3[%add3A_15] : memref<320000xi32, #tpu.memory_space<hbm>> -> memref<80xi32, #tpu.memory_space<hbm>>
    %dma_start3A_17 = tpu.memref_slice %arg3[%add3A_15] : memref<320000xi32, #tpu.memory_space<hbm>> -> memref<80xi32, #tpu.memory_space<hbm>>
    tpu.enqueue_dma source(%dma_start3A_17 : memref<80xi32, #tpu.memory_space<hbm>>) target(%arg8 : memref<80xi32, #tpu.memory_space<vmem>>) target_semaphore(%arg25 : memref<!tpu.dma_semaphore, #tpu.memory_space<semaphore_mem>>)
    %dma_start3A_18 = tpu.memref_slice %arg4[%add3A_15] : memref<320000xi32, #tpu.memory_space<hbm>> -> memref<80xi32, #tpu.memory_space<hbm>>
    %dma_start3A_19 = tpu.memref_slice %arg4[%add3A_15] : memref<320000xi32, #tpu.memory_space<hbm>> -> memref<80xi32, #tpu.memory_space<hbm>>
    tpu.enqueue_dma source(%dma_start3A_19 : memref<80xi32, #tpu.memory_space<hbm>>) target(%arg12 : memref<80xi32, #tpu.memory_space<vmem>>) target_semaphore(%arg25 : memref<!tpu.dma_semaphore, #tpu.memory_space<semaphore_mem>>)
    %add3A_20 = arith.constant 160 : i32
    %add3A_21 = arith.addi %mul3A_8, %add3A_20 : i32
    %dma_start3A_22 = tpu.memref_slice %arg3[%add3A_21] : memref<320000xi32, #tpu.memory_space<hbm>> -> memref<80xi32, #tpu.memory_space<hbm>>
    %dma_start3A_23 = tpu.memref_slice %arg3[%add3A_21] : memref<320000xi32, #tpu.memory_space<hbm>> -> memref<80xi32, #tpu.memory_space<hbm>>
    tpu.enqueue_dma source(%dma_start3A_23 : memref<80xi32, #tpu.memory_space<hbm>>) target(%arg9 : memref<80xi32, #tpu.memory_space<vmem>>) target_semaphore(%arg26 : memref<!tpu.dma_semaphore, #tpu.memory_space<semaphore_mem>>)
    %dma_start3A_24 = tpu.memref_slice %arg4[%add3A_21] : memref<320000xi32, #tpu.memory_space<hbm>> -> memref<80xi32, #tpu.memory_space<hbm>>
    %dma_start3A_25 = tpu.memref_slice %arg4[%add3A_21] : memref<320000xi32, #tpu.memory_space<hbm>> -> memref<80xi32, #tpu.memory_space<hbm>>
    tpu.enqueue_dma source(%dma_start3A_25 : memref<80xi32, #tpu.memory_space<hbm>>) target(%arg13 : memref<80xi32, #tpu.memory_space<vmem>>) target_semaphore(%arg26 : memref<!tpu.dma_semaphore, #tpu.memory_space<semaphore_mem>>)
    %add3A_26 = arith.constant 240 : i32
    %add3A_27 = arith.addi %mul3A_8, %add3A_26 : i32
    %dma_start3A_28 = tpu.memref_slice %arg3[%add3A_27] : memref<320000xi32, #tpu.memory_space<hbm>> -> memref<80xi32, #tpu.memory_space<hbm>>
    %dma_start3A_29 = tpu.memref_slice %arg3[%add3A_27] : memref<320000xi32, #tpu.memory_space<hbm>> -> memref<80xi32, #tpu.memory_space<hbm>>
    tpu.enqueue_dma source(%dma_start3A_29 : memref<80xi32, #tpu.memory_space<hbm>>) target(%arg10 : memref<80xi32, #tpu.memory_space<vmem>>) target_semaphore(%arg27 : memref<!tpu.dma_semaphore, #tpu.memory_space<semaphore_mem>>)
    %dma_start3A_30 = tpu.memref_slice %arg4[%add3A_27] : memref<320000xi32, #tpu.memory_space<hbm>> -> memref<80xi32, #tpu.memory_space<hbm>>
    %dma_start3A_31 = tpu.memref_slice %arg4[%add3A_27] : memref<320000xi32, #tpu.memory_space<hbm>> -> memref<80xi32, #tpu.memory_space<hbm>>
    tpu.enqueue_dma source(%dma_start3A_31 : memref<80xi32, #tpu.memory_space<hbm>>) target(%arg14 : memref<80xi32, #tpu.memory_space<vmem>>) target_semaphore(%arg27 : memref<!tpu.dma_semaphore, #tpu.memory_space<semaphore_mem>>)
    %add3A_32 = arith.constant 0 : i32
    %add3A_33 = arith.addi %mul3A_8, %add3A_32 : i32
    %dma_wait3A = tpu.memref_slice %arg3[%add3A_33] : memref<320000xi32, #tpu.memory_space<hbm>> -> memref<80xi32, #tpu.memory_space<hbm>>
    %dma_wait3A_34 = tpu.memref_slice %arg3[%add3A_33] : memref<320000xi32, #tpu.memory_space<hbm>> -> memref<80xi32, #tpu.memory_space<hbm>>
    tpu.wait_dma2 semaphore(%arg24 : memref<!tpu.dma_semaphore, #tpu.memory_space<semaphore_mem>>) src(%dma_wait3A_34 : memref<80xi32, #tpu.memory_space<hbm>>) dst(%arg7 : memref<80xi32, #tpu.memory_space<vmem>>)
    %dma_wait3A_35 = tpu.memref_slice %arg4[%add3A_33] : memref<320000xi32, #tpu.memory_space<hbm>> -> memref<80xi32, #tpu.memory_space<hbm>>
    %dma_wait3A_36 = tpu.memref_slice %arg4[%add3A_33] : memref<320000xi32, #tpu.memory_space<hbm>> -> memref<80xi32, #tpu.memory_space<hbm>>
    tpu.wait_dma2 semaphore(%arg24 : memref<!tpu.dma_semaphore, #tpu.memory_space<semaphore_mem>>) src(%dma_wait3A_36 : memref<80xi32, #tpu.memory_space<hbm>>) dst(%arg11 : memref<80xi32, #tpu.memory_space<vmem>>)
    %dma_start3A_37 = arith.constant 0 : i32
    %dma_start3A_38 = arith.constant 0 : i32
    %dma_start3A_39 = tpu.memref_slice %arg2[%dma_start3A_37, %dma_start3A_38] : memref<10000x128xf32, #tpu.memory_space<hbm>> -> memref<10000x128xf32, #tpu.memory_space<hbm>>
    tpu.enqueue_indirect_dma source(%dma_start3A_39 : memref<10000x128xf32, #tpu.memory_space<hbm>>) target(%arg15 : memref<80x128xf32, #tpu.memory_space<vmem>>) offsets(%arg7 : memref<80xi32, #tpu.memory_space<vmem>>) semaphore(%arg20 : memref<!tpu.dma_semaphore, #tpu.memory_space<semaphore_mem>>)
    %add3A_40 = arith.constant 80 : i32
    %add3A_41 = arith.addi %mul3A_8, %add3A_40 : i32
    %dma_wait3A_42 = tpu.memref_slice %arg3[%add3A_41] : memref<320000xi32, #tpu.memory_space<hbm>> -> memref<80xi32, #tpu.memory_space<hbm>>
    %dma_wait3A_43 = tpu.memref_slice %arg3[%add3A_41] : memref<320000xi32, #tpu.memory_space<hbm>> -> memref<80xi32, #tpu.memory_space<hbm>>
    tpu.wait_dma2 semaphore(%arg25 : memref<!tpu.dma_semaphore, #tpu.memory_space<semaphore_mem>>) src(%dma_wait3A_43 : memref<80xi32, #tpu.memory_space<hbm>>) dst(%arg8 : memref<80xi32, #tpu.memory_space<vmem>>)
    %dma_wait3A_44 = tpu.memref_slice %arg4[%add3A_41] : memref<320000xi32, #tpu.memory_space<hbm>> -> memref<80xi32, #tpu.memory_space<hbm>>
    %dma_wait3A_45 = tpu.memref_slice %arg4[%add3A_41] : memref<320000xi32, #tpu.memory_space<hbm>> -> memref<80xi32, #tpu.memory_space<hbm>>
    tpu.wait_dma2 semaphore(%arg25 : memref<!tpu.dma_semaphore, #tpu.memory_space<semaphore_mem>>) src(%dma_wait3A_45 : memref<80xi32, #tpu.memory_space<hbm>>) dst(%arg12 : memref<80xi32, #tpu.memory_space<vmem>>)
    %dma_start3A_46 = arith.constant 0 : i32
    %dma_start3A_47 = arith.constant 0 : i32
    %dma_start3A_48 = tpu.memref_slice %arg2[%dma_start3A_46, %dma_start3A_47] : memref<10000x128xf32, #tpu.memory_space<hbm>> -> memref<10000x128xf32, #tpu.memory_space<hbm>>
    tpu.enqueue_indirect_dma source(%dma_start3A_48 : memref<10000x128xf32, #tpu.memory_space<hbm>>) target(%arg16 : memref<80x128xf32, #tpu.memory_space<vmem>>) offsets(%arg8 : memref<80xi32, #tpu.memory_space<vmem>>) semaphore(%arg21 : memref<!tpu.dma_semaphore, #tpu.memory_space<semaphore_mem>>)
    %add3A_49 = arith.constant 160 : i32
    %add3A_50 = arith.addi %mul3A_8, %add3A_49 : i32
    %dma_wait3A_51 = tpu.memref_slice %arg3[%add3A_50] : memref<320000xi32, #tpu.memory_space<hbm>> -> memref<80xi32, #tpu.memory_space<hbm>>
    %dma_wait3A_52 = tpu.memref_slice %arg3[%add3A_50] : memref<320000xi32, #tpu.memory_space<hbm>> -> memref<80xi32, #tpu.memory_space<hbm>>
    tpu.wait_dma2 semaphore(%arg26 : memref<!tpu.dma_semaphore, #tpu.memory_space<semaphore_mem>>) src(%dma_wait3A_52 : memref<80xi32, #tpu.memory_space<hbm>>) dst(%arg9 : memref<80xi32, #tpu.memory_space<vmem>>)
    %dma_wait3A_53 = tpu.memref_slice %arg4[%add3A_50] : memref<320000xi32, #tpu.memory_space<hbm>> -> memref<80xi32, #tpu.memory_space<hbm>>
    %dma_wait3A_54 = tpu.memref_slice %arg4[%add3A_50] : memref<320000xi32, #tpu.memory_space<hbm>> -> memref<80xi32, #tpu.memory_space<hbm>>
    tpu.wait_dma2 semaphore(%arg26 : memref<!tpu.dma_semaphore, #tpu.memory_space<semaphore_mem>>) src(%dma_wait3A_54 : memref<80xi32, #tpu.memory_space<hbm>>) dst(%arg13 : memref<80xi32, #tpu.memory_space<vmem>>)
    %dma_start3A_55 = arith.constant 0 : i32
    %dma_start3A_56 = arith.constant 0 : i32
    %dma_start3A_57 = tpu.memref_slice %arg2[%dma_start3A_55, %dma_start3A_56] : memref<10000x128xf32, #tpu.memory_space<hbm>> -> memref<10000x128xf32, #tpu.memory_space<hbm>>
    tpu.enqueue_indirect_dma source(%dma_start3A_57 : memref<10000x128xf32, #tpu.memory_space<hbm>>) target(%arg17 : memref<80x128xf32, #tpu.memory_space<vmem>>) offsets(%arg9 : memref<80xi32, #tpu.memory_space<vmem>>) semaphore(%arg22 : memref<!tpu.dma_semaphore, #tpu.memory_space<semaphore_mem>>)
    %scan3A = arith.constant 0 : i32
    %scan3A_58 = arith.constant 0 : i32
    %scan3A_59 = arith.constant 32 : i32
    %scan3A_60 = arith.addi %scan3A_58, %scan3A_59 : i32
    %scan3A_61 = arith.constant 1 : i32
    scf.for %scan3A_73 = %scan3A_58 to %scan3A_60 step %scan3A_61  : i32 {
      %mul3A_74 = arith.constant 4 : i32
      %mul3A_75 = arith.muli %scan3A_73, %mul3A_74 : i32
      %add3A_76 = arith.constant 0 : i32
      %add3A_77 = arith.addi %mul3A_75, %add3A_76 : i32
      %lt3A = arith.constant 125 : i32
      %lt3A_78 = arith.cmpi slt, %add3A_77, %lt3A : i32
      %convert_element_type3A_79 = arith.extui %lt3A_78 : i1 to i32
      %cond3A_80 = arith.constant 0 : i32
      %cond3A_81 = arith.cmpi ne, %convert_element_type3A_79, %cond3A_80 : i32
      scf.if %cond3A_81 {
        %dma_wait3A_103 = arith.constant 0 : i32
        %dma_wait3A_104 = arith.constant 0 : i32
        %dma_wait3A_105 = tpu.memref_slice %arg2[%dma_wait3A_103, %dma_wait3A_104] : memref<10000x128xf32, #tpu.memory_space<hbm>> -> memref<10000x128xf32, #tpu.memory_space<hbm>>
        tpu.wait_indirect_dma semaphore(%arg20 : memref<!tpu.dma_semaphore, #tpu.memory_space<semaphore_mem>>) src(%dma_wait3A_105 : memref<10000x128xf32, #tpu.memory_space<hbm>>) dst(%arg15 : memref<80x128xf32, #tpu.memory_space<vmem>>)
        "tpu.region"() ({
          %run_scoped3A = tpu.sem_alloc : memref<!tpu.dma_semaphore, #tpu.memory_space<semaphore_mem>>
          %dma_start3A_121 = arith.constant 0 : i32
          %dma_start3A_122 = arith.constant 0 : i32
          %dma_start3A_123 = tpu.memref_slice %arg19[%dma_start3A_121, %dma_start3A_122] : memref<10000x128xf32, #tpu.memory_space<vmem_shared>> -> memref<10000x128xf32, #tpu.memory_space<vmem_shared>>
          tpu.enqueue_indirect_dma source(%arg15 : memref<80x128xf32, #tpu.memory_space<vmem>>) target(%dma_start3A_123 : memref<10000x128xf32, #tpu.memory_space<vmem_shared>>) offsets(%arg11 : memref<80xi32, #tpu.memory_space<vmem>>) semaphore(%run_scoped3A : memref<!tpu.dma_semaphore, #tpu.memory_space<semaphore_mem>>) {add = true}
          %dma_wait3A_124 = arith.constant 0 : i32
          %dma_wait3A_125 = arith.constant 0 : i32
          %dma_wait3A_126 = tpu.memref_slice %arg19[%dma_wait3A_124, %dma_wait3A_125] : memref<10000x128xf32, #tpu.memory_space<vmem_shared>> -> memref<10000x128xf32, #tpu.memory_space<vmem_shared>>
          tpu.wait_indirect_dma semaphore(%run_scoped3A : memref<!tpu.dma_semaphore, #tpu.memory_space<semaphore_mem>>) src(%arg15 : memref<80x128xf32, #tpu.memory_space<vmem>>) dst(%dma_wait3A_126 : memref<10000x128xf32, #tpu.memory_space<vmem_shared>>)
          tpu.yield
        }) : () -> ()
        %add3A_106 = arith.constant 4 : i32
        %add3A_107 = arith.addi %add3A_77, %add3A_106 : i32
        %lt3A_108 = arith.constant 125 : i32
        %lt3A_109 = arith.cmpi slt, %add3A_107, %lt3A_108 : i32
        %convert_element_type3A_110 = arith.extui %lt3A_109 : i1 to i32
        %cond3A_111 = arith.constant 0 : i32
        %cond3A_112 = arith.cmpi ne, %convert_element_type3A_110, %cond3A_111 : i32
        scf.if %cond3A_112 {
          %mul3A_121 = arith.constant 80 : i32
          %mul3A_122 = arith.muli %add3A_107, %mul3A_121 : i32
          %add3A_123 = arith.addi %mul3A_8, %mul3A_122 : i32
          %dma_start3A_124 = tpu.memref_slice %arg3[%add3A_123] : memref<320000xi32, #tpu.memory_space<hbm>> -> memref<80xi32, #tpu.memory_space<hbm>>
          %dma_start3A_125 = tpu.memref_slice %arg3[%add3A_123] : memref<320000xi32, #tpu.memory_space<hbm>> -> memref<80xi32, #tpu.memory_space<hbm>>
          tpu.enqueue_dma source(%dma_start3A_125 : memref<80xi32, #tpu.memory_space<hbm>>) target(%arg7 : memref<80xi32, #tpu.memory_space<vmem>>) target_semaphore(%arg24 : memref<!tpu.dma_semaphore, #tpu.memory_space<semaphore_mem>>)
          %dma_start3A_126 = tpu.memref_slice %arg4[%add3A_123] : memref<320000xi32, #tpu.memory_space<hbm>> -> memref<80xi32, #tpu.memory_space<hbm>>
          %dma_start3A_127 = tpu.memref_slice %arg4[%add3A_123] : memref<320000xi32, #tpu.memory_space<hbm>> -> memref<80xi32, #tpu.memory_space<hbm>>
          tpu.enqueue_dma source(%dma_start3A_127 : memref<80xi32, #tpu.memory_space<hbm>>) target(%arg11 : memref<80xi32, #tpu.memory_space<vmem>>) target_semaphore(%arg24 : memref<!tpu.dma_semaphore, #tpu.memory_space<semaphore_mem>>)
        } else {
        }
        %add3A_113 = arith.constant 4 : i32
        %add3A_114 = arith.addi %add3A_77, %add3A_113 : i32
        %sub3A = arith.constant 1 : i32
        %sub3A_115 = arith.subi %add3A_114, %sub3A : i32
        %lt3A_116 = arith.constant 125 : i32
        %lt3A_117 = arith.cmpi slt, %sub3A_115, %lt3A_116 : i32
        %convert_element_type3A_118 = arith.extui %lt3A_117 : i1 to i32
        %cond3A_119 = arith.constant 0 : i32
        %cond3A_120 = arith.cmpi ne, %convert_element_type3A_118, %cond3A_119 : i32
        scf.if %cond3A_120 {
          %mul3A_121 = arith.constant 80 : i32
          %mul3A_122 = arith.muli %sub3A_115, %mul3A_121 : i32
          %add3A_123 = arith.addi %mul3A_8, %mul3A_122 : i32
          %dma_wait3A_124 = tpu.memref_slice %arg3[%add3A_123] : memref<320000xi32, #tpu.memory_space<hbm>> -> memref<80xi32, #tpu.memory_space<hbm>>
          %dma_wait3A_125 = tpu.memref_slice %arg3[%add3A_123] : memref<320000xi32, #tpu.memory_space<hbm>> -> memref<80xi32, #tpu.memory_space<hbm>>
          tpu.wait_dma2 semaphore(%arg27 : memref<!tpu.dma_semaphore, #tpu.memory_space<semaphore_mem>>) src(%dma_wait3A_125 : memref<80xi32, #tpu.memory_space<hbm>>) dst(%arg10 : memref<80xi32, #tpu.memory_space<vmem>>)
          %dma_wait3A_126 = tpu.memref_slice %arg4[%add3A_123] : memref<320000xi32, #tpu.memory_space<hbm>> -> memref<80xi32, #tpu.memory_space<hbm>>
          %dma_wait3A_127 = tpu.memref_slice %arg4[%add3A_123] : memref<320000xi32, #tpu.memory_space<hbm>> -> memref<80xi32, #tpu.memory_space<hbm>>
          tpu.wait_dma2 semaphore(%arg27 : memref<!tpu.dma_semaphore, #tpu.memory_space<semaphore_mem>>) src(%dma_wait3A_127 : memref<80xi32, #tpu.memory_space<hbm>>) dst(%arg14 : memref<80xi32, #tpu.memory_space<vmem>>)
          %dma_start3A_128 = arith.constant 0 : i32
          %dma_start3A_129 = arith.constant 0 : i32
          %dma_start3A_130 = tpu.memref_slice %arg2[%dma_start3A_128, %dma_start3A_129] : memref<10000x128xf32, #tpu.memory_space<hbm>> -> memref<10000x128xf32, #tpu.memory_space<hbm>>
          tpu.enqueue_indirect_dma source(%dma_start3A_130 : memref<10000x128xf32, #tpu.memory_space<hbm>>) target(%arg18 : memref<80x128xf32, #tpu.memory_space<vmem>>) offsets(%arg10 : memref<80xi32, #tpu.memory_space<vmem>>) semaphore(%arg23 : memref<!tpu.dma_semaphore, #tpu.memory_space<semaphore_mem>>)
        } else {
        }
      } else {
      }
      %add3A_82 = arith.constant 1 : i32
      %add3A_83 = arith.addi %mul3A_75, %add3A_82 : i32
      %lt3A_84 = arith.constant 125 : i32
      %lt3A_85 = arith.cmpi slt, %add3A_83, %lt3A_84 : i32
      %convert_element_type3A_86 = arith.extui %lt3A_85 : i1 to i32
      %cond3A_87 = arith.constant 0 : i32
      %cond3A_88 = arith.cmpi ne, %convert_element_type3A_86, %cond3A_87 : i32
      scf.if %cond3A_88 {
        %dma_wait3A_103 = arith.constant 0 : i32
        %dma_wait3A_104 = arith.constant 0 : i32
        %dma_wait3A_105 = tpu.memref_slice %arg2[%dma_wait3A_103, %dma_wait3A_104] : memref<10000x128xf32, #tpu.memory_space<hbm>> -> memref<10000x128xf32, #tpu.memory_space<hbm>>
        tpu.wait_indirect_dma semaphore(%arg21 : memref<!tpu.dma_semaphore, #tpu.memory_space<semaphore_mem>>) src(%dma_wait3A_105 : memref<10000x128xf32, #tpu.memory_space<hbm>>) dst(%arg16 : memref<80x128xf32, #tpu.memory_space<vmem>>)
        "tpu.region"() ({
          %run_scoped3A = tpu.sem_alloc : memref<!tpu.dma_semaphore, #tpu.memory_space<semaphore_mem>>
          %dma_start3A_121 = arith.constant 0 : i32
          %dma_start3A_122 = arith.constant 0 : i32
          %dma_start3A_123 = tpu.memref_slice %arg19[%dma_start3A_121, %dma_start3A_122] : memref<10000x128xf32, #tpu.memory_space<vmem_shared>> -> memref<10000x128xf32, #tpu.memory_space<vmem_shared>>
          tpu.enqueue_indirect_dma source(%arg16 : memref<80x128xf32, #tpu.memory_space<vmem>>) target(%dma_start3A_123 : memref<10000x128xf32, #tpu.memory_space<vmem_shared>>) offsets(%arg12 : memref<80xi32, #tpu.memory_space<vmem>>) semaphore(%run_scoped3A : memref<!tpu.dma_semaphore, #tpu.memory_space<semaphore_mem>>) {add = true}
          %dma_wait3A_124 = arith.constant 0 : i32
          %dma_wait3A_125 = arith.constant 0 : i32
          %dma_wait3A_126 = tpu.memref_slice %arg19[%dma_wait3A_124, %dma_wait3A_125] : memref<10000x128xf32, #tpu.memory_space<vmem_shared>> -> memref<10000x128xf32, #tpu.memory_space<vmem_shared>>
          tpu.wait_indirect_dma semaphore(%run_scoped3A : memref<!tpu.dma_semaphore, #tpu.memory_space<semaphore_mem>>) src(%arg16 : memref<80x128xf32, #tpu.memory_space<vmem>>) dst(%dma_wait3A_126 : memref<10000x128xf32, #tpu.memory_space<vmem_shared>>)
          tpu.yield
        }) : () -> ()
        %add3A_106 = arith.constant 4 : i32
        %add3A_107 = arith.addi %add3A_83, %add3A_106 : i32
        %lt3A_108 = arith.constant 125 : i32
        %lt3A_109 = arith.cmpi slt, %add3A_107, %lt3A_108 : i32
        %convert_element_type3A_110 = arith.extui %lt3A_109 : i1 to i32
        %cond3A_111 = arith.constant 0 : i32
        %cond3A_112 = arith.cmpi ne, %convert_element_type3A_110, %cond3A_111 : i32
        scf.if %cond3A_112 {
          %mul3A_121 = arith.constant 80 : i32
          %mul3A_122 = arith.muli %add3A_107, %mul3A_121 : i32
          %add3A_123 = arith.addi %mul3A_8, %mul3A_122 : i32
          %dma_start3A_124 = tpu.memref_slice %arg3[%add3A_123] : memref<320000xi32, #tpu.memory_space<hbm>> -> memref<80xi32, #tpu.memory_space<hbm>>
          %dma_start3A_125 = tpu.memref_slice %arg3[%add3A_123] : memref<320000xi32, #tpu.memory_space<hbm>> -> memref<80xi32, #tpu.memory_space<hbm>>
          tpu.enqueue_dma source(%dma_start3A_125 : memref<80xi32, #tpu.memory_space<hbm>>) target(%arg8 : memref<80xi32, #tpu.memory_space<vmem>>) target_semaphore(%arg25 : memref<!tpu.dma_semaphore, #tpu.memory_space<semaphore_mem>>)
          %dma_start3A_126 = tpu.memref_slice %arg4[%add3A_123] : memref<320000xi32, #tpu.memory_space<hbm>> -> memref<80xi32, #tpu.memory_space<hbm>>
          %dma_start3A_127 = tpu.memref_slice %arg4[%add3A_123] : memref<320000xi32, #tpu.memory_space<hbm>> -> memref<80xi32, #tpu.memory_space<hbm>>
          tpu.enqueue_dma source(%dma_start3A_127 : memref<80xi32, #tpu.memory_space<hbm>>) target(%arg12 : memref<80xi32, #tpu.memory_space<vmem>>) target_semaphore(%arg25 : memref<!tpu.dma_semaphore, #tpu.memory_space<semaphore_mem>>)
        } else {
        }
        %add3A_113 = arith.constant 4 : i32
        %add3A_114 = arith.addi %add3A_83, %add3A_113 : i32
        %sub3A = arith.constant 1 : i32
        %sub3A_115 = arith.subi %add3A_114, %sub3A : i32
        %lt3A_116 = arith.constant 125 : i32
        %lt3A_117 = arith.cmpi slt, %sub3A_115, %lt3A_116 : i32
        %convert_element_type3A_118 = arith.extui %lt3A_117 : i1 to i32
        %cond3A_119 = arith.constant 0 : i32
        %cond3A_120 = arith.cmpi ne, %convert_element_type3A_118, %cond3A_119 : i32
        scf.if %cond3A_120 {
          %mul3A_121 = arith.constant 80 : i32
          %mul3A_122 = arith.muli %sub3A_115, %mul3A_121 : i32
          %add3A_123 = arith.addi %mul3A_8, %mul3A_122 : i32
          %dma_wait3A_124 = tpu.memref_slice %arg3[%add3A_123] : memref<320000xi32, #tpu.memory_space<hbm>> -> memref<80xi32, #tpu.memory_space<hbm>>
          %dma_wait3A_125 = tpu.memref_slice %arg3[%add3A_123] : memref<320000xi32, #tpu.memory_space<hbm>> -> memref<80xi32, #tpu.memory_space<hbm>>
          tpu.wait_dma2 semaphore(%arg24 : memref<!tpu.dma_semaphore, #tpu.memory_space<semaphore_mem>>) src(%dma_wait3A_125 : memref<80xi32, #tpu.memory_space<hbm>>) dst(%arg7 : memref<80xi32, #tpu.memory_space<vmem>>)
          %dma_wait3A_126 = tpu.memref_slice %arg4[%add3A_123] : memref<320000xi32, #tpu.memory_space<hbm>> -> memref<80xi32, #tpu.memory_space<hbm>>
          %dma_wait3A_127 = tpu.memref_slice %arg4[%add3A_123] : memref<320000xi32, #tpu.memory_space<hbm>> -> memref<80xi32, #tpu.memory_space<hbm>>
          tpu.wait_dma2 semaphore(%arg24 : memref<!tpu.dma_semaphore, #tpu.memory_space<semaphore_mem>>) src(%dma_wait3A_127 : memref<80xi32, #tpu.memory_space<hbm>>) dst(%arg11 : memref<80xi32, #tpu.memory_space<vmem>>)
          %dma_start3A_128 = arith.constant 0 : i32
          %dma_start3A_129 = arith.constant 0 : i32
          %dma_start3A_130 = tpu.memref_slice %arg2[%dma_start3A_128, %dma_start3A_129] : memref<10000x128xf32, #tpu.memory_space<hbm>> -> memref<10000x128xf32, #tpu.memory_space<hbm>>
          tpu.enqueue_indirect_dma source(%dma_start3A_130 : memref<10000x128xf32, #tpu.memory_space<hbm>>) target(%arg15 : memref<80x128xf32, #tpu.memory_space<vmem>>) offsets(%arg7 : memref<80xi32, #tpu.memory_space<vmem>>) semaphore(%arg20 : memref<!tpu.dma_semaphore, #tpu.memory_space<semaphore_mem>>)
        } else {
        }
      } else {
      }
      %add3A_89 = arith.constant 2 : i32
      %add3A_90 = arith.addi %mul3A_75, %add3A_89 : i32
      %lt3A_91 = arith.constant 125 : i32
      %lt3A_92 = arith.cmpi slt, %add3A_90, %lt3A_91 : i32
      %convert_element_type3A_93 = arith.extui %lt3A_92 : i1 to i32
      %cond3A_94 = arith.constant 0 : i32
      %cond3A_95 = arith.cmpi ne, %convert_element_type3A_93, %cond3A_94 : i32
      scf.if %cond3A_95 {
        %dma_wait3A_103 = arith.constant 0 : i32
        %dma_wait3A_104 = arith.constant 0 : i32
        %dma_wait3A_105 = tpu.memref_slice %arg2[%dma_wait3A_103, %dma_wait3A_104] : memref<10000x128xf32, #tpu.memory_space<hbm>> -> memref<10000x128xf32, #tpu.memory_space<hbm>>
        tpu.wait_indirect_dma semaphore(%arg22 : memref<!tpu.dma_semaphore, #tpu.memory_space<semaphore_mem>>) src(%dma_wait3A_105 : memref<10000x128xf32, #tpu.memory_space<hbm>>) dst(%arg17 : memref<80x128xf32, #tpu.memory_space<vmem>>)
        "tpu.region"() ({
          %run_scoped3A = tpu.sem_alloc : memref<!tpu.dma_semaphore, #tpu.memory_space<semaphore_mem>>
          %dma_start3A_121 = arith.constant 0 : i32
          %dma_start3A_122 = arith.constant 0 : i32
          %dma_start3A_123 = tpu.memref_slice %arg19[%dma_start3A_121, %dma_start3A_122] : memref<10000x128xf32, #tpu.memory_space<vmem_shared>> -> memref<10000x128xf32, #tpu.memory_space<vmem_shared>>
          tpu.enqueue_indirect_dma source(%arg17 : memref<80x128xf32, #tpu.memory_space<vmem>>) target(%dma_start3A_123 : memref<10000x128xf32, #tpu.memory_space<vmem_shared>>) offsets(%arg13 : memref<80xi32, #tpu.memory_space<vmem>>) semaphore(%run_scoped3A : memref<!tpu.dma_semaphore, #tpu.memory_space<semaphore_mem>>) {add = true}
          %dma_wait3A_124 = arith.constant 0 : i32
          %dma_wait3A_125 = arith.constant 0 : i32
          %dma_wait3A_126 = tpu.memref_slice %arg19[%dma_wait3A_124, %dma_wait3A_125] : memref<10000x128xf32, #tpu.memory_space<vmem_shared>> -> memref<10000x128xf32, #tpu.memory_space<vmem_shared>>
          tpu.wait_indirect_dma semaphore(%run_scoped3A : memref<!tpu.dma_semaphore, #tpu.memory_space<semaphore_mem>>) src(%arg17 : memref<80x128xf32, #tpu.memory_space<vmem>>) dst(%dma_wait3A_126 : memref<10000x128xf32, #tpu.memory_space<vmem_shared>>)
          tpu.yield
        }) : () -> ()
        %add3A_106 = arith.constant 4 : i32
        %add3A_107 = arith.addi %add3A_90, %add3A_106 : i32
        %lt3A_108 = arith.constant 125 : i32
        %lt3A_109 = arith.cmpi slt, %add3A_107, %lt3A_108 : i32
        %convert_element_type3A_110 = arith.extui %lt3A_109 : i1 to i32
        %cond3A_111 = arith.constant 0 : i32
        %cond3A_112 = arith.cmpi ne, %convert_element_type3A_110, %cond3A_111 : i32
        scf.if %cond3A_112 {
          %mul3A_121 = arith.constant 80 : i32
          %mul3A_122 = arith.muli %add3A_107, %mul3A_121 : i32
          %add3A_123 = arith.addi %mul3A_8, %mul3A_122 : i32
          %dma_start3A_124 = tpu.memref_slice %arg3[%add3A_123] : memref<320000xi32, #tpu.memory_space<hbm>> -> memref<80xi32, #tpu.memory_space<hbm>>
          %dma_start3A_125 = tpu.memref_slice %arg3[%add3A_123] : memref<320000xi32, #tpu.memory_space<hbm>> -> memref<80xi32, #tpu.memory_space<hbm>>
          tpu.enqueue_dma source(%dma_start3A_125 : memref<80xi32, #tpu.memory_space<hbm>>) target(%arg9 : memref<80xi32, #tpu.memory_space<vmem>>) target_semaphore(%arg26 : memref<!tpu.dma_semaphore, #tpu.memory_space<semaphore_mem>>)
          %dma_start3A_126 = tpu.memref_slice %arg4[%add3A_123] : memref<320000xi32, #tpu.memory_space<hbm>> -> memref<80xi32, #tpu.memory_space<hbm>>
          %dma_start3A_127 = tpu.memref_slice %arg4[%add3A_123] : memref<320000xi32, #tpu.memory_space<hbm>> -> memref<80xi32, #tpu.memory_space<hbm>>
          tpu.enqueue_dma source(%dma_start3A_127 : memref<80xi32, #tpu.memory_space<hbm>>) target(%arg13 : memref<80xi32, #tpu.memory_space<vmem>>) target_semaphore(%arg26 : memref<!tpu.dma_semaphore, #tpu.memory_space<semaphore_mem>>)
        } else {
        }
        %add3A_113 = arith.constant 4 : i32
        %add3A_114 = arith.addi %add3A_90, %add3A_113 : i32
        %sub3A = arith.constant 1 : i32
        %sub3A_115 = arith.subi %add3A_114, %sub3A : i32
        %lt3A_116 = arith.constant 125 : i32
        %lt3A_117 = arith.cmpi slt, %sub3A_115, %lt3A_116 : i32
        %convert_element_type3A_118 = arith.extui %lt3A_117 : i1 to i32
        %cond3A_119 = arith.constant 0 : i32
        %cond3A_120 = arith.cmpi ne, %convert_element_type3A_118, %cond3A_119 : i32
        scf.if %cond3A_120 {
          %mul3A_121 = arith.constant 80 : i32
          %mul3A_122 = arith.muli %sub3A_115, %mul3A_121 : i32
          %add3A_123 = arith.addi %mul3A_8, %mul3A_122 : i32
          %dma_wait3A_124 = tpu.memref_slice %arg3[%add3A_123] : memref<320000xi32, #tpu.memory_space<hbm>> -> memref<80xi32, #tpu.memory_space<hbm>>
          %dma_wait3A_125 = tpu.memref_slice %arg3[%add3A_123] : memref<320000xi32, #tpu.memory_space<hbm>> -> memref<80xi32, #tpu.memory_space<hbm>>
          tpu.wait_dma2 semaphore(%arg25 : memref<!tpu.dma_semaphore, #tpu.memory_space<semaphore_mem>>) src(%dma_wait3A_125 : memref<80xi32, #tpu.memory_space<hbm>>) dst(%arg8 : memref<80xi32, #tpu.memory_space<vmem>>)
          %dma_wait3A_126 = tpu.memref_slice %arg4[%add3A_123] : memref<320000xi32, #tpu.memory_space<hbm>> -> memref<80xi32, #tpu.memory_space<hbm>>
          %dma_wait3A_127 = tpu.memref_slice %arg4[%add3A_123] : memref<320000xi32, #tpu.memory_space<hbm>> -> memref<80xi32, #tpu.memory_space<hbm>>
          tpu.wait_dma2 semaphore(%arg25 : memref<!tpu.dma_semaphore, #tpu.memory_space<semaphore_mem>>) src(%dma_wait3A_127 : memref<80xi32, #tpu.memory_space<hbm>>) dst(%arg12 : memref<80xi32, #tpu.memory_space<vmem>>)
          %dma_start3A_128 = arith.constant 0 : i32
          %dma_start3A_129 = arith.constant 0 : i32
          %dma_start3A_130 = tpu.memref_slice %arg2[%dma_start3A_128, %dma_start3A_129] : memref<10000x128xf32, #tpu.memory_space<hbm>> -> memref<10000x128xf32, #tpu.memory_space<hbm>>
          tpu.enqueue_indirect_dma source(%dma_start3A_130 : memref<10000x128xf32, #tpu.memory_space<hbm>>) target(%arg16 : memref<80x128xf32, #tpu.memory_space<vmem>>) offsets(%arg8 : memref<80xi32, #tpu.memory_space<vmem>>) semaphore(%arg21 : memref<!tpu.dma_semaphore, #tpu.memory_space<semaphore_mem>>)
        } else {
        }
      } else {
      }
      %add3A_96 = arith.constant 3 : i32
      %add3A_97 = arith.addi %mul3A_75, %add3A_96 : i32
      %lt3A_98 = arith.constant 125 : i32
      %lt3A_99 = arith.cmpi slt, %add3A_97, %lt3A_98 : i32
      %convert_element_type3A_100 = arith.extui %lt3A_99 : i1 to i32
      %cond3A_101 = arith.constant 0 : i32
      %cond3A_102 = arith.cmpi ne, %convert_element_type3A_100, %cond3A_101 : i32
      scf.if %cond3A_102 {
        %dma_wait3A_103 = arith.constant 0 : i32
        %dma_wait3A_104 = arith.constant 0 : i32
        %dma_wait3A_105 = tpu.memref_slice %arg2[%dma_wait3A_103, %dma_wait3A_104] : memref<10000x128xf32, #tpu.memory_space<hbm>> -> memref<10000x128xf32, #tpu.memory_space<hbm>>
        tpu.wait_indirect_dma semaphore(%arg23 : memref<!tpu.dma_semaphore, #tpu.memory_space<semaphore_mem>>) src(%dma_wait3A_105 : memref<10000x128xf32, #tpu.memory_space<hbm>>) dst(%arg18 : memref<80x128xf32, #tpu.memory_space<vmem>>)
        "tpu.region"() ({
          %run_scoped3A = tpu.sem_alloc : memref<!tpu.dma_semaphore, #tpu.memory_space<semaphore_mem>>
          %dma_start3A_121 = arith.constant 0 : i32
          %dma_start3A_122 = arith.constant 0 : i32
          %dma_start3A_123 = tpu.memref_slice %arg19[%dma_start3A_121, %dma_start3A_122] : memref<10000x128xf32, #tpu.memory_space<vmem_shared>> -> memref<10000x128xf32, #tpu.memory_space<vmem_shared>>
          tpu.enqueue_indirect_dma source(%arg18 : memref<80x128xf32, #tpu.memory_space<vmem>>) target(%dma_start3A_123 : memref<10000x128xf32, #tpu.memory_space<vmem_shared>>) offsets(%arg14 : memref<80xi32, #tpu.memory_space<vmem>>) semaphore(%run_scoped3A : memref<!tpu.dma_semaphore, #tpu.memory_space<semaphore_mem>>) {add = true}
          %dma_wait3A_124 = arith.constant 0 : i32
          %dma_wait3A_125 = arith.constant 0 : i32
          %dma_wait3A_126 = tpu.memref_slice %arg19[%dma_wait3A_124, %dma_wait3A_125] : memref<10000x128xf32, #tpu.memory_space<vmem_shared>> -> memref<10000x128xf32, #tpu.memory_space<vmem_shared>>
          tpu.wait_indirect_dma semaphore(%run_scoped3A : memref<!tpu.dma_semaphore, #tpu.memory_space<semaphore_mem>>) src(%arg18 : memref<80x128xf32, #tpu.memory_space<vmem>>) dst(%dma_wait3A_126 : memref<10000x128xf32, #tpu.memory_space<vmem_shared>>)
          tpu.yield
        }) : () -> ()
        %add3A_106 = arith.constant 4 : i32
        %add3A_107 = arith.addi %add3A_97, %add3A_106 : i32
        %lt3A_108 = arith.constant 125 : i32
        %lt3A_109 = arith.cmpi slt, %add3A_107, %lt3A_108 : i32
        %convert_element_type3A_110 = arith.extui %lt3A_109 : i1 to i32
        %cond3A_111 = arith.constant 0 : i32
        %cond3A_112 = arith.cmpi ne, %convert_element_type3A_110, %cond3A_111 : i32
        scf.if %cond3A_112 {
          %mul3A_121 = arith.constant 80 : i32
          %mul3A_122 = arith.muli %add3A_107, %mul3A_121 : i32
          %add3A_123 = arith.addi %mul3A_8, %mul3A_122 : i32
          %dma_start3A_124 = tpu.memref_slice %arg3[%add3A_123] : memref<320000xi32, #tpu.memory_space<hbm>> -> memref<80xi32, #tpu.memory_space<hbm>>
          %dma_start3A_125 = tpu.memref_slice %arg3[%add3A_123] : memref<320000xi32, #tpu.memory_space<hbm>> -> memref<80xi32, #tpu.memory_space<hbm>>
          tpu.enqueue_dma source(%dma_start3A_125 : memref<80xi32, #tpu.memory_space<hbm>>) target(%arg10 : memref<80xi32, #tpu.memory_space<vmem>>) target_semaphore(%arg27 : memref<!tpu.dma_semaphore, #tpu.memory_space<semaphore_mem>>)
          %dma_start3A_126 = tpu.memref_slice %arg4[%add3A_123] : memref<320000xi32, #tpu.memory_space<hbm>> -> memref<80xi32, #tpu.memory_space<hbm>>
          %dma_start3A_127 = tpu.memref_slice %arg4[%add3A_123] : memref<320000xi32, #tpu.memory_space<hbm>> -> memref<80xi32, #tpu.memory_space<hbm>>
          tpu.enqueue_dma source(%dma_start3A_127 : memref<80xi32, #tpu.memory_space<hbm>>) target(%arg14 : memref<80xi32, #tpu.memory_space<vmem>>) target_semaphore(%arg27 : memref<!tpu.dma_semaphore, #tpu.memory_space<semaphore_mem>>)
        } else {
        }
        %add3A_113 = arith.constant 4 : i32
        %add3A_114 = arith.addi %add3A_97, %add3A_113 : i32
        %sub3A = arith.constant 1 : i32
        %sub3A_115 = arith.subi %add3A_114, %sub3A : i32
        %lt3A_116 = arith.constant 125 : i32
        %lt3A_117 = arith.cmpi slt, %sub3A_115, %lt3A_116 : i32
        %convert_element_type3A_118 = arith.extui %lt3A_117 : i1 to i32
        %cond3A_119 = arith.constant 0 : i32
        %cond3A_120 = arith.cmpi ne, %convert_element_type3A_118, %cond3A_119 : i32
        scf.if %cond3A_120 {
          %mul3A_121 = arith.constant 80 : i32
          %mul3A_122 = arith.muli %sub3A_115, %mul3A_121 : i32
          %add3A_123 = arith.addi %mul3A_8, %mul3A_122 : i32
          %dma_wait3A_124 = tpu.memref_slice %arg3[%add3A_123] : memref<320000xi32, #tpu.memory_space<hbm>> -> memref<80xi32, #tpu.memory_space<hbm>>
          %dma_wait3A_125 = tpu.memref_slice %arg3[%add3A_123] : memref<320000xi32, #tpu.memory_space<hbm>> -> memref<80xi32, #tpu.memory_space<hbm>>
          tpu.wait_dma2 semaphore(%arg26 : memref<!tpu.dma_semaphore, #tpu.memory_space<semaphore_mem>>) src(%dma_wait3A_125 : memref<80xi32, #tpu.memory_space<hbm>>) dst(%arg9 : memref<80xi32, #tpu.memory_space<vmem>>)
          %dma_wait3A_126 = tpu.memref_slice %arg4[%add3A_123] : memref<320000xi32, #tpu.memory_space<hbm>> -> memref<80xi32, #tpu.memory_space<hbm>>
          %dma_wait3A_127 = tpu.memref_slice %arg4[%add3A_123] : memref<320000xi32, #tpu.memory_space<hbm>> -> memref<80xi32, #tpu.memory_space<hbm>>
          tpu.wait_dma2 semaphore(%arg26 : memref<!tpu.dma_semaphore, #tpu.memory_space<semaphore_mem>>) src(%dma_wait3A_127 : memref<80xi32, #tpu.memory_space<hbm>>) dst(%arg13 : memref<80xi32, #tpu.memory_space<vmem>>)
          %dma_start3A_128 = arith.constant 0 : i32
          %dma_start3A_129 = arith.constant 0 : i32
          %dma_start3A_130 = tpu.memref_slice %arg2[%dma_start3A_128, %dma_start3A_129] : memref<10000x128xf32, #tpu.memory_space<hbm>> -> memref<10000x128xf32, #tpu.memory_space<hbm>>
          tpu.enqueue_indirect_dma source(%dma_start3A_130 : memref<10000x128xf32, #tpu.memory_space<hbm>>) target(%arg17 : memref<80x128xf32, #tpu.memory_space<vmem>>) offsets(%arg9 : memref<80xi32, #tpu.memory_space<vmem>>) semaphore(%arg22 : memref<!tpu.dma_semaphore, #tpu.memory_space<semaphore_mem>>)
        } else {
        }
      } else {
      }
    }
    %scan3A_62 = arith.constant 32 : i32
    %barrier3A_63 = arith.constant 0 : index
    tpu.barrier barrier_id(%barrier3A_63)
    %mul3A_64 = arith.constant 624 : i32
    %mul3A_65 = arith.muli %arg1, %mul3A_64 : i32
    %mul3A_66 = arith.constant 624 : i32
    %mul3A_67 = arith.muli %arg1, %mul3A_66 : i32
    "tpu.region"() ({
      %run_scoped3A = tpu.sem_alloc : memref<!tpu.dma_semaphore, #tpu.memory_space<semaphore_mem>>
      %dma_start3A_73 = arith.constant 0 : i32
      %dma_start3A_74 = tpu.memref_slice %arg6[%arg0, %mul3A_67, %dma_start3A_73] : memref<2x10000x128xf32, #tpu.memory_space<hbm>> -> memref<1x624x128xf32, #tpu.memory_space<hbm>>
      %dma_start3A_75 = tpu.memref_squeeze %dma_start3A_74 : memref<1x624x128xf32, #tpu.memory_space<hbm>> -> memref<624x128xf32, #tpu.memory_space<hbm>>
      %dma_start3A_76 = arith.constant 0 : i32
      %dma_start3A_77 = tpu.memref_slice %arg19[%mul3A_65, %dma_start3A_76] : memref<10000x128xf32, #tpu.memory_space<vmem_shared>> -> memref<624x128xf32, #tpu.memory_space<vmem_shared>>
      tpu.enqueue_dma source(%dma_start3A_77 : memref<624x128xf32, #tpu.memory_space<vmem_shared>>) target(%dma_start3A_75 : memref<624x128xf32, #tpu.memory_space<hbm>>) target_semaphore(%run_scoped3A : memref<!tpu.dma_semaphore, #tpu.memory_space<semaphore_mem>>)
      %dma_wait3A_78 = arith.constant 0 : i32
      %dma_wait3A_79 = tpu.memref_slice %arg6[%arg0, %mul3A_67, %dma_wait3A_78] : memref<2x10000x128xf32, #tpu.memory_space<hbm>> -> memref<1x624x128xf32, #tpu.memory_space<hbm>>
      %dma_wait3A_80 = tpu.memref_squeeze %dma_wait3A_79 : memref<1x624x128xf32, #tpu.memory_space<hbm>> -> memref<624x128xf32, #tpu.memory_space<hbm>>
      %dma_wait3A_81 = arith.constant 0 : i32
      %dma_wait3A_82 = tpu.memref_slice %arg19[%mul3A_65, %dma_wait3A_81] : memref<10000x128xf32, #tpu.memory_space<vmem_shared>> -> memref<624x128xf32, #tpu.memory_space<vmem_shared>>
      tpu.wait_dma2 semaphore(%run_scoped3A : memref<!tpu.dma_semaphore, #tpu.memory_space<semaphore_mem>>) src(%dma_wait3A_82 : memref<624x128xf32, #tpu.memory_space<vmem_shared>>) dst(%dma_wait3A_80 : memref<624x128xf32, #tpu.memory_space<hbm>>)
      tpu.yield
    }) : () -> ()
    %eq3A_68 = arith.constant 0 : i32
    %eq3A_69 = arith.cmpi eq, %arg1, %eq3A_68 : i32
    %convert_element_type3A_70 = arith.extui %eq3A_69 : i1 to i32
    %cond3A_71 = arith.constant 0 : i32
    %cond3A_72 = arith.cmpi ne, %convert_element_type3A_70, %cond3A_71 : i32
    scf.if %cond3A_72 {
      "tpu.region"() ({
        %run_scoped3A = tpu.sem_alloc : memref<!tpu.dma_semaphore, #tpu.memory_space<semaphore_mem>>
        %dma_start3A_73 = arith.constant 9984 : i32
        %dma_start3A_74 = arith.constant 0 : i32
        %dma_start3A_75 = tpu.memref_slice %arg6[%arg0, %dma_start3A_73, %dma_start3A_74] : memref<2x10000x128xf32, #tpu.memory_space<hbm>> -> memref<1x16x128xf32, #tpu.memory_space<hbm>>
        %dma_start3A_76 = tpu.memref_squeeze %dma_start3A_75 : memref<1x16x128xf32, #tpu.memory_space<hbm>> -> memref<16x128xf32, #tpu.memory_space<hbm>>
        %dma_start3A_77 = arith.constant 9984 : i32
        %dma_start3A_78 = arith.constant 0 : i32
        %dma_start3A_79 = tpu.memref_slice %arg19[%dma_start3A_77, %dma_start3A_78] : memref<10000x128xf32, #tpu.memory_space<vmem_shared>> -> memref<16x128xf32, #tpu.memory_space<vmem_shared>>
        tpu.enqueue_dma source(%dma_start3A_79 : memref<16x128xf32, #tpu.memory_space<vmem_shared>>) target(%dma_start3A_76 : memref<16x128xf32, #tpu.memory_space<hbm>>) target_semaphore(%run_scoped3A : memref<!tpu.dma_semaphore, #tpu.memory_space<semaphore_mem>>)
        %dma_wait3A_80 = arith.constant 9984 : i32
        %dma_wait3A_81 = arith.constant 0 : i32
        %dma_wait3A_82 = tpu.memref_slice %arg6[%arg0, %dma_wait3A_80, %dma_wait3A_81] : memref<2x10000x128xf32, #tpu.memory_space<hbm>> -> memref<1x16x128xf32, #tpu.memory_space<hbm>>
        %dma_wait3A_83 = tpu.memref_squeeze %dma_wait3A_82 : memref<1x16x128xf32, #tpu.memory_space<hbm>> -> memref<16x128xf32, #tpu.memory_space<hbm>>
        %dma_wait3A_84 = arith.constant 9984 : i32
        %dma_wait3A_85 = arith.constant 0 : i32
        %dma_wait3A_86 = tpu.memref_slice %arg19[%dma_wait3A_84, %dma_wait3A_85] : memref<10000x128xf32, #tpu.memory_space<vmem_shared>> -> memref<16x128xf32, #tpu.memory_space<vmem_shared>>
        tpu.wait_dma2 semaphore(%run_scoped3A : memref<!tpu.dma_semaphore, #tpu.memory_space<semaphore_mem>>) src(%dma_wait3A_86 : memref<16x128xf32, #tpu.memory_space<vmem_shared>>) dst(%dma_wait3A_83 : memref<16x128xf32, #tpu.memory_space<hbm>>)
        tpu.yield
      }) : () -> ()
    } else {
    }
    return
  }
}

#map = affine_map<(d0, d1) -> (0)>
#map1 = affine_map<(d0, d1) -> (0, 0)>
#map2 = affine_map<(d0, d1) -> (0, 0, 0)>
module attributes {stable_mosaic.version = 14 : i64} {
  func.func @_sc_deg(%arg0: i32, %arg1: i32, %arg2: memref<320000xi32, #tpu.memory_space<hbm>>, %arg3: memref<10000x128xf32, #tpu.memory_space<hbm>>, %arg4: memref<80x128xf32, #tpu.memory_space<hbm>>, %arg5: memref<2x10000x128xf32, #tpu.memory_space<hbm>>, %arg6: memref<80xi32, #tpu.memory_space<vmem>>, %arg7: memref<80xi32, #tpu.memory_space<vmem>>, %arg8: memref<80xi32, #tpu.memory_space<vmem>>, %arg9: memref<80xi32, #tpu.memory_space<vmem>>, %arg10: memref<80x128xf32, #tpu.memory_space<vmem>>, %arg11: memref<10000x128xf32, #tpu.memory_space<vmem_shared>>, %arg12: memref<!tpu.dma_semaphore, #tpu.memory_space<semaphore_mem>>, %arg13: memref<!tpu.dma_semaphore, #tpu.memory_space<semaphore_mem>>, %arg14: memref<!tpu.dma_semaphore, #tpu.memory_space<semaphore_mem>>, %arg15: memref<!tpu.dma_semaphore, #tpu.memory_space<semaphore_mem>>) attributes {dimension_semantics = [#tpu.dimension_semantics<core_parallel>, #tpu.dimension_semantics<subcore_parallel>], iteration_bounds = array<i64: 2, 16>, scalar_prefetch = 0 : i64, scratch_operands = 10 : i64, tpu.core_type = #tpu.core_type<sc_vector_subcore>, window_params = [{transform_indices = #map}, {transform_indices = #map1}, {transform_indices = #map1}, {transform_indices = #map2}]} {
    %mul3A = arith.constant 16 : i32
    %mul3A_0 = arith.muli %arg0, %mul3A : i32
    %add3A = arith.addi %mul3A_0, %arg1 : i32
    %mul3A_1 = arith.constant 624 : i32
    %mul3A_2 = arith.muli %arg1, %mul3A_1 : i32
    %mul3A_3 = arith.constant 624 : i32
    %mul3A_4 = arith.muli %arg1, %mul3A_3 : i32
    "tpu.region"() ({
      %run_scoped3A = tpu.sem_alloc : memref<!tpu.dma_semaphore, #tpu.memory_space<semaphore_mem>>
      %dma_start3A_39 = arith.constant 0 : i32
      %dma_start3A_40 = tpu.memref_slice %arg11[%mul3A_4, %dma_start3A_39] : memref<10000x128xf32, #tpu.memory_space<vmem_shared>> -> memref<624x128xf32, #tpu.memory_space<vmem_shared>>
      %dma_start3A_41 = arith.constant 0 : i32
      %dma_start3A_42 = tpu.memref_slice %arg3[%mul3A_2, %dma_start3A_41] : memref<10000x128xf32, #tpu.memory_space<hbm>> -> memref<624x128xf32, #tpu.memory_space<hbm>>
      tpu.enqueue_dma source(%dma_start3A_42 : memref<624x128xf32, #tpu.memory_space<hbm>>) target(%dma_start3A_40 : memref<624x128xf32, #tpu.memory_space<vmem_shared>>) target_semaphore(%run_scoped3A : memref<!tpu.dma_semaphore, #tpu.memory_space<semaphore_mem>>)
      %dma_wait3A = arith.constant 0 : i32
      %dma_wait3A_43 = tpu.memref_slice %arg11[%mul3A_4, %dma_wait3A] : memref<10000x128xf32, #tpu.memory_space<vmem_shared>> -> memref<624x128xf32, #tpu.memory_space<vmem_shared>>
      %dma_wait3A_44 = arith.constant 0 : i32
      %dma_wait3A_45 = tpu.memref_slice %arg3[%mul3A_2, %dma_wait3A_44] : memref<10000x128xf32, #tpu.memory_space<hbm>> -> memref<624x128xf32, #tpu.memory_space<hbm>>
      tpu.wait_dma2 semaphore(%run_scoped3A : memref<!tpu.dma_semaphore, #tpu.memory_space<semaphore_mem>>) src(%dma_wait3A_45 : memref<624x128xf32, #tpu.memory_space<hbm>>) dst(%dma_wait3A_43 : memref<624x128xf32, #tpu.memory_space<vmem_shared>>)
      tpu.yield
    }) : () -> ()
    %eq3A = arith.constant 0 : i32
    %eq3A_5 = arith.cmpi eq, %arg1, %eq3A : i32
    %convert_element_type3A = arith.extui %eq3A_5 : i1 to i32
    %cond3A = arith.constant 0 : i32
    %cond3A_6 = arith.cmpi ne, %convert_element_type3A, %cond3A : i32
    scf.if %cond3A_6 {
      "tpu.region"() ({
        %run_scoped3A = tpu.sem_alloc : memref<!tpu.dma_semaphore, #tpu.memory_space<semaphore_mem>>
        %dma_start3A_39 = arith.constant 9984 : i32
        %dma_start3A_40 = arith.constant 0 : i32
        %dma_start3A_41 = tpu.memref_slice %arg11[%dma_start3A_39, %dma_start3A_40] : memref<10000x128xf32, #tpu.memory_space<vmem_shared>> -> memref<16x128xf32, #tpu.memory_space<vmem_shared>>
        %dma_start3A_42 = arith.constant 9984 : i32
        %dma_start3A_43 = arith.constant 0 : i32
        %dma_start3A_44 = tpu.memref_slice %arg3[%dma_start3A_42, %dma_start3A_43] : memref<10000x128xf32, #tpu.memory_space<hbm>> -> memref<16x128xf32, #tpu.memory_space<hbm>>
        tpu.enqueue_dma source(%dma_start3A_44 : memref<16x128xf32, #tpu.memory_space<hbm>>) target(%dma_start3A_41 : memref<16x128xf32, #tpu.memory_space<vmem_shared>>) target_semaphore(%run_scoped3A : memref<!tpu.dma_semaphore, #tpu.memory_space<semaphore_mem>>)
        %dma_wait3A = arith.constant 9984 : i32
        %dma_wait3A_45 = arith.constant 0 : i32
        %dma_wait3A_46 = tpu.memref_slice %arg11[%dma_wait3A, %dma_wait3A_45] : memref<10000x128xf32, #tpu.memory_space<vmem_shared>> -> memref<16x128xf32, #tpu.memory_space<vmem_shared>>
        %dma_wait3A_47 = arith.constant 9984 : i32
        %dma_wait3A_48 = arith.constant 0 : i32
        %dma_wait3A_49 = tpu.memref_slice %arg3[%dma_wait3A_47, %dma_wait3A_48] : memref<10000x128xf32, #tpu.memory_space<hbm>> -> memref<16x128xf32, #tpu.memory_space<hbm>>
        tpu.wait_dma2 semaphore(%run_scoped3A : memref<!tpu.dma_semaphore, #tpu.memory_space<semaphore_mem>>) src(%dma_wait3A_49 : memref<16x128xf32, #tpu.memory_space<hbm>>) dst(%dma_wait3A_46 : memref<16x128xf32, #tpu.memory_space<vmem_shared>>)
        tpu.yield
      }) : () -> ()
    } else {
    }
    "tpu.region"() ({
      %run_scoped3A = tpu.sem_alloc : memref<!tpu.dma_semaphore, #tpu.memory_space<semaphore_mem>>
      tpu.enqueue_dma source(%arg4 : memref<80x128xf32, #tpu.memory_space<hbm>>) target(%arg10 : memref<80x128xf32, #tpu.memory_space<vmem>>) target_semaphore(%run_scoped3A : memref<!tpu.dma_semaphore, #tpu.memory_space<semaphore_mem>>)
      tpu.wait_dma2 semaphore(%run_scoped3A : memref<!tpu.dma_semaphore, #tpu.memory_space<semaphore_mem>>) src(%arg4 : memref<80x128xf32, #tpu.memory_space<hbm>>) dst(%arg10 : memref<80x128xf32, #tpu.memory_space<vmem>>)
      tpu.yield
    }) : () -> ()
    %barrier3A = arith.constant 0 : index
    tpu.barrier barrier_id(%barrier3A)
    %mul3A_7 = arith.constant 10000 : i32
    %mul3A_8 = arith.muli %add3A, %mul3A_7 : i32
    %add3A_9 = arith.constant 0 : i32
    %add3A_10 = arith.addi %mul3A_8, %add3A_9 : i32
    %dma_start3A = tpu.memref_slice %arg2[%add3A_10] : memref<320000xi32, #tpu.memory_space<hbm>> -> memref<80xi32, #tpu.memory_space<hbm>>
    %dma_start3A_11 = tpu.memref_slice %arg2[%add3A_10] : memref<320000xi32, #tpu.memory_space<hbm>> -> memref<80xi32, #tpu.memory_space<hbm>>
    tpu.enqueue_dma source(%dma_start3A_11 : memref<80xi32, #tpu.memory_space<hbm>>) target(%arg6 : memref<80xi32, #tpu.memory_space<vmem>>) target_semaphore(%arg12 : memref<!tpu.dma_semaphore, #tpu.memory_space<semaphore_mem>>)
    %add3A_12 = arith.constant 80 : i32
    %add3A_13 = arith.addi %mul3A_8, %add3A_12 : i32
    %dma_start3A_14 = tpu.memref_slice %arg2[%add3A_13] : memref<320000xi32, #tpu.memory_space<hbm>> -> memref<80xi32, #tpu.memory_space<hbm>>
    %dma_start3A_15 = tpu.memref_slice %arg2[%add3A_13] : memref<320000xi32, #tpu.memory_space<hbm>> -> memref<80xi32, #tpu.memory_space<hbm>>
    tpu.enqueue_dma source(%dma_start3A_15 : memref<80xi32, #tpu.memory_space<hbm>>) target(%arg7 : memref<80xi32, #tpu.memory_space<vmem>>) target_semaphore(%arg13 : memref<!tpu.dma_semaphore, #tpu.memory_space<semaphore_mem>>)
    %add3A_16 = arith.constant 160 : i32
    %add3A_17 = arith.addi %mul3A_8, %add3A_16 : i32
    %dma_start3A_18 = tpu.memref_slice %arg2[%add3A_17] : memref<320000xi32, #tpu.memory_space<hbm>> -> memref<80xi32, #tpu.memory_space<hbm>>
    %dma_start3A_19 = tpu.memref_slice %arg2[%add3A_17] : memref<320000xi32, #tpu.memory_space<hbm>> -> memref<80xi32, #tpu.memory_space<hbm>>
    tpu.enqueue_dma source(%dma_start3A_19 : memref<80xi32, #tpu.memory_space<hbm>>) target(%arg8 : memref<80xi32, #tpu.memory_space<vmem>>) target_semaphore(%arg14 : memref<!tpu.dma_semaphore, #tpu.memory_space<semaphore_mem>>)
    %add3A_20 = arith.constant 240 : i32
    %add3A_21 = arith.addi %mul3A_8, %add3A_20 : i32
    %dma_start3A_22 = tpu.memref_slice %arg2[%add3A_21] : memref<320000xi32, #tpu.memory_space<hbm>> -> memref<80xi32, #tpu.memory_space<hbm>>
    %dma_start3A_23 = tpu.memref_slice %arg2[%add3A_21] : memref<320000xi32, #tpu.memory_space<hbm>> -> memref<80xi32, #tpu.memory_space<hbm>>
    tpu.enqueue_dma source(%dma_start3A_23 : memref<80xi32, #tpu.memory_space<hbm>>) target(%arg9 : memref<80xi32, #tpu.memory_space<vmem>>) target_semaphore(%arg15 : memref<!tpu.dma_semaphore, #tpu.memory_space<semaphore_mem>>)
    %scan3A = arith.constant 0 : i32
    %scan3A_24 = arith.constant 0 : i32
    %scan3A_25 = arith.constant 32 : i32
    %scan3A_26 = arith.addi %scan3A_24, %scan3A_25 : i32
    %scan3A_27 = arith.constant 1 : i32
    scf.for %scan3A_39 = %scan3A_24 to %scan3A_26 step %scan3A_27  : i32 {
      %mul3A_40 = arith.constant 4 : i32
      %mul3A_41 = arith.muli %scan3A_39, %mul3A_40 : i32
      %add3A_42 = arith.constant 0 : i32
      %add3A_43 = arith.addi %mul3A_41, %add3A_42 : i32
      %lt3A = arith.constant 125 : i32
      %lt3A_44 = arith.cmpi slt, %add3A_43, %lt3A : i32
      %convert_element_type3A_45 = arith.extui %lt3A_44 : i1 to i32
      %cond3A_46 = arith.constant 0 : i32
      %cond3A_47 = arith.cmpi ne, %convert_element_type3A_45, %cond3A_46 : i32
      scf.if %cond3A_47 {
        %mul3A_69 = arith.constant 80 : i32
        %mul3A_70 = arith.muli %add3A_43, %mul3A_69 : i32
        %add3A_71 = arith.addi %mul3A_8, %mul3A_70 : i32
        %dma_wait3A = tpu.memref_slice %arg2[%add3A_71] : memref<320000xi32, #tpu.memory_space<hbm>> -> memref<80xi32, #tpu.memory_space<hbm>>
        %dma_wait3A_72 = tpu.memref_slice %arg2[%add3A_71] : memref<320000xi32, #tpu.memory_space<hbm>> -> memref<80xi32, #tpu.memory_space<hbm>>
        tpu.wait_dma2 semaphore(%arg12 : memref<!tpu.dma_semaphore, #tpu.memory_space<semaphore_mem>>) src(%dma_wait3A_72 : memref<80xi32, #tpu.memory_space<hbm>>) dst(%arg6 : memref<80xi32, #tpu.memory_space<vmem>>)
        "tpu.region"() ({
          %run_scoped3A = tpu.sem_alloc : memref<!tpu.dma_semaphore, #tpu.memory_space<semaphore_mem>>
          %dma_start3A_80 = arith.constant 0 : i32
          %dma_start3A_81 = arith.constant 0 : i32
          %dma_start3A_82 = tpu.memref_slice %arg11[%dma_start3A_80, %dma_start3A_81] : memref<10000x128xf32, #tpu.memory_space<vmem_shared>> -> memref<10000x128xf32, #tpu.memory_space<vmem_shared>>
          tpu.enqueue_indirect_dma source(%arg10 : memref<80x128xf32, #tpu.memory_space<vmem>>) target(%dma_start3A_82 : memref<10000x128xf32, #tpu.memory_space<vmem_shared>>) offsets(%arg6 : memref<80xi32, #tpu.memory_space<vmem>>) semaphore(%run_scoped3A : memref<!tpu.dma_semaphore, #tpu.memory_space<semaphore_mem>>) {add = true}
          %dma_wait3A_83 = arith.constant 0 : i32
          %dma_wait3A_84 = arith.constant 0 : i32
          %dma_wait3A_85 = tpu.memref_slice %arg11[%dma_wait3A_83, %dma_wait3A_84] : memref<10000x128xf32, #tpu.memory_space<vmem_shared>> -> memref<10000x128xf32, #tpu.memory_space<vmem_shared>>
          tpu.wait_indirect_dma semaphore(%run_scoped3A : memref<!tpu.dma_semaphore, #tpu.memory_space<semaphore_mem>>) src(%arg10 : memref<80x128xf32, #tpu.memory_space<vmem>>) dst(%dma_wait3A_85 : memref<10000x128xf32, #tpu.memory_space<vmem_shared>>)
          tpu.yield
        }) : () -> ()
        %add3A_73 = arith.constant 4 : i32
        %add3A_74 = arith.addi %add3A_43, %add3A_73 : i32
        %lt3A_75 = arith.constant 125 : i32
        %lt3A_76 = arith.cmpi slt, %add3A_74, %lt3A_75 : i32
        %convert_element_type3A_77 = arith.extui %lt3A_76 : i1 to i32
        %cond3A_78 = arith.constant 0 : i32
        %cond3A_79 = arith.cmpi ne, %convert_element_type3A_77, %cond3A_78 : i32
        scf.if %cond3A_79 {
          %mul3A_80 = arith.constant 80 : i32
          %mul3A_81 = arith.muli %add3A_74, %mul3A_80 : i32
          %add3A_82 = arith.addi %mul3A_8, %mul3A_81 : i32
          %dma_start3A_83 = tpu.memref_slice %arg2[%add3A_82] : memref<320000xi32, #tpu.memory_space<hbm>> -> memref<80xi32, #tpu.memory_space<hbm>>
          %dma_start3A_84 = tpu.memref_slice %arg2[%add3A_82] : memref<320000xi32, #tpu.memory_space<hbm>> -> memref<80xi32, #tpu.memory_space<hbm>>
          tpu.enqueue_dma source(%dma_start3A_84 : memref<80xi32, #tpu.memory_space<hbm>>) target(%arg6 : memref<80xi32, #tpu.memory_space<vmem>>) target_semaphore(%arg12 : memref<!tpu.dma_semaphore, #tpu.memory_space<semaphore_mem>>)
        } else {
        }
      } else {
      }
      %add3A_48 = arith.constant 1 : i32
      %add3A_49 = arith.addi %mul3A_41, %add3A_48 : i32
      %lt3A_50 = arith.constant 125 : i32
      %lt3A_51 = arith.cmpi slt, %add3A_49, %lt3A_50 : i32
      %convert_element_type3A_52 = arith.extui %lt3A_51 : i1 to i32
      %cond3A_53 = arith.constant 0 : i32
      %cond3A_54 = arith.cmpi ne, %convert_element_type3A_52, %cond3A_53 : i32
      scf.if %cond3A_54 {
        %mul3A_69 = arith.constant 80 : i32
        %mul3A_70 = arith.muli %add3A_49, %mul3A_69 : i32
        %add3A_71 = arith.addi %mul3A_8, %mul3A_70 : i32
        %dma_wait3A = tpu.memref_slice %arg2[%add3A_71] : memref<320000xi32, #tpu.memory_space<hbm>> -> memref<80xi32, #tpu.memory_space<hbm>>
        %dma_wait3A_72 = tpu.memref_slice %arg2[%add3A_71] : memref<320000xi32, #tpu.memory_space<hbm>> -> memref<80xi32, #tpu.memory_space<hbm>>
        tpu.wait_dma2 semaphore(%arg13 : memref<!tpu.dma_semaphore, #tpu.memory_space<semaphore_mem>>) src(%dma_wait3A_72 : memref<80xi32, #tpu.memory_space<hbm>>) dst(%arg7 : memref<80xi32, #tpu.memory_space<vmem>>)
        "tpu.region"() ({
          %run_scoped3A = tpu.sem_alloc : memref<!tpu.dma_semaphore, #tpu.memory_space<semaphore_mem>>
          %dma_start3A_80 = arith.constant 0 : i32
          %dma_start3A_81 = arith.constant 0 : i32
          %dma_start3A_82 = tpu.memref_slice %arg11[%dma_start3A_80, %dma_start3A_81] : memref<10000x128xf32, #tpu.memory_space<vmem_shared>> -> memref<10000x128xf32, #tpu.memory_space<vmem_shared>>
          tpu.enqueue_indirect_dma source(%arg10 : memref<80x128xf32, #tpu.memory_space<vmem>>) target(%dma_start3A_82 : memref<10000x128xf32, #tpu.memory_space<vmem_shared>>) offsets(%arg7 : memref<80xi32, #tpu.memory_space<vmem>>) semaphore(%run_scoped3A : memref<!tpu.dma_semaphore, #tpu.memory_space<semaphore_mem>>) {add = true}
          %dma_wait3A_83 = arith.constant 0 : i32
          %dma_wait3A_84 = arith.constant 0 : i32
          %dma_wait3A_85 = tpu.memref_slice %arg11[%dma_wait3A_83, %dma_wait3A_84] : memref<10000x128xf32, #tpu.memory_space<vmem_shared>> -> memref<10000x128xf32, #tpu.memory_space<vmem_shared>>
          tpu.wait_indirect_dma semaphore(%run_scoped3A : memref<!tpu.dma_semaphore, #tpu.memory_space<semaphore_mem>>) src(%arg10 : memref<80x128xf32, #tpu.memory_space<vmem>>) dst(%dma_wait3A_85 : memref<10000x128xf32, #tpu.memory_space<vmem_shared>>)
          tpu.yield
        }) : () -> ()
        %add3A_73 = arith.constant 4 : i32
        %add3A_74 = arith.addi %add3A_49, %add3A_73 : i32
        %lt3A_75 = arith.constant 125 : i32
        %lt3A_76 = arith.cmpi slt, %add3A_74, %lt3A_75 : i32
        %convert_element_type3A_77 = arith.extui %lt3A_76 : i1 to i32
        %cond3A_78 = arith.constant 0 : i32
        %cond3A_79 = arith.cmpi ne, %convert_element_type3A_77, %cond3A_78 : i32
        scf.if %cond3A_79 {
          %mul3A_80 = arith.constant 80 : i32
          %mul3A_81 = arith.muli %add3A_74, %mul3A_80 : i32
          %add3A_82 = arith.addi %mul3A_8, %mul3A_81 : i32
          %dma_start3A_83 = tpu.memref_slice %arg2[%add3A_82] : memref<320000xi32, #tpu.memory_space<hbm>> -> memref<80xi32, #tpu.memory_space<hbm>>
          %dma_start3A_84 = tpu.memref_slice %arg2[%add3A_82] : memref<320000xi32, #tpu.memory_space<hbm>> -> memref<80xi32, #tpu.memory_space<hbm>>
          tpu.enqueue_dma source(%dma_start3A_84 : memref<80xi32, #tpu.memory_space<hbm>>) target(%arg7 : memref<80xi32, #tpu.memory_space<vmem>>) target_semaphore(%arg13 : memref<!tpu.dma_semaphore, #tpu.memory_space<semaphore_mem>>)
        } else {
        }
      } else {
      }
      %add3A_55 = arith.constant 2 : i32
      %add3A_56 = arith.addi %mul3A_41, %add3A_55 : i32
      %lt3A_57 = arith.constant 125 : i32
      %lt3A_58 = arith.cmpi slt, %add3A_56, %lt3A_57 : i32
      %convert_element_type3A_59 = arith.extui %lt3A_58 : i1 to i32
      %cond3A_60 = arith.constant 0 : i32
      %cond3A_61 = arith.cmpi ne, %convert_element_type3A_59, %cond3A_60 : i32
      scf.if %cond3A_61 {
        %mul3A_69 = arith.constant 80 : i32
        %mul3A_70 = arith.muli %add3A_56, %mul3A_69 : i32
        %add3A_71 = arith.addi %mul3A_8, %mul3A_70 : i32
        %dma_wait3A = tpu.memref_slice %arg2[%add3A_71] : memref<320000xi32, #tpu.memory_space<hbm>> -> memref<80xi32, #tpu.memory_space<hbm>>
        %dma_wait3A_72 = tpu.memref_slice %arg2[%add3A_71] : memref<320000xi32, #tpu.memory_space<hbm>> -> memref<80xi32, #tpu.memory_space<hbm>>
        tpu.wait_dma2 semaphore(%arg14 : memref<!tpu.dma_semaphore, #tpu.memory_space<semaphore_mem>>) src(%dma_wait3A_72 : memref<80xi32, #tpu.memory_space<hbm>>) dst(%arg8 : memref<80xi32, #tpu.memory_space<vmem>>)
        "tpu.region"() ({
          %run_scoped3A = tpu.sem_alloc : memref<!tpu.dma_semaphore, #tpu.memory_space<semaphore_mem>>
          %dma_start3A_80 = arith.constant 0 : i32
          %dma_start3A_81 = arith.constant 0 : i32
          %dma_start3A_82 = tpu.memref_slice %arg11[%dma_start3A_80, %dma_start3A_81] : memref<10000x128xf32, #tpu.memory_space<vmem_shared>> -> memref<10000x128xf32, #tpu.memory_space<vmem_shared>>
          tpu.enqueue_indirect_dma source(%arg10 : memref<80x128xf32, #tpu.memory_space<vmem>>) target(%dma_start3A_82 : memref<10000x128xf32, #tpu.memory_space<vmem_shared>>) offsets(%arg8 : memref<80xi32, #tpu.memory_space<vmem>>) semaphore(%run_scoped3A : memref<!tpu.dma_semaphore, #tpu.memory_space<semaphore_mem>>) {add = true}
          %dma_wait3A_83 = arith.constant 0 : i32
          %dma_wait3A_84 = arith.constant 0 : i32
          %dma_wait3A_85 = tpu.memref_slice %arg11[%dma_wait3A_83, %dma_wait3A_84] : memref<10000x128xf32, #tpu.memory_space<vmem_shared>> -> memref<10000x128xf32, #tpu.memory_space<vmem_shared>>
          tpu.wait_indirect_dma semaphore(%run_scoped3A : memref<!tpu.dma_semaphore, #tpu.memory_space<semaphore_mem>>) src(%arg10 : memref<80x128xf32, #tpu.memory_space<vmem>>) dst(%dma_wait3A_85 : memref<10000x128xf32, #tpu.memory_space<vmem_shared>>)
          tpu.yield
        }) : () -> ()
        %add3A_73 = arith.constant 4 : i32
        %add3A_74 = arith.addi %add3A_56, %add3A_73 : i32
        %lt3A_75 = arith.constant 125 : i32
        %lt3A_76 = arith.cmpi slt, %add3A_74, %lt3A_75 : i32
        %convert_element_type3A_77 = arith.extui %lt3A_76 : i1 to i32
        %cond3A_78 = arith.constant 0 : i32
        %cond3A_79 = arith.cmpi ne, %convert_element_type3A_77, %cond3A_78 : i32
        scf.if %cond3A_79 {
          %mul3A_80 = arith.constant 80 : i32
          %mul3A_81 = arith.muli %add3A_74, %mul3A_80 : i32
          %add3A_82 = arith.addi %mul3A_8, %mul3A_81 : i32
          %dma_start3A_83 = tpu.memref_slice %arg2[%add3A_82] : memref<320000xi32, #tpu.memory_space<hbm>> -> memref<80xi32, #tpu.memory_space<hbm>>
          %dma_start3A_84 = tpu.memref_slice %arg2[%add3A_82] : memref<320000xi32, #tpu.memory_space<hbm>> -> memref<80xi32, #tpu.memory_space<hbm>>
          tpu.enqueue_dma source(%dma_start3A_84 : memref<80xi32, #tpu.memory_space<hbm>>) target(%arg8 : memref<80xi32, #tpu.memory_space<vmem>>) target_semaphore(%arg14 : memref<!tpu.dma_semaphore, #tpu.memory_space<semaphore_mem>>)
        } else {
        }
      } else {
      }
      %add3A_62 = arith.constant 3 : i32
      %add3A_63 = arith.addi %mul3A_41, %add3A_62 : i32
      %lt3A_64 = arith.constant 125 : i32
      %lt3A_65 = arith.cmpi slt, %add3A_63, %lt3A_64 : i32
      %convert_element_type3A_66 = arith.extui %lt3A_65 : i1 to i32
      %cond3A_67 = arith.constant 0 : i32
      %cond3A_68 = arith.cmpi ne, %convert_element_type3A_66, %cond3A_67 : i32
      scf.if %cond3A_68 {
        %mul3A_69 = arith.constant 80 : i32
        %mul3A_70 = arith.muli %add3A_63, %mul3A_69 : i32
        %add3A_71 = arith.addi %mul3A_8, %mul3A_70 : i32
        %dma_wait3A = tpu.memref_slice %arg2[%add3A_71] : memref<320000xi32, #tpu.memory_space<hbm>> -> memref<80xi32, #tpu.memory_space<hbm>>
        %dma_wait3A_72 = tpu.memref_slice %arg2[%add3A_71] : memref<320000xi32, #tpu.memory_space<hbm>> -> memref<80xi32, #tpu.memory_space<hbm>>
        tpu.wait_dma2 semaphore(%arg15 : memref<!tpu.dma_semaphore, #tpu.memory_space<semaphore_mem>>) src(%dma_wait3A_72 : memref<80xi32, #tpu.memory_space<hbm>>) dst(%arg9 : memref<80xi32, #tpu.memory_space<vmem>>)
        "tpu.region"() ({
          %run_scoped3A = tpu.sem_alloc : memref<!tpu.dma_semaphore, #tpu.memory_space<semaphore_mem>>
          %dma_start3A_80 = arith.constant 0 : i32
          %dma_start3A_81 = arith.constant 0 : i32
          %dma_start3A_82 = tpu.memref_slice %arg11[%dma_start3A_80, %dma_start3A_81] : memref<10000x128xf32, #tpu.memory_space<vmem_shared>> -> memref<10000x128xf32, #tpu.memory_space<vmem_shared>>
          tpu.enqueue_indirect_dma source(%arg10 : memref<80x128xf32, #tpu.memory_space<vmem>>) target(%dma_start3A_82 : memref<10000x128xf32, #tpu.memory_space<vmem_shared>>) offsets(%arg9 : memref<80xi32, #tpu.memory_space<vmem>>) semaphore(%run_scoped3A : memref<!tpu.dma_semaphore, #tpu.memory_space<semaphore_mem>>) {add = true}
          %dma_wait3A_83 = arith.constant 0 : i32
          %dma_wait3A_84 = arith.constant 0 : i32
          %dma_wait3A_85 = tpu.memref_slice %arg11[%dma_wait3A_83, %dma_wait3A_84] : memref<10000x128xf32, #tpu.memory_space<vmem_shared>> -> memref<10000x128xf32, #tpu.memory_space<vmem_shared>>
          tpu.wait_indirect_dma semaphore(%run_scoped3A : memref<!tpu.dma_semaphore, #tpu.memory_space<semaphore_mem>>) src(%arg10 : memref<80x128xf32, #tpu.memory_space<vmem>>) dst(%dma_wait3A_85 : memref<10000x128xf32, #tpu.memory_space<vmem_shared>>)
          tpu.yield
        }) : () -> ()
        %add3A_73 = arith.constant 4 : i32
        %add3A_74 = arith.addi %add3A_63, %add3A_73 : i32
        %lt3A_75 = arith.constant 125 : i32
        %lt3A_76 = arith.cmpi slt, %add3A_74, %lt3A_75 : i32
        %convert_element_type3A_77 = arith.extui %lt3A_76 : i1 to i32
        %cond3A_78 = arith.constant 0 : i32
        %cond3A_79 = arith.cmpi ne, %convert_element_type3A_77, %cond3A_78 : i32
        scf.if %cond3A_79 {
          %mul3A_80 = arith.constant 80 : i32
          %mul3A_81 = arith.muli %add3A_74, %mul3A_80 : i32
          %add3A_82 = arith.addi %mul3A_8, %mul3A_81 : i32
          %dma_start3A_83 = tpu.memref_slice %arg2[%add3A_82] : memref<320000xi32, #tpu.memory_space<hbm>> -> memref<80xi32, #tpu.memory_space<hbm>>
          %dma_start3A_84 = tpu.memref_slice %arg2[%add3A_82] : memref<320000xi32, #tpu.memory_space<hbm>> -> memref<80xi32, #tpu.memory_space<hbm>>
          tpu.enqueue_dma source(%dma_start3A_84 : memref<80xi32, #tpu.memory_space<hbm>>) target(%arg9 : memref<80xi32, #tpu.memory_space<vmem>>) target_semaphore(%arg15 : memref<!tpu.dma_semaphore, #tpu.memory_space<semaphore_mem>>)
        } else {
        }
      } else {
      }
    }
    %scan3A_28 = arith.constant 32 : i32
    %barrier3A_29 = arith.constant 0 : index
    tpu.barrier barrier_id(%barrier3A_29)
    %mul3A_30 = arith.constant 624 : i32
    %mul3A_31 = arith.muli %arg1, %mul3A_30 : i32
    %mul3A_32 = arith.constant 624 : i32
    %mul3A_33 = arith.muli %arg1, %mul3A_32 : i32
    "tpu.region"() ({
      %run_scoped3A = tpu.sem_alloc : memref<!tpu.dma_semaphore, #tpu.memory_space<semaphore_mem>>
      %dma_start3A_39 = arith.constant 0 : i32
      %dma_start3A_40 = tpu.memref_slice %arg5[%arg0, %mul3A_33, %dma_start3A_39] : memref<2x10000x128xf32, #tpu.memory_space<hbm>> -> memref<1x624x128xf32, #tpu.memory_space<hbm>>
      %dma_start3A_41 = tpu.memref_squeeze %dma_start3A_40 : memref<1x624x128xf32, #tpu.memory_space<hbm>> -> memref<624x128xf32, #tpu.memory_space<hbm>>
      %dma_start3A_42 = arith.constant 0 : i32
      %dma_start3A_43 = tpu.memref_slice %arg11[%mul3A_31, %dma_start3A_42] : memref<10000x128xf32, #tpu.memory_space<vmem_shared>> -> memref<624x128xf32, #tpu.memory_space<vmem_shared>>
      tpu.enqueue_dma source(%dma_start3A_43 : memref<624x128xf32, #tpu.memory_space<vmem_shared>>) target(%dma_start3A_41 : memref<624x128xf32, #tpu.memory_space<hbm>>) target_semaphore(%run_scoped3A : memref<!tpu.dma_semaphore, #tpu.memory_space<semaphore_mem>>)
      %dma_wait3A = arith.constant 0 : i32
      %dma_wait3A_44 = tpu.memref_slice %arg5[%arg0, %mul3A_33, %dma_wait3A] : memref<2x10000x128xf32, #tpu.memory_space<hbm>> -> memref<1x624x128xf32, #tpu.memory_space<hbm>>
      %dma_wait3A_45 = tpu.memref_squeeze %dma_wait3A_44 : memref<1x624x128xf32, #tpu.memory_space<hbm>> -> memref<624x128xf32, #tpu.memory_space<hbm>>
      %dma_wait3A_46 = arith.constant 0 : i32
      %dma_wait3A_47 = tpu.memref_slice %arg11[%mul3A_31, %dma_wait3A_46] : memref<10000x128xf32, #tpu.memory_space<vmem_shared>> -> memref<624x128xf32, #tpu.memory_space<vmem_shared>>
      tpu.wait_dma2 semaphore(%run_scoped3A : memref<!tpu.dma_semaphore, #tpu.memory_space<semaphore_mem>>) src(%dma_wait3A_47 : memref<624x128xf32, #tpu.memory_space<vmem_shared>>) dst(%dma_wait3A_45 : memref<624x128xf32, #tpu.memory_space<hbm>>)
      tpu.yield
    }) : () -> ()
    %eq3A_34 = arith.constant 0 : i32
    %eq3A_35 = arith.cmpi eq, %arg1, %eq3A_34 : i32
    %convert_element_type3A_36 = arith.extui %eq3A_35 : i1 to i32
    %cond3A_37 = arith.constant 0 : i32
    %cond3A_38 = arith.cmpi ne, %convert_element_type3A_36, %cond3A_37 : i32
    scf.if %cond3A_38 {
      "tpu.region"() ({
        %run_scoped3A = tpu.sem_alloc : memref<!tpu.dma_semaphore, #tpu.memory_space<semaphore_mem>>
        %dma_start3A_39 = arith.constant 9984 : i32
        %dma_start3A_40 = arith.constant 0 : i32
        %dma_start3A_41 = tpu.memref_slice %arg5[%arg0, %dma_start3A_39, %dma_start3A_40] : memref<2x10000x128xf32, #tpu.memory_space<hbm>> -> memref<1x16x128xf32, #tpu.memory_space<hbm>>
        %dma_start3A_42 = tpu.memref_squeeze %dma_start3A_41 : memref<1x16x128xf32, #tpu.memory_space<hbm>> -> memref<16x128xf32, #tpu.memory_space<hbm>>
        %dma_start3A_43 = arith.constant 9984 : i32
        %dma_start3A_44 = arith.constant 0 : i32
        %dma_start3A_45 = tpu.memref_slice %arg11[%dma_start3A_43, %dma_start3A_44] : memref<10000x128xf32, #tpu.memory_space<vmem_shared>> -> memref<16x128xf32, #tpu.memory_space<vmem_shared>>
        tpu.enqueue_dma source(%dma_start3A_45 : memref<16x128xf32, #tpu.memory_space<vmem_shared>>) target(%dma_start3A_42 : memref<16x128xf32, #tpu.memory_space<hbm>>) target_semaphore(%run_scoped3A : memref<!tpu.dma_semaphore, #tpu.memory_space<semaphore_mem>>)
        %dma_wait3A = arith.constant 9984 : i32
        %dma_wait3A_46 = arith.constant 0 : i32
        %dma_wait3A_47 = tpu.memref_slice %arg5[%arg0, %dma_wait3A, %dma_wait3A_46] : memref<2x10000x128xf32, #tpu.memory_space<hbm>> -> memref<1x16x128xf32, #tpu.memory_space<hbm>>
        %dma_wait3A_48 = tpu.memref_squeeze %dma_wait3A_47 : memref<1x16x128xf32, #tpu.memory_space<hbm>> -> memref<16x128xf32, #tpu.memory_space<hbm>>
        %dma_wait3A_49 = arith.constant 9984 : i32
        %dma_wait3A_50 = arith.constant 0 : i32
        %dma_wait3A_51 = tpu.memref_slice %arg11[%dma_wait3A_49, %dma_wait3A_50] : memref<10000x128xf32, #tpu.memory_space<vmem_shared>> -> memref<16x128xf32, #tpu.memory_space<vmem_shared>>
        tpu.wait_dma2 semaphore(%run_scoped3A : memref<!tpu.dma_semaphore, #tpu.memory_space<semaphore_mem>>) src(%dma_wait3A_51 : memref<16x128xf32, #tpu.memory_space<vmem_shared>>) dst(%dma_wait3A_48 : memref<16x128xf32, #tpu.memory_space<hbm>>)
        tpu.yield
      }) : () -> ()
    } else {
    }
    return
  }
}

#map = affine_map<(d0, d1) -> (0, 0)>
#map1 = affine_map<(d0, d1) -> (0)>
#map2 = affine_map<(d0, d1) -> (0, 0, 0)>
module attributes {stable_mosaic.version = 14 : i64} {
  func.func @_sc_agg(%arg0: i32, %arg1: i32, %arg2: memref<10000x128xf32, #tpu.memory_space<hbm>>, %arg3: memref<320000xi32, #tpu.memory_space<hbm>>, %arg4: memref<320000xi32, #tpu.memory_space<hbm>>, %arg5: memref<10000x128xf32, #tpu.memory_space<hbm>>, %arg6: memref<2x10000x128xf32, #tpu.memory_space<hbm>>, %arg7: memref<80xi32, #tpu.memory_space<vmem>>, %arg8: memref<80xi32, #tpu.memory_space<vmem>>, %arg9: memref<80xi32, #tpu.memory_space<vmem>>, %arg10: memref<80xi32, #tpu.memory_space<vmem>>, %arg11: memref<80xi32, #tpu.memory_space<vmem>>, %arg12: memref<80xi32, #tpu.memory_space<vmem>>, %arg13: memref<80xi32, #tpu.memory_space<vmem>>, %arg14: memref<80xi32, #tpu.memory_space<vmem>>, %arg15: memref<80x128xf32, #tpu.memory_space<vmem>>, %arg16: memref<80x128xf32, #tpu.memory_space<vmem>>, %arg17: memref<80x128xf32, #tpu.memory_space<vmem>>, %arg18: memref<80x128xf32, #tpu.memory_space<vmem>>, %arg19: memref<10000x128xf32, #tpu.memory_space<vmem_shared>>, %arg20: memref<!tpu.dma_semaphore, #tpu.memory_space<semaphore_mem>>, %arg21: memref<!tpu.dma_semaphore, #tpu.memory_space<semaphore_mem>>, %arg22: memref<!tpu.dma_semaphore, #tpu.memory_space<semaphore_mem>>, %arg23: memref<!tpu.dma_semaphore, #tpu.memory_space<semaphore_mem>>, %arg24: memref<!tpu.dma_semaphore, #tpu.memory_space<semaphore_mem>>, %arg25: memref<!tpu.dma_semaphore, #tpu.memory_space<semaphore_mem>>, %arg26: memref<!tpu.dma_semaphore, #tpu.memory_space<semaphore_mem>>, %arg27: memref<!tpu.dma_semaphore, #tpu.memory_space<semaphore_mem>>) attributes {dimension_semantics = [#tpu.dimension_semantics<core_parallel>, #tpu.dimension_semantics<subcore_parallel>], iteration_bounds = array<i64: 2, 16>, scalar_prefetch = 0 : i64, scratch_operands = 21 : i64, tpu.core_type = #tpu.core_type<sc_vector_subcore>, window_params = [{transform_indices = #map}, {transform_indices = #map1}, {transform_indices = #map1}, {transform_indices = #map}, {transform_indices = #map2}]} {
    %mul3A = arith.constant 16 : i32
    %mul3A_0 = arith.muli %arg0, %mul3A : i32
    %add3A = arith.addi %mul3A_0, %arg1 : i32
    %mul3A_1 = arith.constant 624 : i32
    %mul3A_2 = arith.muli %arg1, %mul3A_1 : i32
    %mul3A_3 = arith.constant 624 : i32
    %mul3A_4 = arith.muli %arg1, %mul3A_3 : i32
    "tpu.region"() ({
      %run_scoped3A = tpu.sem_alloc : memref<!tpu.dma_semaphore, #tpu.memory_space<semaphore_mem>>
      %dma_start3A_73 = arith.constant 0 : i32
      %dma_start3A_74 = tpu.memref_slice %arg19[%mul3A_4, %dma_start3A_73] : memref<10000x128xf32, #tpu.memory_space<vmem_shared>> -> memref<624x128xf32, #tpu.memory_space<vmem_shared>>
      %dma_start3A_75 = arith.constant 0 : i32
      %dma_start3A_76 = tpu.memref_slice %arg5[%mul3A_2, %dma_start3A_75] : memref<10000x128xf32, #tpu.memory_space<hbm>> -> memref<624x128xf32, #tpu.memory_space<hbm>>
      tpu.enqueue_dma source(%dma_start3A_76 : memref<624x128xf32, #tpu.memory_space<hbm>>) target(%dma_start3A_74 : memref<624x128xf32, #tpu.memory_space<vmem_shared>>) target_semaphore(%run_scoped3A : memref<!tpu.dma_semaphore, #tpu.memory_space<semaphore_mem>>)
      %dma_wait3A_77 = arith.constant 0 : i32
      %dma_wait3A_78 = tpu.memref_slice %arg19[%mul3A_4, %dma_wait3A_77] : memref<10000x128xf32, #tpu.memory_space<vmem_shared>> -> memref<624x128xf32, #tpu.memory_space<vmem_shared>>
      %dma_wait3A_79 = arith.constant 0 : i32
      %dma_wait3A_80 = tpu.memref_slice %arg5[%mul3A_2, %dma_wait3A_79] : memref<10000x128xf32, #tpu.memory_space<hbm>> -> memref<624x128xf32, #tpu.memory_space<hbm>>
      tpu.wait_dma2 semaphore(%run_scoped3A : memref<!tpu.dma_semaphore, #tpu.memory_space<semaphore_mem>>) src(%dma_wait3A_80 : memref<624x128xf32, #tpu.memory_space<hbm>>) dst(%dma_wait3A_78 : memref<624x128xf32, #tpu.memory_space<vmem_shared>>)
      tpu.yield
    }) : () -> ()
    %eq3A = arith.constant 0 : i32
    %eq3A_5 = arith.cmpi eq, %arg1, %eq3A : i32
    %convert_element_type3A = arith.extui %eq3A_5 : i1 to i32
    %cond3A = arith.constant 0 : i32
    %cond3A_6 = arith.cmpi ne, %convert_element_type3A, %cond3A : i32
    scf.if %cond3A_6 {
      "tpu.region"() ({
        %run_scoped3A = tpu.sem_alloc : memref<!tpu.dma_semaphore, #tpu.memory_space<semaphore_mem>>
        %dma_start3A_73 = arith.constant 9984 : i32
        %dma_start3A_74 = arith.constant 0 : i32
        %dma_start3A_75 = tpu.memref_slice %arg19[%dma_start3A_73, %dma_start3A_74] : memref<10000x128xf32, #tpu.memory_space<vmem_shared>> -> memref<16x128xf32, #tpu.memory_space<vmem_shared>>
        %dma_start3A_76 = arith.constant 9984 : i32
        %dma_start3A_77 = arith.constant 0 : i32
        %dma_start3A_78 = tpu.memref_slice %arg5[%dma_start3A_76, %dma_start3A_77] : memref<10000x128xf32, #tpu.memory_space<hbm>> -> memref<16x128xf32, #tpu.memory_space<hbm>>
        tpu.enqueue_dma source(%dma_start3A_78 : memref<16x128xf32, #tpu.memory_space<hbm>>) target(%dma_start3A_75 : memref<16x128xf32, #tpu.memory_space<vmem_shared>>) target_semaphore(%run_scoped3A : memref<!tpu.dma_semaphore, #tpu.memory_space<semaphore_mem>>)
        %dma_wait3A_79 = arith.constant 9984 : i32
        %dma_wait3A_80 = arith.constant 0 : i32
        %dma_wait3A_81 = tpu.memref_slice %arg19[%dma_wait3A_79, %dma_wait3A_80] : memref<10000x128xf32, #tpu.memory_space<vmem_shared>> -> memref<16x128xf32, #tpu.memory_space<vmem_shared>>
        %dma_wait3A_82 = arith.constant 9984 : i32
        %dma_wait3A_83 = arith.constant 0 : i32
        %dma_wait3A_84 = tpu.memref_slice %arg5[%dma_wait3A_82, %dma_wait3A_83] : memref<10000x128xf32, #tpu.memory_space<hbm>> -> memref<16x128xf32, #tpu.memory_space<hbm>>
        tpu.wait_dma2 semaphore(%run_scoped3A : memref<!tpu.dma_semaphore, #tpu.memory_space<semaphore_mem>>) src(%dma_wait3A_84 : memref<16x128xf32, #tpu.memory_space<hbm>>) dst(%dma_wait3A_81 : memref<16x128xf32, #tpu.memory_space<vmem_shared>>)
        tpu.yield
      }) : () -> ()
    } else {
    }
    %barrier3A = arith.constant 0 : index
    tpu.barrier barrier_id(%barrier3A)
    %mul3A_7 = arith.constant 10000 : i32
    %mul3A_8 = arith.muli %add3A, %mul3A_7 : i32
    %add3A_9 = arith.constant 0 : i32
    %add3A_10 = arith.addi %mul3A_8, %add3A_9 : i32
    %dma_start3A = tpu.memref_slice %arg3[%add3A_10] : memref<320000xi32, #tpu.memory_space<hbm>> -> memref<80xi32, #tpu.memory_space<hbm>>
    %dma_start3A_11 = tpu.memref_slice %arg3[%add3A_10] : memref<320000xi32, #tpu.memory_space<hbm>> -> memref<80xi32, #tpu.memory_space<hbm>>
    tpu.enqueue_dma source(%dma_start3A_11 : memref<80xi32, #tpu.memory_space<hbm>>) target(%arg7 : memref<80xi32, #tpu.memory_space<vmem>>) target_semaphore(%arg24 : memref<!tpu.dma_semaphore, #tpu.memory_space<semaphore_mem>>)
    %dma_start3A_12 = tpu.memref_slice %arg4[%add3A_10] : memref<320000xi32, #tpu.memory_space<hbm>> -> memref<80xi32, #tpu.memory_space<hbm>>
    %dma_start3A_13 = tpu.memref_slice %arg4[%add3A_10] : memref<320000xi32, #tpu.memory_space<hbm>> -> memref<80xi32, #tpu.memory_space<hbm>>
    tpu.enqueue_dma source(%dma_start3A_13 : memref<80xi32, #tpu.memory_space<hbm>>) target(%arg11 : memref<80xi32, #tpu.memory_space<vmem>>) target_semaphore(%arg24 : memref<!tpu.dma_semaphore, #tpu.memory_space<semaphore_mem>>)
    %add3A_14 = arith.constant 80 : i32
    %add3A_15 = arith.addi %mul3A_8, %add3A_14 : i32
    %dma_start3A_16 = tpu.memref_slice %arg3[%add3A_15] : memref<320000xi32, #tpu.memory_space<hbm>> -> memref<80xi32, #tpu.memory_space<hbm>>
    %dma_start3A_17 = tpu.memref_slice %arg3[%add3A_15] : memref<320000xi32, #tpu.memory_space<hbm>> -> memref<80xi32, #tpu.memory_space<hbm>>
    tpu.enqueue_dma source(%dma_start3A_17 : memref<80xi32, #tpu.memory_space<hbm>>) target(%arg8 : memref<80xi32, #tpu.memory_space<vmem>>) target_semaphore(%arg25 : memref<!tpu.dma_semaphore, #tpu.memory_space<semaphore_mem>>)
    %dma_start3A_18 = tpu.memref_slice %arg4[%add3A_15] : memref<320000xi32, #tpu.memory_space<hbm>> -> memref<80xi32, #tpu.memory_space<hbm>>
    %dma_start3A_19 = tpu.memref_slice %arg4[%add3A_15] : memref<320000xi32, #tpu.memory_space<hbm>> -> memref<80xi32, #tpu.memory_space<hbm>>
    tpu.enqueue_dma source(%dma_start3A_19 : memref<80xi32, #tpu.memory_space<hbm>>) target(%arg12 : memref<80xi32, #tpu.memory_space<vmem>>) target_semaphore(%arg25 : memref<!tpu.dma_semaphore, #tpu.memory_space<semaphore_mem>>)
    %add3A_20 = arith.constant 160 : i32
    %add3A_21 = arith.addi %mul3A_8, %add3A_20 : i32
    %dma_start3A_22 = tpu.memref_slice %arg3[%add3A_21] : memref<320000xi32, #tpu.memory_space<hbm>> -> memref<80xi32, #tpu.memory_space<hbm>>
    %dma_start3A_23 = tpu.memref_slice %arg3[%add3A_21] : memref<320000xi32, #tpu.memory_space<hbm>> -> memref<80xi32, #tpu.memory_space<hbm>>
    tpu.enqueue_dma source(%dma_start3A_23 : memref<80xi32, #tpu.memory_space<hbm>>) target(%arg9 : memref<80xi32, #tpu.memory_space<vmem>>) target_semaphore(%arg26 : memref<!tpu.dma_semaphore, #tpu.memory_space<semaphore_mem>>)
    %dma_start3A_24 = tpu.memref_slice %arg4[%add3A_21] : memref<320000xi32, #tpu.memory_space<hbm>> -> memref<80xi32, #tpu.memory_space<hbm>>
    %dma_start3A_25 = tpu.memref_slice %arg4[%add3A_21] : memref<320000xi32, #tpu.memory_space<hbm>> -> memref<80xi32, #tpu.memory_space<hbm>>
    tpu.enqueue_dma source(%dma_start3A_25 : memref<80xi32, #tpu.memory_space<hbm>>) target(%arg13 : memref<80xi32, #tpu.memory_space<vmem>>) target_semaphore(%arg26 : memref<!tpu.dma_semaphore, #tpu.memory_space<semaphore_mem>>)
    %add3A_26 = arith.constant 240 : i32
    %add3A_27 = arith.addi %mul3A_8, %add3A_26 : i32
    %dma_start3A_28 = tpu.memref_slice %arg3[%add3A_27] : memref<320000xi32, #tpu.memory_space<hbm>> -> memref<80xi32, #tpu.memory_space<hbm>>
    %dma_start3A_29 = tpu.memref_slice %arg3[%add3A_27] : memref<320000xi32, #tpu.memory_space<hbm>> -> memref<80xi32, #tpu.memory_space<hbm>>
    tpu.enqueue_dma source(%dma_start3A_29 : memref<80xi32, #tpu.memory_space<hbm>>) target(%arg10 : memref<80xi32, #tpu.memory_space<vmem>>) target_semaphore(%arg27 : memref<!tpu.dma_semaphore, #tpu.memory_space<semaphore_mem>>)
    %dma_start3A_30 = tpu.memref_slice %arg4[%add3A_27] : memref<320000xi32, #tpu.memory_space<hbm>> -> memref<80xi32, #tpu.memory_space<hbm>>
    %dma_start3A_31 = tpu.memref_slice %arg4[%add3A_27] : memref<320000xi32, #tpu.memory_space<hbm>> -> memref<80xi32, #tpu.memory_space<hbm>>
    tpu.enqueue_dma source(%dma_start3A_31 : memref<80xi32, #tpu.memory_space<hbm>>) target(%arg14 : memref<80xi32, #tpu.memory_space<vmem>>) target_semaphore(%arg27 : memref<!tpu.dma_semaphore, #tpu.memory_space<semaphore_mem>>)
    %add3A_32 = arith.constant 0 : i32
    %add3A_33 = arith.addi %mul3A_8, %add3A_32 : i32
    %dma_wait3A = tpu.memref_slice %arg3[%add3A_33] : memref<320000xi32, #tpu.memory_space<hbm>> -> memref<80xi32, #tpu.memory_space<hbm>>
    %dma_wait3A_34 = tpu.memref_slice %arg3[%add3A_33] : memref<320000xi32, #tpu.memory_space<hbm>> -> memref<80xi32, #tpu.memory_space<hbm>>
    tpu.wait_dma2 semaphore(%arg24 : memref<!tpu.dma_semaphore, #tpu.memory_space<semaphore_mem>>) src(%dma_wait3A_34 : memref<80xi32, #tpu.memory_space<hbm>>) dst(%arg7 : memref<80xi32, #tpu.memory_space<vmem>>)
    %dma_wait3A_35 = tpu.memref_slice %arg4[%add3A_33] : memref<320000xi32, #tpu.memory_space<hbm>> -> memref<80xi32, #tpu.memory_space<hbm>>
    %dma_wait3A_36 = tpu.memref_slice %arg4[%add3A_33] : memref<320000xi32, #tpu.memory_space<hbm>> -> memref<80xi32, #tpu.memory_space<hbm>>
    tpu.wait_dma2 semaphore(%arg24 : memref<!tpu.dma_semaphore, #tpu.memory_space<semaphore_mem>>) src(%dma_wait3A_36 : memref<80xi32, #tpu.memory_space<hbm>>) dst(%arg11 : memref<80xi32, #tpu.memory_space<vmem>>)
    %dma_start3A_37 = arith.constant 0 : i32
    %dma_start3A_38 = arith.constant 0 : i32
    %dma_start3A_39 = tpu.memref_slice %arg2[%dma_start3A_37, %dma_start3A_38] : memref<10000x128xf32, #tpu.memory_space<hbm>> -> memref<10000x128xf32, #tpu.memory_space<hbm>>
    tpu.enqueue_indirect_dma source(%dma_start3A_39 : memref<10000x128xf32, #tpu.memory_space<hbm>>) target(%arg15 : memref<80x128xf32, #tpu.memory_space<vmem>>) offsets(%arg7 : memref<80xi32, #tpu.memory_space<vmem>>) semaphore(%arg20 : memref<!tpu.dma_semaphore, #tpu.memory_space<semaphore_mem>>)
    %add3A_40 = arith.constant 80 : i32
    %add3A_41 = arith.addi %mul3A_8, %add3A_40 : i32
    %dma_wait3A_42 = tpu.memref_slice %arg3[%add3A_41] : memref<320000xi32, #tpu.memory_space<hbm>> -> memref<80xi32, #tpu.memory_space<hbm>>
    %dma_wait3A_43 = tpu.memref_slice %arg3[%add3A_41] : memref<320000xi32, #tpu.memory_space<hbm>> -> memref<80xi32, #tpu.memory_space<hbm>>
    tpu.wait_dma2 semaphore(%arg25 : memref<!tpu.dma_semaphore, #tpu.memory_space<semaphore_mem>>) src(%dma_wait3A_43 : memref<80xi32, #tpu.memory_space<hbm>>) dst(%arg8 : memref<80xi32, #tpu.memory_space<vmem>>)
    %dma_wait3A_44 = tpu.memref_slice %arg4[%add3A_41] : memref<320000xi32, #tpu.memory_space<hbm>> -> memref<80xi32, #tpu.memory_space<hbm>>
    %dma_wait3A_45 = tpu.memref_slice %arg4[%add3A_41] : memref<320000xi32, #tpu.memory_space<hbm>> -> memref<80xi32, #tpu.memory_space<hbm>>
    tpu.wait_dma2 semaphore(%arg25 : memref<!tpu.dma_semaphore, #tpu.memory_space<semaphore_mem>>) src(%dma_wait3A_45 : memref<80xi32, #tpu.memory_space<hbm>>) dst(%arg12 : memref<80xi32, #tpu.memory_space<vmem>>)
    %dma_start3A_46 = arith.constant 0 : i32
    %dma_start3A_47 = arith.constant 0 : i32
    %dma_start3A_48 = tpu.memref_slice %arg2[%dma_start3A_46, %dma_start3A_47] : memref<10000x128xf32, #tpu.memory_space<hbm>> -> memref<10000x128xf32, #tpu.memory_space<hbm>>
    tpu.enqueue_indirect_dma source(%dma_start3A_48 : memref<10000x128xf32, #tpu.memory_space<hbm>>) target(%arg16 : memref<80x128xf32, #tpu.memory_space<vmem>>) offsets(%arg8 : memref<80xi32, #tpu.memory_space<vmem>>) semaphore(%arg21 : memref<!tpu.dma_semaphore, #tpu.memory_space<semaphore_mem>>)
    %add3A_49 = arith.constant 160 : i32
    %add3A_50 = arith.addi %mul3A_8, %add3A_49 : i32
    %dma_wait3A_51 = tpu.memref_slice %arg3[%add3A_50] : memref<320000xi32, #tpu.memory_space<hbm>> -> memref<80xi32, #tpu.memory_space<hbm>>
    %dma_wait3A_52 = tpu.memref_slice %arg3[%add3A_50] : memref<320000xi32, #tpu.memory_space<hbm>> -> memref<80xi32, #tpu.memory_space<hbm>>
    tpu.wait_dma2 semaphore(%arg26 : memref<!tpu.dma_semaphore, #tpu.memory_space<semaphore_mem>>) src(%dma_wait3A_52 : memref<80xi32, #tpu.memory_space<hbm>>) dst(%arg9 : memref<80xi32, #tpu.memory_space<vmem>>)
    %dma_wait3A_53 = tpu.memref_slice %arg4[%add3A_50] : memref<320000xi32, #tpu.memory_space<hbm>> -> memref<80xi32, #tpu.memory_space<hbm>>
    %dma_wait3A_54 = tpu.memref_slice %arg4[%add3A_50] : memref<320000xi32, #tpu.memory_space<hbm>> -> memref<80xi32, #tpu.memory_space<hbm>>
    tpu.wait_dma2 semaphore(%arg26 : memref<!tpu.dma_semaphore, #tpu.memory_space<semaphore_mem>>) src(%dma_wait3A_54 : memref<80xi32, #tpu.memory_space<hbm>>) dst(%arg13 : memref<80xi32, #tpu.memory_space<vmem>>)
    %dma_start3A_55 = arith.constant 0 : i32
    %dma_start3A_56 = arith.constant 0 : i32
    %dma_start3A_57 = tpu.memref_slice %arg2[%dma_start3A_55, %dma_start3A_56] : memref<10000x128xf32, #tpu.memory_space<hbm>> -> memref<10000x128xf32, #tpu.memory_space<hbm>>
    tpu.enqueue_indirect_dma source(%dma_start3A_57 : memref<10000x128xf32, #tpu.memory_space<hbm>>) target(%arg17 : memref<80x128xf32, #tpu.memory_space<vmem>>) offsets(%arg9 : memref<80xi32, #tpu.memory_space<vmem>>) semaphore(%arg22 : memref<!tpu.dma_semaphore, #tpu.memory_space<semaphore_mem>>)
    %scan3A = arith.constant 0 : i32
    %scan3A_58 = arith.constant 0 : i32
    %scan3A_59 = arith.constant 32 : i32
    %scan3A_60 = arith.addi %scan3A_58, %scan3A_59 : i32
    %scan3A_61 = arith.constant 1 : i32
    scf.for %scan3A_73 = %scan3A_58 to %scan3A_60 step %scan3A_61  : i32 {
      %mul3A_74 = arith.constant 4 : i32
      %mul3A_75 = arith.muli %scan3A_73, %mul3A_74 : i32
      %add3A_76 = arith.constant 0 : i32
      %add3A_77 = arith.addi %mul3A_75, %add3A_76 : i32
      %lt3A = arith.constant 125 : i32
      %lt3A_78 = arith.cmpi slt, %add3A_77, %lt3A : i32
      %convert_element_type3A_79 = arith.extui %lt3A_78 : i1 to i32
      %cond3A_80 = arith.constant 0 : i32
      %cond3A_81 = arith.cmpi ne, %convert_element_type3A_79, %cond3A_80 : i32
      scf.if %cond3A_81 {
        %dma_wait3A_103 = arith.constant 0 : i32
        %dma_wait3A_104 = arith.constant 0 : i32
        %dma_wait3A_105 = tpu.memref_slice %arg2[%dma_wait3A_103, %dma_wait3A_104] : memref<10000x128xf32, #tpu.memory_space<hbm>> -> memref<10000x128xf32, #tpu.memory_space<hbm>>
        tpu.wait_indirect_dma semaphore(%arg20 : memref<!tpu.dma_semaphore, #tpu.memory_space<semaphore_mem>>) src(%dma_wait3A_105 : memref<10000x128xf32, #tpu.memory_space<hbm>>) dst(%arg15 : memref<80x128xf32, #tpu.memory_space<vmem>>)
        "tpu.region"() ({
          %run_scoped3A = tpu.sem_alloc : memref<!tpu.dma_semaphore, #tpu.memory_space<semaphore_mem>>
          %dma_start3A_121 = arith.constant 0 : i32
          %dma_start3A_122 = arith.constant 0 : i32
          %dma_start3A_123 = tpu.memref_slice %arg19[%dma_start3A_121, %dma_start3A_122] : memref<10000x128xf32, #tpu.memory_space<vmem_shared>> -> memref<10000x128xf32, #tpu.memory_space<vmem_shared>>
          tpu.enqueue_indirect_dma source(%arg15 : memref<80x128xf32, #tpu.memory_space<vmem>>) target(%dma_start3A_123 : memref<10000x128xf32, #tpu.memory_space<vmem_shared>>) offsets(%arg11 : memref<80xi32, #tpu.memory_space<vmem>>) semaphore(%run_scoped3A : memref<!tpu.dma_semaphore, #tpu.memory_space<semaphore_mem>>) {add = true}
          %dma_wait3A_124 = arith.constant 0 : i32
          %dma_wait3A_125 = arith.constant 0 : i32
          %dma_wait3A_126 = tpu.memref_slice %arg19[%dma_wait3A_124, %dma_wait3A_125] : memref<10000x128xf32, #tpu.memory_space<vmem_shared>> -> memref<10000x128xf32, #tpu.memory_space<vmem_shared>>
          tpu.wait_indirect_dma semaphore(%run_scoped3A : memref<!tpu.dma_semaphore, #tpu.memory_space<semaphore_mem>>) src(%arg15 : memref<80x128xf32, #tpu.memory_space<vmem>>) dst(%dma_wait3A_126 : memref<10000x128xf32, #tpu.memory_space<vmem_shared>>)
          tpu.yield
        }) : () -> ()
        %add3A_106 = arith.constant 4 : i32
        %add3A_107 = arith.addi %add3A_77, %add3A_106 : i32
        %lt3A_108 = arith.constant 125 : i32
        %lt3A_109 = arith.cmpi slt, %add3A_107, %lt3A_108 : i32
        %convert_element_type3A_110 = arith.extui %lt3A_109 : i1 to i32
        %cond3A_111 = arith.constant 0 : i32
        %cond3A_112 = arith.cmpi ne, %convert_element_type3A_110, %cond3A_111 : i32
        scf.if %cond3A_112 {
          %mul3A_121 = arith.constant 80 : i32
          %mul3A_122 = arith.muli %add3A_107, %mul3A_121 : i32
          %add3A_123 = arith.addi %mul3A_8, %mul3A_122 : i32
          %dma_start3A_124 = tpu.memref_slice %arg3[%add3A_123] : memref<320000xi32, #tpu.memory_space<hbm>> -> memref<80xi32, #tpu.memory_space<hbm>>
          %dma_start3A_125 = tpu.memref_slice %arg3[%add3A_123] : memref<320000xi32, #tpu.memory_space<hbm>> -> memref<80xi32, #tpu.memory_space<hbm>>
          tpu.enqueue_dma source(%dma_start3A_125 : memref<80xi32, #tpu.memory_space<hbm>>) target(%arg7 : memref<80xi32, #tpu.memory_space<vmem>>) target_semaphore(%arg24 : memref<!tpu.dma_semaphore, #tpu.memory_space<semaphore_mem>>)
          %dma_start3A_126 = tpu.memref_slice %arg4[%add3A_123] : memref<320000xi32, #tpu.memory_space<hbm>> -> memref<80xi32, #tpu.memory_space<hbm>>
          %dma_start3A_127 = tpu.memref_slice %arg4[%add3A_123] : memref<320000xi32, #tpu.memory_space<hbm>> -> memref<80xi32, #tpu.memory_space<hbm>>
          tpu.enqueue_dma source(%dma_start3A_127 : memref<80xi32, #tpu.memory_space<hbm>>) target(%arg11 : memref<80xi32, #tpu.memory_space<vmem>>) target_semaphore(%arg24 : memref<!tpu.dma_semaphore, #tpu.memory_space<semaphore_mem>>)
        } else {
        }
        %add3A_113 = arith.constant 4 : i32
        %add3A_114 = arith.addi %add3A_77, %add3A_113 : i32
        %sub3A = arith.constant 1 : i32
        %sub3A_115 = arith.subi %add3A_114, %sub3A : i32
        %lt3A_116 = arith.constant 125 : i32
        %lt3A_117 = arith.cmpi slt, %sub3A_115, %lt3A_116 : i32
        %convert_element_type3A_118 = arith.extui %lt3A_117 : i1 to i32
        %cond3A_119 = arith.constant 0 : i32
        %cond3A_120 = arith.cmpi ne, %convert_element_type3A_118, %cond3A_119 : i32
        scf.if %cond3A_120 {
          %mul3A_121 = arith.constant 80 : i32
          %mul3A_122 = arith.muli %sub3A_115, %mul3A_121 : i32
          %add3A_123 = arith.addi %mul3A_8, %mul3A_122 : i32
          %dma_wait3A_124 = tpu.memref_slice %arg3[%add3A_123] : memref<320000xi32, #tpu.memory_space<hbm>> -> memref<80xi32, #tpu.memory_space<hbm>>
          %dma_wait3A_125 = tpu.memref_slice %arg3[%add3A_123] : memref<320000xi32, #tpu.memory_space<hbm>> -> memref<80xi32, #tpu.memory_space<hbm>>
          tpu.wait_dma2 semaphore(%arg27 : memref<!tpu.dma_semaphore, #tpu.memory_space<semaphore_mem>>) src(%dma_wait3A_125 : memref<80xi32, #tpu.memory_space<hbm>>) dst(%arg10 : memref<80xi32, #tpu.memory_space<vmem>>)
          %dma_wait3A_126 = tpu.memref_slice %arg4[%add3A_123] : memref<320000xi32, #tpu.memory_space<hbm>> -> memref<80xi32, #tpu.memory_space<hbm>>
          %dma_wait3A_127 = tpu.memref_slice %arg4[%add3A_123] : memref<320000xi32, #tpu.memory_space<hbm>> -> memref<80xi32, #tpu.memory_space<hbm>>
          tpu.wait_dma2 semaphore(%arg27 : memref<!tpu.dma_semaphore, #tpu.memory_space<semaphore_mem>>) src(%dma_wait3A_127 : memref<80xi32, #tpu.memory_space<hbm>>) dst(%arg14 : memref<80xi32, #tpu.memory_space<vmem>>)
          %dma_start3A_128 = arith.constant 0 : i32
          %dma_start3A_129 = arith.constant 0 : i32
          %dma_start3A_130 = tpu.memref_slice %arg2[%dma_start3A_128, %dma_start3A_129] : memref<10000x128xf32, #tpu.memory_space<hbm>> -> memref<10000x128xf32, #tpu.memory_space<hbm>>
          tpu.enqueue_indirect_dma source(%dma_start3A_130 : memref<10000x128xf32, #tpu.memory_space<hbm>>) target(%arg18 : memref<80x128xf32, #tpu.memory_space<vmem>>) offsets(%arg10 : memref<80xi32, #tpu.memory_space<vmem>>) semaphore(%arg23 : memref<!tpu.dma_semaphore, #tpu.memory_space<semaphore_mem>>)
        } else {
        }
      } else {
      }
      %add3A_82 = arith.constant 1 : i32
      %add3A_83 = arith.addi %mul3A_75, %add3A_82 : i32
      %lt3A_84 = arith.constant 125 : i32
      %lt3A_85 = arith.cmpi slt, %add3A_83, %lt3A_84 : i32
      %convert_element_type3A_86 = arith.extui %lt3A_85 : i1 to i32
      %cond3A_87 = arith.constant 0 : i32
      %cond3A_88 = arith.cmpi ne, %convert_element_type3A_86, %cond3A_87 : i32
      scf.if %cond3A_88 {
        %dma_wait3A_103 = arith.constant 0 : i32
        %dma_wait3A_104 = arith.constant 0 : i32
        %dma_wait3A_105 = tpu.memref_slice %arg2[%dma_wait3A_103, %dma_wait3A_104] : memref<10000x128xf32, #tpu.memory_space<hbm>> -> memref<10000x128xf32, #tpu.memory_space<hbm>>
        tpu.wait_indirect_dma semaphore(%arg21 : memref<!tpu.dma_semaphore, #tpu.memory_space<semaphore_mem>>) src(%dma_wait3A_105 : memref<10000x128xf32, #tpu.memory_space<hbm>>) dst(%arg16 : memref<80x128xf32, #tpu.memory_space<vmem>>)
        "tpu.region"() ({
          %run_scoped3A = tpu.sem_alloc : memref<!tpu.dma_semaphore, #tpu.memory_space<semaphore_mem>>
          %dma_start3A_121 = arith.constant 0 : i32
          %dma_start3A_122 = arith.constant 0 : i32
          %dma_start3A_123 = tpu.memref_slice %arg19[%dma_start3A_121, %dma_start3A_122] : memref<10000x128xf32, #tpu.memory_space<vmem_shared>> -> memref<10000x128xf32, #tpu.memory_space<vmem_shared>>
          tpu.enqueue_indirect_dma source(%arg16 : memref<80x128xf32, #tpu.memory_space<vmem>>) target(%dma_start3A_123 : memref<10000x128xf32, #tpu.memory_space<vmem_shared>>) offsets(%arg12 : memref<80xi32, #tpu.memory_space<vmem>>) semaphore(%run_scoped3A : memref<!tpu.dma_semaphore, #tpu.memory_space<semaphore_mem>>) {add = true}
          %dma_wait3A_124 = arith.constant 0 : i32
          %dma_wait3A_125 = arith.constant 0 : i32
          %dma_wait3A_126 = tpu.memref_slice %arg19[%dma_wait3A_124, %dma_wait3A_125] : memref<10000x128xf32, #tpu.memory_space<vmem_shared>> -> memref<10000x128xf32, #tpu.memory_space<vmem_shared>>
          tpu.wait_indirect_dma semaphore(%run_scoped3A : memref<!tpu.dma_semaphore, #tpu.memory_space<semaphore_mem>>) src(%arg16 : memref<80x128xf32, #tpu.memory_space<vmem>>) dst(%dma_wait3A_126 : memref<10000x128xf32, #tpu.memory_space<vmem_shared>>)
          tpu.yield
        }) : () -> ()
        %add3A_106 = arith.constant 4 : i32
        %add3A_107 = arith.addi %add3A_83, %add3A_106 : i32
        %lt3A_108 = arith.constant 125 : i32
        %lt3A_109 = arith.cmpi slt, %add3A_107, %lt3A_108 : i32
        %convert_element_type3A_110 = arith.extui %lt3A_109 : i1 to i32
        %cond3A_111 = arith.constant 0 : i32
        %cond3A_112 = arith.cmpi ne, %convert_element_type3A_110, %cond3A_111 : i32
        scf.if %cond3A_112 {
          %mul3A_121 = arith.constant 80 : i32
          %mul3A_122 = arith.muli %add3A_107, %mul3A_121 : i32
          %add3A_123 = arith.addi %mul3A_8, %mul3A_122 : i32
          %dma_start3A_124 = tpu.memref_slice %arg3[%add3A_123] : memref<320000xi32, #tpu.memory_space<hbm>> -> memref<80xi32, #tpu.memory_space<hbm>>
          %dma_start3A_125 = tpu.memref_slice %arg3[%add3A_123] : memref<320000xi32, #tpu.memory_space<hbm>> -> memref<80xi32, #tpu.memory_space<hbm>>
          tpu.enqueue_dma source(%dma_start3A_125 : memref<80xi32, #tpu.memory_space<hbm>>) target(%arg8 : memref<80xi32, #tpu.memory_space<vmem>>) target_semaphore(%arg25 : memref<!tpu.dma_semaphore, #tpu.memory_space<semaphore_mem>>)
          %dma_start3A_126 = tpu.memref_slice %arg4[%add3A_123] : memref<320000xi32, #tpu.memory_space<hbm>> -> memref<80xi32, #tpu.memory_space<hbm>>
          %dma_start3A_127 = tpu.memref_slice %arg4[%add3A_123] : memref<320000xi32, #tpu.memory_space<hbm>> -> memref<80xi32, #tpu.memory_space<hbm>>
          tpu.enqueue_dma source(%dma_start3A_127 : memref<80xi32, #tpu.memory_space<hbm>>) target(%arg12 : memref<80xi32, #tpu.memory_space<vmem>>) target_semaphore(%arg25 : memref<!tpu.dma_semaphore, #tpu.memory_space<semaphore_mem>>)
        } else {
        }
        %add3A_113 = arith.constant 4 : i32
        %add3A_114 = arith.addi %add3A_83, %add3A_113 : i32
        %sub3A = arith.constant 1 : i32
        %sub3A_115 = arith.subi %add3A_114, %sub3A : i32
        %lt3A_116 = arith.constant 125 : i32
        %lt3A_117 = arith.cmpi slt, %sub3A_115, %lt3A_116 : i32
        %convert_element_type3A_118 = arith.extui %lt3A_117 : i1 to i32
        %cond3A_119 = arith.constant 0 : i32
        %cond3A_120 = arith.cmpi ne, %convert_element_type3A_118, %cond3A_119 : i32
        scf.if %cond3A_120 {
          %mul3A_121 = arith.constant 80 : i32
          %mul3A_122 = arith.muli %sub3A_115, %mul3A_121 : i32
          %add3A_123 = arith.addi %mul3A_8, %mul3A_122 : i32
          %dma_wait3A_124 = tpu.memref_slice %arg3[%add3A_123] : memref<320000xi32, #tpu.memory_space<hbm>> -> memref<80xi32, #tpu.memory_space<hbm>>
          %dma_wait3A_125 = tpu.memref_slice %arg3[%add3A_123] : memref<320000xi32, #tpu.memory_space<hbm>> -> memref<80xi32, #tpu.memory_space<hbm>>
          tpu.wait_dma2 semaphore(%arg24 : memref<!tpu.dma_semaphore, #tpu.memory_space<semaphore_mem>>) src(%dma_wait3A_125 : memref<80xi32, #tpu.memory_space<hbm>>) dst(%arg7 : memref<80xi32, #tpu.memory_space<vmem>>)
          %dma_wait3A_126 = tpu.memref_slice %arg4[%add3A_123] : memref<320000xi32, #tpu.memory_space<hbm>> -> memref<80xi32, #tpu.memory_space<hbm>>
          %dma_wait3A_127 = tpu.memref_slice %arg4[%add3A_123] : memref<320000xi32, #tpu.memory_space<hbm>> -> memref<80xi32, #tpu.memory_space<hbm>>
          tpu.wait_dma2 semaphore(%arg24 : memref<!tpu.dma_semaphore, #tpu.memory_space<semaphore_mem>>) src(%dma_wait3A_127 : memref<80xi32, #tpu.memory_space<hbm>>) dst(%arg11 : memref<80xi32, #tpu.memory_space<vmem>>)
          %dma_start3A_128 = arith.constant 0 : i32
          %dma_start3A_129 = arith.constant 0 : i32
          %dma_start3A_130 = tpu.memref_slice %arg2[%dma_start3A_128, %dma_start3A_129] : memref<10000x128xf32, #tpu.memory_space<hbm>> -> memref<10000x128xf32, #tpu.memory_space<hbm>>
          tpu.enqueue_indirect_dma source(%dma_start3A_130 : memref<10000x128xf32, #tpu.memory_space<hbm>>) target(%arg15 : memref<80x128xf32, #tpu.memory_space<vmem>>) offsets(%arg7 : memref<80xi32, #tpu.memory_space<vmem>>) semaphore(%arg20 : memref<!tpu.dma_semaphore, #tpu.memory_space<semaphore_mem>>)
        } else {
        }
      } else {
      }
      %add3A_89 = arith.constant 2 : i32
      %add3A_90 = arith.addi %mul3A_75, %add3A_89 : i32
      %lt3A_91 = arith.constant 125 : i32
      %lt3A_92 = arith.cmpi slt, %add3A_90, %lt3A_91 : i32
      %convert_element_type3A_93 = arith.extui %lt3A_92 : i1 to i32
      %cond3A_94 = arith.constant 0 : i32
      %cond3A_95 = arith.cmpi ne, %convert_element_type3A_93, %cond3A_94 : i32
      scf.if %cond3A_95 {
        %dma_wait3A_103 = arith.constant 0 : i32
        %dma_wait3A_104 = arith.constant 0 : i32
        %dma_wait3A_105 = tpu.memref_slice %arg2[%dma_wait3A_103, %dma_wait3A_104] : memref<10000x128xf32, #tpu.memory_space<hbm>> -> memref<10000x128xf32, #tpu.memory_space<hbm>>
        tpu.wait_indirect_dma semaphore(%arg22 : memref<!tpu.dma_semaphore, #tpu.memory_space<semaphore_mem>>) src(%dma_wait3A_105 : memref<10000x128xf32, #tpu.memory_space<hbm>>) dst(%arg17 : memref<80x128xf32, #tpu.memory_space<vmem>>)
        "tpu.region"() ({
          %run_scoped3A = tpu.sem_alloc : memref<!tpu.dma_semaphore, #tpu.memory_space<semaphore_mem>>
          %dma_start3A_121 = arith.constant 0 : i32
          %dma_start3A_122 = arith.constant 0 : i32
          %dma_start3A_123 = tpu.memref_slice %arg19[%dma_start3A_121, %dma_start3A_122] : memref<10000x128xf32, #tpu.memory_space<vmem_shared>> -> memref<10000x128xf32, #tpu.memory_space<vmem_shared>>
          tpu.enqueue_indirect_dma source(%arg17 : memref<80x128xf32, #tpu.memory_space<vmem>>) target(%dma_start3A_123 : memref<10000x128xf32, #tpu.memory_space<vmem_shared>>) offsets(%arg13 : memref<80xi32, #tpu.memory_space<vmem>>) semaphore(%run_scoped3A : memref<!tpu.dma_semaphore, #tpu.memory_space<semaphore_mem>>) {add = true}
          %dma_wait3A_124 = arith.constant 0 : i32
          %dma_wait3A_125 = arith.constant 0 : i32
          %dma_wait3A_126 = tpu.memref_slice %arg19[%dma_wait3A_124, %dma_wait3A_125] : memref<10000x128xf32, #tpu.memory_space<vmem_shared>> -> memref<10000x128xf32, #tpu.memory_space<vmem_shared>>
          tpu.wait_indirect_dma semaphore(%run_scoped3A : memref<!tpu.dma_semaphore, #tpu.memory_space<semaphore_mem>>) src(%arg17 : memref<80x128xf32, #tpu.memory_space<vmem>>) dst(%dma_wait3A_126 : memref<10000x128xf32, #tpu.memory_space<vmem_shared>>)
          tpu.yield
        }) : () -> ()
        %add3A_106 = arith.constant 4 : i32
        %add3A_107 = arith.addi %add3A_90, %add3A_106 : i32
        %lt3A_108 = arith.constant 125 : i32
        %lt3A_109 = arith.cmpi slt, %add3A_107, %lt3A_108 : i32
        %convert_element_type3A_110 = arith.extui %lt3A_109 : i1 to i32
        %cond3A_111 = arith.constant 0 : i32
        %cond3A_112 = arith.cmpi ne, %convert_element_type3A_110, %cond3A_111 : i32
        scf.if %cond3A_112 {
          %mul3A_121 = arith.constant 80 : i32
          %mul3A_122 = arith.muli %add3A_107, %mul3A_121 : i32
          %add3A_123 = arith.addi %mul3A_8, %mul3A_122 : i32
          %dma_start3A_124 = tpu.memref_slice %arg3[%add3A_123] : memref<320000xi32, #tpu.memory_space<hbm>> -> memref<80xi32, #tpu.memory_space<hbm>>
          %dma_start3A_125 = tpu.memref_slice %arg3[%add3A_123] : memref<320000xi32, #tpu.memory_space<hbm>> -> memref<80xi32, #tpu.memory_space<hbm>>
          tpu.enqueue_dma source(%dma_start3A_125 : memref<80xi32, #tpu.memory_space<hbm>>) target(%arg9 : memref<80xi32, #tpu.memory_space<vmem>>) target_semaphore(%arg26 : memref<!tpu.dma_semaphore, #tpu.memory_space<semaphore_mem>>)
          %dma_start3A_126 = tpu.memref_slice %arg4[%add3A_123] : memref<320000xi32, #tpu.memory_space<hbm>> -> memref<80xi32, #tpu.memory_space<hbm>>
          %dma_start3A_127 = tpu.memref_slice %arg4[%add3A_123] : memref<320000xi32, #tpu.memory_space<hbm>> -> memref<80xi32, #tpu.memory_space<hbm>>
          tpu.enqueue_dma source(%dma_start3A_127 : memref<80xi32, #tpu.memory_space<hbm>>) target(%arg13 : memref<80xi32, #tpu.memory_space<vmem>>) target_semaphore(%arg26 : memref<!tpu.dma_semaphore, #tpu.memory_space<semaphore_mem>>)
        } else {
        }
        %add3A_113 = arith.constant 4 : i32
        %add3A_114 = arith.addi %add3A_90, %add3A_113 : i32
        %sub3A = arith.constant 1 : i32
        %sub3A_115 = arith.subi %add3A_114, %sub3A : i32
        %lt3A_116 = arith.constant 125 : i32
        %lt3A_117 = arith.cmpi slt, %sub3A_115, %lt3A_116 : i32
        %convert_element_type3A_118 = arith.extui %lt3A_117 : i1 to i32
        %cond3A_119 = arith.constant 0 : i32
        %cond3A_120 = arith.cmpi ne, %convert_element_type3A_118, %cond3A_119 : i32
        scf.if %cond3A_120 {
          %mul3A_121 = arith.constant 80 : i32
          %mul3A_122 = arith.muli %sub3A_115, %mul3A_121 : i32
          %add3A_123 = arith.addi %mul3A_8, %mul3A_122 : i32
          %dma_wait3A_124 = tpu.memref_slice %arg3[%add3A_123] : memref<320000xi32, #tpu.memory_space<hbm>> -> memref<80xi32, #tpu.memory_space<hbm>>
          %dma_wait3A_125 = tpu.memref_slice %arg3[%add3A_123] : memref<320000xi32, #tpu.memory_space<hbm>> -> memref<80xi32, #tpu.memory_space<hbm>>
          tpu.wait_dma2 semaphore(%arg25 : memref<!tpu.dma_semaphore, #tpu.memory_space<semaphore_mem>>) src(%dma_wait3A_125 : memref<80xi32, #tpu.memory_space<hbm>>) dst(%arg8 : memref<80xi32, #tpu.memory_space<vmem>>)
          %dma_wait3A_126 = tpu.memref_slice %arg4[%add3A_123] : memref<320000xi32, #tpu.memory_space<hbm>> -> memref<80xi32, #tpu.memory_space<hbm>>
          %dma_wait3A_127 = tpu.memref_slice %arg4[%add3A_123] : memref<320000xi32, #tpu.memory_space<hbm>> -> memref<80xi32, #tpu.memory_space<hbm>>
          tpu.wait_dma2 semaphore(%arg25 : memref<!tpu.dma_semaphore, #tpu.memory_space<semaphore_mem>>) src(%dma_wait3A_127 : memref<80xi32, #tpu.memory_space<hbm>>) dst(%arg12 : memref<80xi32, #tpu.memory_space<vmem>>)
          %dma_start3A_128 = arith.constant 0 : i32
          %dma_start3A_129 = arith.constant 0 : i32
          %dma_start3A_130 = tpu.memref_slice %arg2[%dma_start3A_128, %dma_start3A_129] : memref<10000x128xf32, #tpu.memory_space<hbm>> -> memref<10000x128xf32, #tpu.memory_space<hbm>>
          tpu.enqueue_indirect_dma source(%dma_start3A_130 : memref<10000x128xf32, #tpu.memory_space<hbm>>) target(%arg16 : memref<80x128xf32, #tpu.memory_space<vmem>>) offsets(%arg8 : memref<80xi32, #tpu.memory_space<vmem>>) semaphore(%arg21 : memref<!tpu.dma_semaphore, #tpu.memory_space<semaphore_mem>>)
        } else {
        }
      } else {
      }
      %add3A_96 = arith.constant 3 : i32
      %add3A_97 = arith.addi %mul3A_75, %add3A_96 : i32
      %lt3A_98 = arith.constant 125 : i32
      %lt3A_99 = arith.cmpi slt, %add3A_97, %lt3A_98 : i32
      %convert_element_type3A_100 = arith.extui %lt3A_99 : i1 to i32
      %cond3A_101 = arith.constant 0 : i32
      %cond3A_102 = arith.cmpi ne, %convert_element_type3A_100, %cond3A_101 : i32
      scf.if %cond3A_102 {
        %dma_wait3A_103 = arith.constant 0 : i32
        %dma_wait3A_104 = arith.constant 0 : i32
        %dma_wait3A_105 = tpu.memref_slice %arg2[%dma_wait3A_103, %dma_wait3A_104] : memref<10000x128xf32, #tpu.memory_space<hbm>> -> memref<10000x128xf32, #tpu.memory_space<hbm>>
        tpu.wait_indirect_dma semaphore(%arg23 : memref<!tpu.dma_semaphore, #tpu.memory_space<semaphore_mem>>) src(%dma_wait3A_105 : memref<10000x128xf32, #tpu.memory_space<hbm>>) dst(%arg18 : memref<80x128xf32, #tpu.memory_space<vmem>>)
        "tpu.region"() ({
          %run_scoped3A = tpu.sem_alloc : memref<!tpu.dma_semaphore, #tpu.memory_space<semaphore_mem>>
          %dma_start3A_121 = arith.constant 0 : i32
          %dma_start3A_122 = arith.constant 0 : i32
          %dma_start3A_123 = tpu.memref_slice %arg19[%dma_start3A_121, %dma_start3A_122] : memref<10000x128xf32, #tpu.memory_space<vmem_shared>> -> memref<10000x128xf32, #tpu.memory_space<vmem_shared>>
          tpu.enqueue_indirect_dma source(%arg18 : memref<80x128xf32, #tpu.memory_space<vmem>>) target(%dma_start3A_123 : memref<10000x128xf32, #tpu.memory_space<vmem_shared>>) offsets(%arg14 : memref<80xi32, #tpu.memory_space<vmem>>) semaphore(%run_scoped3A : memref<!tpu.dma_semaphore, #tpu.memory_space<semaphore_mem>>) {add = true}
          %dma_wait3A_124 = arith.constant 0 : i32
          %dma_wait3A_125 = arith.constant 0 : i32
          %dma_wait3A_126 = tpu.memref_slice %arg19[%dma_wait3A_124, %dma_wait3A_125] : memref<10000x128xf32, #tpu.memory_space<vmem_shared>> -> memref<10000x128xf32, #tpu.memory_space<vmem_shared>>
          tpu.wait_indirect_dma semaphore(%run_scoped3A : memref<!tpu.dma_semaphore, #tpu.memory_space<semaphore_mem>>) src(%arg18 : memref<80x128xf32, #tpu.memory_space<vmem>>) dst(%dma_wait3A_126 : memref<10000x128xf32, #tpu.memory_space<vmem_shared>>)
          tpu.yield
        }) : () -> ()
        %add3A_106 = arith.constant 4 : i32
        %add3A_107 = arith.addi %add3A_97, %add3A_106 : i32
        %lt3A_108 = arith.constant 125 : i32
        %lt3A_109 = arith.cmpi slt, %add3A_107, %lt3A_108 : i32
        %convert_element_type3A_110 = arith.extui %lt3A_109 : i1 to i32
        %cond3A_111 = arith.constant 0 : i32
        %cond3A_112 = arith.cmpi ne, %convert_element_type3A_110, %cond3A_111 : i32
        scf.if %cond3A_112 {
          %mul3A_121 = arith.constant 80 : i32
          %mul3A_122 = arith.muli %add3A_107, %mul3A_121 : i32
          %add3A_123 = arith.addi %mul3A_8, %mul3A_122 : i32
          %dma_start3A_124 = tpu.memref_slice %arg3[%add3A_123] : memref<320000xi32, #tpu.memory_space<hbm>> -> memref<80xi32, #tpu.memory_space<hbm>>
          %dma_start3A_125 = tpu.memref_slice %arg3[%add3A_123] : memref<320000xi32, #tpu.memory_space<hbm>> -> memref<80xi32, #tpu.memory_space<hbm>>
          tpu.enqueue_dma source(%dma_start3A_125 : memref<80xi32, #tpu.memory_space<hbm>>) target(%arg10 : memref<80xi32, #tpu.memory_space<vmem>>) target_semaphore(%arg27 : memref<!tpu.dma_semaphore, #tpu.memory_space<semaphore_mem>>)
          %dma_start3A_126 = tpu.memref_slice %arg4[%add3A_123] : memref<320000xi32, #tpu.memory_space<hbm>> -> memref<80xi32, #tpu.memory_space<hbm>>
          %dma_start3A_127 = tpu.memref_slice %arg4[%add3A_123] : memref<320000xi32, #tpu.memory_space<hbm>> -> memref<80xi32, #tpu.memory_space<hbm>>
          tpu.enqueue_dma source(%dma_start3A_127 : memref<80xi32, #tpu.memory_space<hbm>>) target(%arg14 : memref<80xi32, #tpu.memory_space<vmem>>) target_semaphore(%arg27 : memref<!tpu.dma_semaphore, #tpu.memory_space<semaphore_mem>>)
        } else {
        }
        %add3A_113 = arith.constant 4 : i32
        %add3A_114 = arith.addi %add3A_97, %add3A_113 : i32
        %sub3A = arith.constant 1 : i32
        %sub3A_115 = arith.subi %add3A_114, %sub3A : i32
        %lt3A_116 = arith.constant 125 : i32
        %lt3A_117 = arith.cmpi slt, %sub3A_115, %lt3A_116 : i32
        %convert_element_type3A_118 = arith.extui %lt3A_117 : i1 to i32
        %cond3A_119 = arith.constant 0 : i32
        %cond3A_120 = arith.cmpi ne, %convert_element_type3A_118, %cond3A_119 : i32
        scf.if %cond3A_120 {
          %mul3A_121 = arith.constant 80 : i32
          %mul3A_122 = arith.muli %sub3A_115, %mul3A_121 : i32
          %add3A_123 = arith.addi %mul3A_8, %mul3A_122 : i32
          %dma_wait3A_124 = tpu.memref_slice %arg3[%add3A_123] : memref<320000xi32, #tpu.memory_space<hbm>> -> memref<80xi32, #tpu.memory_space<hbm>>
          %dma_wait3A_125 = tpu.memref_slice %arg3[%add3A_123] : memref<320000xi32, #tpu.memory_space<hbm>> -> memref<80xi32, #tpu.memory_space<hbm>>
          tpu.wait_dma2 semaphore(%arg26 : memref<!tpu.dma_semaphore, #tpu.memory_space<semaphore_mem>>) src(%dma_wait3A_125 : memref<80xi32, #tpu.memory_space<hbm>>) dst(%arg9 : memref<80xi32, #tpu.memory_space<vmem>>)
          %dma_wait3A_126 = tpu.memref_slice %arg4[%add3A_123] : memref<320000xi32, #tpu.memory_space<hbm>> -> memref<80xi32, #tpu.memory_space<hbm>>
          %dma_wait3A_127 = tpu.memref_slice %arg4[%add3A_123] : memref<320000xi32, #tpu.memory_space<hbm>> -> memref<80xi32, #tpu.memory_space<hbm>>
          tpu.wait_dma2 semaphore(%arg26 : memref<!tpu.dma_semaphore, #tpu.memory_space<semaphore_mem>>) src(%dma_wait3A_127 : memref<80xi32, #tpu.memory_space<hbm>>) dst(%arg13 : memref<80xi32, #tpu.memory_space<vmem>>)
          %dma_start3A_128 = arith.constant 0 : i32
          %dma_start3A_129 = arith.constant 0 : i32
          %dma_start3A_130 = tpu.memref_slice %arg2[%dma_start3A_128, %dma_start3A_129] : memref<10000x128xf32, #tpu.memory_space<hbm>> -> memref<10000x128xf32, #tpu.memory_space<hbm>>
          tpu.enqueue_indirect_dma source(%dma_start3A_130 : memref<10000x128xf32, #tpu.memory_space<hbm>>) target(%arg17 : memref<80x128xf32, #tpu.memory_space<vmem>>) offsets(%arg9 : memref<80xi32, #tpu.memory_space<vmem>>) semaphore(%arg22 : memref<!tpu.dma_semaphore, #tpu.memory_space<semaphore_mem>>)
        } else {
        }
      } else {
      }
    }
    %scan3A_62 = arith.constant 32 : i32
    %barrier3A_63 = arith.constant 0 : index
    tpu.barrier barrier_id(%barrier3A_63)
    %mul3A_64 = arith.constant 624 : i32
    %mul3A_65 = arith.muli %arg1, %mul3A_64 : i32
    %mul3A_66 = arith.constant 624 : i32
    %mul3A_67 = arith.muli %arg1, %mul3A_66 : i32
    "tpu.region"() ({
      %run_scoped3A = tpu.sem_alloc : memref<!tpu.dma_semaphore, #tpu.memory_space<semaphore_mem>>
      %dma_start3A_73 = arith.constant 0 : i32
      %dma_start3A_74 = tpu.memref_slice %arg6[%arg0, %mul3A_67, %dma_start3A_73] : memref<2x10000x128xf32, #tpu.memory_space<hbm>> -> memref<1x624x128xf32, #tpu.memory_space<hbm>>
      %dma_start3A_75 = tpu.memref_squeeze %dma_start3A_74 : memref<1x624x128xf32, #tpu.memory_space<hbm>> -> memref<624x128xf32, #tpu.memory_space<hbm>>
      %dma_start3A_76 = arith.constant 0 : i32
      %dma_start3A_77 = tpu.memref_slice %arg19[%mul3A_65, %dma_start3A_76] : memref<10000x128xf32, #tpu.memory_space<vmem_shared>> -> memref<624x128xf32, #tpu.memory_space<vmem_shared>>
      tpu.enqueue_dma source(%dma_start3A_77 : memref<624x128xf32, #tpu.memory_space<vmem_shared>>) target(%dma_start3A_75 : memref<624x128xf32, #tpu.memory_space<hbm>>) target_semaphore(%run_scoped3A : memref<!tpu.dma_semaphore, #tpu.memory_space<semaphore_mem>>)
      %dma_wait3A_78 = arith.constant 0 : i32
      %dma_wait3A_79 = tpu.memref_slice %arg6[%arg0, %mul3A_67, %dma_wait3A_78] : memref<2x10000x128xf32, #tpu.memory_space<hbm>> -> memref<1x624x128xf32, #tpu.memory_space<hbm>>
      %dma_wait3A_80 = tpu.memref_squeeze %dma_wait3A_79 : memref<1x624x128xf32, #tpu.memory_space<hbm>> -> memref<624x128xf32, #tpu.memory_space<hbm>>
      %dma_wait3A_81 = arith.constant 0 : i32
      %dma_wait3A_82 = tpu.memref_slice %arg19[%mul3A_65, %dma_wait3A_81] : memref<10000x128xf32, #tpu.memory_space<vmem_shared>> -> memref<624x128xf32, #tpu.memory_space<vmem_shared>>
      tpu.wait_dma2 semaphore(%run_scoped3A : memref<!tpu.dma_semaphore, #tpu.memory_space<semaphore_mem>>) src(%dma_wait3A_82 : memref<624x128xf32, #tpu.memory_space<vmem_shared>>) dst(%dma_wait3A_80 : memref<624x128xf32, #tpu.memory_space<hbm>>)
      tpu.yield
    }) : () -> ()
    %eq3A_68 = arith.constant 0 : i32
    %eq3A_69 = arith.cmpi eq, %arg1, %eq3A_68 : i32
    %convert_element_type3A_70 = arith.extui %eq3A_69 : i1 to i32
    %cond3A_71 = arith.constant 0 : i32
    %cond3A_72 = arith.cmpi ne, %convert_element_type3A_70, %cond3A_71 : i32
    scf.if %cond3A_72 {
      "tpu.region"() ({
        %run_scoped3A = tpu.sem_alloc : memref<!tpu.dma_semaphore, #tpu.memory_space<semaphore_mem>>
        %dma_start3A_73 = arith.constant 9984 : i32
        %dma_start3A_74 = arith.constant 0 : i32
        %dma_start3A_75 = tpu.memref_slice %arg6[%arg0, %dma_start3A_73, %dma_start3A_74] : memref<2x10000x128xf32, #tpu.memory_space<hbm>> -> memref<1x16x128xf32, #tpu.memory_space<hbm>>
        %dma_start3A_76 = tpu.memref_squeeze %dma_start3A_75 : memref<1x16x128xf32, #tpu.memory_space<hbm>> -> memref<16x128xf32, #tpu.memory_space<hbm>>
        %dma_start3A_77 = arith.constant 9984 : i32
        %dma_start3A_78 = arith.constant 0 : i32
        %dma_start3A_79 = tpu.memref_slice %arg19[%dma_start3A_77, %dma_start3A_78] : memref<10000x128xf32, #tpu.memory_space<vmem_shared>> -> memref<16x128xf32, #tpu.memory_space<vmem_shared>>
        tpu.enqueue_dma source(%dma_start3A_79 : memref<16x128xf32, #tpu.memory_space<vmem_shared>>) target(%dma_start3A_76 : memref<16x128xf32, #tpu.memory_space<hbm>>) target_semaphore(%run_scoped3A : memref<!tpu.dma_semaphore, #tpu.memory_space<semaphore_mem>>)
        %dma_wait3A_80 = arith.constant 9984 : i32
        %dma_wait3A_81 = arith.constant 0 : i32
        %dma_wait3A_82 = tpu.memref_slice %arg6[%arg0, %dma_wait3A_80, %dma_wait3A_81] : memref<2x10000x128xf32, #tpu.memory_space<hbm>> -> memref<1x16x128xf32, #tpu.memory_space<hbm>>
        %dma_wait3A_83 = tpu.memref_squeeze %dma_wait3A_82 : memref<1x16x128xf32, #tpu.memory_space<hbm>> -> memref<16x128xf32, #tpu.memory_space<hbm>>
        %dma_wait3A_84 = arith.constant 9984 : i32
        %dma_wait3A_85 = arith.constant 0 : i32
        %dma_wait3A_86 = tpu.memref_slice %arg19[%dma_wait3A_84, %dma_wait3A_85] : memref<10000x128xf32, #tpu.memory_space<vmem_shared>> -> memref<16x128xf32, #tpu.memory_space<vmem_shared>>
        tpu.wait_dma2 semaphore(%run_scoped3A : memref<!tpu.dma_semaphore, #tpu.memory_space<semaphore_mem>>) src(%dma_wait3A_86 : memref<16x128xf32, #tpu.memory_space<vmem_shared>>) dst(%dma_wait3A_83 : memref<16x128xf32, #tpu.memory_space<hbm>>)
        tpu.yield
      }) : () -> ()
    } else {
    }
    return
  }
}

#map = affine_map<(d0, d1) -> (0, 0)>
#map1 = affine_map<(d0, d1) -> (0)>
#map2 = affine_map<(d0, d1) -> (0, 0, 0)>
module attributes {stable_mosaic.version = 14 : i64} {
  func.func @_sc_agg(%arg0: i32, %arg1: i32, %arg2: memref<10000x128xf32, #tpu.memory_space<hbm>>, %arg3: memref<320000xi32, #tpu.memory_space<hbm>>, %arg4: memref<320000xi32, #tpu.memory_space<hbm>>, %arg5: memref<10000x128xf32, #tpu.memory_space<hbm>>, %arg6: memref<2x10000x128xf32, #tpu.memory_space<hbm>>, %arg7: memref<80xi32, #tpu.memory_space<vmem>>, %arg8: memref<80xi32, #tpu.memory_space<vmem>>, %arg9: memref<80xi32, #tpu.memory_space<vmem>>, %arg10: memref<80xi32, #tpu.memory_space<vmem>>, %arg11: memref<80xi32, #tpu.memory_space<vmem>>, %arg12: memref<80xi32, #tpu.memory_space<vmem>>, %arg13: memref<80xi32, #tpu.memory_space<vmem>>, %arg14: memref<80xi32, #tpu.memory_space<vmem>>, %arg15: memref<80x128xf32, #tpu.memory_space<vmem>>, %arg16: memref<80x128xf32, #tpu.memory_space<vmem>>, %arg17: memref<80x128xf32, #tpu.memory_space<vmem>>, %arg18: memref<80x128xf32, #tpu.memory_space<vmem>>, %arg19: memref<10000x128xf32, #tpu.memory_space<vmem_shared>>, %arg20: memref<!tpu.dma_semaphore, #tpu.memory_space<semaphore_mem>>, %arg21: memref<!tpu.dma_semaphore, #tpu.memory_space<semaphore_mem>>, %arg22: memref<!tpu.dma_semaphore, #tpu.memory_space<semaphore_mem>>, %arg23: memref<!tpu.dma_semaphore, #tpu.memory_space<semaphore_mem>>, %arg24: memref<!tpu.dma_semaphore, #tpu.memory_space<semaphore_mem>>, %arg25: memref<!tpu.dma_semaphore, #tpu.memory_space<semaphore_mem>>, %arg26: memref<!tpu.dma_semaphore, #tpu.memory_space<semaphore_mem>>, %arg27: memref<!tpu.dma_semaphore, #tpu.memory_space<semaphore_mem>>) attributes {dimension_semantics = [#tpu.dimension_semantics<core_parallel>, #tpu.dimension_semantics<subcore_parallel>], iteration_bounds = array<i64: 2, 16>, scalar_prefetch = 0 : i64, scratch_operands = 21 : i64, tpu.core_type = #tpu.core_type<sc_vector_subcore>, window_params = [{transform_indices = #map}, {transform_indices = #map1}, {transform_indices = #map1}, {transform_indices = #map}, {transform_indices = #map2}]} {
    %mul3A = arith.constant 16 : i32
    %mul3A_0 = arith.muli %arg0, %mul3A : i32
    %add3A = arith.addi %mul3A_0, %arg1 : i32
    %mul3A_1 = arith.constant 624 : i32
    %mul3A_2 = arith.muli %arg1, %mul3A_1 : i32
    %mul3A_3 = arith.constant 624 : i32
    %mul3A_4 = arith.muli %arg1, %mul3A_3 : i32
    "tpu.region"() ({
      %run_scoped3A = tpu.sem_alloc : memref<!tpu.dma_semaphore, #tpu.memory_space<semaphore_mem>>
      %dma_start3A_73 = arith.constant 0 : i32
      %dma_start3A_74 = tpu.memref_slice %arg19[%mul3A_4, %dma_start3A_73] : memref<10000x128xf32, #tpu.memory_space<vmem_shared>> -> memref<624x128xf32, #tpu.memory_space<vmem_shared>>
      %dma_start3A_75 = arith.constant 0 : i32
      %dma_start3A_76 = tpu.memref_slice %arg5[%mul3A_2, %dma_start3A_75] : memref<10000x128xf32, #tpu.memory_space<hbm>> -> memref<624x128xf32, #tpu.memory_space<hbm>>
      tpu.enqueue_dma source(%dma_start3A_76 : memref<624x128xf32, #tpu.memory_space<hbm>>) target(%dma_start3A_74 : memref<624x128xf32, #tpu.memory_space<vmem_shared>>) target_semaphore(%run_scoped3A : memref<!tpu.dma_semaphore, #tpu.memory_space<semaphore_mem>>)
      %dma_wait3A_77 = arith.constant 0 : i32
      %dma_wait3A_78 = tpu.memref_slice %arg19[%mul3A_4, %dma_wait3A_77] : memref<10000x128xf32, #tpu.memory_space<vmem_shared>> -> memref<624x128xf32, #tpu.memory_space<vmem_shared>>
      %dma_wait3A_79 = arith.constant 0 : i32
      %dma_wait3A_80 = tpu.memref_slice %arg5[%mul3A_2, %dma_wait3A_79] : memref<10000x128xf32, #tpu.memory_space<hbm>> -> memref<624x128xf32, #tpu.memory_space<hbm>>
      tpu.wait_dma2 semaphore(%run_scoped3A : memref<!tpu.dma_semaphore, #tpu.memory_space<semaphore_mem>>) src(%dma_wait3A_80 : memref<624x128xf32, #tpu.memory_space<hbm>>) dst(%dma_wait3A_78 : memref<624x128xf32, #tpu.memory_space<vmem_shared>>)
      tpu.yield
    }) : () -> ()
    %eq3A = arith.constant 0 : i32
    %eq3A_5 = arith.cmpi eq, %arg1, %eq3A : i32
    %convert_element_type3A = arith.extui %eq3A_5 : i1 to i32
    %cond3A = arith.constant 0 : i32
    %cond3A_6 = arith.cmpi ne, %convert_element_type3A, %cond3A : i32
    scf.if %cond3A_6 {
      "tpu.region"() ({
        %run_scoped3A = tpu.sem_alloc : memref<!tpu.dma_semaphore, #tpu.memory_space<semaphore_mem>>
        %dma_start3A_73 = arith.constant 9984 : i32
        %dma_start3A_74 = arith.constant 0 : i32
        %dma_start3A_75 = tpu.memref_slice %arg19[%dma_start3A_73, %dma_start3A_74] : memref<10000x128xf32, #tpu.memory_space<vmem_shared>> -> memref<16x128xf32, #tpu.memory_space<vmem_shared>>
        %dma_start3A_76 = arith.constant 9984 : i32
        %dma_start3A_77 = arith.constant 0 : i32
        %dma_start3A_78 = tpu.memref_slice %arg5[%dma_start3A_76, %dma_start3A_77] : memref<10000x128xf32, #tpu.memory_space<hbm>> -> memref<16x128xf32, #tpu.memory_space<hbm>>
        tpu.enqueue_dma source(%dma_start3A_78 : memref<16x128xf32, #tpu.memory_space<hbm>>) target(%dma_start3A_75 : memref<16x128xf32, #tpu.memory_space<vmem_shared>>) target_semaphore(%run_scoped3A : memref<!tpu.dma_semaphore, #tpu.memory_space<semaphore_mem>>)
        %dma_wait3A_79 = arith.constant 9984 : i32
        %dma_wait3A_80 = arith.constant 0 : i32
        %dma_wait3A_81 = tpu.memref_slice %arg19[%dma_wait3A_79, %dma_wait3A_80] : memref<10000x128xf32, #tpu.memory_space<vmem_shared>> -> memref<16x128xf32, #tpu.memory_space<vmem_shared>>
        %dma_wait3A_82 = arith.constant 9984 : i32
        %dma_wait3A_83 = arith.constant 0 : i32
        %dma_wait3A_84 = tpu.memref_slice %arg5[%dma_wait3A_82, %dma_wait3A_83] : memref<10000x128xf32, #tpu.memory_space<hbm>> -> memref<16x128xf32, #tpu.memory_space<hbm>>
        tpu.wait_dma2 semaphore(%run_scoped3A : memref<!tpu.dma_semaphore, #tpu.memory_space<semaphore_mem>>) src(%dma_wait3A_84 : memref<16x128xf32, #tpu.memory_space<hbm>>) dst(%dma_wait3A_81 : memref<16x128xf32, #tpu.memory_space<vmem_shared>>)
        tpu.yield
      }) : () -> ()
    } else {
    }
    %barrier3A = arith.constant 0 : index
    tpu.barrier barrier_id(%barrier3A)
    %mul3A_7 = arith.constant 10000 : i32
    %mul3A_8 = arith.muli %add3A, %mul3A_7 : i32
    %add3A_9 = arith.constant 0 : i32
    %add3A_10 = arith.addi %mul3A_8, %add3A_9 : i32
    %dma_start3A = tpu.memref_slice %arg3[%add3A_10] : memref<320000xi32, #tpu.memory_space<hbm>> -> memref<80xi32, #tpu.memory_space<hbm>>
    %dma_start3A_11 = tpu.memref_slice %arg3[%add3A_10] : memref<320000xi32, #tpu.memory_space<hbm>> -> memref<80xi32, #tpu.memory_space<hbm>>
    tpu.enqueue_dma source(%dma_start3A_11 : memref<80xi32, #tpu.memory_space<hbm>>) target(%arg7 : memref<80xi32, #tpu.memory_space<vmem>>) target_semaphore(%arg24 : memref<!tpu.dma_semaphore, #tpu.memory_space<semaphore_mem>>)
    %dma_start3A_12 = tpu.memref_slice %arg4[%add3A_10] : memref<320000xi32, #tpu.memory_space<hbm>> -> memref<80xi32, #tpu.memory_space<hbm>>
    %dma_start3A_13 = tpu.memref_slice %arg4[%add3A_10] : memref<320000xi32, #tpu.memory_space<hbm>> -> memref<80xi32, #tpu.memory_space<hbm>>
    tpu.enqueue_dma source(%dma_start3A_13 : memref<80xi32, #tpu.memory_space<hbm>>) target(%arg11 : memref<80xi32, #tpu.memory_space<vmem>>) target_semaphore(%arg24 : memref<!tpu.dma_semaphore, #tpu.memory_space<semaphore_mem>>)
    %add3A_14 = arith.constant 80 : i32
    %add3A_15 = arith.addi %mul3A_8, %add3A_14 : i32
    %dma_start3A_16 = tpu.memref_slice %arg3[%add3A_15] : memref<320000xi32, #tpu.memory_space<hbm>> -> memref<80xi32, #tpu.memory_space<hbm>>
    %dma_start3A_17 = tpu.memref_slice %arg3[%add3A_15] : memref<320000xi32, #tpu.memory_space<hbm>> -> memref<80xi32, #tpu.memory_space<hbm>>
    tpu.enqueue_dma source(%dma_start3A_17 : memref<80xi32, #tpu.memory_space<hbm>>) target(%arg8 : memref<80xi32, #tpu.memory_space<vmem>>) target_semaphore(%arg25 : memref<!tpu.dma_semaphore, #tpu.memory_space<semaphore_mem>>)
    %dma_start3A_18 = tpu.memref_slice %arg4[%add3A_15] : memref<320000xi32, #tpu.memory_space<hbm>> -> memref<80xi32, #tpu.memory_space<hbm>>
    %dma_start3A_19 = tpu.memref_slice %arg4[%add3A_15] : memref<320000xi32, #tpu.memory_space<hbm>> -> memref<80xi32, #tpu.memory_space<hbm>>
    tpu.enqueue_dma source(%dma_start3A_19 : memref<80xi32, #tpu.memory_space<hbm>>) target(%arg12 : memref<80xi32, #tpu.memory_space<vmem>>) target_semaphore(%arg25 : memref<!tpu.dma_semaphore, #tpu.memory_space<semaphore_mem>>)
    %add3A_20 = arith.constant 160 : i32
    %add3A_21 = arith.addi %mul3A_8, %add3A_20 : i32
    %dma_start3A_22 = tpu.memref_slice %arg3[%add3A_21] : memref<320000xi32, #tpu.memory_space<hbm>> -> memref<80xi32, #tpu.memory_space<hbm>>
    %dma_start3A_23 = tpu.memref_slice %arg3[%add3A_21] : memref<320000xi32, #tpu.memory_space<hbm>> -> memref<80xi32, #tpu.memory_space<hbm>>
    tpu.enqueue_dma source(%dma_start3A_23 : memref<80xi32, #tpu.memory_space<hbm>>) target(%arg9 : memref<80xi32, #tpu.memory_space<vmem>>) target_semaphore(%arg26 : memref<!tpu.dma_semaphore, #tpu.memory_space<semaphore_mem>>)
    %dma_start3A_24 = tpu.memref_slice %arg4[%add3A_21] : memref<320000xi32, #tpu.memory_space<hbm>> -> memref<80xi32, #tpu.memory_space<hbm>>
    %dma_start3A_25 = tpu.memref_slice %arg4[%add3A_21] : memref<320000xi32, #tpu.memory_space<hbm>> -> memref<80xi32, #tpu.memory_space<hbm>>
    tpu.enqueue_dma source(%dma_start3A_25 : memref<80xi32, #tpu.memory_space<hbm>>) target(%arg13 : memref<80xi32, #tpu.memory_space<vmem>>) target_semaphore(%arg26 : memref<!tpu.dma_semaphore, #tpu.memory_space<semaphore_mem>>)
    %add3A_26 = arith.constant 240 : i32
    %add3A_27 = arith.addi %mul3A_8, %add3A_26 : i32
    %dma_start3A_28 = tpu.memref_slice %arg3[%add3A_27] : memref<320000xi32, #tpu.memory_space<hbm>> -> memref<80xi32, #tpu.memory_space<hbm>>
    %dma_start3A_29 = tpu.memref_slice %arg3[%add3A_27] : memref<320000xi32, #tpu.memory_space<hbm>> -> memref<80xi32, #tpu.memory_space<hbm>>
    tpu.enqueue_dma source(%dma_start3A_29 : memref<80xi32, #tpu.memory_space<hbm>>) target(%arg10 : memref<80xi32, #tpu.memory_space<vmem>>) target_semaphore(%arg27 : memref<!tpu.dma_semaphore, #tpu.memory_space<semaphore_mem>>)
    %dma_start3A_30 = tpu.memref_slice %arg4[%add3A_27] : memref<320000xi32, #tpu.memory_space<hbm>> -> memref<80xi32, #tpu.memory_space<hbm>>
    %dma_start3A_31 = tpu.memref_slice %arg4[%add3A_27] : memref<320000xi32, #tpu.memory_space<hbm>> -> memref<80xi32, #tpu.memory_space<hbm>>
    tpu.enqueue_dma source(%dma_start3A_31 : memref<80xi32, #tpu.memory_space<hbm>>) target(%arg14 : memref<80xi32, #tpu.memory_space<vmem>>) target_semaphore(%arg27 : memref<!tpu.dma_semaphore, #tpu.memory_space<semaphore_mem>>)
    %add3A_32 = arith.constant 0 : i32
    %add3A_33 = arith.addi %mul3A_8, %add3A_32 : i32
    %dma_wait3A = tpu.memref_slice %arg3[%add3A_33] : memref<320000xi32, #tpu.memory_space<hbm>> -> memref<80xi32, #tpu.memory_space<hbm>>
    %dma_wait3A_34 = tpu.memref_slice %arg3[%add3A_33] : memref<320000xi32, #tpu.memory_space<hbm>> -> memref<80xi32, #tpu.memory_space<hbm>>
    tpu.wait_dma2 semaphore(%arg24 : memref<!tpu.dma_semaphore, #tpu.memory_space<semaphore_mem>>) src(%dma_wait3A_34 : memref<80xi32, #tpu.memory_space<hbm>>) dst(%arg7 : memref<80xi32, #tpu.memory_space<vmem>>)
    %dma_wait3A_35 = tpu.memref_slice %arg4[%add3A_33] : memref<320000xi32, #tpu.memory_space<hbm>> -> memref<80xi32, #tpu.memory_space<hbm>>
    %dma_wait3A_36 = tpu.memref_slice %arg4[%add3A_33] : memref<320000xi32, #tpu.memory_space<hbm>> -> memref<80xi32, #tpu.memory_space<hbm>>
    tpu.wait_dma2 semaphore(%arg24 : memref<!tpu.dma_semaphore, #tpu.memory_space<semaphore_mem>>) src(%dma_wait3A_36 : memref<80xi32, #tpu.memory_space<hbm>>) dst(%arg11 : memref<80xi32, #tpu.memory_space<vmem>>)
    %dma_start3A_37 = arith.constant 0 : i32
    %dma_start3A_38 = arith.constant 0 : i32
    %dma_start3A_39 = tpu.memref_slice %arg2[%dma_start3A_37, %dma_start3A_38] : memref<10000x128xf32, #tpu.memory_space<hbm>> -> memref<10000x128xf32, #tpu.memory_space<hbm>>
    tpu.enqueue_indirect_dma source(%dma_start3A_39 : memref<10000x128xf32, #tpu.memory_space<hbm>>) target(%arg15 : memref<80x128xf32, #tpu.memory_space<vmem>>) offsets(%arg7 : memref<80xi32, #tpu.memory_space<vmem>>) semaphore(%arg20 : memref<!tpu.dma_semaphore, #tpu.memory_space<semaphore_mem>>)
    %add3A_40 = arith.constant 80 : i32
    %add3A_41 = arith.addi %mul3A_8, %add3A_40 : i32
    %dma_wait3A_42 = tpu.memref_slice %arg3[%add3A_41] : memref<320000xi32, #tpu.memory_space<hbm>> -> memref<80xi32, #tpu.memory_space<hbm>>
    %dma_wait3A_43 = tpu.memref_slice %arg3[%add3A_41] : memref<320000xi32, #tpu.memory_space<hbm>> -> memref<80xi32, #tpu.memory_space<hbm>>
    tpu.wait_dma2 semaphore(%arg25 : memref<!tpu.dma_semaphore, #tpu.memory_space<semaphore_mem>>) src(%dma_wait3A_43 : memref<80xi32, #tpu.memory_space<hbm>>) dst(%arg8 : memref<80xi32, #tpu.memory_space<vmem>>)
    %dma_wait3A_44 = tpu.memref_slice %arg4[%add3A_41] : memref<320000xi32, #tpu.memory_space<hbm>> -> memref<80xi32, #tpu.memory_space<hbm>>
    %dma_wait3A_45 = tpu.memref_slice %arg4[%add3A_41] : memref<320000xi32, #tpu.memory_space<hbm>> -> memref<80xi32, #tpu.memory_space<hbm>>
    tpu.wait_dma2 semaphore(%arg25 : memref<!tpu.dma_semaphore, #tpu.memory_space<semaphore_mem>>) src(%dma_wait3A_45 : memref<80xi32, #tpu.memory_space<hbm>>) dst(%arg12 : memref<80xi32, #tpu.memory_space<vmem>>)
    %dma_start3A_46 = arith.constant 0 : i32
    %dma_start3A_47 = arith.constant 0 : i32
    %dma_start3A_48 = tpu.memref_slice %arg2[%dma_start3A_46, %dma_start3A_47] : memref<10000x128xf32, #tpu.memory_space<hbm>> -> memref<10000x128xf32, #tpu.memory_space<hbm>>
    tpu.enqueue_indirect_dma source(%dma_start3A_48 : memref<10000x128xf32, #tpu.memory_space<hbm>>) target(%arg16 : memref<80x128xf32, #tpu.memory_space<vmem>>) offsets(%arg8 : memref<80xi32, #tpu.memory_space<vmem>>) semaphore(%arg21 : memref<!tpu.dma_semaphore, #tpu.memory_space<semaphore_mem>>)
    %add3A_49 = arith.constant 160 : i32
    %add3A_50 = arith.addi %mul3A_8, %add3A_49 : i32
    %dma_wait3A_51 = tpu.memref_slice %arg3[%add3A_50] : memref<320000xi32, #tpu.memory_space<hbm>> -> memref<80xi32, #tpu.memory_space<hbm>>
    %dma_wait3A_52 = tpu.memref_slice %arg3[%add3A_50] : memref<320000xi32, #tpu.memory_space<hbm>> -> memref<80xi32, #tpu.memory_space<hbm>>
    tpu.wait_dma2 semaphore(%arg26 : memref<!tpu.dma_semaphore, #tpu.memory_space<semaphore_mem>>) src(%dma_wait3A_52 : memref<80xi32, #tpu.memory_space<hbm>>) dst(%arg9 : memref<80xi32, #tpu.memory_space<vmem>>)
    %dma_wait3A_53 = tpu.memref_slice %arg4[%add3A_50] : memref<320000xi32, #tpu.memory_space<hbm>> -> memref<80xi32, #tpu.memory_space<hbm>>
    %dma_wait3A_54 = tpu.memref_slice %arg4[%add3A_50] : memref<320000xi32, #tpu.memory_space<hbm>> -> memref<80xi32, #tpu.memory_space<hbm>>
    tpu.wait_dma2 semaphore(%arg26 : memref<!tpu.dma_semaphore, #tpu.memory_space<semaphore_mem>>) src(%dma_wait3A_54 : memref<80xi32, #tpu.memory_space<hbm>>) dst(%arg13 : memref<80xi32, #tpu.memory_space<vmem>>)
    %dma_start3A_55 = arith.constant 0 : i32
    %dma_start3A_56 = arith.constant 0 : i32
    %dma_start3A_57 = tpu.memref_slice %arg2[%dma_start3A_55, %dma_start3A_56] : memref<10000x128xf32, #tpu.memory_space<hbm>> -> memref<10000x128xf32, #tpu.memory_space<hbm>>
    tpu.enqueue_indirect_dma source(%dma_start3A_57 : memref<10000x128xf32, #tpu.memory_space<hbm>>) target(%arg17 : memref<80x128xf32, #tpu.memory_space<vmem>>) offsets(%arg9 : memref<80xi32, #tpu.memory_space<vmem>>) semaphore(%arg22 : memref<!tpu.dma_semaphore, #tpu.memory_space<semaphore_mem>>)
    %scan3A = arith.constant 0 : i32
    %scan3A_58 = arith.constant 0 : i32
    %scan3A_59 = arith.constant 32 : i32
    %scan3A_60 = arith.addi %scan3A_58, %scan3A_59 : i32
    %scan3A_61 = arith.constant 1 : i32
    scf.for %scan3A_73 = %scan3A_58 to %scan3A_60 step %scan3A_61  : i32 {
      %mul3A_74 = arith.constant 4 : i32
      %mul3A_75 = arith.muli %scan3A_73, %mul3A_74 : i32
      %add3A_76 = arith.constant 0 : i32
      %add3A_77 = arith.addi %mul3A_75, %add3A_76 : i32
      %lt3A = arith.constant 125 : i32
      %lt3A_78 = arith.cmpi slt, %add3A_77, %lt3A : i32
      %convert_element_type3A_79 = arith.extui %lt3A_78 : i1 to i32
      %cond3A_80 = arith.constant 0 : i32
      %cond3A_81 = arith.cmpi ne, %convert_element_type3A_79, %cond3A_80 : i32
      scf.if %cond3A_81 {
        %dma_wait3A_103 = arith.constant 0 : i32
        %dma_wait3A_104 = arith.constant 0 : i32
        %dma_wait3A_105 = tpu.memref_slice %arg2[%dma_wait3A_103, %dma_wait3A_104] : memref<10000x128xf32, #tpu.memory_space<hbm>> -> memref<10000x128xf32, #tpu.memory_space<hbm>>
        tpu.wait_indirect_dma semaphore(%arg20 : memref<!tpu.dma_semaphore, #tpu.memory_space<semaphore_mem>>) src(%dma_wait3A_105 : memref<10000x128xf32, #tpu.memory_space<hbm>>) dst(%arg15 : memref<80x128xf32, #tpu.memory_space<vmem>>)
        "tpu.region"() ({
          %run_scoped3A = tpu.sem_alloc : memref<!tpu.dma_semaphore, #tpu.memory_space<semaphore_mem>>
          %dma_start3A_121 = arith.constant 0 : i32
          %dma_start3A_122 = arith.constant 0 : i32
          %dma_start3A_123 = tpu.memref_slice %arg19[%dma_start3A_121, %dma_start3A_122] : memref<10000x128xf32, #tpu.memory_space<vmem_shared>> -> memref<10000x128xf32, #tpu.memory_space<vmem_shared>>
          tpu.enqueue_indirect_dma source(%arg15 : memref<80x128xf32, #tpu.memory_space<vmem>>) target(%dma_start3A_123 : memref<10000x128xf32, #tpu.memory_space<vmem_shared>>) offsets(%arg11 : memref<80xi32, #tpu.memory_space<vmem>>) semaphore(%run_scoped3A : memref<!tpu.dma_semaphore, #tpu.memory_space<semaphore_mem>>) {add = true}
          %dma_wait3A_124 = arith.constant 0 : i32
          %dma_wait3A_125 = arith.constant 0 : i32
          %dma_wait3A_126 = tpu.memref_slice %arg19[%dma_wait3A_124, %dma_wait3A_125] : memref<10000x128xf32, #tpu.memory_space<vmem_shared>> -> memref<10000x128xf32, #tpu.memory_space<vmem_shared>>
          tpu.wait_indirect_dma semaphore(%run_scoped3A : memref<!tpu.dma_semaphore, #tpu.memory_space<semaphore_mem>>) src(%arg15 : memref<80x128xf32, #tpu.memory_space<vmem>>) dst(%dma_wait3A_126 : memref<10000x128xf32, #tpu.memory_space<vmem_shared>>)
          tpu.yield
        }) : () -> ()
        %add3A_106 = arith.constant 4 : i32
        %add3A_107 = arith.addi %add3A_77, %add3A_106 : i32
        %lt3A_108 = arith.constant 125 : i32
        %lt3A_109 = arith.cmpi slt, %add3A_107, %lt3A_108 : i32
        %convert_element_type3A_110 = arith.extui %lt3A_109 : i1 to i32
        %cond3A_111 = arith.constant 0 : i32
        %cond3A_112 = arith.cmpi ne, %convert_element_type3A_110, %cond3A_111 : i32
        scf.if %cond3A_112 {
          %mul3A_121 = arith.constant 80 : i32
          %mul3A_122 = arith.muli %add3A_107, %mul3A_121 : i32
          %add3A_123 = arith.addi %mul3A_8, %mul3A_122 : i32
          %dma_start3A_124 = tpu.memref_slice %arg3[%add3A_123] : memref<320000xi32, #tpu.memory_space<hbm>> -> memref<80xi32, #tpu.memory_space<hbm>>
          %dma_start3A_125 = tpu.memref_slice %arg3[%add3A_123] : memref<320000xi32, #tpu.memory_space<hbm>> -> memref<80xi32, #tpu.memory_space<hbm>>
          tpu.enqueue_dma source(%dma_start3A_125 : memref<80xi32, #tpu.memory_space<hbm>>) target(%arg7 : memref<80xi32, #tpu.memory_space<vmem>>) target_semaphore(%arg24 : memref<!tpu.dma_semaphore, #tpu.memory_space<semaphore_mem>>)
          %dma_start3A_126 = tpu.memref_slice %arg4[%add3A_123] : memref<320000xi32, #tpu.memory_space<hbm>> -> memref<80xi32, #tpu.memory_space<hbm>>
          %dma_start3A_127 = tpu.memref_slice %arg4[%add3A_123] : memref<320000xi32, #tpu.memory_space<hbm>> -> memref<80xi32, #tpu.memory_space<hbm>>
          tpu.enqueue_dma source(%dma_start3A_127 : memref<80xi32, #tpu.memory_space<hbm>>) target(%arg11 : memref<80xi32, #tpu.memory_space<vmem>>) target_semaphore(%arg24 : memref<!tpu.dma_semaphore, #tpu.memory_space<semaphore_mem>>)
        } else {
        }
        %add3A_113 = arith.constant 4 : i32
        %add3A_114 = arith.addi %add3A_77, %add3A_113 : i32
        %sub3A = arith.constant 1 : i32
        %sub3A_115 = arith.subi %add3A_114, %sub3A : i32
        %lt3A_116 = arith.constant 125 : i32
        %lt3A_117 = arith.cmpi slt, %sub3A_115, %lt3A_116 : i32
        %convert_element_type3A_118 = arith.extui %lt3A_117 : i1 to i32
        %cond3A_119 = arith.constant 0 : i32
        %cond3A_120 = arith.cmpi ne, %convert_element_type3A_118, %cond3A_119 : i32
        scf.if %cond3A_120 {
          %mul3A_121 = arith.constant 80 : i32
          %mul3A_122 = arith.muli %sub3A_115, %mul3A_121 : i32
          %add3A_123 = arith.addi %mul3A_8, %mul3A_122 : i32
          %dma_wait3A_124 = tpu.memref_slice %arg3[%add3A_123] : memref<320000xi32, #tpu.memory_space<hbm>> -> memref<80xi32, #tpu.memory_space<hbm>>
          %dma_wait3A_125 = tpu.memref_slice %arg3[%add3A_123] : memref<320000xi32, #tpu.memory_space<hbm>> -> memref<80xi32, #tpu.memory_space<hbm>>
          tpu.wait_dma2 semaphore(%arg27 : memref<!tpu.dma_semaphore, #tpu.memory_space<semaphore_mem>>) src(%dma_wait3A_125 : memref<80xi32, #tpu.memory_space<hbm>>) dst(%arg10 : memref<80xi32, #tpu.memory_space<vmem>>)
          %dma_wait3A_126 = tpu.memref_slice %arg4[%add3A_123] : memref<320000xi32, #tpu.memory_space<hbm>> -> memref<80xi32, #tpu.memory_space<hbm>>
          %dma_wait3A_127 = tpu.memref_slice %arg4[%add3A_123] : memref<320000xi32, #tpu.memory_space<hbm>> -> memref<80xi32, #tpu.memory_space<hbm>>
          tpu.wait_dma2 semaphore(%arg27 : memref<!tpu.dma_semaphore, #tpu.memory_space<semaphore_mem>>) src(%dma_wait3A_127 : memref<80xi32, #tpu.memory_space<hbm>>) dst(%arg14 : memref<80xi32, #tpu.memory_space<vmem>>)
          %dma_start3A_128 = arith.constant 0 : i32
          %dma_start3A_129 = arith.constant 0 : i32
          %dma_start3A_130 = tpu.memref_slice %arg2[%dma_start3A_128, %dma_start3A_129] : memref<10000x128xf32, #tpu.memory_space<hbm>> -> memref<10000x128xf32, #tpu.memory_space<hbm>>
          tpu.enqueue_indirect_dma source(%dma_start3A_130 : memref<10000x128xf32, #tpu.memory_space<hbm>>) target(%arg18 : memref<80x128xf32, #tpu.memory_space<vmem>>) offsets(%arg10 : memref<80xi32, #tpu.memory_space<vmem>>) semaphore(%arg23 : memref<!tpu.dma_semaphore, #tpu.memory_space<semaphore_mem>>)
        } else {
        }
      } else {
      }
      %add3A_82 = arith.constant 1 : i32
      %add3A_83 = arith.addi %mul3A_75, %add3A_82 : i32
      %lt3A_84 = arith.constant 125 : i32
      %lt3A_85 = arith.cmpi slt, %add3A_83, %lt3A_84 : i32
      %convert_element_type3A_86 = arith.extui %lt3A_85 : i1 to i32
      %cond3A_87 = arith.constant 0 : i32
      %cond3A_88 = arith.cmpi ne, %convert_element_type3A_86, %cond3A_87 : i32
      scf.if %cond3A_88 {
        %dma_wait3A_103 = arith.constant 0 : i32
        %dma_wait3A_104 = arith.constant 0 : i32
        %dma_wait3A_105 = tpu.memref_slice %arg2[%dma_wait3A_103, %dma_wait3A_104] : memref<10000x128xf32, #tpu.memory_space<hbm>> -> memref<10000x128xf32, #tpu.memory_space<hbm>>
        tpu.wait_indirect_dma semaphore(%arg21 : memref<!tpu.dma_semaphore, #tpu.memory_space<semaphore_mem>>) src(%dma_wait3A_105 : memref<10000x128xf32, #tpu.memory_space<hbm>>) dst(%arg16 : memref<80x128xf32, #tpu.memory_space<vmem>>)
        "tpu.region"() ({
          %run_scoped3A = tpu.sem_alloc : memref<!tpu.dma_semaphore, #tpu.memory_space<semaphore_mem>>
          %dma_start3A_121 = arith.constant 0 : i32
          %dma_start3A_122 = arith.constant 0 : i32
          %dma_start3A_123 = tpu.memref_slice %arg19[%dma_start3A_121, %dma_start3A_122] : memref<10000x128xf32, #tpu.memory_space<vmem_shared>> -> memref<10000x128xf32, #tpu.memory_space<vmem_shared>>
          tpu.enqueue_indirect_dma source(%arg16 : memref<80x128xf32, #tpu.memory_space<vmem>>) target(%dma_start3A_123 : memref<10000x128xf32, #tpu.memory_space<vmem_shared>>) offsets(%arg12 : memref<80xi32, #tpu.memory_space<vmem>>) semaphore(%run_scoped3A : memref<!tpu.dma_semaphore, #tpu.memory_space<semaphore_mem>>) {add = true}
          %dma_wait3A_124 = arith.constant 0 : i32
          %dma_wait3A_125 = arith.constant 0 : i32
          %dma_wait3A_126 = tpu.memref_slice %arg19[%dma_wait3A_124, %dma_wait3A_125] : memref<10000x128xf32, #tpu.memory_space<vmem_shared>> -> memref<10000x128xf32, #tpu.memory_space<vmem_shared>>
          tpu.wait_indirect_dma semaphore(%run_scoped3A : memref<!tpu.dma_semaphore, #tpu.memory_space<semaphore_mem>>) src(%arg16 : memref<80x128xf32, #tpu.memory_space<vmem>>) dst(%dma_wait3A_126 : memref<10000x128xf32, #tpu.memory_space<vmem_shared>>)
          tpu.yield
        }) : () -> ()
        %add3A_106 = arith.constant 4 : i32
        %add3A_107 = arith.addi %add3A_83, %add3A_106 : i32
        %lt3A_108 = arith.constant 125 : i32
        %lt3A_109 = arith.cmpi slt, %add3A_107, %lt3A_108 : i32
        %convert_element_type3A_110 = arith.extui %lt3A_109 : i1 to i32
        %cond3A_111 = arith.constant 0 : i32
        %cond3A_112 = arith.cmpi ne, %convert_element_type3A_110, %cond3A_111 : i32
        scf.if %cond3A_112 {
          %mul3A_121 = arith.constant 80 : i32
          %mul3A_122 = arith.muli %add3A_107, %mul3A_121 : i32
          %add3A_123 = arith.addi %mul3A_8, %mul3A_122 : i32
          %dma_start3A_124 = tpu.memref_slice %arg3[%add3A_123] : memref<320000xi32, #tpu.memory_space<hbm>> -> memref<80xi32, #tpu.memory_space<hbm>>
          %dma_start3A_125 = tpu.memref_slice %arg3[%add3A_123] : memref<320000xi32, #tpu.memory_space<hbm>> -> memref<80xi32, #tpu.memory_space<hbm>>
          tpu.enqueue_dma source(%dma_start3A_125 : memref<80xi32, #tpu.memory_space<hbm>>) target(%arg8 : memref<80xi32, #tpu.memory_space<vmem>>) target_semaphore(%arg25 : memref<!tpu.dma_semaphore, #tpu.memory_space<semaphore_mem>>)
          %dma_start3A_126 = tpu.memref_slice %arg4[%add3A_123] : memref<320000xi32, #tpu.memory_space<hbm>> -> memref<80xi32, #tpu.memory_space<hbm>>
          %dma_start3A_127 = tpu.memref_slice %arg4[%add3A_123] : memref<320000xi32, #tpu.memory_space<hbm>> -> memref<80xi32, #tpu.memory_space<hbm>>
          tpu.enqueue_dma source(%dma_start3A_127 : memref<80xi32, #tpu.memory_space<hbm>>) target(%arg12 : memref<80xi32, #tpu.memory_space<vmem>>) target_semaphore(%arg25 : memref<!tpu.dma_semaphore, #tpu.memory_space<semaphore_mem>>)
        } else {
        }
        %add3A_113 = arith.constant 4 : i32
        %add3A_114 = arith.addi %add3A_83, %add3A_113 : i32
        %sub3A = arith.constant 1 : i32
        %sub3A_115 = arith.subi %add3A_114, %sub3A : i32
        %lt3A_116 = arith.constant 125 : i32
        %lt3A_117 = arith.cmpi slt, %sub3A_115, %lt3A_116 : i32
        %convert_element_type3A_118 = arith.extui %lt3A_117 : i1 to i32
        %cond3A_119 = arith.constant 0 : i32
        %cond3A_120 = arith.cmpi ne, %convert_element_type3A_118, %cond3A_119 : i32
        scf.if %cond3A_120 {
          %mul3A_121 = arith.constant 80 : i32
          %mul3A_122 = arith.muli %sub3A_115, %mul3A_121 : i32
          %add3A_123 = arith.addi %mul3A_8, %mul3A_122 : i32
          %dma_wait3A_124 = tpu.memref_slice %arg3[%add3A_123] : memref<320000xi32, #tpu.memory_space<hbm>> -> memref<80xi32, #tpu.memory_space<hbm>>
          %dma_wait3A_125 = tpu.memref_slice %arg3[%add3A_123] : memref<320000xi32, #tpu.memory_space<hbm>> -> memref<80xi32, #tpu.memory_space<hbm>>
          tpu.wait_dma2 semaphore(%arg24 : memref<!tpu.dma_semaphore, #tpu.memory_space<semaphore_mem>>) src(%dma_wait3A_125 : memref<80xi32, #tpu.memory_space<hbm>>) dst(%arg7 : memref<80xi32, #tpu.memory_space<vmem>>)
          %dma_wait3A_126 = tpu.memref_slice %arg4[%add3A_123] : memref<320000xi32, #tpu.memory_space<hbm>> -> memref<80xi32, #tpu.memory_space<hbm>>
          %dma_wait3A_127 = tpu.memref_slice %arg4[%add3A_123] : memref<320000xi32, #tpu.memory_space<hbm>> -> memref<80xi32, #tpu.memory_space<hbm>>
          tpu.wait_dma2 semaphore(%arg24 : memref<!tpu.dma_semaphore, #tpu.memory_space<semaphore_mem>>) src(%dma_wait3A_127 : memref<80xi32, #tpu.memory_space<hbm>>) dst(%arg11 : memref<80xi32, #tpu.memory_space<vmem>>)
          %dma_start3A_128 = arith.constant 0 : i32
          %dma_start3A_129 = arith.constant 0 : i32
          %dma_start3A_130 = tpu.memref_slice %arg2[%dma_start3A_128, %dma_start3A_129] : memref<10000x128xf32, #tpu.memory_space<hbm>> -> memref<10000x128xf32, #tpu.memory_space<hbm>>
          tpu.enqueue_indirect_dma source(%dma_start3A_130 : memref<10000x128xf32, #tpu.memory_space<hbm>>) target(%arg15 : memref<80x128xf32, #tpu.memory_space<vmem>>) offsets(%arg7 : memref<80xi32, #tpu.memory_space<vmem>>) semaphore(%arg20 : memref<!tpu.dma_semaphore, #tpu.memory_space<semaphore_mem>>)
        } else {
        }
      } else {
      }
      %add3A_89 = arith.constant 2 : i32
      %add3A_90 = arith.addi %mul3A_75, %add3A_89 : i32
      %lt3A_91 = arith.constant 125 : i32
      %lt3A_92 = arith.cmpi slt, %add3A_90, %lt3A_91 : i32
      %convert_element_type3A_93 = arith.extui %lt3A_92 : i1 to i32
      %cond3A_94 = arith.constant 0 : i32
      %cond3A_95 = arith.cmpi ne, %convert_element_type3A_93, %cond3A_94 : i32
      scf.if %cond3A_95 {
        %dma_wait3A_103 = arith.constant 0 : i32
        %dma_wait3A_104 = arith.constant 0 : i32
        %dma_wait3A_105 = tpu.memref_slice %arg2[%dma_wait3A_103, %dma_wait3A_104] : memref<10000x128xf32, #tpu.memory_space<hbm>> -> memref<10000x128xf32, #tpu.memory_space<hbm>>
        tpu.wait_indirect_dma semaphore(%arg22 : memref<!tpu.dma_semaphore, #tpu.memory_space<semaphore_mem>>) src(%dma_wait3A_105 : memref<10000x128xf32, #tpu.memory_space<hbm>>) dst(%arg17 : memref<80x128xf32, #tpu.memory_space<vmem>>)
        "tpu.region"() ({
          %run_scoped3A = tpu.sem_alloc : memref<!tpu.dma_semaphore, #tpu.memory_space<semaphore_mem>>
          %dma_start3A_121 = arith.constant 0 : i32
          %dma_start3A_122 = arith.constant 0 : i32
          %dma_start3A_123 = tpu.memref_slice %arg19[%dma_start3A_121, %dma_start3A_122] : memref<10000x128xf32, #tpu.memory_space<vmem_shared>> -> memref<10000x128xf32, #tpu.memory_space<vmem_shared>>
          tpu.enqueue_indirect_dma source(%arg17 : memref<80x128xf32, #tpu.memory_space<vmem>>) target(%dma_start3A_123 : memref<10000x128xf32, #tpu.memory_space<vmem_shared>>) offsets(%arg13 : memref<80xi32, #tpu.memory_space<vmem>>) semaphore(%run_scoped3A : memref<!tpu.dma_semaphore, #tpu.memory_space<semaphore_mem>>) {add = true}
          %dma_wait3A_124 = arith.constant 0 : i32
          %dma_wait3A_125 = arith.constant 0 : i32
          %dma_wait3A_126 = tpu.memref_slice %arg19[%dma_wait3A_124, %dma_wait3A_125] : memref<10000x128xf32, #tpu.memory_space<vmem_shared>> -> memref<10000x128xf32, #tpu.memory_space<vmem_shared>>
          tpu.wait_indirect_dma semaphore(%run_scoped3A : memref<!tpu.dma_semaphore, #tpu.memory_space<semaphore_mem>>) src(%arg17 : memref<80x128xf32, #tpu.memory_space<vmem>>) dst(%dma_wait3A_126 : memref<10000x128xf32, #tpu.memory_space<vmem_shared>>)
          tpu.yield
        }) : () -> ()
        %add3A_106 = arith.constant 4 : i32
        %add3A_107 = arith.addi %add3A_90, %add3A_106 : i32
        %lt3A_108 = arith.constant 125 : i32
        %lt3A_109 = arith.cmpi slt, %add3A_107, %lt3A_108 : i32
        %convert_element_type3A_110 = arith.extui %lt3A_109 : i1 to i32
        %cond3A_111 = arith.constant 0 : i32
        %cond3A_112 = arith.cmpi ne, %convert_element_type3A_110, %cond3A_111 : i32
        scf.if %cond3A_112 {
          %mul3A_121 = arith.constant 80 : i32
          %mul3A_122 = arith.muli %add3A_107, %mul3A_121 : i32
          %add3A_123 = arith.addi %mul3A_8, %mul3A_122 : i32
          %dma_start3A_124 = tpu.memref_slice %arg3[%add3A_123] : memref<320000xi32, #tpu.memory_space<hbm>> -> memref<80xi32, #tpu.memory_space<hbm>>
          %dma_start3A_125 = tpu.memref_slice %arg3[%add3A_123] : memref<320000xi32, #tpu.memory_space<hbm>> -> memref<80xi32, #tpu.memory_space<hbm>>
          tpu.enqueue_dma source(%dma_start3A_125 : memref<80xi32, #tpu.memory_space<hbm>>) target(%arg9 : memref<80xi32, #tpu.memory_space<vmem>>) target_semaphore(%arg26 : memref<!tpu.dma_semaphore, #tpu.memory_space<semaphore_mem>>)
          %dma_start3A_126 = tpu.memref_slice %arg4[%add3A_123] : memref<320000xi32, #tpu.memory_space<hbm>> -> memref<80xi32, #tpu.memory_space<hbm>>
          %dma_start3A_127 = tpu.memref_slice %arg4[%add3A_123] : memref<320000xi32, #tpu.memory_space<hbm>> -> memref<80xi32, #tpu.memory_space<hbm>>
          tpu.enqueue_dma source(%dma_start3A_127 : memref<80xi32, #tpu.memory_space<hbm>>) target(%arg13 : memref<80xi32, #tpu.memory_space<vmem>>) target_semaphore(%arg26 : memref<!tpu.dma_semaphore, #tpu.memory_space<semaphore_mem>>)
        } else {
        }
        %add3A_113 = arith.constant 4 : i32
        %add3A_114 = arith.addi %add3A_90, %add3A_113 : i32
        %sub3A = arith.constant 1 : i32
        %sub3A_115 = arith.subi %add3A_114, %sub3A : i32
        %lt3A_116 = arith.constant 125 : i32
        %lt3A_117 = arith.cmpi slt, %sub3A_115, %lt3A_116 : i32
        %convert_element_type3A_118 = arith.extui %lt3A_117 : i1 to i32
        %cond3A_119 = arith.constant 0 : i32
        %cond3A_120 = arith.cmpi ne, %convert_element_type3A_118, %cond3A_119 : i32
        scf.if %cond3A_120 {
          %mul3A_121 = arith.constant 80 : i32
          %mul3A_122 = arith.muli %sub3A_115, %mul3A_121 : i32
          %add3A_123 = arith.addi %mul3A_8, %mul3A_122 : i32
          %dma_wait3A_124 = tpu.memref_slice %arg3[%add3A_123] : memref<320000xi32, #tpu.memory_space<hbm>> -> memref<80xi32, #tpu.memory_space<hbm>>
          %dma_wait3A_125 = tpu.memref_slice %arg3[%add3A_123] : memref<320000xi32, #tpu.memory_space<hbm>> -> memref<80xi32, #tpu.memory_space<hbm>>
          tpu.wait_dma2 semaphore(%arg25 : memref<!tpu.dma_semaphore, #tpu.memory_space<semaphore_mem>>) src(%dma_wait3A_125 : memref<80xi32, #tpu.memory_space<hbm>>) dst(%arg8 : memref<80xi32, #tpu.memory_space<vmem>>)
          %dma_wait3A_126 = tpu.memref_slice %arg4[%add3A_123] : memref<320000xi32, #tpu.memory_space<hbm>> -> memref<80xi32, #tpu.memory_space<hbm>>
          %dma_wait3A_127 = tpu.memref_slice %arg4[%add3A_123] : memref<320000xi32, #tpu.memory_space<hbm>> -> memref<80xi32, #tpu.memory_space<hbm>>
          tpu.wait_dma2 semaphore(%arg25 : memref<!tpu.dma_semaphore, #tpu.memory_space<semaphore_mem>>) src(%dma_wait3A_127 : memref<80xi32, #tpu.memory_space<hbm>>) dst(%arg12 : memref<80xi32, #tpu.memory_space<vmem>>)
          %dma_start3A_128 = arith.constant 0 : i32
          %dma_start3A_129 = arith.constant 0 : i32
          %dma_start3A_130 = tpu.memref_slice %arg2[%dma_start3A_128, %dma_start3A_129] : memref<10000x128xf32, #tpu.memory_space<hbm>> -> memref<10000x128xf32, #tpu.memory_space<hbm>>
          tpu.enqueue_indirect_dma source(%dma_start3A_130 : memref<10000x128xf32, #tpu.memory_space<hbm>>) target(%arg16 : memref<80x128xf32, #tpu.memory_space<vmem>>) offsets(%arg8 : memref<80xi32, #tpu.memory_space<vmem>>) semaphore(%arg21 : memref<!tpu.dma_semaphore, #tpu.memory_space<semaphore_mem>>)
        } else {
        }
      } else {
      }
      %add3A_96 = arith.constant 3 : i32
      %add3A_97 = arith.addi %mul3A_75, %add3A_96 : i32
      %lt3A_98 = arith.constant 125 : i32
      %lt3A_99 = arith.cmpi slt, %add3A_97, %lt3A_98 : i32
      %convert_element_type3A_100 = arith.extui %lt3A_99 : i1 to i32
      %cond3A_101 = arith.constant 0 : i32
      %cond3A_102 = arith.cmpi ne, %convert_element_type3A_100, %cond3A_101 : i32
      scf.if %cond3A_102 {
        %dma_wait3A_103 = arith.constant 0 : i32
        %dma_wait3A_104 = arith.constant 0 : i32
        %dma_wait3A_105 = tpu.memref_slice %arg2[%dma_wait3A_103, %dma_wait3A_104] : memref<10000x128xf32, #tpu.memory_space<hbm>> -> memref<10000x128xf32, #tpu.memory_space<hbm>>
        tpu.wait_indirect_dma semaphore(%arg23 : memref<!tpu.dma_semaphore, #tpu.memory_space<semaphore_mem>>) src(%dma_wait3A_105 : memref<10000x128xf32, #tpu.memory_space<hbm>>) dst(%arg18 : memref<80x128xf32, #tpu.memory_space<vmem>>)
        "tpu.region"() ({
          %run_scoped3A = tpu.sem_alloc : memref<!tpu.dma_semaphore, #tpu.memory_space<semaphore_mem>>
          %dma_start3A_121 = arith.constant 0 : i32
          %dma_start3A_122 = arith.constant 0 : i32
          %dma_start3A_123 = tpu.memref_slice %arg19[%dma_start3A_121, %dma_start3A_122] : memref<10000x128xf32, #tpu.memory_space<vmem_shared>> -> memref<10000x128xf32, #tpu.memory_space<vmem_shared>>
          tpu.enqueue_indirect_dma source(%arg18 : memref<80x128xf32, #tpu.memory_space<vmem>>) target(%dma_start3A_123 : memref<10000x128xf32, #tpu.memory_space<vmem_shared>>) offsets(%arg14 : memref<80xi32, #tpu.memory_space<vmem>>) semaphore(%run_scoped3A : memref<!tpu.dma_semaphore, #tpu.memory_space<semaphore_mem>>) {add = true}
          %dma_wait3A_124 = arith.constant 0 : i32
          %dma_wait3A_125 = arith.constant 0 : i32
          %dma_wait3A_126 = tpu.memref_slice %arg19[%dma_wait3A_124, %dma_wait3A_125] : memref<10000x128xf32, #tpu.memory_space<vmem_shared>> -> memref<10000x128xf32, #tpu.memory_space<vmem_shared>>
          tpu.wait_indirect_dma semaphore(%run_scoped3A : memref<!tpu.dma_semaphore, #tpu.memory_space<semaphore_mem>>) src(%arg18 : memref<80x128xf32, #tpu.memory_space<vmem>>) dst(%dma_wait3A_126 : memref<10000x128xf32, #tpu.memory_space<vmem_shared>>)
          tpu.yield
        }) : () -> ()
        %add3A_106 = arith.constant 4 : i32
        %add3A_107 = arith.addi %add3A_97, %add3A_106 : i32
        %lt3A_108 = arith.constant 125 : i32
        %lt3A_109 = arith.cmpi slt, %add3A_107, %lt3A_108 : i32
        %convert_element_type3A_110 = arith.extui %lt3A_109 : i1 to i32
        %cond3A_111 = arith.constant 0 : i32
        %cond3A_112 = arith.cmpi ne, %convert_element_type3A_110, %cond3A_111 : i32
        scf.if %cond3A_112 {
          %mul3A_121 = arith.constant 80 : i32
          %mul3A_122 = arith.muli %add3A_107, %mul3A_121 : i32
          %add3A_123 = arith.addi %mul3A_8, %mul3A_122 : i32
          %dma_start3A_124 = tpu.memref_slice %arg3[%add3A_123] : memref<320000xi32, #tpu.memory_space<hbm>> -> memref<80xi32, #tpu.memory_space<hbm>>
          %dma_start3A_125 = tpu.memref_slice %arg3[%add3A_123] : memref<320000xi32, #tpu.memory_space<hbm>> -> memref<80xi32, #tpu.memory_space<hbm>>
          tpu.enqueue_dma source(%dma_start3A_125 : memref<80xi32, #tpu.memory_space<hbm>>) target(%arg10 : memref<80xi32, #tpu.memory_space<vmem>>) target_semaphore(%arg27 : memref<!tpu.dma_semaphore, #tpu.memory_space<semaphore_mem>>)
          %dma_start3A_126 = tpu.memref_slice %arg4[%add3A_123] : memref<320000xi32, #tpu.memory_space<hbm>> -> memref<80xi32, #tpu.memory_space<hbm>>
          %dma_start3A_127 = tpu.memref_slice %arg4[%add3A_123] : memref<320000xi32, #tpu.memory_space<hbm>> -> memref<80xi32, #tpu.memory_space<hbm>>
          tpu.enqueue_dma source(%dma_start3A_127 : memref<80xi32, #tpu.memory_space<hbm>>) target(%arg14 : memref<80xi32, #tpu.memory_space<vmem>>) target_semaphore(%arg27 : memref<!tpu.dma_semaphore, #tpu.memory_space<semaphore_mem>>)
        } else {
        }
        %add3A_113 = arith.constant 4 : i32
        %add3A_114 = arith.addi %add3A_97, %add3A_113 : i32
        %sub3A = arith.constant 1 : i32
        %sub3A_115 = arith.subi %add3A_114, %sub3A : i32
        %lt3A_116 = arith.constant 125 : i32
        %lt3A_117 = arith.cmpi slt, %sub3A_115, %lt3A_116 : i32
        %convert_element_type3A_118 = arith.extui %lt3A_117 : i1 to i32
        %cond3A_119 = arith.constant 0 : i32
        %cond3A_120 = arith.cmpi ne, %convert_element_type3A_118, %cond3A_119 : i32
        scf.if %cond3A_120 {
          %mul3A_121 = arith.constant 80 : i32
          %mul3A_122 = arith.muli %sub3A_115, %mul3A_121 : i32
          %add3A_123 = arith.addi %mul3A_8, %mul3A_122 : i32
          %dma_wait3A_124 = tpu.memref_slice %arg3[%add3A_123] : memref<320000xi32, #tpu.memory_space<hbm>> -> memref<80xi32, #tpu.memory_space<hbm>>
          %dma_wait3A_125 = tpu.memref_slice %arg3[%add3A_123] : memref<320000xi32, #tpu.memory_space<hbm>> -> memref<80xi32, #tpu.memory_space<hbm>>
          tpu.wait_dma2 semaphore(%arg26 : memref<!tpu.dma_semaphore, #tpu.memory_space<semaphore_mem>>) src(%dma_wait3A_125 : memref<80xi32, #tpu.memory_space<hbm>>) dst(%arg9 : memref<80xi32, #tpu.memory_space<vmem>>)
          %dma_wait3A_126 = tpu.memref_slice %arg4[%add3A_123] : memref<320000xi32, #tpu.memory_space<hbm>> -> memref<80xi32, #tpu.memory_space<hbm>>
          %dma_wait3A_127 = tpu.memref_slice %arg4[%add3A_123] : memref<320000xi32, #tpu.memory_space<hbm>> -> memref<80xi32, #tpu.memory_space<hbm>>
          tpu.wait_dma2 semaphore(%arg26 : memref<!tpu.dma_semaphore, #tpu.memory_space<semaphore_mem>>) src(%dma_wait3A_127 : memref<80xi32, #tpu.memory_space<hbm>>) dst(%arg13 : memref<80xi32, #tpu.memory_space<vmem>>)
          %dma_start3A_128 = arith.constant 0 : i32
          %dma_start3A_129 = arith.constant 0 : i32
          %dma_start3A_130 = tpu.memref_slice %arg2[%dma_start3A_128, %dma_start3A_129] : memref<10000x128xf32, #tpu.memory_space<hbm>> -> memref<10000x128xf32, #tpu.memory_space<hbm>>
          tpu.enqueue_indirect_dma source(%dma_start3A_130 : memref<10000x128xf32, #tpu.memory_space<hbm>>) target(%arg17 : memref<80x128xf32, #tpu.memory_space<vmem>>) offsets(%arg9 : memref<80xi32, #tpu.memory_space<vmem>>) semaphore(%arg22 : memref<!tpu.dma_semaphore, #tpu.memory_space<semaphore_mem>>)
        } else {
        }
      } else {
      }
    }
    %scan3A_62 = arith.constant 32 : i32
    %barrier3A_63 = arith.constant 0 : index
    tpu.barrier barrier_id(%barrier3A_63)
    %mul3A_64 = arith.constant 624 : i32
    %mul3A_65 = arith.muli %arg1, %mul3A_64 : i32
    %mul3A_66 = arith.constant 624 : i32
    %mul3A_67 = arith.muli %arg1, %mul3A_66 : i32
    "tpu.region"() ({
      %run_scoped3A = tpu.sem_alloc : memref<!tpu.dma_semaphore, #tpu.memory_space<semaphore_mem>>
      %dma_start3A_73 = arith.constant 0 : i32
      %dma_start3A_74 = tpu.memref_slice %arg6[%arg0, %mul3A_67, %dma_start3A_73] : memref<2x10000x128xf32, #tpu.memory_space<hbm>> -> memref<1x624x128xf32, #tpu.memory_space<hbm>>
      %dma_start3A_75 = tpu.memref_squeeze %dma_start3A_74 : memref<1x624x128xf32, #tpu.memory_space<hbm>> -> memref<624x128xf32, #tpu.memory_space<hbm>>
      %dma_start3A_76 = arith.constant 0 : i32
      %dma_start3A_77 = tpu.memref_slice %arg19[%mul3A_65, %dma_start3A_76] : memref<10000x128xf32, #tpu.memory_space<vmem_shared>> -> memref<624x128xf32, #tpu.memory_space<vmem_shared>>
      tpu.enqueue_dma source(%dma_start3A_77 : memref<624x128xf32, #tpu.memory_space<vmem_shared>>) target(%dma_start3A_75 : memref<624x128xf32, #tpu.memory_space<hbm>>) target_semaphore(%run_scoped3A : memref<!tpu.dma_semaphore, #tpu.memory_space<semaphore_mem>>)
      %dma_wait3A_78 = arith.constant 0 : i32
      %dma_wait3A_79 = tpu.memref_slice %arg6[%arg0, %mul3A_67, %dma_wait3A_78] : memref<2x10000x128xf32, #tpu.memory_space<hbm>> -> memref<1x624x128xf32, #tpu.memory_space<hbm>>
      %dma_wait3A_80 = tpu.memref_squeeze %dma_wait3A_79 : memref<1x624x128xf32, #tpu.memory_space<hbm>> -> memref<624x128xf32, #tpu.memory_space<hbm>>
      %dma_wait3A_81 = arith.constant 0 : i32
      %dma_wait3A_82 = tpu.memref_slice %arg19[%mul3A_65, %dma_wait3A_81] : memref<10000x128xf32, #tpu.memory_space<vmem_shared>> -> memref<624x128xf32, #tpu.memory_space<vmem_shared>>
      tpu.wait_dma2 semaphore(%run_scoped3A : memref<!tpu.dma_semaphore, #tpu.memory_space<semaphore_mem>>) src(%dma_wait3A_82 : memref<624x128xf32, #tpu.memory_space<vmem_shared>>) dst(%dma_wait3A_80 : memref<624x128xf32, #tpu.memory_space<hbm>>)
      tpu.yield
    }) : () -> ()
    %eq3A_68 = arith.constant 0 : i32
    %eq3A_69 = arith.cmpi eq, %arg1, %eq3A_68 : i32
    %convert_element_type3A_70 = arith.extui %eq3A_69 : i1 to i32
    %cond3A_71 = arith.constant 0 : i32
    %cond3A_72 = arith.cmpi ne, %convert_element_type3A_70, %cond3A_71 : i32
    scf.if %cond3A_72 {
      "tpu.region"() ({
        %run_scoped3A = tpu.sem_alloc : memref<!tpu.dma_semaphore, #tpu.memory_space<semaphore_mem>>
        %dma_start3A_73 = arith.constant 9984 : i32
        %dma_start3A_74 = arith.constant 0 : i32
        %dma_start3A_75 = tpu.memref_slice %arg6[%arg0, %dma_start3A_73, %dma_start3A_74] : memref<2x10000x128xf32, #tpu.memory_space<hbm>> -> memref<1x16x128xf32, #tpu.memory_space<hbm>>
        %dma_start3A_76 = tpu.memref_squeeze %dma_start3A_75 : memref<1x16x128xf32, #tpu.memory_space<hbm>> -> memref<16x128xf32, #tpu.memory_space<hbm>>
        %dma_start3A_77 = arith.constant 9984 : i32
        %dma_start3A_78 = arith.constant 0 : i32
        %dma_start3A_79 = tpu.memref_slice %arg19[%dma_start3A_77, %dma_start3A_78] : memref<10000x128xf32, #tpu.memory_space<vmem_shared>> -> memref<16x128xf32, #tpu.memory_space<vmem_shared>>
        tpu.enqueue_dma source(%dma_start3A_79 : memref<16x128xf32, #tpu.memory_space<vmem_shared>>) target(%dma_start3A_76 : memref<16x128xf32, #tpu.memory_space<hbm>>) target_semaphore(%run_scoped3A : memref<!tpu.dma_semaphore, #tpu.memory_space<semaphore_mem>>)
        %dma_wait3A_80 = arith.constant 9984 : i32
        %dma_wait3A_81 = arith.constant 0 : i32
        %dma_wait3A_82 = tpu.memref_slice %arg6[%arg0, %dma_wait3A_80, %dma_wait3A_81] : memref<2x10000x128xf32, #tpu.memory_space<hbm>> -> memref<1x16x128xf32, #tpu.memory_space<hbm>>
        %dma_wait3A_83 = tpu.memref_squeeze %dma_wait3A_82 : memref<1x16x128xf32, #tpu.memory_space<hbm>> -> memref<16x128xf32, #tpu.memory_space<hbm>>
        %dma_wait3A_84 = arith.constant 9984 : i32
        %dma_wait3A_85 = arith.constant 0 : i32
        %dma_wait3A_86 = tpu.memref_slice %arg19[%dma_wait3A_84, %dma_wait3A_85] : memref<10000x128xf32, #tpu.memory_space<vmem_shared>> -> memref<16x128xf32, #tpu.memory_space<vmem_shared>>
        tpu.wait_dma2 semaphore(%run_scoped3A : memref<!tpu.dma_semaphore, #tpu.memory_space<semaphore_mem>>) src(%dma_wait3A_86 : memref<16x128xf32, #tpu.memory_space<vmem_shared>>) dst(%dma_wait3A_83 : memref<16x128xf32, #tpu.memory_space<hbm>>)
        tpu.yield
      }) : () -> ()
    } else {
    }
    return
  }
}

module attributes {stable_mosaic.version = 14 : i64} {
  func.func @_dense_pre_body(%arg0: memref<10000x128xf32, #tpu.memory_space<vmem>>, %arg1: memref<128x128xf32, #tpu.memory_space<vmem>>, %arg2: memref<1x128xf32, #tpu.memory_space<vmem>>, %arg3: memref<10000x128xf32, #tpu.memory_space<vmem>>) attributes {dimension_semantics = [], scalar_prefetch = 0 : i64, scratch_operands = 0 : i64, tpu.core_type = #tpu.core_type<tc>} {
    %get3A = arith.constant 0 : index
    %get3A_0 = arith.constant 0 : index
    %get3A_1 = vector.load %arg0[%get3A, %get3A_0] : memref<10000x128xf32, #tpu.memory_space<vmem>>, vector<10000x128xf32>
    %get3A_2 = arith.constant 0 : index
    %get3A_3 = arith.constant 0 : index
    %get3A_4 = vector.load %arg1[%get3A_2, %get3A_3] : memref<128x128xf32, #tpu.memory_space<vmem>>, vector<128x128xf32>
    %dot_general3A = arith.constant dense<0.000000e+00> : vector<10000x128xf32>
    %dot_general3A_5 = tpu.matmul %get3A_1, %get3A_4, %dot_general3A {dimension_numbers = #tpu.dot_dimension_numbers<[1], [0], [0], [1], [0, 0, 1, 1], [], []>, transpose_lhs_hint = false} : vector<10000x128xf32>, vector<128x128xf32>, vector<10000x128xf32> -> vector<10000x128xf32>
    %get3A_6 = arith.constant 0 : index
    %get3A_7 = arith.constant 0 : index
    %get3A_8 = vector.load %arg2[%get3A_6, %get3A_7] : memref<1x128xf32, #tpu.memory_space<vmem>>, vector<1x128xf32>
    %add3A = vector.broadcast %get3A_8 : vector<1x128xf32> to vector<10000x128xf32>
    %add3A_9 = arith.addf %dot_general3A_5, %add3A : vector<10000x128xf32>
    %swap3A = arith.constant 0 : index
    %swap3A_10 = arith.constant 0 : index
    %swap3A_11 = vector.load %arg3[%swap3A, %swap3A_10] : memref<10000x128xf32, #tpu.memory_space<vmem>>, vector<10000x128xf32>
    tpu.vector_store %arg3[%swap3A, %swap3A_10], %add3A_9 {strides = array<i32>} : memref<10000x128xf32, #tpu.memory_space<vmem>>, vector<10000x128xf32>,
    return
  }
}

module attributes {stable_mosaic.version = 14 : i64} {
  func.func @_deg_col_body(%arg0: memref<2x10000x128xf32, #tpu.memory_space<vmem>>, %arg1: memref<10000x1xf32, #tpu.memory_space<vmem>>) attributes {dimension_semantics = [], scalar_prefetch = 0 : i64, scratch_operands = 0 : i64, tpu.core_type = #tpu.core_type<tc>} {
    %get3A = arith.constant 0 : index
    %get3A_0 = arith.constant 0 : index
    %get3A_1 = arith.constant 0 : index
    %get3A_2 = vector.load %arg0[%get3A, %get3A_0, %get3A_1] : memref<2x10000x128xf32, #tpu.memory_space<vmem>>, vector<1x10000x1xf32>
    %get3A_3 = vector.shape_cast %get3A_2 : vector<1x10000x1xf32> to vector<10000x1xf32>
    %get3A_4 = arith.constant 1 : index
    %get3A_5 = arith.constant 0 : index
    %get3A_6 = arith.constant 0 : index
    %get3A_7 = vector.load %arg0[%get3A_4, %get3A_5, %get3A_6] : memref<2x10000x128xf32, #tpu.memory_space<vmem>>, vector<1x10000x1xf32>
    %get3A_8 = vector.shape_cast %get3A_7 : vector<1x10000x1xf32> to vector<10000x1xf32>
    %add3A = arith.addf %get3A_3, %get3A_8 : vector<10000x1xf32>
    %max3A = arith.constant 1.000000e+00 : f32
    %max3A_9 = vector.broadcast %max3A : f32 to vector<10000x1xf32>
    %max3A_10 = arith.maximumf %add3A, %max3A_9 : vector<10000x1xf32>
    %swap3A = arith.constant 0 : index
    %swap3A_11 = arith.constant 0 : index
    %swap3A_12 = vector.load %arg1[%swap3A, %swap3A_11] : memref<10000x1xf32, #tpu.memory_space<vmem>>, vector<10000x1xf32>
    tpu.vector_store %arg1[%swap3A, %swap3A_11], %max3A_10 {strides = array<i32>} : memref<10000x1xf32, #tpu.memory_space<vmem>>, vector<10000x1xf32>,
    return
  }
}

module attributes {stable_mosaic.version = 14 : i64} {
  func.func @_dense_fin_body(%arg0: memref<2x10000x128xf32, #tpu.memory_space<vmem>>, %arg1: memref<10000x1xf32, #tpu.memory_space<vmem>>, %arg2: memref<10000x128xf32, #tpu.memory_space<vmem>>, %arg3: memref<10000x128xf32, #tpu.memory_space<vmem>>, %arg4: memref<128x128xf32, #tpu.memory_space<vmem>>, %arg5: memref<1x128xf32, #tpu.memory_space<vmem>>, %arg6: memref<1x128xf32, #tpu.memory_space<vmem>>, %arg7: memref<1x128xf32, #tpu.memory_space<vmem>>, %arg8: memref<10000x128xf32, #tpu.memory_space<vmem>>) attributes {dimension_semantics = [], scalar_prefetch = 0 : i64, scratch_operands = 0 : i64, tpu.core_type = #tpu.core_type<tc>} {
    %get3A = arith.constant 0 : index
    %get3A_0 = arith.constant 0 : index
    %get3A_1 = arith.constant 0 : index
    %get3A_2 = vector.load %arg0[%get3A, %get3A_0, %get3A_1] : memref<2x10000x128xf32, #tpu.memory_space<vmem>>, vector<1x10000x128xf32>
    %get3A_3 = vector.shape_cast %get3A_2 : vector<1x10000x128xf32> to vector<10000x128xf32>
    %get3A_4 = arith.constant 1 : index
    %get3A_5 = arith.constant 0 : index
    %get3A_6 = arith.constant 0 : index
    %get3A_7 = vector.load %arg0[%get3A_4, %get3A_5, %get3A_6] : memref<2x10000x128xf32, #tpu.memory_space<vmem>>, vector<1x10000x128xf32>
    %get3A_8 = vector.shape_cast %get3A_7 : vector<1x10000x128xf32> to vector<10000x128xf32>
    %add3A = arith.addf %get3A_3, %get3A_8 : vector<10000x128xf32>
    %get3A_9 = arith.constant 0 : index
    %get3A_10 = arith.constant 0 : index
    %get3A_11 = vector.load %arg1[%get3A_9, %get3A_10] : memref<10000x1xf32, #tpu.memory_space<vmem>>, vector<10000x1xf32>
    %div3A = vector.broadcast %get3A_11 : vector<10000x1xf32> to vector<10000x128xf32>
    %div3A_12 = arith.divf %add3A, %div3A : vector<10000x128xf32>
    %get3A_13 = arith.constant 0 : index
    %get3A_14 = arith.constant 0 : index
    %get3A_15 = vector.load %arg4[%get3A_13, %get3A_14] : memref<128x128xf32, #tpu.memory_space<vmem>>, vector<128x128xf32>
    %dot_general3A = arith.constant dense<0.000000e+00> : vector<10000x128xf32>
    %dot_general3A_16 = tpu.matmul %div3A_12, %get3A_15, %dot_general3A {dimension_numbers = #tpu.dot_dimension_numbers<[1], [0], [0], [1], [0, 0, 1, 1], [], []>, transpose_lhs_hint = false} : vector<10000x128xf32>, vector<128x128xf32>, vector<10000x128xf32> -> vector<10000x128xf32>
    %get3A_17 = arith.constant 0 : index
    %get3A_18 = arith.constant 0 : index
    %get3A_19 = vector.load %arg2[%get3A_17, %get3A_18] : memref<10000x128xf32, #tpu.memory_space<vmem>>, vector<10000x128xf32>
    %add3A_20 = arith.addf %dot_general3A_16, %get3A_19 : vector<10000x128xf32>
    %mul3A = arith.constant 5.000000e-01 : f32
    %mul3A_21 = vector.broadcast %mul3A : f32 to vector<10000x128xf32>
    %mul3A_22 = arith.mulf %add3A_20, %mul3A_21 : vector<10000x128xf32>
    %mul3A_23 = arith.constant 0.707106769 : f32
    %mul3A_24 = vector.broadcast %mul3A_23 : f32 to vector<10000x128xf32>
    %mul3A_25 = arith.mulf %add3A_20, %mul3A_24 : vector<10000x128xf32>
    %erf3A = math.erf %mul3A_25 : vector<10000x128xf32>
    %add3A_26 = arith.constant 1.000000e+00 : f32
    %add3A_27 = vector.broadcast %add3A_26 : f32 to vector<10000x128xf32>
    %add3A_28 = arith.addf %add3A_27, %erf3A : vector<10000x128xf32>
    %mul3A_29 = arith.mulf %mul3A_22, %add3A_28 : vector<10000x128xf32>
    %reduce_sum3A = arith.constant dense<0.000000e+00> : vector<128xf32>
    %reduce_sum3A_30 = vector.multi_reduction <add>, %mul3A_29, %reduce_sum3A [0] : vector<10000x128xf32> to vector<128xf32>
    %broadcast_in_dim3A = vector.shape_cast %reduce_sum3A_30 : vector<128xf32> to vector<1x128xf32>
    %div3A_31 = arith.constant 1.000000e+04 : f32
    %div3A_32 = vector.broadcast %div3A_31 : f32 to vector<1x128xf32>
    %div3A_33 = arith.divf %broadcast_in_dim3A, %div3A_32 : vector<1x128xf32>
    %get3A_34 = arith.constant 0 : index
    %get3A_35 = arith.constant 0 : index
    %get3A_36 = vector.load %arg7[%get3A_34, %get3A_35] : memref<1x128xf32, #tpu.memory_space<vmem>>, vector<1x128xf32>
    %mul3A_37 = arith.mulf %get3A_36, %div3A_33 : vector<1x128xf32>
    %sub3A = vector.broadcast %mul3A_37 : vector<1x128xf32> to vector<10000x128xf32>
    %sub3A_38 = arith.subf %mul3A_29, %sub3A : vector<10000x128xf32>
    %mul3A_39 = arith.mulf %sub3A_38, %sub3A_38 : vector<10000x128xf32>
    %reduce_sum3A_40 = arith.constant dense<0.000000e+00> : vector<128xf32>
    %reduce_sum3A_41 = vector.multi_reduction <add>, %mul3A_39, %reduce_sum3A_40 [0] : vector<10000x128xf32> to vector<128xf32>
    %broadcast_in_dim3A_42 = vector.shape_cast %reduce_sum3A_41 : vector<128xf32> to vector<1x128xf32>
    %div3A_43 = arith.constant 1.000000e+04 : f32
    %div3A_44 = vector.broadcast %div3A_43 : f32 to vector<1x128xf32>
    %div3A_45 = arith.divf %broadcast_in_dim3A_42, %div3A_44 : vector<1x128xf32>
    %get3A_46 = arith.constant 0 : index
    %get3A_47 = arith.constant 0 : index
    %get3A_48 = vector.load %arg5[%get3A_46, %get3A_47] : memref<1x128xf32, #tpu.memory_space<vmem>>, vector<1x128xf32>
    %mul3A_49 = vector.broadcast %get3A_48 : vector<1x128xf32> to vector<10000x128xf32>
    %mul3A_50 = arith.mulf %mul3A_49, %sub3A_38 : vector<10000x128xf32>
    %add3A_51 = arith.constant 9.99999974E-6 : f32
    %add3A_52 = vector.broadcast %add3A_51 : f32 to vector<1x128xf32>
    %add3A_53 = arith.addf %div3A_45, %add3A_52 : vector<1x128xf32>
    %rsqrt3A = math.rsqrt %add3A_53 : vector<1x128xf32>
    %mul3A_54 = vector.broadcast %rsqrt3A : vector<1x128xf32> to vector<10000x128xf32>
    %mul3A_55 = arith.mulf %mul3A_50, %mul3A_54 : vector<10000x128xf32>
    %get3A_56 = arith.constant 0 : index
    %get3A_57 = arith.constant 0 : index
    %get3A_58 = vector.load %arg6[%get3A_56, %get3A_57] : memref<1x128xf32, #tpu.memory_space<vmem>>, vector<1x128xf32>
    %add3A_59 = vector.broadcast %get3A_58 : vector<1x128xf32> to vector<10000x128xf32>
    %add3A_60 = arith.addf %mul3A_55, %add3A_59 : vector<10000x128xf32>
    %swap3A = arith.constant 0 : index
    %swap3A_61 = arith.constant 0 : index
    %swap3A_62 = vector.load %arg8[%swap3A, %swap3A_61] : memref<10000x128xf32, #tpu.memory_space<vmem>>, vector<10000x128xf32>
    tpu.vector_store %arg8[%swap3A, %swap3A_61], %add3A_60 {strides = array<i32>} : memref<10000x128xf32, #tpu.memory_space<vmem>>, vector<10000x128xf32>,
    return
  }
}

module attributes {stable_mosaic.version = 14 : i64} {
  func.func @_dense_fin_body(%arg0: memref<2x10000x128xf32, #tpu.memory_space<vmem>>, %arg1: memref<10000x1xf32, #tpu.memory_space<vmem>>, %arg2: memref<10000x128xf32, #tpu.memory_space<vmem>>, %arg3: memref<10000x128xf32, #tpu.memory_space<vmem>>, %arg4: memref<128x128xf32, #tpu.memory_space<vmem>>, %arg5: memref<1x128xf32, #tpu.memory_space<vmem>>, %arg6: memref<1x128xf32, #tpu.memory_space<vmem>>, %arg7: memref<1x128xf32, #tpu.memory_space<vmem>>, %arg8: memref<10000x128xf32, #tpu.memory_space<vmem>>) attributes {dimension_semantics = [], scalar_prefetch = 0 : i64, scratch_operands = 0 : i64, tpu.core_type = #tpu.core_type<tc>} {
    %get3A = arith.constant 0 : index
    %get3A_0 = arith.constant 0 : index
    %get3A_1 = arith.constant 0 : index
    %get3A_2 = vector.load %arg0[%get3A, %get3A_0, %get3A_1] : memref<2x10000x128xf32, #tpu.memory_space<vmem>>, vector<1x10000x128xf32>
    %get3A_3 = vector.shape_cast %get3A_2 : vector<1x10000x128xf32> to vector<10000x128xf32>
    %get3A_4 = arith.constant 1 : index
    %get3A_5 = arith.constant 0 : index
    %get3A_6 = arith.constant 0 : index
    %get3A_7 = vector.load %arg0[%get3A_4, %get3A_5, %get3A_6] : memref<2x10000x128xf32, #tpu.memory_space<vmem>>, vector<1x10000x128xf32>
    %get3A_8 = vector.shape_cast %get3A_7 : vector<1x10000x128xf32> to vector<10000x128xf32>
    %add3A = arith.addf %get3A_3, %get3A_8 : vector<10000x128xf32>
    %get3A_9 = arith.constant 0 : index
    %get3A_10 = arith.constant 0 : index
    %get3A_11 = vector.load %arg1[%get3A_9, %get3A_10] : memref<10000x1xf32, #tpu.memory_space<vmem>>, vector<10000x1xf32>
    %div3A = vector.broadcast %get3A_11 : vector<10000x1xf32> to vector<10000x128xf32>
    %div3A_12 = arith.divf %add3A, %div3A : vector<10000x128xf32>
    %get3A_13 = arith.constant 0 : index
    %get3A_14 = arith.constant 0 : index
    %get3A_15 = vector.load %arg4[%get3A_13, %get3A_14] : memref<128x128xf32, #tpu.memory_space<vmem>>, vector<128x128xf32>
    %dot_general3A = arith.constant dense<0.000000e+00> : vector<10000x128xf32>
    %dot_general3A_16 = tpu.matmul %div3A_12, %get3A_15, %dot_general3A {dimension_numbers = #tpu.dot_dimension_numbers<[1], [0], [0], [1], [0, 0, 1, 1], [], []>, transpose_lhs_hint = false} : vector<10000x128xf32>, vector<128x128xf32>, vector<10000x128xf32> -> vector<10000x128xf32>
    %get3A_17 = arith.constant 0 : index
    %get3A_18 = arith.constant 0 : index
    %get3A_19 = vector.load %arg2[%get3A_17, %get3A_18] : memref<10000x128xf32, #tpu.memory_space<vmem>>, vector<10000x128xf32>
    %add3A_20 = arith.addf %dot_general3A_16, %get3A_19 : vector<10000x128xf32>
    %mul3A = arith.constant 5.000000e-01 : f32
    %mul3A_21 = vector.broadcast %mul3A : f32 to vector<10000x128xf32>
    %mul3A_22 = arith.mulf %add3A_20, %mul3A_21 : vector<10000x128xf32>
    %mul3A_23 = arith.constant 0.707106769 : f32
    %mul3A_24 = vector.broadcast %mul3A_23 : f32 to vector<10000x128xf32>
    %mul3A_25 = arith.mulf %add3A_20, %mul3A_24 : vector<10000x128xf32>
    %erf3A = math.erf %mul3A_25 : vector<10000x128xf32>
    %add3A_26 = arith.constant 1.000000e+00 : f32
    %add3A_27 = vector.broadcast %add3A_26 : f32 to vector<10000x128xf32>
    %add3A_28 = arith.addf %add3A_27, %erf3A : vector<10000x128xf32>
    %mul3A_29 = arith.mulf %mul3A_22, %add3A_28 : vector<10000x128xf32>
    %reduce_sum3A = arith.constant dense<0.000000e+00> : vector<128xf32>
    %reduce_sum3A_30 = vector.multi_reduction <add>, %mul3A_29, %reduce_sum3A [0] : vector<10000x128xf32> to vector<128xf32>
    %broadcast_in_dim3A = vector.shape_cast %reduce_sum3A_30 : vector<128xf32> to vector<1x128xf32>
    %div3A_31 = arith.constant 1.000000e+04 : f32
    %div3A_32 = vector.broadcast %div3A_31 : f32 to vector<1x128xf32>
    %div3A_33 = arith.divf %broadcast_in_dim3A, %div3A_32 : vector<1x128xf32>
    %get3A_34 = arith.constant 0 : index
    %get3A_35 = arith.constant 0 : index
    %get3A_36 = vector.load %arg7[%get3A_34, %get3A_35] : memref<1x128xf32, #tpu.memory_space<vmem>>, vector<1x128xf32>
    %mul3A_37 = arith.mulf %get3A_36, %div3A_33 : vector<1x128xf32>
    %sub3A = vector.broadcast %mul3A_37 : vector<1x128xf32> to vector<10000x128xf32>
    %sub3A_38 = arith.subf %mul3A_29, %sub3A : vector<10000x128xf32>
    %mul3A_39 = arith.mulf %sub3A_38, %sub3A_38 : vector<10000x128xf32>
    %reduce_sum3A_40 = arith.constant dense<0.000000e+00> : vector<128xf32>
    %reduce_sum3A_41 = vector.multi_reduction <add>, %mul3A_39, %reduce_sum3A_40 [0] : vector<10000x128xf32> to vector<128xf32>
    %broadcast_in_dim3A_42 = vector.shape_cast %reduce_sum3A_41 : vector<128xf32> to vector<1x128xf32>
    %div3A_43 = arith.constant 1.000000e+04 : f32
    %div3A_44 = vector.broadcast %div3A_43 : f32 to vector<1x128xf32>
    %div3A_45 = arith.divf %broadcast_in_dim3A_42, %div3A_44 : vector<1x128xf32>
    %get3A_46 = arith.constant 0 : index
    %get3A_47 = arith.constant 0 : index
    %get3A_48 = vector.load %arg5[%get3A_46, %get3A_47] : memref<1x128xf32, #tpu.memory_space<vmem>>, vector<1x128xf32>
    %mul3A_49 = vector.broadcast %get3A_48 : vector<1x128xf32> to vector<10000x128xf32>
    %mul3A_50 = arith.mulf %mul3A_49, %sub3A_38 : vector<10000x128xf32>
    %add3A_51 = arith.constant 9.99999974E-6 : f32
    %add3A_52 = vector.broadcast %add3A_51 : f32 to vector<1x128xf32>
    %add3A_53 = arith.addf %div3A_45, %add3A_52 : vector<1x128xf32>
    %rsqrt3A = math.rsqrt %add3A_53 : vector<1x128xf32>
    %mul3A_54 = vector.broadcast %rsqrt3A : vector<1x128xf32> to vector<10000x128xf32>
    %mul3A_55 = arith.mulf %mul3A_50, %mul3A_54 : vector<10000x128xf32>
    %get3A_56 = arith.constant 0 : index
    %get3A_57 = arith.constant 0 : index
    %get3A_58 = vector.load %arg6[%get3A_56, %get3A_57] : memref<1x128xf32, #tpu.memory_space<vmem>>, vector<1x128xf32>
    %add3A_59 = vector.broadcast %get3A_58 : vector<1x128xf32> to vector<10000x128xf32>
    %add3A_60 = arith.addf %mul3A_55, %add3A_59 : vector<10000x128xf32>
    %get3A_61 = arith.constant 0 : index
    %get3A_62 = arith.constant 0 : index
    %get3A_63 = vector.load %arg3[%get3A_61, %get3A_62] : memref<10000x128xf32, #tpu.memory_space<vmem>>, vector<10000x128xf32>
    %add3A_64 = arith.addf %add3A_60, %get3A_63 : vector<10000x128xf32>
    %swap3A = arith.constant 0 : index
    %swap3A_65 = arith.constant 0 : index
    %swap3A_66 = vector.load %arg8[%swap3A, %swap3A_65] : memref<10000x128xf32, #tpu.memory_space<vmem>>, vector<10000x128xf32>
    tpu.vector_store %arg8[%swap3A, %swap3A_65], %add3A_64 {strides = array<i32>} : memref<10000x128xf32, #tpu.memory_space<vmem>>, vector<10000x128xf32>,
    return
  }
}

module attributes {stable_mosaic.version = 14 : i64} {
  func.func @_tail_body(%arg0: memref<2x10000x128xf32, #tpu.memory_space<vmem>>, %arg1: memref<10000x1xf32, #tpu.memory_space<vmem>>, %arg2: memref<10000x128xf32, #tpu.memory_space<vmem>>, %arg3: memref<10000x128xf32, #tpu.memory_space<vmem>>, %arg4: memref<128x128xf32, #tpu.memory_space<vmem>>, %arg5: memref<1x128xf32, #tpu.memory_space<vmem>>, %arg6: memref<1x128xf32, #tpu.memory_space<vmem>>, %arg7: memref<1x128xf32, #tpu.memory_space<vmem>>, %arg8: memref<10000x128xf32, #tpu.memory_space<vmem>>, %arg9: memref<10000x128xf32, #tpu.memory_space<vmem>>, %arg10: memref<10000x128xf32, #tpu.memory_space<vmem>>, %arg11: memref<1x1xf32, #tpu.memory_space<vmem>>, %arg12: memref<3x128xf32, #tpu.memory_space<vmem>>, %arg13: memref<3x128xf32, #tpu.memory_space<vmem>>, %arg14: memref<3x128x128xf32, #tpu.memory_space<vmem>>, %arg15: memref<1x128xf32, #tpu.memory_space<vmem>>, %arg16: memref<128x128xf32, #tpu.memory_space<vmem>>, %arg17: memref<1x128xf32, #tpu.memory_space<vmem>>, %arg18: memref<128x128xf32, #tpu.memory_space<vmem>>, %arg19: memref<1x128xf32, #tpu.memory_space<vmem>>, %arg20: memref<128x128xf32, #tpu.memory_space<vmem>>, %arg21: memref<1x128xf32, #tpu.memory_space<vmem>>, %arg22: memref<128x128xf32, #tpu.memory_space<vmem>>, %arg23: memref<1x128xf32, #tpu.memory_space<vmem>>, %arg24: memref<10000x128xf32, #tpu.memory_space<vmem>>, %arg25: memref<1x128xf32, #tpu.memory_space<vmem>>) attributes {dimension_semantics = [], scalar_prefetch = 0 : i64, scratch_operands = 0 : i64, tpu.core_type = #tpu.core_type<tc>} {
    %get3A = arith.constant 0 : index
    %get3A_0 = arith.constant 0 : index
    %get3A_1 = arith.constant 0 : index
    %get3A_2 = vector.load %arg0[%get3A, %get3A_0, %get3A_1] : memref<2x10000x128xf32, #tpu.memory_space<vmem>>, vector<1x10000x128xf32>
    %get3A_3 = vector.shape_cast %get3A_2 : vector<1x10000x128xf32> to vector<10000x128xf32>
    %get3A_4 = arith.constant 1 : index
    %get3A_5 = arith.constant 0 : index
    %get3A_6 = arith.constant 0 : index
    %get3A_7 = vector.load %arg0[%get3A_4, %get3A_5, %get3A_6] : memref<2x10000x128xf32, #tpu.memory_space<vmem>>, vector<1x10000x128xf32>
    %get3A_8 = vector.shape_cast %get3A_7 : vector<1x10000x128xf32> to vector<10000x128xf32>
    %add3A = arith.addf %get3A_3, %get3A_8 : vector<10000x128xf32>
    %get3A_9 = arith.constant 0 : index
    %get3A_10 = arith.constant 0 : index
    %get3A_11 = vector.load %arg1[%get3A_9, %get3A_10] : memref<10000x1xf32, #tpu.memory_space<vmem>>, vector<10000x1xf32>
    %div3A = vector.broadcast %get3A_11 : vector<10000x1xf32> to vector<10000x128xf32>
    %div3A_12 = arith.divf %add3A, %div3A : vector<10000x128xf32>
    %get3A_13 = arith.constant 0 : index
    %get3A_14 = arith.constant 0 : index
    %get3A_15 = vector.load %arg4[%get3A_13, %get3A_14] : memref<128x128xf32, #tpu.memory_space<vmem>>, vector<128x128xf32>
    %dot_general3A = arith.constant dense<0.000000e+00> : vector<10000x128xf32>
    %dot_general3A_16 = tpu.matmul %div3A_12, %get3A_15, %dot_general3A {dimension_numbers = #tpu.dot_dimension_numbers<[1], [0], [0], [1], [0, 0, 1, 1], [], []>, transpose_lhs_hint = false} : vector<10000x128xf32>, vector<128x128xf32>, vector<10000x128xf32> -> vector<10000x128xf32>
    %get3A_17 = arith.constant 0 : index
    %get3A_18 = arith.constant 0 : index
    %get3A_19 = vector.load %arg2[%get3A_17, %get3A_18] : memref<10000x128xf32, #tpu.memory_space<vmem>>, vector<10000x128xf32>
    %add3A_20 = arith.addf %dot_general3A_16, %get3A_19 : vector<10000x128xf32>
    %mul3A = arith.constant 5.000000e-01 : f32
    %mul3A_21 = vector.broadcast %mul3A : f32 to vector<10000x128xf32>
    %mul3A_22 = arith.mulf %add3A_20, %mul3A_21 : vector<10000x128xf32>
    %mul3A_23 = arith.constant 0.707106769 : f32
    %mul3A_24 = vector.broadcast %mul3A_23 : f32 to vector<10000x128xf32>
    %mul3A_25 = arith.mulf %add3A_20, %mul3A_24 : vector<10000x128xf32>
    %erf3A = math.erf %mul3A_25 : vector<10000x128xf32>
    %add3A_26 = arith.constant 1.000000e+00 : f32
    %add3A_27 = vector.broadcast %add3A_26 : f32 to vector<10000x128xf32>
    %add3A_28 = arith.addf %add3A_27, %erf3A : vector<10000x128xf32>
    %mul3A_29 = arith.mulf %mul3A_22, %add3A_28 : vector<10000x128xf32>
    %reduce_sum3A = arith.constant dense<0.000000e+00> : vector<128xf32>
    %reduce_sum3A_30 = vector.multi_reduction <add>, %mul3A_29, %reduce_sum3A [0] : vector<10000x128xf32> to vector<128xf32>
    %broadcast_in_dim3A = vector.shape_cast %reduce_sum3A_30 : vector<128xf32> to vector<1x128xf32>
    %div3A_31 = arith.constant 1.000000e+04 : f32
    %div3A_32 = vector.broadcast %div3A_31 : f32 to vector<1x128xf32>
    %div3A_33 = arith.divf %broadcast_in_dim3A, %div3A_32 : vector<1x128xf32>
    %get3A_34 = arith.constant 0 : index
    %get3A_35 = arith.constant 0 : index
    %get3A_36 = vector.load %arg7[%get3A_34, %get3A_35] : memref<1x128xf32, #tpu.memory_space<vmem>>, vector<1x128xf32>
    %mul3A_37 = arith.mulf %get3A_36, %div3A_33 : vector<1x128xf32>
    %sub3A = vector.broadcast %mul3A_37 : vector<1x128xf32> to vector<10000x128xf32>
    %sub3A_38 = arith.subf %mul3A_29, %sub3A : vector<10000x128xf32>
    %mul3A_39 = arith.mulf %sub3A_38, %sub3A_38 : vector<10000x128xf32>
    %reduce_sum3A_40 = arith.constant dense<0.000000e+00> : vector<128xf32>
    %reduce_sum3A_41 = vector.multi_reduction <add>, %mul3A_39, %reduce_sum3A_40 [0] : vector<10000x128xf32> to vector<128xf32>
    %broadcast_in_dim3A_42 = vector.shape_cast %reduce_sum3A_41 : vector<128xf32> to vector<1x128xf32>
    %div3A_43 = arith.constant 1.000000e+04 : f32
    %div3A_44 = vector.broadcast %div3A_43 : f32 to vector<1x128xf32>
    %div3A_45 = arith.divf %broadcast_in_dim3A_42, %div3A_44 : vector<1x128xf32>
    %get3A_46 = arith.constant 0 : index
    %get3A_47 = arith.constant 0 : index
    %get3A_48 = vector.load %arg5[%get3A_46, %get3A_47] : memref<1x128xf32, #tpu.memory_space<vmem>>, vector<1x128xf32>
    %mul3A_49 = vector.broadcast %get3A_48 : vector<1x128xf32> to vector<10000x128xf32>
    %mul3A_50 = arith.mulf %mul3A_49, %sub3A_38 : vector<10000x128xf32>
    %add3A_51 = arith.constant 9.99999974E-6 : f32
    %add3A_52 = vector.broadcast %add3A_51 : f32 to vector<1x128xf32>
    %add3A_53 = arith.addf %div3A_45, %add3A_52 : vector<1x128xf32>
    %rsqrt3A = math.rsqrt %add3A_53 : vector<1x128xf32>
    %mul3A_54 = vector.broadcast %rsqrt3A : vector<1x128xf32> to vector<10000x128xf32>
    %mul3A_55 = arith.mulf %mul3A_50, %mul3A_54 : vector<10000x128xf32>
    %get3A_56 = arith.constant 0 : index
    %get3A_57 = arith.constant 0 : index
    %get3A_58 = vector.load %arg6[%get3A_56, %get3A_57] : memref<1x128xf32, #tpu.memory_space<vmem>>, vector<1x128xf32>
    %add3A_59 = vector.broadcast %get3A_58 : vector<1x128xf32> to vector<10000x128xf32>
    %add3A_60 = arith.addf %mul3A_55, %add3A_59 : vector<10000x128xf32>
    %get3A_61 = arith.constant 0 : index
    %get3A_62 = arith.constant 0 : index
    %get3A_63 = vector.load %arg3[%get3A_61, %get3A_62] : memref<10000x128xf32, #tpu.memory_space<vmem>>, vector<10000x128xf32>
    %add3A_64 = arith.addf %add3A_60, %get3A_63 : vector<10000x128xf32>
    %get3A_65 = arith.constant 0 : index
    %get3A_66 = arith.constant 0 : index
    %get3A_67 = vector.load %arg11[%get3A_65, %get3A_66] : memref<1x1xf32, #tpu.memory_space<vmem>>, vector<1x1xf32>
    %get3A_68 = vector.extract %get3A_67[0, 0] : f32 from vector<1x1xf32>
    %get3A_69 = arith.constant 0 : index
    %get3A_70 = arith.constant 0 : index
    %get3A_71 = vector.load %arg15[%get3A_69, %get3A_70] : memref<1x128xf32, #tpu.memory_space<vmem>>, vector<1x128xf32>
    %get3A_72 = arith.constant 0 : index
    %get3A_73 = arith.constant 0 : index
    %get3A_74 = vector.load %arg8[%get3A_72, %get3A_73] : memref<10000x128xf32, #tpu.memory_space<vmem>>, vector<10000x128xf32>
    %get3A_75 = arith.constant 0 : index
    %get3A_76 = arith.constant 0 : index
    %get3A_77 = vector.load %arg9[%get3A_75, %get3A_76] : memref<10000x128xf32, #tpu.memory_space<vmem>>, vector<10000x128xf32>
    %get3A_78 = arith.constant 0 : index
    %get3A_79 = arith.constant 0 : index
    %get3A_80 = vector.load %arg12[%get3A_78, %get3A_79] : memref<3x128xf32, #tpu.memory_space<vmem>>, vector<1x128xf32>
    %mul3A_81 = vector.broadcast %get3A_68 : f32 to vector<10000x128xf32>
    %mul3A_82 = arith.mulf %mul3A_81, %get3A_74 : vector<10000x128xf32>
    %tanh3A = math.tanh %mul3A_82 : vector<10000x128xf32>
    %mul3A_83 = vector.broadcast %get3A_80 : vector<1x128xf32> to vector<10000x128xf32>
    %mul3A_84 = arith.mulf %mul3A_83, %tanh3A : vector<10000x128xf32>
    %get3A_85 = arith.constant 0 : index
    %get3A_86 = arith.constant 0 : index
    %get3A_87 = vector.load %arg13[%get3A_85, %get3A_86] : memref<3x128xf32, #tpu.memory_space<vmem>>, vector<1x128xf32>
    %add3A_88 = vector.broadcast %get3A_87 : vector<1x128xf32> to vector<10000x128xf32>
    %add3A_89 = arith.addf %mul3A_84, %add3A_88 : vector<10000x128xf32>
    %get3A_90 = arith.constant 0 : index
    %get3A_91 = arith.constant 0 : index
    %get3A_92 = arith.constant 0 : index
    %get3A_93 = vector.load %arg14[%get3A_90, %get3A_91, %get3A_92] : memref<3x128x128xf32, #tpu.memory_space<vmem>>, vector<1x128x128xf32>
    %get3A_94 = vector.shape_cast %get3A_93 : vector<1x128x128xf32> to vector<128x128xf32>
    %dot_general3A_95 = arith.constant dense<0.000000e+00> : vector<10000x128xf32>
    %dot_general3A_96 = tpu.matmul %add3A_89, %get3A_94, %dot_general3A_95 {dimension_numbers = #tpu.dot_dimension_numbers<[1], [0], [0], [1], [0, 0, 1, 1], [], []>, transpose_lhs_hint = false} : vector<10000x128xf32>, vector<128x128xf32>, vector<10000x128xf32> -> vector<10000x128xf32>
    %add3A_97 = vector.broadcast %get3A_71 : vector<1x128xf32> to vector<10000x128xf32>
    %add3A_98 = arith.addf %add3A_97, %dot_general3A_96 : vector<10000x128xf32>
    %get3A_99 = arith.constant 1 : index
    %get3A_100 = arith.constant 0 : index
    %get3A_101 = vector.load %arg12[%get3A_99, %get3A_100] : memref<3x128xf32, #tpu.memory_space<vmem>>, vector<1x128xf32>
    %mul3A_102 = vector.broadcast %get3A_68 : f32 to vector<10000x128xf32>
    %mul3A_103 = arith.mulf %mul3A_102, %get3A_77 : vector<10000x128xf32>
    %tanh3A_104 = math.tanh %mul3A_103 : vector<10000x128xf32>
    %mul3A_105 = vector.broadcast %get3A_101 : vector<1x128xf32> to vector<10000x128xf32>
    %mul3A_106 = arith.mulf %mul3A_105, %tanh3A_104 : vector<10000x128xf32>
    %get3A_107 = arith.constant 1 : index
    %get3A_108 = arith.constant 0 : index
    %get3A_109 = vector.load %arg13[%get3A_107, %get3A_108] : memref<3x128xf32, #tpu.memory_space<vmem>>, vector<1x128xf32>
    %add3A_110 = vector.broadcast %get3A_109 : vector<1x128xf32> to vector<10000x128xf32>
    %add3A_111 = arith.addf %mul3A_106, %add3A_110 : vector<10000x128xf32>
    %get3A_112 = arith.constant 1 : index
    %get3A_113 = arith.constant 0 : index
    %get3A_114 = arith.constant 0 : index
    %get3A_115 = vector.load %arg14[%get3A_112, %get3A_113, %get3A_114] : memref<3x128x128xf32, #tpu.memory_space<vmem>>, vector<1x128x128xf32>
    %get3A_116 = vector.shape_cast %get3A_115 : vector<1x128x128xf32> to vector<128x128xf32>
    %dot_general3A_117 = arith.constant dense<0.000000e+00> : vector<10000x128xf32>
    %dot_general3A_118 = tpu.matmul %add3A_111, %get3A_116, %dot_general3A_117 {dimension_numbers = #tpu.dot_dimension_numbers<[1], [0], [0], [1], [0, 0, 1, 1], [], []>, transpose_lhs_hint = false} : vector<10000x128xf32>, vector<128x128xf32>, vector<10000x128xf32> -> vector<10000x128xf32>
    %add3A_119 = arith.addf %add3A_98, %dot_general3A_118 : vector<10000x128xf32>
    %get3A_120 = arith.constant 2 : index
    %get3A_121 = arith.constant 0 : index
    %get3A_122 = vector.load %arg12[%get3A_120, %get3A_121] : memref<3x128xf32, #tpu.memory_space<vmem>>, vector<1x128xf32>
    %mul3A_123 = vector.broadcast %get3A_68 : f32 to vector<10000x128xf32>
    %mul3A_124 = arith.mulf %mul3A_123, %add3A_64 : vector<10000x128xf32>
    %tanh3A_125 = math.tanh %mul3A_124 : vector<10000x128xf32>
    %mul3A_126 = vector.broadcast %get3A_122 : vector<1x128xf32> to vector<10000x128xf32>
    %mul3A_127 = arith.mulf %mul3A_126, %tanh3A_125 : vector<10000x128xf32>
    %get3A_128 = arith.constant 2 : index
    %get3A_129 = arith.constant 0 : index
    %get3A_130 = vector.load %arg13[%get3A_128, %get3A_129] : memref<3x128xf32, #tpu.memory_space<vmem>>, vector<1x128xf32>
    %add3A_131 = vector.broadcast %get3A_130 : vector<1x128xf32> to vector<10000x128xf32>
    %add3A_132 = arith.addf %mul3A_127, %add3A_131 : vector<10000x128xf32>
    %get3A_133 = arith.constant 2 : index
    %get3A_134 = arith.constant 0 : index
    %get3A_135 = arith.constant 0 : index
    %get3A_136 = vector.load %arg14[%get3A_133, %get3A_134, %get3A_135] : memref<3x128x128xf32, #tpu.memory_space<vmem>>, vector<1x128x128xf32>
    %get3A_137 = vector.shape_cast %get3A_136 : vector<1x128x128xf32> to vector<128x128xf32>
    %dot_general3A_138 = arith.constant dense<0.000000e+00> : vector<10000x128xf32>
    %dot_general3A_139 = tpu.matmul %add3A_132, %get3A_137, %dot_general3A_138 {dimension_numbers = #tpu.dot_dimension_numbers<[1], [0], [0], [1], [0, 0, 1, 1], [], []>, transpose_lhs_hint = false} : vector<10000x128xf32>, vector<128x128xf32>, vector<10000x128xf32> -> vector<10000x128xf32>
    %add3A_140 = arith.addf %add3A_119, %dot_general3A_139 : vector<10000x128xf32>
    %mul3A_141 = arith.constant 5.000000e-01 : f32
    %mul3A_142 = vector.broadcast %mul3A_141 : f32 to vector<10000x128xf32>
    %mul3A_143 = arith.mulf %add3A_140, %mul3A_142 : vector<10000x128xf32>
    %mul3A_144 = arith.constant 0.707106769 : f32
    %mul3A_145 = vector.broadcast %mul3A_144 : f32 to vector<10000x128xf32>
    %mul3A_146 = arith.mulf %add3A_140, %mul3A_145 : vector<10000x128xf32>
    %erf3A_147 = math.erf %mul3A_146 : vector<10000x128xf32>
    %add3A_148 = arith.constant 1.000000e+00 : f32
    %add3A_149 = vector.broadcast %add3A_148 : f32 to vector<10000x128xf32>
    %add3A_150 = arith.addf %add3A_149, %erf3A_147 : vector<10000x128xf32>
    %mul3A_151 = arith.mulf %mul3A_143, %add3A_150 : vector<10000x128xf32>
    %get3A_152 = arith.constant 0 : index
    %get3A_153 = arith.constant 0 : index
    %get3A_154 = vector.load %arg16[%get3A_152, %get3A_153] : memref<128x128xf32, #tpu.memory_space<vmem>>, vector<128x128xf32>
    %dot_general3A_155 = arith.constant dense<0.000000e+00> : vector<10000x128xf32>
    %dot_general3A_156 = tpu.matmul %mul3A_151, %get3A_154, %dot_general3A_155 {dimension_numbers = #tpu.dot_dimension_numbers<[1], [0], [0], [1], [0, 0, 1, 1], [], []>, transpose_lhs_hint = false} : vector<10000x128xf32>, vector<128x128xf32>, vector<10000x128xf32> -> vector<10000x128xf32>
    %get3A_157 = arith.constant 0 : index
    %get3A_158 = arith.constant 0 : index
    %get3A_159 = vector.load %arg17[%get3A_157, %get3A_158] : memref<1x128xf32, #tpu.memory_space<vmem>>, vector<1x128xf32>
    %add3A_160 = vector.broadcast %get3A_159 : vector<1x128xf32> to vector<10000x128xf32>
    %add3A_161 = arith.addf %dot_general3A_156, %add3A_160 : vector<10000x128xf32>
    %mul3A_162 = arith.constant 5.000000e-01 : f32
    %mul3A_163 = vector.broadcast %mul3A_162 : f32 to vector<10000x128xf32>
    %mul3A_164 = arith.mulf %add3A_161, %mul3A_163 : vector<10000x128xf32>
    %mul3A_165 = arith.constant 0.707106769 : f32
    %mul3A_166 = vector.broadcast %mul3A_165 : f32 to vector<10000x128xf32>
    %mul3A_167 = arith.mulf %add3A_161, %mul3A_166 : vector<10000x128xf32>
    %erf3A_168 = math.erf %mul3A_167 : vector<10000x128xf32>
    %add3A_169 = arith.constant 1.000000e+00 : f32
    %add3A_170 = vector.broadcast %add3A_169 : f32 to vector<10000x128xf32>
    %add3A_171 = arith.addf %add3A_170, %erf3A_168 : vector<10000x128xf32>
    %mul3A_172 = arith.mulf %mul3A_164, %add3A_171 : vector<10000x128xf32>
    %get3A_173 = arith.constant 0 : index
    %get3A_174 = arith.constant 0 : index
    %get3A_175 = vector.load %arg18[%get3A_173, %get3A_174] : memref<128x128xf32, #tpu.memory_space<vmem>>, vector<128x128xf32>
    %dot_general3A_176 = arith.constant dense<0.000000e+00> : vector<10000x128xf32>
    %dot_general3A_177 = tpu.matmul %mul3A_172, %get3A_175, %dot_general3A_176 {dimension_numbers = #tpu.dot_dimension_numbers<[1], [0], [0], [1], [0, 0, 1, 1], [], []>, transpose_lhs_hint = false} : vector<10000x128xf32>, vector<128x128xf32>, vector<10000x128xf32> -> vector<10000x128xf32>
    %get3A_178 = arith.constant 0 : index
    %get3A_179 = arith.constant 0 : index
    %get3A_180 = vector.load %arg19[%get3A_178, %get3A_179] : memref<1x128xf32, #tpu.memory_space<vmem>>, vector<1x128xf32>
    %add3A_181 = vector.broadcast %get3A_180 : vector<1x128xf32> to vector<10000x128xf32>
    %add3A_182 = arith.addf %dot_general3A_177, %add3A_181 : vector<10000x128xf32>
    %get3A_183 = arith.constant 0 : index
    %get3A_184 = arith.constant 0 : index
    %get3A_185 = vector.load %arg10[%get3A_183, %get3A_184] : memref<10000x128xf32, #tpu.memory_space<vmem>>, vector<10000x128xf32>
    %add3A_186 = arith.addf %add3A_182, %get3A_185 : vector<10000x128xf32>
    %mul3A_187 = arith.mulf %add3A_186, %add3A_186 : vector<10000x128xf32>
    %reduce_sum3A_188 = arith.constant dense<0.000000e+00> : vector<10000xf32>
    %reduce_sum3A_189 = vector.multi_reduction <add>, %mul3A_187, %reduce_sum3A_188 [1] : vector<10000x128xf32> to vector<10000xf32>
    %broadcast_in_dim3A_190 = vector.shape_cast %reduce_sum3A_189 : vector<10000xf32> to vector<10000x1xf32>
    %sqrt3A = math.sqrt %broadcast_in_dim3A_190 : vector<10000x1xf32>
    %add3A_191 = arith.constant 1.000000e-10 : f32
    %add3A_192 = vector.broadcast %add3A_191 : f32 to vector<10000x1xf32>
    %add3A_193 = arith.addf %sqrt3A, %add3A_192 : vector<10000x1xf32>
    %div3A_194 = vector.broadcast %add3A_193 : vector<10000x1xf32> to vector<10000x128xf32>
    %div3A_195 = arith.divf %add3A_186, %div3A_194 : vector<10000x128xf32>
    %swap3A = arith.constant 0 : index
    %swap3A_196 = arith.constant 0 : index
    %swap3A_197 = vector.load %arg24[%swap3A, %swap3A_196] : memref<10000x128xf32, #tpu.memory_space<vmem>>, vector<10000x128xf32>
    tpu.vector_store %arg24[%swap3A, %swap3A_196], %div3A_195 {strides = array<i32>} : memref<10000x128xf32, #tpu.memory_space<vmem>>, vector<10000x128xf32>,
    %reduce_sum3A_198 = arith.constant dense<0.000000e+00> : vector<128xf32>
    %reduce_sum3A_199 = vector.multi_reduction <add>, %div3A_195, %reduce_sum3A_198 [0] : vector<10000x128xf32> to vector<128xf32>
    %broadcast_in_dim3A_200 = vector.shape_cast %reduce_sum3A_199 : vector<128xf32> to vector<1x128xf32>
    %div3A_201 = arith.constant 1.000000e+04 : f32
    %div3A_202 = vector.broadcast %div3A_201 : f32 to vector<1x128xf32>
    %div3A_203 = arith.divf %broadcast_in_dim3A_200, %div3A_202 : vector<1x128xf32>
    %get3A_204 = arith.constant 0 : index
    %get3A_205 = arith.constant 0 : index
    %get3A_206 = vector.load %arg20[%get3A_204, %get3A_205] : memref<128x128xf32, #tpu.memory_space<vmem>>, vector<128x128xf32>
    %dot_general3A_207 = arith.constant dense<0.000000e+00> : vector<1x128xf32>
    %dot_general3A_208 = tpu.matmul %div3A_203, %get3A_206, %dot_general3A_207 {dimension_numbers = #tpu.dot_dimension_numbers<[1], [0], [0], [1], [0, 0, 1, 1], [], []>, transpose_lhs_hint = false} : vector<1x128xf32>, vector<128x128xf32>, vector<1x128xf32> -> vector<1x128xf32>
    %get3A_209 = arith.constant 0 : index
    %get3A_210 = arith.constant 0 : index
    %get3A_211 = vector.load %arg21[%get3A_209, %get3A_210] : memref<1x128xf32, #tpu.memory_space<vmem>>, vector<1x128xf32>
    %add3A_212 = arith.addf %dot_general3A_208, %get3A_211 : vector<1x128xf32>
    %mul3A_213 = arith.constant 5.000000e-01 : f32
    %mul3A_214 = vector.broadcast %mul3A_213 : f32 to vector<1x128xf32>
    %mul3A_215 = arith.mulf %add3A_212, %mul3A_214 : vector<1x128xf32>
    %mul3A_216 = arith.constant 0.707106769 : f32
    %mul3A_217 = vector.broadcast %mul3A_216 : f32 to vector<1x128xf32>
    %mul3A_218 = arith.mulf %add3A_212, %mul3A_217 : vector<1x128xf32>
    %erf3A_219 = math.erf %mul3A_218 : vector<1x128xf32>
    %add3A_220 = arith.constant 1.000000e+00 : f32
    %add3A_221 = vector.broadcast %add3A_220 : f32 to vector<1x128xf32>
    %add3A_222 = arith.addf %add3A_221, %erf3A_219 : vector<1x128xf32>
    %mul3A_223 = arith.mulf %mul3A_215, %add3A_222 : vector<1x128xf32>
    %get3A_224 = arith.constant 0 : index
    %get3A_225 = arith.constant 0 : index
    %get3A_226 = vector.load %arg22[%get3A_224, %get3A_225] : memref<128x128xf32, #tpu.memory_space<vmem>>, vector<128x128xf32>
    %dot_general3A_227 = arith.constant dense<0.000000e+00> : vector<1x128xf32>
    %dot_general3A_228 = tpu.matmul %mul3A_223, %get3A_226, %dot_general3A_227 {dimension_numbers = #tpu.dot_dimension_numbers<[1], [0], [0], [1], [0, 0, 1, 1], [], []>, transpose_lhs_hint = false} : vector<1x128xf32>, vector<128x128xf32>, vector<1x128xf32> -> vector<1x128xf32>
    %get3A_229 = arith.constant 0 : index
    %get3A_230 = arith.constant 0 : index
    %get3A_231 = vector.load %arg23[%get3A_229, %get3A_230] : memref<1x128xf32, #tpu.memory_space<vmem>>, vector<1x128xf32>
    %add3A_232 = arith.addf %dot_general3A_228, %get3A_231 : vector<1x128xf32>
    %mul3A_233 = arith.mulf %add3A_232, %add3A_232 : vector<1x128xf32>
    %reduce_sum3A_234 = arith.constant dense<0.000000e+00> : vector<1xf32>
    %reduce_sum3A_235 = vector.multi_reduction <add>, %mul3A_233, %reduce_sum3A_234 [1] : vector<1x128xf32> to vector<1xf32>
    %broadcast_in_dim3A_236 = vector.shape_cast %reduce_sum3A_235 : vector<1xf32> to vector<1x1xf32>
    %sqrt3A_237 = math.sqrt %broadcast_in_dim3A_236 : vector<1x1xf32>
    %add3A_238 = arith.constant 1.000000e-10 : f32
    %add3A_239 = vector.broadcast %add3A_238 : f32 to vector<1x1xf32>
    %add3A_240 = arith.addf %sqrt3A_237, %add3A_239 : vector<1x1xf32>
    %div3A_241 = vector.broadcast %add3A_240 : vector<1x1xf32> to vector<1x128xf32>
    %div3A_242 = arith.divf %add3A_232, %div3A_241 : vector<1x128xf32>
    %swap3A_243 = arith.constant 0 : index
    %swap3A_244 = arith.constant 0 : index
    %swap3A_245 = vector.load %arg25[%swap3A_243, %swap3A_244] : memref<1x128xf32, #tpu.memory_space<vmem>>, vector<1x128xf32>
    tpu.vector_store %arg25[%swap3A_243, %swap3A_244], %div3A_242 {strides = array<i32>} : memref<1x128xf32, #tpu.memory_space<vmem>>, vector<1x128xf32>,
    return
  }
}

</mosaic_0001>

<sc_bundles>
// kernel: kernel.13.cloned.1.call-start
scs
__scs_entry_jumppad:
0x0: {  	(pc) =	sbr.rel $0x88, $3  }
0x1: {  	(tag) =	ssettag $0x0;
	lr =	simm.s32 $0x1  }
0x2: {  	[smem:$0x3F8C] =	sst lr;
	_ =	strace $0xD0000000  }
0x3: {  	_ = 	snop  }
0x4: {  	_ = 	snop  }
0x5: {  	_ = 	snop  }
0x6: {  	_ = 	snop  }
0x7: {  	_ = 	snop  }
__scs_overlays_trampoline_lowered:
0x8: {  	[smem:$0x3F9B] =	sst s0  }
0x9: {  	[smem:$0x3F9C] =	sst s1  }
0xa: {  	[smem:$0x3F9D] =	sst s2  }
0xb: {  	[smem:$0x3F9E] =	sst s3  }
0xc: {  	[smem:$0x3F9F] =	sst s4  }
0xd: {  	[smem:$0x3FA0] =	sst s5  }
0xe: {  	[smem:$0x3FA1] =	sst s6  }
0xf: {  	[smem:$0x3FA2] =	sst s7  }
0x10: {  	[smem:$0x3FA3] =	sst s8  }
0x11: {  	[smem:$0x3FA4] =	sst s9;
	s0 =	simm.s32 @!p0 $0x0  }
0x12: {  	s1 =	sld [smem:$0x3F8A];
	s0 =	simm.s32 @p0 $0x1  }
0x13: {  	[smem:$0x3FA5] =	sst s0;
	s0 =	simm.s32 @!p1 $0x0  }
0x14: {  	s2 =	sld [smem:$0x3F89];
	s0 =	simm.s32 @p1 $0x1  }
0x15: {  	[smem:$0x3FA6] =	sst s0;
	s0 =	simm.s32 @!p2 $0x0  }
0x16: {  	s3 =	sld [smem:$0x3FDB];
	s0 =	simm.s32 @p2 $0x1  }
0x17: {  	s4 =	simm.s32 $0x1BF5;
	[smem:$0x3FA8] =	sst s0  }
0x18: {  	s0 =	sld [smem:$0x3F8B];
	_ =	swait.ge [sflag:s4], $0x0  }
0x19: {  	s7 =	sld [smem:$0x3F8C]  }
0x1a: {  	s8 =	sadd.s32 $0xFFFFE003, lr  }
0x1b: {  	s9 =	sadd.s32 $0xFFFFFEF7, lr;
	s5 =	simm.s32 $0xFFFFFFFF;
	p2 =	slt.u32 s8, $0xFFFFF086  }
0x1c: {  	p1 =	slt.u32 s9, $0xF7A;
	s5 =	simm.s32 @!p2 $0x0  }
0x1d: {  	s5 =	simm.s32 @p1 $0x1;
	p0 =	seq.s32 s7, s2  }
0x1e: {  	s7 =	smul.u32 @!p0 $0xF7A, s2;
	p2 =	seq.s32 @!p0 s5, $0x0  }
0x1f: {  	s9 =	smul.u32 $0xF7A, s1;
	s8 =	simm.s32 @!p0 $0x1BF5;
	p2 =	por !p2, p0  }
0x20: {  	[sflag:s8] =	ssyncset.s32 @!p0 $0xFFFFF086;
	s6 =	sadd.s32 @!p0 s3, s7;
	s7 =	simm.s32 @!p0 $0x108  }
0x21: {  	s3 =	sadd.s32 s3, s9;
	s6 =	sadd.s32 @!p0 $0x88, s6;
	s7 =	simm.s32 @p2 $0x1082  }
0x22: {  	[simem:s7], [sflag:s8] =	dma.local @!p0 [hbm:s6], $0xF7A  }
0x23: {  	s9 =	sor.u32 $0xD0000000, s2;
	s6 =	simm.s32 $0x108;
	_ =	swait.ge @!p0 [sflag:s8], $0x0  }
0x24: {  	s3 =	sadd.s32 $0x88, s3;
	s6 =	simm.s32 @!p1 $0x1082;
	[sflag:s4] =	ssyncset.s32 $0xFFFFF086  }
0x25: {  	[simem:s6], [sflag:s4] =	dma.local [hbm:s3], $0xF7A  }
0x26: {  	[smem:$0x3F8C] =	sst s1;
	(tag) =	ssettag s2;
	_ =	strace s9  }
0x27: {  	s1 =	sld [smem:$0x3F9C]  }
0x28: {  	s2 =	sld [smem:$0x3F9D]  }
0x29: {  	s4 =	sld [smem:$0x3F9F]  }
0x2a: {  	p0 =	seq.s32 s5, $0x0;
	s5 =	sld [smem:$0x3FA0]  }
0x2b: {  	s6 =	sld [smem:$0x3FA1]  }
0x2c: {  	s7 =	sld [smem:$0x3FA2]  }
0x2d: {  	s3 =	simm.s32 $0x108;
	s8 =	sld [smem:$0x3FA3]  }
0x2e: {  	s3 =	simm.s32 @!p0 $0x1082;
	s9 =	sld [smem:$0x3FA4]  }
0x2f: {  	lr =	sadd.s32 s0, s3;
	s0 =	sld [smem:$0x3F9B]  }
0x30: {  	s3 =	sld [smem:$0x3F9E]  }
0x31: {  	[smem:$0x3FA7] =	sst s10  }
0x32: {  	s10 =	sld [smem:$0x3FA5];
	_ =	sdelay $0x3  }
0x33: {  	p0 =	seq.s32 s10, $0x1;
	s10 =	sld [smem:$0x3FA7];
	_ =	sdelay $0x3  }
0x34: {  	[smem:$0x3FA7] =	sst s10  }
0x35: {  	s10 =	sld [smem:$0x3FA6];
	_ =	sdelay $0x3  }
0x36: {  	p1 =	seq.s32 s10, $0x1;
	s10 =	sld [smem:$0x3FA7];
	_ =	sdelay $0x3  }
0x37: {  	[smem:$0x3FA7] =	sst s10  }
0x38: {  	s10 =	sld [smem:$0x3FA8]  }
0x39: {  	_ = 	snop;
	(pc) =	sbr.ind lr, $3  }
0x3a: {  	_ = 	snop  }
0x3b: {  	_ = 	snop  }
0x3c: {  	p2 =	seq.s32 s10, $0x1;
	s10 =	sld [smem:$0x3FA7]  }
0x3d: {  	_ =	shalt  }
0x3e: {  	_ =	shalt  }
0x3f: {  	_ =	shalt  }
0x40: {  	_ =	shalt  }
0x41: {  	_ =	shalt  }
0x42: {  	_ =	shalt  }
0x43: {  	_ =	shalt  }
0x44: {  	_ =	shalt  }
0x45: {  	_ =	shalt  }
0x46: {  	_ =	shalt  }
0x47: {  	_ =	shalt  }
0x48: {  	_ =	shalt  }
0x49: {  	_ =	shalt  }
0x4a: {  	_ =	shalt  }
0x4b: {  	_ =	shalt  }
0x4c: {  	_ =	shalt  }
0x4d: {  	_ =	shalt  }
0x4e: {  	_ =	shalt  }
0x4f: {  	_ =	shalt  }
0x50: {  	_ =	shalt  }
0x51: {  	_ =	shalt  }
0x52: {  	_ =	shalt  }
0x53: {  	_ =	shalt  }
0x54: {  	_ =	shalt  }
0x55: {  	_ =	shalt  }
0x56: {  	_ =	shalt  }
0x57: {  	_ =	shalt  }
0x58: {  	_ =	shalt  }
0x59: {  	_ =	shalt  }
0x5a: {  	_ =	shalt  }
0x5b: {  	_ =	shalt  }
0x5c: {  	_ =	shalt  }
0x5d: {  	_ =	shalt  }
0x5e: {  	_ =	shalt  }
0x5f: {  	_ =	shalt  }
0x60: {  	_ =	shalt  }
0x61: {  	_ =	shalt  }
0x62: {  	_ =	shalt  }
0x63: {  	_ =	shalt  }
0x64: {  	_ =	shalt  }
0x65: {  	_ =	shalt  }
0x66: {  	_ =	shalt  }
0x67: {  	_ =	shalt  }
0x68: {  	_ =	shalt  }
0x69: {  	_ =	shalt  }
0x6a: {  	_ =	shalt  }
0x6b: {  	_ =	shalt  }
0x6c: {  	_ =	shalt  }
0x6d: {  	_ =	shalt  }
0x6e: {  	_ =	shalt  }
0x6f: {  	_ =	shalt  }
0x70: {  	_ =	shalt  }
0x71: {  	_ =	shalt  }
0x72: {  	_ =	shalt  }
0x73: {  	_ =	shalt  }
0x74: {  	_ =	shalt  }
0x75: {  	_ =	shalt  }
0x76: {  	_ =	shalt  }
0x77: {  	_ =	shalt  }
0x78: {  	_ =	shalt  }
0x79: {  	_ =	shalt  }
0x7a: {  	_ =	shalt  }
0x7b: {  	_ =	shalt  }
0x7c: {  	_ =	shalt  }
0x7d: {  	_ =	shalt  }
0x7e: {  	_ =	shalt  }
0x7f: {  	_ =	shalt  }
0x80: {  	_ =	shalt  }
0x81: {  	_ =	shalt  }
0x82: {  	_ =	shalt  }
0x83: {  	_ =	shalt  }
0x84: {  	_ =	shalt  }
0x85: {  	_ =	shalt  }
0x86: {  	_ =	shalt  }
0x87: {  	_ =	shalt  }
.Lfunc_end0:
.L_simem_size_0:
called_computation_lowered:
.L_overlay_start_0:
0x88: {  	s2 =	sld [smem:$0x3FD9]  }
0x89: {  	s3 =	sld [smem:$0x3FFE];
	_ =	sdelay $0x1  }
0x8a: {  	s1 =	srdreg.scid  }
0x8b: {  	s0 =	sand.u32 $0x1, s1  }
0x8c: {  	s14 =	sshll.u32 s0, $0xA;
	s2 =	sadd.s32 s3, s2  }
0x8d: {  	s2 =	sadd.s32 s2, s14  }
0x8e: {  	[smem:$0x3FB3] =	sst s2  }
0x8f: {  	_ = 	snop  }
0x90: {  	s2 =	sld [smem:$0x3FD0];
	_ =	sdelay $0x2  }
0x91: {  	s15 =	simm.s32 $0xB;
	s4 =	simm.s32 $0x10  }
0x92: {  	[smem:s4], [sflag:s15] =	dma.local [hbm:s2], $0x1  }
0x93: {  	_ =	swait.eq [sflag:s15], $0x1  }
0x94: {  	[sflag:s15] =	ssyncset.done $0x0  }
0x95: {  	[sflag:s15] =	ssyncadd.s32 $0xFFFFFFFF  }
0x96: {  	s16 =	sld [smem:$0x10];
	(tm) =	ssettm $0x1  }
0x97: {  	s17 =	sld [smem:$0x3FFB];
	_ =	sdelay $0x3  }
0x98: {  	_ =	strace s17  }
0x99: {  	s3 =	sld [smem:$0x3FFC];
	_ =	sdelay $0x3  }
0x9a: {  	_ =	strace s3  }
0x9b: {  	s3 =	sld [smem:$0x3FFD];
	_ =	sdelay $0x3  }
0x9c: {  	_ =	strace s3  }
0x9d: {  	_ =	strace $0x8FFFFFFF  }
0x9e: {  	s18 =	sld [smem:$0x3FDB];
	_ =	sdelay $0x1  }
0x9f: {  	s19 =	simm.s32 $_scs_section_size  }
0xa0: {  	s5 =	simm.s32 $_size__tile_overlayer_lowered;
	s6 =	simm.s32 $_tile_overlayer_lowered  }
0xa1: {  	s22 =	simm.s32 $0x1BFF;
	s21 =	sshll.u32 s6, $0x1;
	s3 =	sadd.s32 s19, s18  }
0xa2: {  	s7 =	simm.s32 $0x0;
	s20 =	sshll.u32 s5, $0x1;
	s5 =	sadd.s32 s21, s3  }
0xa3: {  	[timem:s7], [sflag:s22] =	dma.local [hbm:s5], s20  }
0xa4: {  	_ =	swait.ge [sflag:s22], s20  }
0xa5: {  	s4 =	ssub.s32 $0x0, s20;
	[sflag:s22] =	ssyncset.done $0x0  }
0xa6: {  	[sflag:s22] =	ssyncadd.s32 s4;
	_ =	sdelay $0x1  }
0xa7: {  	s23 =	simm.s32 $0x1B8B  }
0xa8: {  	_ =	swait.ge [sflag:s23], $0x1  }
0xa9: {  	[sflag:s23] =	ssyncset.done $0x0  }
0xaa: {  	s25 =	simm.s32 $0x1B8E;
	s24 =	sld [smem:$0x3FFE];
	[sflag:s23] =	ssyncadd.s32 $0xFFFFFFFF  }
0xab: {  	s26 =	simm.s32 $execute0_lowered;
	[smem:$0x3FD2] =	sst s25  }
0xac: {  	s5 =	sshll.u32 s26, $0x1;
	_ =	strace $0x80000046;
	[dreg:$0x1] =	wrdreg $0xFFFFFFFF  }
0xad: {  	s28 =	simm.s32 $_size_execute0_lowered;
	s3 =	sadd.s32 s3, s5;
	[dreg:$0x0] =	wrdreg $0x0  }
0xae: {  	s5 =	sshll.u32 s28, $0x1;
	[dreg:$0x2] =	wrdreg s3  }
0xaf: {  	[dreg:$0x3] =	wrdreg s5  }
0xb0: {  	[dreg:$0x4] =	wrdreg $0xC0  }
0xb1: {  	_ =	task [dreg:s7], $0x5FFFF  }
0xb2: {  	[dreg:$0x1] =	wrdreg $0xFFFFFFFF  }
0xb3: {  	[dreg:$0x0] =	wrdreg $0x60  }
0xb4: {  	[dreg:$0x2] =	wrdreg s24  }
0xb5: {  	[dreg:$0x3] =	wrdreg s16  }
0xb6: {  	[dreg:$0x4] =	wrdreg $0x2A000  }
0xb7: {  	[dreg:$0x5] =	wrdreg $0x9  }
0xb8: {  	_ =	task.clear_ibuf [dreg:s7], $0x6FFFF;
	_ =	strace $0x90000046  }
0xb9: {  	s29 =	simm.s32 $0x9;
	_ =	strace $0x80000048  }
0xba: {  	_ =	swait.ge [sflag:s29], $0x1  }
0xbb: {  	[sflag:s29] =	ssyncadd.s32 $0xFFFFFFFF  }
0xbc: {  	_ =	strace $0x90000048  }
0xbd: {  	_ =	sfence  }
0xbe: {  	s30 =	sld [smem:$0x0];
	_ =	sdelay $0x2  }
0xbf: {  	s31 =	sshll.u32 s1, $0xD;
	s1 =	sshrl.u32 s1, $0x2  }
0xc0: {  	s3 =	sand.u32 $0x4000, s31;
	s1 =	sadd.s32 s1, s30  }
0xc1: {  	s0 =	sor.u32 s3, s0;
	s1 =	sshll.u32 s1, $0x11  }
0xc2: {  	s0 =	sor.u32 s1, s0  }
0xc3: {  	s0 =	sadd.s32 $0x8F2B, s0  }
0xc4: {  	[sflag:s0] =	ssyncadd.remote.s32 $0x1  }
0xc5: {  	_ =	sfence.sel $0xFFFF  }
0xc6: {  	[dreg:$0x0] =	wrdreg $0xFFFFFFFF;
	(pc) =	sbr.abs _section_cstart, $3  }
0xc7: {  	[dreg:$0x1] =	wrdreg $0xFFFFFFFF  }
0xc8: {  	_ =	task.clear_ibuf [dreg:s7], $0x2FFFF;
	_ =	strace $0x9FFFFFFF  }
0xc9: {  	(tm) =	ssettm $0x7FFFFFFF  }
tec
execute0_lowered:
.L_overlay_start_1:
0x0: {  	(tag) =	ssettag $0x1  }
0x1: {  	s0 =	rddreg [dreg:$0x0]  }
0x2: {  	s4 =	rddreg [dreg:$0x1]  }
0x3: {  	s1 =	rddreg [dreg:$0x2];
	s2 =	simm.s32 $0x0;
	s12 =	srdreg.scid  }
0x4: {  	s19 =	stileid.u32;
	s28 =	simm.s32 $0x50;
	s29 =	simm.s32 $0x2  }
0x5: {  	s30 =	simm.s32 $0x4;
	s31 =	simm.s32 $0x0;
	[smem:$0x7FF] =	sst s2  }
0x6: {  	s3 =	sadd.s32 $0x4C00, s0;
	s5 =	sadd.s32 $0x18800, s0;
	s7 =	smul.u32 $0x4E000, s19  }
0x7: {  	s0 =	sadd.s32 $0x18E00, s0;
	s11 =	sand.u32 $0x1, s12;
	s12 =	smul.u32 $0x13800, s19  }
0x8: {  	s17 =	sshll.u32 s19, $0x6;
	s21 =	sadd.s32 $0x138000, s1;
	p0 =	sne.s32 s19, $0x0  }
0x9: {  	_ =	strace $0x80000047;
	[dreg:$0x4] =	wrdreg s5;
	s5 =	ssub.s32 $0x2, s11  }
0xa: {  	s6 =	sshll.u32 s11, $0x4;
	[dreg:$0x6] =	wrdreg s21;
	s23 =	smul.u32 $0x27100, s11  }
0xb: {  	s21 =	simm.s32 $0x5;
	s8 =	sshrl.u32 s5, $0x1;
	s6 =	sor.u32 s19, s6  }
0xc: {  	s13 =	sshrl.u32 s7, $0x2;
	s16 =	sshrl.u32 s12, $0x3;
	s15 =	ssub.s32 s5, s8  }
0xd: {  	s14 =	smul.u32 $0x2710, s6;
	s20 =	sadd.s32 s13, s1;
	s5 =	sadd.s32 s4, s16  }
0xe: {  	s13 =	smul.u32 $0x138800, s11;
	s4 =	sadd.s32 $0x27000, s4;
	[dreg:$0x5] =	wrdreg s5  }
0xf: {  	s6 =	sor.u32 $0x1C05, s17;
	s16 =	smul.u32 $0x2710, s19;
	[dreg:$0x7] =	wrdreg s4  }
0x10: {  	s15 =	smax.u32 s15, $0x1;
	s20 =	sshrl.u32 s20, $0x3;
	s18 =	sshrl.u32 s14, $0x3  }
0x11: {  	s14 =	sadd.s32 s12, s13;
	s17 =	sshrl.u32 s13, $0x3;
	s4 =	sadd.s32 s16, s23  }
0x12: {  	s23 =	simm.s32 $0x80;
	s8 =	sadd.s32 s3, s18;
	s14 =	sshrl.u32 s14, $0x3  }
0x13: {  	s24 =	sadd.s32 $0x230, s4;
	s25 =	sadd.s32 $0x1E0, s4;
	s18 =	sadd.s32 $0x190, s4  }
0x14: {  	s22 =	sadd.s32 $0xA, s8;
	s11 =	sadd.s32 $0x14, s8;
	s12 =	sadd.s32 $0x1E, s8  }
.Ltmp0:
0x15: {  	s13 =	sadd.s32 s0, s14;
	s0 =	sadd.s32 s0, s17;
	(pc) =	sbr.rel .LBB2_1-.Ltmp0, $4  }
0x16: {  	s26 =	sshrl.u32 s25, $0x3;
	s18 =	sshrl.u32 s18, $0x3;
	s25 =	simm.s32 $0x180  }
0x17: {  	[dreg:$0x8] =	wrdreg s22;
	s14 =	sadd.s32 $0x27000, s0;
	s0 =	sshrl.u32 s24, $0x3  }
0x18: {  	s17 =	sadd.s32 s26, s3;
	s18 =	sadd.s32 s18, s3;
	s24 =	sadd.s32 $0x140, s4  }
0x19: {  	s22 =	simm.s32 $0x200;
	s26 =	simm.s32 $0x1;
	s16 =	sadd.s32 s0, s3  }
.LBB2_4:
0x1a: {  	_ =	swait.ge [sflag:s26], $0x50  }
0x1b: {  	[sflag:s26] =	ssyncset.done $0x0  }
0x1c: {  	[sflag:s26] =	ssyncadd.s32 $0xFFFFFFB0  }
0x1d: {  	[spmem:s1] =	stream.indirect.scatter.add.f32 [tilespmem:s22], [sflag:$0x5], $0x80, s2, s28, $0xb8;
	[tilespmem:$0x16280] =	vst v63  }
0x1e: {  	_ =	swait.ge [sflag:s21], $0x2800  }
0x1f: {  	[sflag:s21] =	ssyncset.done $0x0  }
0x20: {  	[sflag:s21] =	ssyncadd.s32 $0xFFFFD800  }
0x21: {  	[bflag:$0x0] =	sbarrier.arrive $0xFFFF  }
0x22: {  	[hbm:s13], [sflag:s6] =	dma.local [spmem:s20], $0x2700  }
0x23: {  	_ =	swait.ge [sflag:s21], $0x2700  }
0x24: {  	s31 =	sadd.s32 $0x1, s31;
	[sflag:s21] =	ssyncset.done $0x0  }
0x25: {  	p1 =	sne.s32 s31, s15;
	[sflag:s21] =	ssyncadd.s32 $0xFFFFD900  }
0x26: {  	[hbm:s14], [sflag:s6] =	dma.local @!p0 [spmem:s0], $0x100  }
.Ltmp1:
0x27: {  	_ = 	snop;
	(pc) =	sbr.rel @!p1 .LBB2_5-.Ltmp1, $4  }
0x28: {  	s0 =	simm.s32 @!p0 $0x5  }
0x29: {  	_ =	swait.ge @!p0 [sflag:s0], $0x100  }
0x2a: {  	[sflag:s0] =	ssyncset.done @!p0 $0x0  }
0x2b: {  	[sflag:s0] =	ssyncadd.s32 @!p0 $0xFFFFFF00  }
.LBB2_1:
0x2c: {  	s0 =	rddreg [dreg:$0x5]  }
0x2d: {  	[spmem:s20], [sflag:s6] =	dma.local [hbm:s0], $0x2700  }
0x2e: {  	_ =	swait.ge [sflag:s21], $0x2700  }
0x2f: {  	[sflag:s21] =	ssyncset.done $0x0;
	s0 =	rddreg [dreg:$0x6]  }
0x30: {  	s4 =	rddreg [dreg:$0x7];
	[sflag:s21] =	ssyncadd.s32 $0xFFFFD900;
	s0 =	sshrl.u32 @!p0 s0, $0x3  }
0x31: {  	[spmem:s0], [sflag:s6] =	dma.local @!p0 [hbm:s4], $0x100  }
0x32: {  	s4 =	simm.s32 @!p0 $0x5  }
0x33: {  	_ =	swait.ge @!p0 [sflag:s4], $0x100  }
0x34: {  	[sflag:s4] =	ssyncset.done @!p0 $0x0  }
0x35: {  	s9 =	rddreg [dreg:$0x4];
	[sflag:s4] =	ssyncadd.s32 @!p0 $0xFFFFFF00  }
0x36: {  	[tilespmem:s22], [sflag:$0x5] =	stream.linear.gather [hbm4b:s9+s2], $0x2800, $0x38;
	[tilespmem:$0x16280] =	vst v63  }
0x37: {  	_ =	swait.ge [sflag:s21], $0x2800  }
0x38: {  	[sflag:s21] =	ssyncset.done $0x0  }
0x39: {  	[sflag:s21] =	ssyncadd.s32 $0xFFFFD800  }
0x3a: {  	[bflag:$0x0] =	sbarrier.arrive $0xFFFF  }
0x3b: {  	[tilespmem:s2], [sflag:$0x1] =	stream.linear.gather [hbm4b:s8+s2], $0x50, $0x38;
	[tilespmem:$0x16280] =	vst v63  }
0x3c: {  	s10 =	rddreg [dreg:$0x8]  }
0x3d: {  	[tilespmem:s23], [sflag:$0x2] =	stream.linear.gather [hbm4b:s10+s2], $0x50, $0x38;
	[tilespmem:$0x16280] =	vst v63  }
0x3e: {  	s19 =	simm.s32 $0x100  }
0x3f: {  	[tilespmem:s19], [sflag:$0x3] =	stream.linear.gather [hbm4b:s11+s2], $0x50, $0x38;
	[tilespmem:$0x16280] =	vst v63  }
0x40: {  	s4 =	simm.s32 $0x0;
	s19 =	smov.u32 s24  }
0x41: {  	[tilespmem:s25], [sflag:$0x4] =	stream.linear.gather [hbm4b:s12+s2], $0x50, $0x38;
	[tilespmem:$0x16280] =	vst v63  }
.LBB2_2:
0x42: {  	_ =	swait.ge [sflag:s26], $0x50  }
0x43: {  	[sflag:s26] =	ssyncset.done $0x0  }
0x44: {  	[sflag:s26] =	ssyncadd.s32 $0xFFFFFFB0  }
0x45: {  	[spmem:s1] =	stream.indirect.scatter.add.f32 [tilespmem:s22], [sflag:$0x5], $0x80, s2, s28, $0xb8;
	[tilespmem:$0x16280] =	vst v63  }
0x46: {  	_ =	swait.ge [sflag:s21], $0x2800  }
0x47: {  	s5 =	sshrl.u32 s19, $0x3;
	[sflag:s21] =	ssyncset.done $0x0  }
0x48: {  	s5 =	sadd.s32 s3, s5;
	[sflag:s21] =	ssyncadd.s32 $0xFFFFD800  }
0x49: {  	[tilespmem:s2], [sflag:$0x1] =	stream.linear.gather [hbm4b:s5+s2], $0x50, $0x38;
	[tilespmem:$0x16280] =	vst v63  }
0x4a: {  	_ =	swait.ge [sflag:s29], $0x50  }
0x4b: {  	[sflag:s29] =	ssyncset.done $0x0  }
0x4c: {  	[sflag:s29] =	ssyncadd.s32 $0xFFFFFFB0  }
0x4d: {  	[spmem:s1] =	stream.indirect.scatter.add.f32 [tilespmem:s22], [sflag:$0x5], $0x80, s23, s28, $0xb8;
	[tilespmem:$0x16280] =	vst v63  }
0x4e: {  	_ =	swait.ge [sflag:s21], $0x2800  }
0x4f: {  	p1 =	seq.s32 s4, $0x4B0;
	[sflag:s21] =	ssyncset.done $0x0  }
0x50: {  	s5 =	simm.s32 @p1 $0x3;
	[sflag:s21] =	ssyncadd.s32 $0xFFFFD800  }
0x51: {  	_ =	swait.ge @p1 [sflag:s5], $0x50  }
0x52: {  	s7 =	simm.s32 @p1 $0x100;
	[sflag:s5] =	ssyncset.done @p1 $0x0  }
0x53: {  	s9 =	simm.s32 @p1 $0x200;
	[sflag:s5] =	ssyncadd.s32 @p1 $0xFFFFFFB0;
	s5 =	simm.s32 @p1 $0x50  }
0x54: {  	[spmem:s1] =	stream.indirect.scatter.add.f32 @p1 [tilespmem:s9], [sflag:$0x5], $0x80, s7, s5, $0xb8;
	[tilespmem:$0x16280] =	vst v63  }
0x55: {  	s5 =	simm.s32 @p1 $0x5  }
0x56: {  	_ =	swait.ge @p1 [sflag:s5], $0x2800  }
0x57: {  	s7 =	simm.s32 @!p1 $0x0;
	[sflag:s5] =	ssyncset.done @p1 $0x0  }
0x58: {  	s9 =	simm.s32 @!p1 $0x80;
	[sflag:s5] =	ssyncadd.s32 @p1 $0xFFFFD800;
	s5 =	sadd.s32 @!p1 s4, s18  }
0x59: {  	[tilespmem:s9], [sflag:$0x2] =	stream.linear.gather @!p1 [hbm4b:s5+s7], $0x50, $0x38;
	[tilespmem:$0x16280] =	vst v63  }
0x5a: {  	s5 =	simm.s32 @!p1 $0x3  }
0x5b: {  	_ =	swait.ge @!p1 [sflag:s5], $0x50  }
0x5c: {  	s10 =	simm.s32 @!p1 $0x200;
	[sflag:s5] =	ssyncset.done @!p1 $0x0  }
0x5d: {  	s9 =	simm.s32 @!p1 $0x100;
	[sflag:s5] =	ssyncadd.s32 @!p1 $0xFFFFFFB0;
	s5 =	simm.s32 @!p1 $0x50  }
0x5e: {  	[spmem:s1] =	stream.indirect.scatter.add.f32 @!p1 [tilespmem:s10], [sflag:$0x5], $0x80, s9, s5, $0xb8;
	[tilespmem:$0x16280] =	vst v63  }
0x5f: {  	s5 =	simm.s32 @!p1 $0x5  }
0x60: {  	_ =	swait.ge @!p1 [sflag:s5], $0x2800  }
0x61: {  	[sflag:s5] =	ssyncset.done @!p1 $0x0  }
0x62: {  	[sflag:s5] =	ssyncadd.s32 @!p1 $0xFFFFD800;
	s5 =	sadd.s32 @!p1 s4, s17  }
0x63: {  	[tilespmem:s9], [sflag:$0x3] =	stream.linear.gather @!p1 [hbm4b:s5+s7], $0x50, $0x38;
	[tilespmem:$0x16280] =	vst v63  }
0x64: {  	_ =	swait.ge [sflag:s30], $0x50  }
0x65: {  	[sflag:s30] =	ssyncset.done $0x0  }
.Ltmp2:
0x66: {  	[sflag:s30] =	ssyncadd.s32 $0xFFFFFFB0;
	(pc) =	sbr.rel @p1 .LBB2_4-.Ltmp2, $4  }
0x67: {  	[spmem:s1] =	stream.indirect.scatter.add.f32 [tilespmem:s22], [sflag:$0x5], $0x80, s25, s28, $0xb8;
	[tilespmem:$0x16280] =	vst v63  }
0x68: {  	_ =	swait.ge [sflag:s21], $0x2800  }
0x69: {  	[sflag:s21] =	ssyncset.done $0x0  }
0x6a: {  	[sflag:s21] =	ssyncadd.s32 $0xFFFFD800  }
.Ltmp3:
0x6b: {  	(pc) =	sbr.rel .LBB2_2-.Ltmp3, $3  }
0x6c: {  	_ =	sdelay $0x1  }
0x6d: {  	s5 =	sadd.s32 s4, s16;
	s4 =	sadd.s32 $0x28, s4;
	s19 =	sadd.s32 $0x140, s19  }
0x6e: {  	[tilespmem:s25], [sflag:$0x4] =	stream.linear.gather [hbm4b:s5+s2], $0x50, $0x38;
	[tilespmem:$0x16280] =	vst v63  }
.LBB2_5:
0x6f: {  	_ =	sfence.sel $0x180000  }
0x70: {  	[bflag:$0x0] =	sbarrier.arrive $0xFFFF  }
0x71: {  	_ =	strace $0x90000047  }
0x72: {  	[bflag:$0x2] =	sbarrier.arrive $0xFFFF  }
0x73: {  	s0 =	rddreg [dreg:$0x3]  }
0x74: {  	s0 =	sadd.s32 @!p0 $0x100000, s0  }
0x75: {  	[sflag:s0] =	ssyncadd.tile.s32 @!p0 $0x1;
	_ =	shalt  }
.Lfunc_end2:
_tile_overlayer_lowered:
.L_overlay_start_2:
0x76: {  	(tag) =	ssettag $0x2  }
0x77: {  	s0 =	rddreg [dreg:$0x0];
	s2 =	stileid.u32  }
0x78: {  	s1 =	rddreg [dreg:$0x1];
	p0 =	sne.s32 s2, $0x0  }
0x79: {  	s3 =	rddreg [dreg:$0x2];
	[bflag:$0x3] =	sbarrier.arrive $0xFFFF;
	s2 =	simm.s32 @!p0 $0x1C05  }
0x7a: {  	[timem:s3], [sflag:s2] =	dma.local @!p0 [hbm:s0], s1  }
0x7b: {  	s0 =	simm.s32 @!p0 $0x5  }
0x7c: {  	_ =	swait.ge @!p0 [sflag:s0], s1  }
0x7d: {  	s1 =	ssub.s32 @!p0 $0x0, s1;
	[sflag:s0] =	ssyncset.done @!p0 $0x0  }
0x7e: {  	[sflag:s0] =	ssyncadd.s32 @!p0 s1  }
0x7f: {  	[bflag:$0x3] =	sbarrier.arrive $0xFFFF  }
0x80: {  	_ =	shalt  }

// kernel: kernel.16.cloned.1.call-start
scs
__scs_entry_jumppad:
0x0: {  	(pc) =	sbr.rel $0x88, $3  }
0x1: {  	(tag) =	ssettag $0x0;
	lr =	simm.s32 $0x1  }
0x2: {  	[smem:$0x3F8C] =	sst lr;
	_ =	strace $0xD0000000  }
0x3: {  	_ = 	snop  }
0x4: {  	_ = 	snop  }
0x5: {  	_ = 	snop  }
0x6: {  	_ = 	snop  }
0x7: {  	_ = 	snop  }
__scs_overlays_trampoline_lowered:
0x8: {  	[smem:$0x3F9B] =	sst s0  }
0x9: {  	[smem:$0x3F9C] =	sst s1  }
0xa: {  	[smem:$0x3F9D] =	sst s2  }
0xb: {  	[smem:$0x3F9E] =	sst s3  }
0xc: {  	[smem:$0x3F9F] =	sst s4  }
0xd: {  	[smem:$0x3FA0] =	sst s5  }
0xe: {  	[smem:$0x3FA1] =	sst s6  }
0xf: {  	[smem:$0x3FA2] =	sst s7  }
0x10: {  	[smem:$0x3FA3] =	sst s8  }
0x11: {  	[smem:$0x3FA4] =	sst s9;
	s0 =	simm.s32 @!p0 $0x0  }
0x12: {  	s1 =	sld [smem:$0x3F8A];
	s0 =	simm.s32 @p0 $0x1  }
0x13: {  	[smem:$0x3FA5] =	sst s0;
	s0 =	simm.s32 @!p1 $0x0  }
0x14: {  	s2 =	sld [smem:$0x3F89];
	s0 =	simm.s32 @p1 $0x1  }
0x15: {  	[smem:$0x3FA6] =	sst s0;
	s0 =	simm.s32 @!p2 $0x0  }
0x16: {  	s3 =	sld [smem:$0x3FDB];
	s0 =	simm.s32 @p2 $0x1  }
0x17: {  	s4 =	simm.s32 $0x1BF5;
	[smem:$0x3FA8] =	sst s0  }
0x18: {  	s0 =	sld [smem:$0x3F8B];
	_ =	swait.ge [sflag:s4], $0x0  }
0x19: {  	s7 =	sld [smem:$0x3F8C]  }
0x1a: {  	s8 =	sadd.s32 $0xFFFFE003, lr  }
0x1b: {  	s9 =	sadd.s32 $0xFFFFFEF7, lr;
	s5 =	simm.s32 $0xFFFFFFFF;
	p2 =	slt.u32 s8, $0xFFFFF086  }
0x1c: {  	p1 =	slt.u32 s9, $0xF7A;
	s5 =	simm.s32 @!p2 $0x0  }
0x1d: {  	s5 =	simm.s32 @p1 $0x1;
	p0 =	seq.s32 s7, s2  }
0x1e: {  	s7 =	smul.u32 @!p0 $0xF7A, s2;
	p2 =	seq.s32 @!p0 s5, $0x0  }
0x1f: {  	s9 =	smul.u32 $0xF7A, s1;
	s8 =	simm.s32 @!p0 $0x1BF5;
	p2 =	por !p2, p0  }
0x20: {  	[sflag:s8] =	ssyncset.s32 @!p0 $0xFFFFF086;
	s6 =	sadd.s32 @!p0 s3, s7;
	s7 =	simm.s32 @!p0 $0x108  }
0x21: {  	s3 =	sadd.s32 s3, s9;
	s6 =	sadd.s32 @!p0 $0x88, s6;
	s7 =	simm.s32 @p2 $0x1082  }
0x22: {  	[simem:s7], [sflag:s8] =	dma.local @!p0 [hbm:s6], $0xF7A  }
0x23: {  	s9 =	sor.u32 $0xD0000000, s2;
	s6 =	simm.s32 $0x108;
	_ =	swait.ge @!p0 [sflag:s8], $0x0  }
0x24: {  	s3 =	sadd.s32 $0x88, s3;
	s6 =	simm.s32 @!p1 $0x1082;
	[sflag:s4] =	ssyncset.s32 $0xFFFFF086  }
0x25: {  	[simem:s6], [sflag:s4] =	dma.local [hbm:s3], $0xF7A  }
0x26: {  	[smem:$0x3F8C] =	sst s1;
	(tag) =	ssettag s2;
	_ =	strace s9  }
0x27: {  	s1 =	sld [smem:$0x3F9C]  }
0x28: {  	s2 =	sld [smem:$0x3F9D]  }
0x29: {  	s4 =	sld [smem:$0x3F9F]  }
0x2a: {  	p0 =	seq.s32 s5, $0x0;
	s5 =	sld [smem:$0x3FA0]  }
0x2b: {  	s6 =	sld [smem:$0x3FA1]  }
0x2c: {  	s7 =	sld [smem:$0x3FA2]  }
0x2d: {  	s3 =	simm.s32 $0x108;
	s8 =	sld [smem:$0x3FA3]  }
0x2e: {  	s3 =	simm.s32 @!p0 $0x1082;
	s9 =	sld [smem:$0x3FA4]  }
0x2f: {  	lr =	sadd.s32 s0, s3;
	s0 =	sld [smem:$0x3F9B]  }
0x30: {  	s3 =	sld [smem:$0x3F9E]  }
0x31: {  	[smem:$0x3FA7] =	sst s10  }
0x32: {  	s10 =	sld [smem:$0x3FA5];
	_ =	sdelay $0x3  }
0x33: {  	p0 =	seq.s32 s10, $0x1;
	s10 =	sld [smem:$0x3FA7];
	_ =	sdelay $0x3  }
0x34: {  	[smem:$0x3FA7] =	sst s10  }
0x35: {  	s10 =	sld [smem:$0x3FA6];
	_ =	sdelay $0x3  }
0x36: {  	p1 =	seq.s32 s10, $0x1;
	s10 =	sld [smem:$0x3FA7];
	_ =	sdelay $0x3  }
0x37: {  	[smem:$0x3FA7] =	sst s10  }
0x38: {  	s10 =	sld [smem:$0x3FA8]  }
0x39: {  	_ = 	snop;
	(pc) =	sbr.ind lr, $3  }
0x3a: {  	_ = 	snop  }
0x3b: {  	_ = 	snop  }
0x3c: {  	p2 =	seq.s32 s10, $0x1;
	s10 =	sld [smem:$0x3FA7]  }
0x3d: {  	_ =	shalt  }
0x3e: {  	_ =	shalt  }
0x3f: {  	_ =	shalt  }
0x40: {  	_ =	shalt  }
0x41: {  	_ =	shalt  }
0x42: {  	_ =	shalt  }
0x43: {  	_ =	shalt  }
0x44: {  	_ =	shalt  }
0x45: {  	_ =	shalt  }
0x46: {  	_ =	shalt  }
0x47: {  	_ =	shalt  }
0x48: {  	_ =	shalt  }
0x49: {  	_ =	shalt  }
0x4a: {  	_ =	shalt  }
0x4b: {  	_ =	shalt  }
0x4c: {  	_ =	shalt  }
0x4d: {  	_ =	shalt  }
0x4e: {  	_ =	shalt  }
0x4f: {  	_ =	shalt  }
0x50: {  	_ =	shalt  }
0x51: {  	_ =	shalt  }
0x52: {  	_ =	shalt  }
0x53: {  	_ =	shalt  }
0x54: {  	_ =	shalt  }
0x55: {  	_ =	shalt  }
0x56: {  	_ =	shalt  }
0x57: {  	_ =	shalt  }
0x58: {  	_ =	shalt  }
0x59: {  	_ =	shalt  }
0x5a: {  	_ =	shalt  }
0x5b: {  	_ =	shalt  }
0x5c: {  	_ =	shalt  }
0x5d: {  	_ =	shalt  }
0x5e: {  	_ =	shalt  }
0x5f: {  	_ =	shalt  }
0x60: {  	_ =	shalt  }
0x61: {  	_ =	shalt  }
0x62: {  	_ =	shalt  }
0x63: {  	_ =	shalt  }
0x64: {  	_ =	shalt  }
0x65: {  	_ =	shalt  }
0x66: {  	_ =	shalt  }
0x67: {  	_ =	shalt  }
0x68: {  	_ =	shalt  }
0x69: {  	_ =	shalt  }
0x6a: {  	_ =	shalt  }
0x6b: {  	_ =	shalt  }
0x6c: {  	_ =	shalt  }
0x6d: {  	_ =	shalt  }
0x6e: {  	_ =	shalt  }
0x6f: {  	_ =	shalt  }
0x70: {  	_ =	shalt  }
0x71: {  	_ =	shalt  }
0x72: {  	_ =	shalt  }
0x73: {  	_ =	shalt  }
0x74: {  	_ =	shalt  }
0x75: {  	_ =	shalt  }
0x76: {  	_ =	shalt  }
0x77: {  	_ =	shalt  }
0x78: {  	_ =	shalt  }
0x79: {  	_ =	shalt  }
0x7a: {  	_ =	shalt  }
0x7b: {  	_ =	shalt  }
0x7c: {  	_ =	shalt  }
0x7d: {  	_ =	shalt  }
0x7e: {  	_ =	shalt  }
0x7f: {  	_ =	shalt  }
0x80: {  	_ =	shalt  }
0x81: {  	_ =	shalt  }
0x82: {  	_ =	shalt  }
0x83: {  	_ =	shalt  }
0x84: {  	_ =	shalt  }
0x85: {  	_ =	shalt  }
0x86: {  	_ =	shalt  }
0x87: {  	_ =	shalt  }
.Lfunc_end0:
.L_simem_size_0:
called_computation.1_lowered:
.L_overlay_start_0:
0x88: {  	s2 =	sld [smem:$0x3FD9]  }
0x89: {  	s3 =	sld [smem:$0x3FFE];
	_ =	sdelay $0x1  }
0x8a: {  	s1 =	srdreg.scid  }
0x8b: {  	s0 =	sand.u32 $0x1, s1  }
0x8c: {  	s15 =	sshll.u32 s0, $0xA;
	s2 =	sadd.s32 s3, s2  }
0x8d: {  	s2 =	sadd.s32 s2, s15  }
0x8e: {  	[smem:$0x3FB3] =	sst s2  }
0x8f: {  	_ = 	snop  }
0x90: {  	s2 =	sld [smem:$0x3FD0];
	_ =	sdelay $0x2  }
0x91: {  	s4 =	simm.s32 $0xB;
	s5 =	simm.s32 $0x10;
	s16 =	sld [smem:$0x3FC9]  }
0x92: {  	[smem:s5], [sflag:s4] =	dma.local [hbm:s2], $0x1  }
0x93: {  	_ =	swait.eq [sflag:s4], $0x1  }
0x94: {  	[sflag:s4] =	ssyncset.done $0x0  }
0x95: {  	[sflag:s4] =	ssyncadd.s32 $0xFFFFFFFF  }
0x96: {  	s17 =	sld [smem:$0x10];
	(tm) =	ssettm $0x1  }
0x97: {  	s18 =	sld [smem:$0x3FFB];
	_ =	sdelay $0x3  }
0x98: {  	_ =	strace s18  }
0x99: {  	s2 =	sld [smem:$0x3FFC];
	_ =	sdelay $0x3  }
0x9a: {  	_ =	strace s2  }
0x9b: {  	s2 =	sld [smem:$0x3FFD];
	_ =	sdelay $0x3  }
0x9c: {  	_ =	strace s2  }
0x9d: {  	_ =	strace $0x8FFFFFFF  }
0x9e: {  	s19 =	sld [smem:$0x3FDB];
	_ =	sdelay $0x1  }
0x9f: {  	s20 =	simm.s32 $_scs_section_size  }
0xa0: {  	s6 =	simm.s32 $_size__tile_overlayer_lowered;
	s7 =	simm.s32 $_tile_overlayer_lowered  }
0xa1: {  	s8 =	simm.s32 $0x1BFF;
	s21 =	sshll.u32 s7, $0x1;
	s5 =	sadd.s32 s20, s19  }
0xa2: {  	s22 =	simm.s32 $0x0;
	s6 =	sshll.u32 s6, $0x1;
	s7 =	sadd.s32 s21, s5  }
0xa3: {  	[timem:s22], [sflag:s8] =	dma.local [hbm:s7], s6  }
0xa4: {  	_ =	swait.ge [sflag:s8], s6  }
0xa5: {  	s6 =	ssub.s32 $0x0, s6;
	[sflag:s8] =	ssyncset.done $0x0  }
0xa6: {  	[sflag:s8] =	ssyncadd.s32 s6;
	_ =	sdelay $0x1  }
0xa7: {  	s23 =	simm.s32 $0x1B8B  }
0xa8: {  	_ =	swait.ge [sflag:s23], $0x1  }
0xa9: {  	[sflag:s23] =	ssyncset.done $0x0  }
0xaa: {  	[sflag:s23] =	ssyncadd.s32 $0xFFFFFFFF  }
0xab: {  	s6 =	sld [smem:$0x0]  }
0xac: {  	s7 =	sand.u32 $0xFFFFFFFE, s1  }
0xad: {  	p0 =	sne.s32 s1, s7  }
0xae: {  	s7 =	sshll.u32 @p0 s7, $0xE  }
0xaf: {  	s7 =	sadd.s32 @p0 $0x11B8D, s7;
	s8 =	sshll.u32 @p0 s6, $0x11  }
0xb0: {  	s7 =	sor.u32 @p0 s8, s7  }
0xb1: {  	[sflag:s7] =	ssyncadd.remote.s32 @p0 $0x1;
	_ =	sdelay $0x1  }
0xb2: {  	s7 =	simm.s32 @p0 $0x1B8D  }
0xb3: {  	_ =	swait.eq @p0 [sflag:s7], $0x1  }
0xb4: {  	[sflag:s7] =	ssyncadd.s32 @p0 $0xFFFFFFFF  }
0xb5: {  	s8 =	sshll.u32 @!p0 s1, $0xE  }
0xb6: {  	s8 =	sor.u32 @!p0 $0x4000, s8;
	s7 =	simm.s32 @!p0 $0x1B8D  }
0xb7: {  	s6 =	sshll.u32 @!p0 s6, $0x11;
	s8 =	sadd.s32 @!p0 $0x11B8D, s8;
	_ =	swait.eq @!p0 [sflag:s7], $0x1  }
0xb8: {  	s6 =	sor.u32 @!p0 s6, s8;
	[sflag:s7] =	ssyncadd.s32 @!p0 $0xFFFFFFFF  }
0xb9: {  	s25 =	simm.s32 $0x1B8E;
	s24 =	sld [smem:$0x3FFE];
	[sflag:s6] =	ssyncadd.remote.s32 @!p0 $0x1  }
0xba: {  	s26 =	simm.s32 $execute0_lowered;
	[smem:$0x3FD2] =	sst s25  }
0xbb: {  	s7 =	sshll.u32 s26, $0x1;
	_ =	strace $0x80000049;
	[dreg:$0x1] =	wrdreg $0xFFFFFFFF  }
0xbc: {  	s28 =	simm.s32 $_size_execute0_lowered;
	s5 =	sadd.s32 s5, s7;
	[dreg:$0x0] =	wrdreg $0x0  }
0xbd: {  	s7 =	sshll.u32 s28, $0x1;
	[dreg:$0x2] =	wrdreg s5  }
0xbe: {  	[dreg:$0x3] =	wrdreg s7  }
0xbf: {  	[dreg:$0x4] =	wrdreg $0xC0  }
0xc0: {  	_ =	task [dreg:s22], $0x5FFFF  }
0xc1: {  	[dreg:$0x1] =	wrdreg $0xFFFFFFFF  }
0xc2: {  	[dreg:$0x0] =	wrdreg $0x60  }
0xc3: {  	[dreg:$0x2] =	wrdreg s16  }
0xc4: {  	[dreg:$0x3] =	wrdreg s24  }
0xc5: {  	[dreg:$0x4] =	wrdreg s17  }
0xc6: {  	[dreg:$0x5] =	wrdreg $0xA4000  }
0xc7: {  	[dreg:$0x6] =	wrdreg $0xA  }
0xc8: {  	_ =	task.clear_ibuf [dreg:s22], $0x7FFFF;
	_ =	strace $0x90000049  }
0xc9: {  	s29 =	simm.s32 $0xA;
	_ =	strace $0x8000004B  }
0xca: {  	_ =	swait.ge [sflag:s29], $0x1  }
0xcb: {  	[sflag:s29] =	ssyncadd.s32 $0xFFFFFFFF  }
0xcc: {  	_ =	strace $0x9000004B  }
0xcd: {  	_ =	sfence  }
0xce: {  	s30 =	sld [smem:$0x0];
	_ =	sdelay $0x2  }
0xcf: {  	s31 =	sshll.u32 s1, $0xD;
	s1 =	sshrl.u32 s1, $0x2  }
0xd0: {  	s4 =	sand.u32 $0x4000, s31;
	s1 =	sadd.s32 s1, s30  }
0xd1: {  	s0 =	sor.u32 s4, s0;
	s1 =	sshll.u32 s1, $0x11  }
0xd2: {  	s0 =	sor.u32 s1, s0  }
0xd3: {  	s0 =	sadd.s32 $0x8F2B, s0  }
0xd4: {  	[sflag:s0] =	ssyncadd.remote.s32 $0x1  }
0xd5: {  	_ =	sfence.sel $0xFFFF  }
0xd6: {  	[dreg:$0x0] =	wrdreg $0xFFFFFFFF;
	(pc) =	sbr.abs _section_cstart, $3  }
0xd7: {  	[dreg:$0x1] =	wrdreg $0xFFFFFFFF  }
0xd8: {  	_ =	task.clear_ibuf [dreg:s22], $0x2FFFF;
	_ =	strace $0x9FFFFFFF  }
0xd9: {  	(tm) =	ssettm $0x7FFFFFFF  }
tec
execute0_lowered:
.L_overlay_start_1:
0x0: {  	(tag) =	ssettag $0x1  }
0x1: {  	s1 =	rddreg [dreg:$0x0]  }
0x2: {  	s6 =	rddreg [dreg:$0x1]  }
0x3: {  	s7 =	rddreg [dreg:$0x2]  }
0x4: {  	s2 =	rddreg [dreg:$0x3]  }
0x5: {  	s3 =	simm.s32 $0x0;
	s4 =	srdreg.scid;
	s0 =	stileid.u32  }
0x6: {  	s29 =	simm.s32 $0x300;
	s30 =	simm.s32 $0x180;
	s31 =	simm.s32 $0x50  }
0x7: {  	[smem:$0x7FF] =	sst s3;
	s9 =	sand.u32 $0x1, s4;
	s4 =	sadd.s32 $0xEA00, s6  }
0x8: {  	s10 =	smul.u32 $0x4E000, s0;
	s5 =	sadd.s32 $0x4C00, s6;
	s6 =	sadd.s32 $0x67000, s6  }
0x9: {  	s13 =	smul.u32 $0x13800, s0;
	s16 =	sshll.u32 s0, $0x6;
	s18 =	sadd.s32 $0x138000, s2  }
0xa: {  	p0 =	sne.s32 s0, $0x0;
	_ =	strace $0x8000004A;
	s8 =	ssub.s32 $0x2, s9  }
0xb: {  	s12 =	sshll.u32 s9, $0x4;
	[dreg:$0xf] =	wrdreg s18;
	s20 =	smul.u32 $0x138800, s9  }
0xc: {  	s9 =	smul.u32 $0x27100, s9;
	s11 =	sshrl.u32 s8, $0x1;
	s10 =	sshrl.u32 s10, $0x2  }
0xd: {  	s14 =	sor.u32 s0, s12;
	s15 =	sshrl.u32 s13, $0x3;
	s11 =	ssub.s32 s8, s11  }
0xe: {  	s10 =	sadd.s32 s10, s2;
	s14 =	smul.u32 $0x2710, s14;
	s17 =	sadd.s32 s7, s15  }
0xf: {  	s8 =	sor.u32 $0x1C09, s16;
	s7 =	sadd.s32 $0x27000, s7;
	[dreg:$0xc] =	wrdreg s10  }
0x10: {  	s15 =	smul.u32 $0x2710, s0;
	s26 =	sadd.s32 s13, s20;
	[dreg:$0xd] =	wrdreg s17  }
0x11: {  	s0 =	simm.s32 $0x5;
	[dreg:$0x10] =	wrdreg s7;
	s19 =	sshrl.u32 s14, $0x3  }
0x12: {  	s10 =	sshrl.u32 s20, $0x3;
	[dreg:$0xe] =	wrdreg s8;
	s21 =	sadd.s32 s4, s19  }
0x13: {  	s22 =	sadd.s32 s5, s19;
	s23 =	sadd.s32 $0xA, s19;
	[dreg:$0x11] =	wrdreg s21  }
0x14: {  	s9 =	sadd.s32 s15, s9;
	[dreg:$0x12] =	wrdreg s22;
	s16 =	sadd.s32 s4, s23  }
0x15: {  	s14 =	sadd.s32 $0x14, s19;
	s12 =	sadd.s32 s5, s23;
	[dreg:$0x13] =	wrdreg s16  }
0x16: {  	s7 =	sadd.s32 $0x1E, s19;
	s24 =	sadd.s32 s4, s14;
	[dreg:$0x14] =	wrdreg s12  }
0x17: {  	s28 =	sadd.s32 $0x230, s9;
	s25 =	sadd.s32 s5, s14;
	[dreg:$0x15] =	wrdreg s24  }
0x18: {  	s15 =	sadd.s32 $0x1E0, s9;
	s22 =	sadd.s32 s4, s7;
	[dreg:$0x16] =	wrdreg s25  }
0x19: {  	s19 =	sadd.s32 $0x190, s9;
	s7 =	sadd.s32 s5, s7;
	[dreg:$0x18] =	wrdreg s22  }
0x1a: {  	s13 =	sshrl.u32 s28, $0x3;
	s28 =	simm.s32 $0x7C00;
	[dreg:$0x19] =	wrdreg s7  }
0x1b: {  	s17 =	sshrl.u32 s15, $0x3;
	s14 =	sadd.s32 s13, s5;
	[dreg:$0xb] =	wrdreg s28  }
0x1c: {  	s21 =	sshrl.u32 s19, $0x3;
	s16 =	sadd.s32 s13, s4;
	[dreg:$0x5] =	wrdreg s14  }
0x1d: {  	s15 =	simm.s32 $0x3;
	s18 =	sadd.s32 s17, s5;
	[dreg:$0x6] =	wrdreg s16  }
0x1e: {  	s12 =	sshrl.u32 s26, $0x3;
	s20 =	sadd.s32 s17, s4;
	[dreg:$0x7] =	wrdreg s18  }
0x1f: {  	s23 =	sadd.s32 s21, s5;
	s24 =	sadd.s32 s21, s4;
	[dreg:$0x8] =	wrdreg s20  }
0x20: {  	s25 =	smax.u32 s11, $0x1;
	s26 =	sadd.s32 $0x140, s9;
	[dreg:$0x9] =	wrdreg s23  }
0x21: {  	s9 =	simm.s32 $0x2C00;
	s11 =	simm.s32 $0x5400;
	[dreg:$0x1b] =	wrdreg s25  }
0x22: {  	s13 =	simm.s32 $0x8;
	s12 =	sadd.s32 s6, s12;
	[dreg:$0xa] =	wrdreg s24  }
0x23: {  	s6 =	sadd.s32 s6, s10;
	[dreg:$0x1c] =	wrdreg s26;
	s23 =	simm.s32 $0x9  }
0x24: {  	s24 =	simm.s32 $0x200;
	s26 =	simm.s32 $0x280;
	s14 =	simm.s32 $0x2  }
0x25: {  	s16 =	simm.s32 $0x0;
	[dreg:$0x17] =	wrdreg s12;
	s6 =	sadd.s32 $0x27000, s6  }
0x26: {  	s12 =	simm.s32 $0x1;
	[dreg:$0x1a] =	wrdreg s6;
	s6 =	simm.s32 $0x400  }
.LBB2_1:
0x27: {  	s7 =	rddreg [dreg:$0xc]  }
0x28: {  	s22 =	rddreg [dreg:$0xd];
	s10 =	sshrl.u32 s7, $0x3  }
0x29: {  	[dreg:$0x1d] =	wrdreg s10  }
0x2a: {  	[spmem:s10], [sflag:s8] =	dma.local [hbm:s22], $0x2700  }
0x2b: {  	_ =	swait.ge [sflag:s23], $0x2700  }
0x2c: {  	s7 =	rddreg [dreg:$0xf]  }
0x2d: {  	[sflag:s23] =	ssyncset.done $0x0;
	s10 =	sshrl.u32 @!p0 s7, $0x3;
	s7 =	rddreg [dreg:$0x10]  }
0x2e: {  	[sflag:s23] =	ssyncadd.s32 $0xFFFFD900;
	[dreg:$0x1e] =	wrdreg s10  }
0x2f: {  	[spmem:s10], [sflag:s8] =	dma.local @!p0 [hbm:s7], $0x100  }
0x30: {  	s7 =	simm.s32 @!p0 $0x9  }
0x31: {  	_ =	swait.ge @!p0 [sflag:s7], $0x100  }
0x32: {  	[sflag:s7] =	ssyncset.done @!p0 $0x0  }
0x33: {  	[sflag:s7] =	ssyncadd.s32 @!p0 $0xFFFFFF00  }
0x34: {  	[bflag:$0x0] =	sbarrier.arrive $0xFFFF  }
0x35: {  	s25 =	rddreg [dreg:$0x11]  }
0x36: {  	[tilespmem:s3], [sflag:$0x5] =	stream.linear.gather [hbm4b:s25+s3], $0x50, $0x38;
	[tilespmem:$0x1DC80] =	vst v63  }
0x37: {  	s28 =	rddreg [dreg:$0x12]  }
0x38: {  	[tilespmem:s24], [sflag:$0x5] =	stream.linear.gather [hbm4b:s28+s3], $0x50, $0x38;
	[tilespmem:$0x1DC80] =	vst v63  }
0x39: {  	s10 =	simm.s32 $0x80;
	s8 =	rddreg [dreg:$0x13]  }
0x3a: {  	[tilespmem:s10], [sflag:$0x6] =	stream.linear.gather [hbm4b:s8+s3], $0x50, $0x38;
	[tilespmem:$0x1DC80] =	vst v63  }
0x3b: {  	s18 =	rddreg [dreg:$0x14]  }
0x3c: {  	[tilespmem:s26], [sflag:$0x6] =	stream.linear.gather [hbm4b:s18+s3], $0x50, $0x38;
	[tilespmem:$0x1DC80] =	vst v63  }
0x3d: {  	s20 =	simm.s32 $0x100;
	s19 =	rddreg [dreg:$0x15]  }
0x3e: {  	[tilespmem:s20], [sflag:$0x7] =	stream.linear.gather [hbm4b:s19+s3], $0x50, $0x38;
	[tilespmem:$0x1DC80] =	vst v63  }
0x3f: {  	s21 =	rddreg [dreg:$0x16]  }
0x40: {  	[tilespmem:s29], [sflag:$0x7] =	stream.linear.gather [hbm4b:s21+s3], $0x50, $0x38;
	[tilespmem:$0x1DC80] =	vst v63  }
0x41: {  	s22 =	rddreg [dreg:$0x18]  }
0x42: {  	[tilespmem:s30], [sflag:$0x8] =	stream.linear.gather [hbm4b:s22+s3], $0x50, $0x38;
	[tilespmem:$0x1DC80] =	vst v63  }
0x43: {  	s17 =	simm.s32 $0x380;
	s25 =	rddreg [dreg:$0x19]  }
0x44: {  	[tilespmem:s17], [sflag:$0x8] =	stream.linear.gather [hbm4b:s25+s3], $0x50, $0x38;
	[tilespmem:$0x1DC80] =	vst v63  }
0x45: {  	_ =	swait.ge [sflag:s0], $0x50  }
0x46: {  	[sflag:s0] =	ssyncset.done $0x0  }
0x47: {  	[sflag:s0] =	ssyncadd.s32 $0xFFFFFFB0  }
0x48: {  	_ =	swait.ge [sflag:s0], $0x50  }
0x49: {  	[sflag:s0] =	ssyncset.done $0x0  }
0x4a: {  	s28 =	simm.s32 $0x6;
	[sflag:s0] =	ssyncadd.s32 $0xFFFFFFB0  }
0x4b: {  	[tilespmem:s6], [sflag:$0x1] =	stream.indirect.gather [hbm4b:s1+s31], $0x80, s3, s31, $0xb8;
	[tilespmem:$0x1DC80] =	vst v63  }
0x4c: {  	_ =	swait.ge [sflag:s28], $0x50  }
0x4d: {  	[sflag:s28] =	ssyncset.done $0x0  }
0x4e: {  	[sflag:s28] =	ssyncadd.s32 $0xFFFFFFB0  }
0x4f: {  	_ =	swait.ge [sflag:s28], $0x50  }
0x50: {  	[sflag:s28] =	ssyncset.done $0x0  }
0x51: {  	s17 =	simm.s32 $0x7;
	[sflag:s28] =	ssyncadd.s32 $0xFFFFFFB0  }
0x52: {  	[tilespmem:s9], [sflag:$0x2] =	stream.indirect.gather [hbm4b:s1+s31], $0x80, s10, s31, $0xb8;
	[tilespmem:$0x1DC80] =	vst v63  }
0x53: {  	_ =	swait.ge [sflag:s17], $0x50  }
0x54: {  	[sflag:s17] =	ssyncset.done $0x0  }
0x55: {  	[sflag:s17] =	ssyncadd.s32 $0xFFFFFFB0  }
0x56: {  	_ =	swait.ge [sflag:s17], $0x50  }
0x57: {  	[sflag:s17] =	ssyncset.done $0x0  }
0x58: {  	[sflag:s17] =	ssyncadd.s32 $0xFFFFFFB0  }
0x59: {  	[tilespmem:s11], [sflag:$0x3] =	stream.indirect.gather [hbm4b:s1+s31], $0x80, s20, s31, $0xb8;
	[tilespmem:$0x1DC80] =	vst v63  }
0x5a: {  	_ =	swait.ge [sflag:s12], $0x2800  }
0x5b: {  	[sflag:s12] =	ssyncset.done $0x0  }
0x5c: {  	[sflag:s12] =	ssyncadd.s32 $0xFFFFD800  }
0x5d: {  	[spmem:s2] =	stream.indirect.scatter.add.f32 [tilespmem:s6], [sflag:$0x9], $0x80, s24, s31, $0xb8;
	[tilespmem:$0x1DC80] =	vst v63  }
0x5e: {  	_ =	swait.ge [sflag:s23], $0x2800  }
0x5f: {  	s18 =	rddreg [dreg:$0x1c]  }
0x60: {  	[sflag:s23] =	ssyncset.done $0x0;
	s25 =	sshrl.u32 s18, $0x3  }
0x61: {  	[sflag:s23] =	ssyncadd.s32 $0xFFFFD800;
	s19 =	sadd.s32 s4, s25  }
0x62: {  	[tilespmem:s3], [sflag:$0x5] =	stream.linear.gather [hbm4b:s19+s3], $0x50, $0x38;
	[tilespmem:$0x1DC80] =	vst v63  }
0x63: {  	s7 =	sadd.s32 s5, s25  }
0x64: {  	[tilespmem:s24], [sflag:$0x5] =	stream.linear.gather [hbm4b:s7+s3], $0x50, $0x38;
	[tilespmem:$0x1DC80] =	vst v63  }
0x65: {  	_ =	swait.ge [sflag:s13], $0x50  }
0x66: {  	[sflag:s13] =	ssyncset.done $0x0  }
0x67: {  	[sflag:s13] =	ssyncadd.s32 $0xFFFFFFB0  }
0x68: {  	_ =	swait.ge [sflag:s13], $0x50  }
0x69: {  	[sflag:s13] =	ssyncset.done $0x0  }
0x6a: {  	s28 =	rddreg [dreg:$0xb];
	[sflag:s13] =	ssyncadd.s32 $0xFFFFFFB0  }
0x6b: {  	[tilespmem:s28], [sflag:$0x4] =	stream.indirect.gather [hbm4b:s1+s31], $0x80, s30, s31, $0xb8;
	[tilespmem:$0x1DC80] =	vst v63  }
0x6c: {  	_ =	swait.ge [sflag:s14], $0x2800  }
0x6d: {  	[sflag:s14] =	ssyncset.done $0x0  }
0x6e: {  	p1 =	por $0x0, $0x0;
	[sflag:s14] =	ssyncadd.s32 $0xFFFFD800  }
0x6f: {  	[spmem:s2] =	stream.indirect.scatter.add.f32 [tilespmem:s9], [sflag:$0x9], $0x80, s26, s31, $0xb8;
	[tilespmem:$0x1DC80] =	vst v63  }
0x70: {  	s21 =	simm.s32 @!p1 $0x80;
	_ =	swait.ge [sflag:s23], $0x2800  }
0x71: {  	s7 =	simm.s32 @!p1 $0x0;
	s19 =	rddreg [dreg:$0xa];
	[sflag:s23] =	ssyncset.done $0x0  }
0x72: {  	s20 =	rddreg [dreg:$0x9];
	[sflag:s23] =	ssyncadd.s32 $0xFFFFD800;
	s19 =	sadd.s32 @!p1 $0x0, s19  }
0x73: {  	[tilespmem:s21], [sflag:$0x6] =	stream.linear.gather @!p1 [hbm4b:s19+s7], $0x50, $0x38;
	[tilespmem:$0x1DC80] =	vst v63  }
0x74: {  	s20 =	sadd.s32 @!p1 $0x0, s20;
	s19 =	simm.s32 @!p1 $0x280  }
0x75: {  	[tilespmem:s19], [sflag:$0x6] =	stream.linear.gather @!p1 [hbm4b:s20+s7], $0x50, $0x38;
	[tilespmem:$0x1DC80] =	vst v63  }
0x76: {  	_ =	swait.ge [sflag:s0], $0x50  }
0x77: {  	[sflag:s0] =	ssyncset.done $0x0  }
0x78: {  	[sflag:s0] =	ssyncadd.s32 $0xFFFFFFB0  }
0x79: {  	_ =	swait.ge [sflag:s0], $0x50  }
0x7a: {  	[sflag:s0] =	ssyncset.done $0x0  }
0x7b: {  	[sflag:s0] =	ssyncadd.s32 $0xFFFFFFB0  }
0x7c: {  	[tilespmem:s6], [sflag:$0x1] =	stream.indirect.gather [hbm4b:s1+s31], $0x80, s3, s31, $0xb8;
	[tilespmem:$0x1DC80] =	vst v63  }
0x7d: {  	_ =	swait.ge [sflag:s15], $0x2800  }
0x7e: {  	[sflag:s15] =	ssyncset.done $0x0  }
0x7f: {  	[sflag:s15] =	ssyncadd.s32 $0xFFFFD800  }
0x80: {  	[spmem:s2] =	stream.indirect.scatter.add.f32 [tilespmem:s11], [sflag:$0x9], $0x80, s29, s31, $0xb8;
	[tilespmem:$0x1DC80] =	vst v63  }
0x81: {  	_ =	swait.ge [sflag:s23], $0x2800  }
0x82: {  	[sflag:s23] =	ssyncset.done $0x0  }
0x83: {  	s19 =	simm.s32 @p1 $0x4;
	[sflag:s23] =	ssyncadd.s32 $0xFFFFD800  }
0x84: {  	_ =	swait.ge @p1 [sflag:s19], $0x2800  }
0x85: {  	s22 =	simm.s32 @p1 $0x50;
	s25 =	simm.s32 @p1 $0x380;
	[sflag:s19] =	ssyncset.done @p1 $0x0  }
0x86: {  	s20 =	simm.s32 @p1 $0x7C00;
	[sflag:s19] =	ssyncadd.s32 @p1 $0xFFFFD800;
	s19 =	simm.s32 @p1 $0x9  }
0x87: {  	[spmem:s2] =	stream.indirect.scatter.add.f32 @p1 [tilespmem:s20], [sflag:$0x9], $0x80, s25, s22, $0xb8;
	[tilespmem:$0x1DC80] =	vst v63  }
0x88: {  	_ =	swait.ge @p1 [sflag:s19], $0x2800  }
0x89: {  	s20 =	rddreg [dreg:$0x8]  }
0x8a: {  	[sflag:s19] =	ssyncset.done @p1 $0x0;
	s22 =	rddreg [dreg:$0x7]  }
0x8b: {  	[sflag:s19] =	ssyncadd.s32 @p1 $0xFFFFD800;
	s19 =	sadd.s32 @!p1 $0x0, s20;
	s20 =	simm.s32 @!p1 $0x100  }
0x8c: {  	[tilespmem:s20], [sflag:$0x7] =	stream.linear.gather @!p1 [hbm4b:s19+s7], $0x50, $0x38;
	[tilespmem:$0x1DC80] =	vst v63  }
0x8d: {  	s25 =	simm.s32 @!p1 $0x6;
	s22 =	sadd.s32 @!p1 $0x0, s22;
	s19 =	simm.s32 @!p1 $0x300  }
0x8e: {  	[tilespmem:s19], [sflag:$0x7] =	stream.linear.gather @!p1 [hbm4b:s22+s7], $0x50, $0x38;
	[tilespmem:$0x1DC80] =	vst v63  }
0x8f: {  	_ =	swait.ge @!p1 [sflag:s25], $0x50  }
0x90: {  	[sflag:s25] =	ssyncset.done @!p1 $0x0  }
0x91: {  	[sflag:s25] =	ssyncadd.s32 @!p1 $0xFFFFFFB0  }
0x92: {  	_ =	swait.ge @!p1 [sflag:s25], $0x50  }
0x93: {  	s19 =	simm.s32 @!p1 $0x50;
	[sflag:s25] =	ssyncset.done @!p1 $0x0  }
0x94: {  	s22 =	simm.s32 @!p1 $0x2C00;
	[sflag:s25] =	ssyncadd.s32 @!p1 $0xFFFFFFB0;
	s25 =	simm.s32 @!p1 $0x4  }
0x95: {  	[tilespmem:s22], [sflag:$0x2] =	stream.indirect.gather @!p1 [hbm4b:s1+s19], $0x80, s21, s19, $0xb8;
	[tilespmem:$0x1DC80] =	vst v63  }
0x96: {  	_ =	swait.ge @!p1 [sflag:s25], $0x2800  }
0x97: {  	s21 =	simm.s32 @!p1 $0x380;
	[sflag:s25] =	ssyncset.done @!p1 $0x0  }
0x98: {  	s22 =	simm.s32 @!p1 $0x7C00;
	[sflag:s25] =	ssyncadd.s32 @!p1 $0xFFFFD800;
	s25 =	simm.s32 @!p1 $0x9  }
0x99: {  	[spmem:s2] =	stream.indirect.scatter.add.f32 @!p1 [tilespmem:s22], [sflag:$0x9], $0x80, s21, s19, $0xb8;
	[tilespmem:$0x1DC80] =	vst v63  }
0x9a: {  	_ =	swait.ge @!p1 [sflag:s25], $0x2800  }
0x9b: {  	s22 =	rddreg [dreg:$0x6]  }
0x9c: {  	[sflag:s25] =	ssyncset.done @!p1 $0x0;
	s28 =	rddreg [dreg:$0x5]  }
0x9d: {  	[sflag:s25] =	ssyncadd.s32 @!p1 $0xFFFFD800;
	s22 =	sadd.s32 @!p1 $0x0, s22;
	s25 =	simm.s32 @!p1 $0x180  }
0x9e: {  	[tilespmem:s25], [sflag:$0x8] =	stream.linear.gather @!p1 [hbm4b:s22+s7], $0x50, $0x38;
	[tilespmem:$0x1DC80] =	vst v63  }
0x9f: {  	s22 =	sadd.s32 @!p1 $0x0, s28  }
0xa0: {  	[tilespmem:s21], [sflag:$0x8] =	stream.linear.gather @!p1 [hbm4b:s22+s7], $0x50, $0x38;
	[tilespmem:$0x1DC80] =	vst v63  }
0xa1: {  	s7 =	simm.s32 @!p1 $0x7  }
0xa2: {  	_ =	swait.ge @!p1 [sflag:s7], $0x50  }
0xa3: {  	[sflag:s7] =	ssyncset.done @!p1 $0x0  }
0xa4: {  	[sflag:s7] =	ssyncadd.s32 @!p1 $0xFFFFFFB0  }
0xa5: {  	_ =	swait.ge @!p1 [sflag:s7], $0x50  }
0xa6: {  	[sflag:s7] =	ssyncset.done @!p1 $0x0  }
0xa7: {  	s21 =	simm.s32 @!p1 $0x5400;
	[sflag:s7] =	ssyncadd.s32 @!p1 $0xFFFFFFB0  }
0xa8: {  	[tilespmem:s21], [sflag:$0x3] =	stream.indirect.gather @!p1 [hbm4b:s1+s19], $0x80, s20, s19, $0xb8;
	[tilespmem:$0x1DC80] =	vst v63  }
0xa9: {  	_ =	swait.ge [sflag:s12], $0x2800  }
0xaa: {  	[sflag:s12] =	ssyncset.done $0x0  }
0xab: {  	s25 =	simm.s32 $0x50;
	s20 =	sadd.s32 $0x140, s18;
	[sflag:s12] =	ssyncadd.s32 $0xFFFFD800  }
0xac: {  	[spmem:s2] =	stream.indirect.scatter.add.f32 [tilespmem:s6], [sflag:$0x9], $0x80, s24, s31, $0xb8;
	[tilespmem:$0x1DC80] =	vst v63  }
0xad: {  	s19 =	simm.s32 $0x28;
	s7 =	sshrl.u32 s20, $0x3;
	_ =	swait.ge [sflag:s23], $0x2800  }
.LBB2_2:
0xae: {  	[sflag:s23] =	ssyncset.done $0x0  }
0xaf: {  	s22 =	sadd.s32 s4, s7;
	[sflag:s23] =	ssyncadd.s32 $0xFFFFD800  }
0xb0: {  	[tilespmem:s3], [sflag:$0x5] =	stream.linear.gather [hbm4b:s22+s3], $0x50, $0x38;
	[tilespmem:$0x1DC80] =	vst v63  }
0xb1: {  	s22 =	sadd.s32 s5, s7  }
0xb2: {  	[tilespmem:s24], [sflag:$0x5] =	stream.linear.gather [hbm4b:s22+s3], $0x50, $0x38;
	[tilespmem:$0x1DC80] =	vst v63  }
0xb3: {  	_ =	swait.ge [sflag:s13], $0x50  }
0xb4: {  	[sflag:s13] =	ssyncset.done $0x0  }
0xb5: {  	[sflag:s13] =	ssyncadd.s32 $0xFFFFFFB0  }
0xb6: {  	_ =	swait.ge [sflag:s13], $0x50  }
0xb7: {  	[sflag:s13] =	ssyncset.done $0x0  }
0xb8: {  	s28 =	rddreg [dreg:$0xb];
	[sflag:s13] =	ssyncadd.s32 $0xFFFFFFB0  }
0xb9: {  	[tilespmem:s28], [sflag:$0x4] =	stream.indirect.gather [hbm4b:s1+s31], $0x80, s30, s31, $0xb8;
	[tilespmem:$0x1DC80] =	vst v63  }
0xba: {  	_ =	swait.ge [sflag:s14], $0x2800  }
0xbb: {  	[sflag:s14] =	ssyncset.done $0x0  }
0xbc: {  	p2 =	seq.s32 s19, $0x4B0;
	[sflag:s14] =	ssyncadd.s32 $0xFFFFD800  }
0xbd: {  	[spmem:s2] =	stream.indirect.scatter.add.f32 [tilespmem:s9], [sflag:$0x9], $0x80, s26, s31, $0xb8;
	[tilespmem:$0x1DC80] =	vst v63  }
0xbe: {  	s22 =	simm.s32 @!p2 $0x80;
	_ =	swait.ge [sflag:s23], $0x2800  }
0xbf: {  	s28 =	simm.s32 @!p2 $0x0;
	s7 =	rddreg [dreg:$0xa];
	[sflag:s23] =	ssyncset.done $0x0  }
0xc0: {  	s10 =	rddreg [dreg:$0x9];
	[sflag:s23] =	ssyncadd.s32 $0xFFFFD800;
	s7 =	sadd.s32 @!p2 s19, s7  }
0xc1: {  	[tilespmem:s22], [sflag:$0x6] =	stream.linear.gather @!p2 [hbm4b:s7+s28], $0x50, $0x38;
	[tilespmem:$0x1DC80] =	vst v63  }
0xc2: {  	s17 =	simm.s32 @!p2 $0x280;
	s7 =	sadd.s32 @!p2 s19, s10  }
0xc3: {  	[tilespmem:s17], [sflag:$0x6] =	stream.linear.gather @!p2 [hbm4b:s7+s28], $0x50, $0x38;
	[tilespmem:$0x1DC80] =	vst v63  }
0xc4: {  	_ =	swait.ge [sflag:s0], $0x50  }
0xc5: {  	[sflag:s0] =	ssyncset.done $0x0  }
0xc6: {  	[sflag:s0] =	ssyncadd.s32 $0xFFFFFFB0  }
0xc7: {  	_ =	swait.ge [sflag:s0], $0x50  }
0xc8: {  	[sflag:s0] =	ssyncset.done $0x0  }
0xc9: {  	[sflag:s0] =	ssyncadd.s32 $0xFFFFFFB0  }
0xca: {  	[tilespmem:s6], [sflag:$0x1] =	stream.indirect.gather [hbm4b:s1+s31], $0x80, s3, s31, $0xb8;
	[tilespmem:$0x1DC80] =	vst v63  }
0xcb: {  	_ =	swait.ge [sflag:s15], $0x2800  }
0xcc: {  	[sflag:s15] =	ssyncset.done $0x0  }
0xcd: {  	[sflag:s15] =	ssyncadd.s32 $0xFFFFD800  }
0xce: {  	[spmem:s2] =	stream.indirect.scatter.add.f32 [tilespmem:s11], [sflag:$0x9], $0x80, s29, s31, $0xb8;
	[tilespmem:$0x1DC80] =	vst v63  }
0xcf: {  	_ =	swait.ge [sflag:s23], $0x2800  }
0xd0: {  	[sflag:s23] =	ssyncset.done $0x0  }
0xd1: {  	s7 =	simm.s32 @p2 $0x4;
	[sflag:s23] =	ssyncadd.s32 $0xFFFFD800  }
0xd2: {  	_ =	swait.ge @p2 [sflag:s7], $0x2800  }
0xd3: {  	s18 =	simm.s32 @p2 $0x380;
	s10 =	simm.s32 @p2 $0x7C00;
	[sflag:s7] =	ssyncset.done @p2 $0x0  }
0xd4: {  	s17 =	simm.s32 @p2 $0x50;
	[sflag:s7] =	ssyncadd.s32 @p2 $0xFFFFD800;
	s7 =	simm.s32 @p2 $0x9  }
0xd5: {  	[spmem:s2] =	stream.indirect.scatter.add.f32 @p2 [tilespmem:s10], [sflag:$0x9], $0x80, s18, s17, $0xb8;
	[tilespmem:$0x1DC80] =	vst v63  }
0xd6: {  	_ =	swait.ge @p2 [sflag:s7], $0x2800  }
0xd7: {  	s10 =	rddreg [dreg:$0x8]  }
0xd8: {  	[sflag:s7] =	ssyncset.done @p2 $0x0;
	s17 =	rddreg [dreg:$0x7]  }
0xd9: {  	[sflag:s7] =	ssyncadd.s32 @p2 $0xFFFFD800;
	s10 =	sadd.s32 @!p2 s19, s10;
	s7 =	simm.s32 @!p2 $0x100  }
0xda: {  	[tilespmem:s7], [sflag:$0x7] =	stream.linear.gather @!p2 [hbm4b:s10+s28], $0x50, $0x38;
	[tilespmem:$0x1DC80] =	vst v63  }
0xdb: {  	s18 =	simm.s32 @!p2 $0x300;
	s10 =	sadd.s32 @!p2 s19, s17;
	s17 =	simm.s32 @!p2 $0x6  }
0xdc: {  	[tilespmem:s18], [sflag:$0x7] =	stream.linear.gather @!p2 [hbm4b:s10+s28], $0x50, $0x38;
	[tilespmem:$0x1DC80] =	vst v63  }
0xdd: {  	_ =	swait.ge @!p2 [sflag:s17], $0x50  }
0xde: {  	[sflag:s17] =	ssyncset.done @!p2 $0x0  }
0xdf: {  	[sflag:s17] =	ssyncadd.s32 @!p2 $0xFFFFFFB0  }
0xe0: {  	_ =	swait.ge @!p2 [sflag:s17], $0x50  }
0xe1: {  	s10 =	simm.s32 @!p2 $0x50;
	[sflag:s17] =	ssyncset.done @!p2 $0x0  }
0xe2: {  	s18 =	simm.s32 @!p2 $0x2C00;
	[sflag:s17] =	ssyncadd.s32 @!p2 $0xFFFFFFB0;
	s17 =	simm.s32 @!p2 $0x4  }
0xe3: {  	[tilespmem:s18], [sflag:$0x2] =	stream.indirect.gather @!p2 [hbm4b:s1+s10], $0x80, s22, s10, $0xb8;
	[tilespmem:$0x1DC80] =	vst v63  }
0xe4: {  	_ =	swait.ge @!p2 [sflag:s17], $0x2800  }
0xe5: {  	s18 =	simm.s32 @!p2 $0x380;
	[sflag:s17] =	ssyncset.done @!p2 $0x0  }
0xe6: {  	s22 =	simm.s32 @!p2 $0x7C00;
	[sflag:s17] =	ssyncadd.s32 @!p2 $0xFFFFD800;
	s17 =	simm.s32 @!p2 $0x9  }
0xe7: {  	[spmem:s2] =	stream.indirect.scatter.add.f32 @!p2 [tilespmem:s22], [sflag:$0x9], $0x80, s18, s10, $0xb8;
	[tilespmem:$0x1DC80] =	vst v63  }
0xe8: {  	_ =	swait.ge @!p2 [sflag:s17], $0x2800  }
0xe9: {  	s22 =	rddreg [dreg:$0x6]  }
0xea: {  	[sflag:s17] =	ssyncset.done @!p2 $0x0;
	s8 =	rddreg [dreg:$0x5]  }
0xeb: {  	[sflag:s17] =	ssyncadd.s32 @!p2 $0xFFFFD800;
	s17 =	sadd.s32 @!p2 s19, s22;
	s22 =	simm.s32 @!p2 $0x180  }
0xec: {  	[tilespmem:s22], [sflag:$0x8] =	stream.linear.gather @!p2 [hbm4b:s17+s28], $0x50, $0x38;
	[tilespmem:$0x1DC80] =	vst v63  }
0xed: {  	s8 =	sadd.s32 @!p2 s19, s8;
	s17 =	simm.s32 @!p2 $0x7  }
0xee: {  	[tilespmem:s18], [sflag:$0x8] =	stream.linear.gather @!p2 [hbm4b:s8+s28], $0x50, $0x38;
	[tilespmem:$0x1DC80] =	vst v63  }
0xef: {  	_ =	swait.ge @!p2 [sflag:s17], $0x50  }
0xf0: {  	[sflag:s17] =	ssyncset.done @!p2 $0x0  }
0xf1: {  	[sflag:s17] =	ssyncadd.s32 @!p2 $0xFFFFFFB0  }
0xf2: {  	_ =	swait.ge @!p2 [sflag:s17], $0x50  }
0xf3: {  	s21 =	smov.u32 s25;
	s25 =	sadd.s32 $0x28, s25;
	[sflag:s17] =	ssyncset.done @!p2 $0x0  }
0xf4: {  	p1 =	sne.s32 s25, $0x4D8;
	s8 =	simm.s32 @!p2 $0x5400;
	[sflag:s17] =	ssyncadd.s32 @!p2 $0xFFFFFFB0  }
0xf5: {  	[tilespmem:s8], [sflag:$0x3] =	stream.indirect.gather @!p2 [hbm4b:s1+s10], $0x80, s7, s10, $0xb8;
	[tilespmem:$0x1DC80] =	vst v63  }
.Ltmp0:
0xf6: {  	_ =	swait.ge [sflag:s12], $0x2800;
	(pc) =	sbr.rel @p1 .LBB2_2-.Ltmp0, $4  }
0xf7: {  	[sflag:s12] =	ssyncset.done $0x0  }
0xf8: {  	s20 =	sadd.s32 $0x140, s20;
	[sflag:s12] =	ssyncadd.s32 $0xFFFFD800  }
0xf9: {  	[spmem:s2] =	stream.indirect.scatter.add.f32 [tilespmem:s6], [sflag:$0x9], $0x80, s24, s31, $0xb8;
	[tilespmem:$0x1DC80] =	vst v63  }
0xfa: {  	s19 =	smov.u32 s21;
	s7 =	sshrl.u32 s20, $0x3;
	_ =	swait.ge [sflag:s23], $0x2800  }
0xfb: {  	[sflag:s23] =	ssyncset.done $0x0  }
0xfc: {  	s8 =	sadd.s32 s4, s7;
	[sflag:s23] =	ssyncadd.s32 $0xFFFFD800  }
0xfd: {  	[tilespmem:s3], [sflag:$0x5] =	stream.linear.gather [hbm4b:s8+s3], $0x50, $0x38;
	[tilespmem:$0x1DC80] =	vst v63  }
0xfe: {  	s20 =	sadd.s32 s5, s7  }
0xff: {  	[tilespmem:s24], [sflag:$0x5] =	stream.linear.gather [hbm4b:s20+s3], $0x50, $0x38;
	[tilespmem:$0x1DC80] =	vst v63  }
0x100: {  	_ =	swait.ge [sflag:s13], $0x50  }
0x101: {  	[sflag:s13] =	ssyncset.done $0x0  }
0x102: {  	[sflag:s13] =	ssyncadd.s32 $0xFFFFFFB0  }
0x103: {  	_ =	swait.ge [sflag:s13], $0x50  }
0x104: {  	[sflag:s13] =	ssyncset.done $0x0  }
0x105: {  	s21 =	rddreg [dreg:$0xb];
	[sflag:s13] =	ssyncadd.s32 $0xFFFFFFB0  }
0x106: {  	[tilespmem:s21], [sflag:$0x4] =	stream.indirect.gather [hbm4b:s1+s31], $0x80, s30, s31, $0xb8;
	[tilespmem:$0x1DC80] =	vst v63  }
0x107: {  	_ =	swait.ge [sflag:s14], $0x2800  }
0x108: {  	[sflag:s14] =	ssyncset.done $0x0  }
0x109: {  	p1 =	seq.s32 s19, $0x4B0;
	[sflag:s14] =	ssyncadd.s32 $0xFFFFD800  }
0x10a: {  	[spmem:s2] =	stream.indirect.scatter.add.f32 [tilespmem:s9], [sflag:$0x9], $0x80, s26, s31, $0xb8;
	[tilespmem:$0x1DC80] =	vst v63  }
0x10b: {  	s7 =	simm.s32 @!p1 $0x0;
	_ =	swait.ge [sflag:s23], $0x2800  }
0x10c: {  	s17 =	simm.s32 @!p1 $0x80;
	s8 =	rddreg [dreg:$0xa];
	[sflag:s23] =	ssyncset.done $0x0  }
0x10d: {  	s10 =	rddreg [dreg:$0x9];
	[sflag:s23] =	ssyncadd.s32 $0xFFFFD800;
	s8 =	sadd.s32 @!p1 s19, s8  }
0x10e: {  	[tilespmem:s17], [sflag:$0x6] =	stream.linear.gather @!p1 [hbm4b:s8+s7], $0x50, $0x38;
	[tilespmem:$0x1DC80] =	vst v63  }
0x10f: {  	s10 =	sadd.s32 @!p1 s19, s10;
	s8 =	simm.s32 @!p1 $0x280  }
0x110: {  	[tilespmem:s8], [sflag:$0x6] =	stream.linear.gather @!p1 [hbm4b:s10+s7], $0x50, $0x38;
	[tilespmem:$0x1DC80] =	vst v63  }
0x111: {  	_ =	swait.ge [sflag:s0], $0x50  }
0x112: {  	[sflag:s0] =	ssyncset.done $0x0  }
0x113: {  	[sflag:s0] =	ssyncadd.s32 $0xFFFFFFB0  }
0x114: {  	_ =	swait.ge [sflag:s0], $0x50  }
0x115: {  	[sflag:s0] =	ssyncset.done $0x0  }
0x116: {  	[sflag:s0] =	ssyncadd.s32 $0xFFFFFFB0  }
0x117: {  	[tilespmem:s6], [sflag:$0x1] =	stream.indirect.gather [hbm4b:s1+s31], $0x80, s3, s31, $0xb8;
	[tilespmem:$0x1DC80] =	vst v63  }
0x118: {  	_ =	swait.ge [sflag:s15], $0x2800  }
0x119: {  	[sflag:s15] =	ssyncset.done $0x0  }
0x11a: {  	[sflag:s15] =	ssyncadd.s32 $0xFFFFD800  }
0x11b: {  	[spmem:s2] =	stream.indirect.scatter.add.f32 [tilespmem:s11], [sflag:$0x9], $0x80, s29, s31, $0xb8;
	[tilespmem:$0x1DC80] =	vst v63  }
0x11c: {  	_ =	swait.ge [sflag:s23], $0x2800  }
0x11d: {  	[sflag:s23] =	ssyncset.done $0x0  }
0x11e: {  	s8 =	simm.s32 @p1 $0x4;
	[sflag:s23] =	ssyncadd.s32 $0xFFFFD800  }
0x11f: {  	_ =	swait.ge @p1 [sflag:s8], $0x2800  }
0x120: {  	s18 =	simm.s32 @p1 $0x50;
	s20 =	simm.s32 @p1 $0x380;
	[sflag:s8] =	ssyncset.done @p1 $0x0  }
0x121: {  	s10 =	simm.s32 @p1 $0x7C00;
	[sflag:s8] =	ssyncadd.s32 @p1 $0xFFFFD800;
	s8 =	simm.s32 @p1 $0x9  }
0x122: {  	[spmem:s2] =	stream.indirect.scatter.add.f32 @p1 [tilespmem:s10], [sflag:$0x9], $0x80, s20, s18, $0xb8;
	[tilespmem:$0x1DC80] =	vst v63  }
0x123: {  	_ =	swait.ge @p1 [sflag:s8], $0x2800  }
0x124: {  	s10 =	rddreg [dreg:$0x8]  }
0x125: {  	[sflag:s8] =	ssyncset.done @p1 $0x0;
	s18 =	rddreg [dreg:$0x7]  }
0x126: {  	[sflag:s8] =	ssyncadd.s32 @p1 $0xFFFFD800;
	s8 =	sadd.s32 @!p1 s19, s10;
	s10 =	simm.s32 @!p1 $0x100  }
0x127: {  	[tilespmem:s10], [sflag:$0x7] =	stream.linear.gather @!p1 [hbm4b:s8+s7], $0x50, $0x38;
	[tilespmem:$0x1DC80] =	vst v63  }
0x128: {  	s20 =	simm.s32 @!p1 $0x6;
	s18 =	sadd.s32 @!p1 s19, s18;
	s8 =	simm.s32 @!p1 $0x300  }
0x129: {  	[tilespmem:s8], [sflag:$0x7] =	stream.linear.gather @!p1 [hbm4b:s18+s7], $0x50, $0x38;
	[tilespmem:$0x1DC80] =	vst v63  }
0x12a: {  	_ =	swait.ge @!p1 [sflag:s20], $0x50  }
0x12b: {  	[sflag:s20] =	ssyncset.done @!p1 $0x0  }
0x12c: {  	[sflag:s20] =	ssyncadd.s32 @!p1 $0xFFFFFFB0  }
0x12d: {  	_ =	swait.ge @!p1 [sflag:s20], $0x50  }
0x12e: {  	s8 =	simm.s32 @!p1 $0x50;
	[sflag:s20] =	ssyncset.done @!p1 $0x0  }
0x12f: {  	s18 =	simm.s32 @!p1 $0x2C00;
	[sflag:s20] =	ssyncadd.s32 @!p1 $0xFFFFFFB0;
	s20 =	simm.s32 @!p1 $0x4  }
0x130: {  	[tilespmem:s18], [sflag:$0x2] =	stream.indirect.gather @!p1 [hbm4b:s1+s8], $0x80, s17, s8, $0xb8;
	[tilespmem:$0x1DC80] =	vst v63  }
0x131: {  	_ =	swait.ge @!p1 [sflag:s20], $0x2800  }
0x132: {  	s17 =	simm.s32 @!p1 $0x380;
	[sflag:s20] =	ssyncset.done @!p1 $0x0  }
0x133: {  	s18 =	simm.s32 @!p1 $0x7C00;
	[sflag:s20] =	ssyncadd.s32 @!p1 $0xFFFFD800;
	s20 =	simm.s32 @!p1 $0x9  }
0x134: {  	[spmem:s2] =	stream.indirect.scatter.add.f32 @!p1 [tilespmem:s18], [sflag:$0x9], $0x80, s17, s8, $0xb8;
	[tilespmem:$0x1DC80] =	vst v63  }
0x135: {  	_ =	swait.ge @!p1 [sflag:s20], $0x2800  }
0x136: {  	s18 =	rddreg [dreg:$0x6]  }
0x137: {  	[sflag:s20] =	ssyncset.done @!p1 $0x0;
	s21 =	rddreg [dreg:$0x5]  }
0x138: {  	[sflag:s20] =	ssyncadd.s32 @!p1 $0xFFFFD800;
	s18 =	sadd.s32 @!p1 s19, s18;
	s20 =	simm.s32 @!p1 $0x180  }
0x139: {  	[tilespmem:s20], [sflag:$0x8] =	stream.linear.gather @!p1 [hbm4b:s18+s7], $0x50, $0x38;
	[tilespmem:$0x1DC80] =	vst v63  }
0x13a: {  	s18 =	sadd.s32 @!p1 s19, s21  }
0x13b: {  	[tilespmem:s17], [sflag:$0x8] =	stream.linear.gather @!p1 [hbm4b:s18+s7], $0x50, $0x38;
	[tilespmem:$0x1DC80] =	vst v63  }
0x13c: {  	s7 =	simm.s32 @!p1 $0x7  }
0x13d: {  	_ =	swait.ge @!p1 [sflag:s7], $0x50  }
0x13e: {  	[sflag:s7] =	ssyncset.done @!p1 $0x0  }
0x13f: {  	[sflag:s7] =	ssyncadd.s32 @!p1 $0xFFFFFFB0  }
0x140: {  	_ =	swait.ge @!p1 [sflag:s7], $0x50  }
0x141: {  	[sflag:s7] =	ssyncset.done @!p1 $0x0  }
0x142: {  	[sflag:s7] =	ssyncadd.s32 @!p1 $0xFFFFFFB0;
	s7 =	simm.s32 @!p1 $0x5400  }
0x143: {  	[tilespmem:s7], [sflag:$0x3] =	stream.indirect.gather @!p1 [hbm4b:s1+s8], $0x80, s10, s8, $0xb8;
	[tilespmem:$0x1DC80] =	vst v63  }
0x144: {  	_ =	swait.ge [sflag:s12], $0x2800  }
0x145: {  	[sflag:s12] =	ssyncset.done $0x0  }
0x146: {  	[sflag:s12] =	ssyncadd.s32 $0xFFFFD800  }
0x147: {  	[spmem:s2] =	stream.indirect.scatter.add.f32 [tilespmem:s6], [sflag:$0x9], $0x80, s24, s31, $0xb8;
	[tilespmem:$0x1DC80] =	vst v63  }
0x148: {  	_ =	swait.ge [sflag:s23], $0x2800  }
0x149: {  	[sflag:s23] =	ssyncset.done $0x0  }
0x14a: {  	[sflag:s23] =	ssyncadd.s32 $0xFFFFD800  }
0x14b: {  	[bflag:$0x0] =	sbarrier.arrive $0xFFFF  }
0x14c: {  	s8 =	rddreg [dreg:$0xe]  }
0x14d: {  	s22 =	rddreg [dreg:$0x17]  }
0x14e: {  	s25 =	rddreg [dreg:$0x1d]  }
0x14f: {  	[hbm:s22], [sflag:s8] =	dma.local [spmem:s25], $0x2700  }
0x150: {  	_ =	swait.ge [sflag:s23], $0x2700  }
0x151: {  	[sflag:s23] =	ssyncset.done $0x0;
	s7 =	rddreg [dreg:$0x1a]  }
0x152: {  	s10 =	rddreg [dreg:$0x1e];
	[sflag:s23] =	ssyncadd.s32 $0xFFFFD900  }
0x153: {  	[hbm:s7], [sflag:s8] =	dma.local @!p0 [spmem:s10], $0x100  }
0x154: {  	s7 =	simm.s32 @!p0 $0x9  }
0x155: {  	_ =	swait.ge @!p0 [sflag:s7], $0x100  }
0x156: {  	s16 =	sadd.s32 $0x1, s16;
	s28 =	rddreg [dreg:$0x1b]  }
0x157: {  	p1 =	sne.s32 s16, s28  }
.Ltmp1:
0x158: {  	_ = 	snop;
	(pc) =	sbr.rel @p1 .LBB2_1-.Ltmp1, $3  }
0x159: {  	_ =	sdelay $0x1  }
0x15a: {  	[sflag:s7] =	ssyncset.done @!p0 $0x0  }
0x15b: {  	[sflag:s7] =	ssyncadd.s32 @!p0 $0xFFFFFF00  }
0x15c: {  	_ =	sfence.sel $0x180000  }
0x15d: {  	[bflag:$0x0] =	sbarrier.arrive $0xFFFF  }
0x15e: {  	_ =	strace $0x9000004A  }
0x15f: {  	[bflag:$0x2] =	sbarrier.arrive $0xFFFF  }
0x160: {  	s0 =	rddreg [dreg:$0x4]  }
0x161: {  	s0 =	sadd.s32 @!p0 $0x100000, s0  }
0x162: {  	[sflag:s0] =	ssyncadd.tile.s32 @!p0 $0x1;
	_ =	shalt  }
.Lfunc_end2:
_tile_overlayer_lowered:
.L_overlay_start_2:
0x163: {  	(tag) =	ssettag $0x2  }
0x164: {  	s0 =	rddreg [dreg:$0x0];
	s2 =	stileid.u32  }
0x165: {  	s1 =	rddreg [dreg:$0x1];
	p0 =	sne.s32 s2, $0x0  }
0x166: {  	s3 =	rddreg [dreg:$0x2];
	[bflag:$0x3] =	sbarrier.arrive $0xFFFF;
	s2 =	simm.s32 @!p0 $0x1C09  }
0x167: {  	[timem:s3], [sflag:s2] =	dma.local @!p0 [hbm:s0], s1  }
0x168: {  	s0 =	simm.s32 @!p0 $0x9  }
0x169: {  	_ =	swait.ge @!p0 [sflag:s0], s1  }
0x16a: {  	s1 =	ssub.s32 @!p0 $0x0, s1;
	[sflag:s0] =	ssyncset.done @!p0 $0x0  }
0x16b: {  	[sflag:s0] =	ssyncadd.s32 @!p0 s1  }
0x16c: {  	[bflag:$0x3] =	sbarrier.arrive $0xFFFF  }
0x16d: {  	_ =	shalt  }

// kernel: kernel.19.cloned.1.call-start
scs
__scs_entry_jumppad:
0x0: {  	(pc) =	sbr.rel $0x88, $3  }
0x1: {  	(tag) =	ssettag $0x0;
	lr =	simm.s32 $0x1  }
0x2: {  	[smem:$0x3F8C] =	sst lr;
	_ =	strace $0xD0000000  }
0x3: {  	_ = 	snop  }
0x4: {  	_ = 	snop  }
0x5: {  	_ = 	snop  }
0x6: {  	_ = 	snop  }
0x7: {  	_ = 	snop  }
__scs_overlays_trampoline_lowered:
0x8: {  	[smem:$0x3F9B] =	sst s0  }
0x9: {  	[smem:$0x3F9C] =	sst s1  }
0xa: {  	[smem:$0x3F9D] =	sst s2  }
0xb: {  	[smem:$0x3F9E] =	sst s3  }
0xc: {  	[smem:$0x3F9F] =	sst s4  }
0xd: {  	[smem:$0x3FA0] =	sst s5  }
0xe: {  	[smem:$0x3FA1] =	sst s6  }
0xf: {  	[smem:$0x3FA2] =	sst s7  }
0x10: {  	[smem:$0x3FA3] =	sst s8  }
0x11: {  	[smem:$0x3FA4] =	sst s9;
	s0 =	simm.s32 @!p0 $0x0  }
0x12: {  	s1 =	sld [smem:$0x3F8A];
	s0 =	simm.s32 @p0 $0x1  }
0x13: {  	[smem:$0x3FA5] =	sst s0;
	s0 =	simm.s32 @!p1 $0x0  }
0x14: {  	s2 =	sld [smem:$0x3F89];
	s0 =	simm.s32 @p1 $0x1  }
0x15: {  	[smem:$0x3FA6] =	sst s0;
	s0 =	simm.s32 @!p2 $0x0  }
0x16: {  	s3 =	sld [smem:$0x3FDB];
	s0 =	simm.s32 @p2 $0x1  }
0x17: {  	s4 =	simm.s32 $0x1BF5;
	[smem:$0x3FA8] =	sst s0  }
0x18: {  	s0 =	sld [smem:$0x3F8B];
	_ =	swait.ge [sflag:s4], $0x0  }
0x19: {  	s7 =	sld [smem:$0x3F8C]  }
0x1a: {  	s8 =	sadd.s32 $0xFFFFE003, lr  }
0x1b: {  	s9 =	sadd.s32 $0xFFFFFEF7, lr;
	s5 =	simm.s32 $0xFFFFFFFF;
	p2 =	slt.u32 s8, $0xFFFFF086  }
0x1c: {  	p1 =	slt.u32 s9, $0xF7A;
	s5 =	simm.s32 @!p2 $0x0  }
0x1d: {  	s5 =	simm.s32 @p1 $0x1;
	p0 =	seq.s32 s7, s2  }
0x1e: {  	s7 =	smul.u32 @!p0 $0xF7A, s2;
	p2 =	seq.s32 @!p0 s5, $0x0  }
0x1f: {  	s9 =	smul.u32 $0xF7A, s1;
	s8 =	simm.s32 @!p0 $0x1BF5;
	p2 =	por !p2, p0  }
0x20: {  	[sflag:s8] =	ssyncset.s32 @!p0 $0xFFFFF086;
	s6 =	sadd.s32 @!p0 s3, s7;
	s7 =	simm.s32 @!p0 $0x108  }
0x21: {  	s3 =	sadd.s32 s3, s9;
	s6 =	sadd.s32 @!p0 $0x88, s6;
	s7 =	simm.s32 @p2 $0x1082  }
0x22: {  	[simem:s7], [sflag:s8] =	dma.local @!p0 [hbm:s6], $0xF7A  }
0x23: {  	s9 =	sor.u32 $0xD0000000, s2;
	s6 =	simm.s32 $0x108;
	_ =	swait.ge @!p0 [sflag:s8], $0x0  }
0x24: {  	s3 =	sadd.s32 $0x88, s3;
	s6 =	simm.s32 @!p1 $0x1082;
	[sflag:s4] =	ssyncset.s32 $0xFFFFF086  }
0x25: {  	[simem:s6], [sflag:s4] =	dma.local [hbm:s3], $0xF7A  }
0x26: {  	[smem:$0x3F8C] =	sst s1;
	(tag) =	ssettag s2;
	_ =	strace s9  }
0x27: {  	s1 =	sld [smem:$0x3F9C]  }
0x28: {  	s2 =	sld [smem:$0x3F9D]  }
0x29: {  	s4 =	sld [smem:$0x3F9F]  }
0x2a: {  	p0 =	seq.s32 s5, $0x0;
	s5 =	sld [smem:$0x3FA0]  }
0x2b: {  	s6 =	sld [smem:$0x3FA1]  }
0x2c: {  	s7 =	sld [smem:$0x3FA2]  }
0x2d: {  	s3 =	simm.s32 $0x108;
	s8 =	sld [smem:$0x3FA3]  }
0x2e: {  	s3 =	simm.s32 @!p0 $0x1082;
	s9 =	sld [smem:$0x3FA4]  }
0x2f: {  	lr =	sadd.s32 s0, s3;
	s0 =	sld [smem:$0x3F9B]  }
0x30: {  	s3 =	sld [smem:$0x3F9E]  }
0x31: {  	[smem:$0x3FA7] =	sst s10  }
0x32: {  	s10 =	sld [smem:$0x3FA5];
	_ =	sdelay $0x3  }
0x33: {  	p0 =	seq.s32 s10, $0x1;
	s10 =	sld [smem:$0x3FA7];
	_ =	sdelay $0x3  }
0x34: {  	[smem:$0x3FA7] =	sst s10  }
0x35: {  	s10 =	sld [smem:$0x3FA6];
	_ =	sdelay $0x3  }
0x36: {  	p1 =	seq.s32 s10, $0x1;
	s10 =	sld [smem:$0x3FA7];
	_ =	sdelay $0x3  }
0x37: {  	[smem:$0x3FA7] =	sst s10  }
0x38: {  	s10 =	sld [smem:$0x3FA8]  }
0x39: {  	_ = 	snop;
	(pc) =	sbr.ind lr, $3  }
0x3a: {  	_ = 	snop  }
0x3b: {  	_ = 	snop  }
0x3c: {  	p2 =	seq.s32 s10, $0x1;
	s10 =	sld [smem:$0x3FA7]  }
0x3d: {  	_ =	shalt  }
0x3e: {  	_ =	shalt  }
0x3f: {  	_ =	shalt  }
0x40: {  	_ =	shalt  }
0x41: {  	_ =	shalt  }
0x42: {  	_ =	shalt  }
0x43: {  	_ =	shalt  }
0x44: {  	_ =	shalt  }
0x45: {  	_ =	shalt  }
0x46: {  	_ =	shalt  }
0x47: {  	_ =	shalt  }
0x48: {  	_ =	shalt  }
0x49: {  	_ =	shalt  }
0x4a: {  	_ =	shalt  }
0x4b: {  	_ =	shalt  }
0x4c: {  	_ =	shalt  }
0x4d: {  	_ =	shalt  }
0x4e: {  	_ =	shalt  }
0x4f: {  	_ =	shalt  }
0x50: {  	_ =	shalt  }
0x51: {  	_ =	shalt  }
0x52: {  	_ =	shalt  }
0x53: {  	_ =	shalt  }
0x54: {  	_ =	shalt  }
0x55: {  	_ =	shalt  }
0x56: {  	_ =	shalt  }
0x57: {  	_ =	shalt  }
0x58: {  	_ =	shalt  }
0x59: {  	_ =	shalt  }
0x5a: {  	_ =	shalt  }
0x5b: {  	_ =	shalt  }
0x5c: {  	_ =	shalt  }
0x5d: {  	_ =	shalt  }
0x5e: {  	_ =	shalt  }
0x5f: {  	_ =	shalt  }
0x60: {  	_ =	shalt  }
0x61: {  	_ =	shalt  }
0x62: {  	_ =	shalt  }
0x63: {  	_ =	shalt  }
0x64: {  	_ =	shalt  }
0x65: {  	_ =	shalt  }
0x66: {  	_ =	shalt  }
0x67: {  	_ =	shalt  }
0x68: {  	_ =	shalt  }
0x69: {  	_ =	shalt  }
0x6a: {  	_ =	shalt  }
0x6b: {  	_ =	shalt  }
0x6c: {  	_ =	shalt  }
0x6d: {  	_ =	shalt  }
0x6e: {  	_ =	shalt  }
0x6f: {  	_ =	shalt  }
0x70: {  	_ =	shalt  }
0x71: {  	_ =	shalt  }
0x72: {  	_ =	shalt  }
0x73: {  	_ =	shalt  }
0x74: {  	_ =	shalt  }
0x75: {  	_ =	shalt  }
0x76: {  	_ =	shalt  }
0x77: {  	_ =	shalt  }
0x78: {  	_ =	shalt  }
0x79: {  	_ =	shalt  }
0x7a: {  	_ =	shalt  }
0x7b: {  	_ =	shalt  }
0x7c: {  	_ =	shalt  }
0x7d: {  	_ =	shalt  }
0x7e: {  	_ =	shalt  }
0x7f: {  	_ =	shalt  }
0x80: {  	_ =	shalt  }
0x81: {  	_ =	shalt  }
0x82: {  	_ =	shalt  }
0x83: {  	_ =	shalt  }
0x84: {  	_ =	shalt  }
0x85: {  	_ =	shalt  }
0x86: {  	_ =	shalt  }
0x87: {  	_ =	shalt  }
.Lfunc_end0:
.L_simem_size_0:
called_computation.2_lowered:
.L_overlay_start_0:
0x88: {  	s2 =	sld [smem:$0x3FD9]  }
0x89: {  	s3 =	sld [smem:$0x3FFE];
	_ =	sdelay $0x1  }
0x8a: {  	s1 =	srdreg.scid  }
0x8b: {  	s0 =	sand.u32 $0x1, s1  }
0x8c: {  	s14 =	sshll.u32 s0, $0xA;
	s2 =	sadd.s32 s3, s2  }
0x8d: {  	s2 =	sadd.s32 s2, s14  }
0x8e: {  	[smem:$0x3FB3] =	sst s2  }
0x8f: {  	_ = 	snop  }
0x90: {  	s2 =	sld [smem:$0x3FD0];
	_ =	sdelay $0x2  }
0x91: {  	s15 =	simm.s32 $0xB;
	s4 =	simm.s32 $0x10  }
0x92: {  	[smem:s4], [sflag:s15] =	dma.local [hbm:s2], $0x1  }
0x93: {  	_ =	swait.eq [sflag:s15], $0x1  }
0x94: {  	[sflag:s15] =	ssyncset.done $0x0  }
0x95: {  	[sflag:s15] =	ssyncadd.s32 $0xFFFFFFFF  }
0x96: {  	s16 =	sld [smem:$0x10];
	(tm) =	ssettm $0x1  }
0x97: {  	s17 =	sld [smem:$0x3FFB];
	_ =	sdelay $0x3  }
0x98: {  	_ =	strace s17  }
0x99: {  	s3 =	sld [smem:$0x3FFC];
	_ =	sdelay $0x3  }
0x9a: {  	_ =	strace s3  }
0x9b: {  	s3 =	sld [smem:$0x3FFD];
	_ =	sdelay $0x3  }
0x9c: {  	_ =	strace s3  }
0x9d: {  	_ =	strace $0x8FFFFFFF  }
0x9e: {  	s18 =	sld [smem:$0x3FDB];
	_ =	sdelay $0x1  }
0x9f: {  	s19 =	simm.s32 $_scs_section_size  }
0xa0: {  	s5 =	simm.s32 $_size__tile_overlayer_lowered;
	s6 =	simm.s32 $_tile_overlayer_lowered  }
0xa1: {  	s22 =	simm.s32 $0x1BFF;
	s21 =	sshll.u32 s6, $0x1;
	s3 =	sadd.s32 s19, s18  }
0xa2: {  	s7 =	simm.s32 $0x0;
	s20 =	sshll.u32 s5, $0x1;
	s5 =	sadd.s32 s21, s3  }
0xa3: {  	[timem:s7], [sflag:s22] =	dma.local [hbm:s5], s20  }
0xa4: {  	_ =	swait.ge [sflag:s22], s20  }
0xa5: {  	s4 =	ssub.s32 $0x0, s20;
	[sflag:s22] =	ssyncset.done $0x0  }
0xa6: {  	[sflag:s22] =	ssyncadd.s32 s4;
	_ =	sdelay $0x1  }
0xa7: {  	s23 =	simm.s32 $0x1B8B  }
0xa8: {  	_ =	swait.ge [sflag:s23], $0x1  }
0xa9: {  	[sflag:s23] =	ssyncset.done $0x0  }
0xaa: {  	s25 =	simm.s32 $0x1B8E;
	s24 =	sld [smem:$0x3FFE];
	[sflag:s23] =	ssyncadd.s32 $0xFFFFFFFF  }
0xab: {  	s26 =	simm.s32 $execute0_lowered;
	[smem:$0x3FD2] =	sst s25  }
0xac: {  	s5 =	sshll.u32 s26, $0x1;
	_ =	strace $0x8000004C;
	[dreg:$0x1] =	wrdreg $0xFFFFFFFF  }
0xad: {  	s28 =	simm.s32 $_size_execute0_lowered;
	s3 =	sadd.s32 s3, s5;
	[dreg:$0x0] =	wrdreg $0x0  }
0xae: {  	s5 =	sshll.u32 s28, $0x1;
	[dreg:$0x2] =	wrdreg s3  }
0xaf: {  	[dreg:$0x3] =	wrdreg s5  }
0xb0: {  	[dreg:$0x4] =	wrdreg $0xC0  }
0xb1: {  	_ =	task [dreg:s7], $0x5FFFF  }
0xb2: {  	[dreg:$0x1] =	wrdreg $0xFFFFFFFF  }
0xb3: {  	[dreg:$0x0] =	wrdreg $0x60  }
0xb4: {  	[dreg:$0x2] =	wrdreg s24  }
0xb5: {  	[dreg:$0x3] =	wrdreg s16  }
0xb6: {  	[dreg:$0x4] =	wrdreg $0xA4000  }
0xb7: {  	[dreg:$0x5] =	wrdreg $0x9  }
0xb8: {  	_ =	task.clear_ibuf [dreg:s7], $0x6FFFF;
	_ =	strace $0x9000004C  }
0xb9: {  	s29 =	simm.s32 $0x9;
	_ =	strace $0x8000004E  }
0xba: {  	_ =	swait.ge [sflag:s29], $0x1  }
0xbb: {  	[sflag:s29] =	ssyncadd.s32 $0xFFFFFFFF  }
0xbc: {  	_ =	strace $0x9000004E  }
0xbd: {  	_ =	sfence  }
0xbe: {  	s30 =	sld [smem:$0x0];
	_ =	sdelay $0x2  }
0xbf: {  	s31 =	sshll.u32 s1, $0xD;
	s1 =	sshrl.u32 s1, $0x2  }
0xc0: {  	s3 =	sand.u32 $0x4000, s31;
	s1 =	sadd.s32 s1, s30  }
0xc1: {  	s0 =	sor.u32 s3, s0;
	s1 =	sshll.u32 s1, $0x11  }
0xc2: {  	s0 =	sor.u32 s1, s0  }
0xc3: {  	s0 =	sadd.s32 $0x8F2B, s0  }
0xc4: {  	[sflag:s0] =	ssyncadd.remote.s32 $0x1  }
0xc5: {  	_ =	sfence.sel $0xFFFF  }
0xc6: {  	[dreg:$0x0] =	wrdreg $0xFFFFFFFF;
	(pc) =	sbr.abs _section_cstart, $3  }
0xc7: {  	[dreg:$0x1] =	wrdreg $0xFFFFFFFF  }
0xc8: {  	_ =	task.clear_ibuf [dreg:s7], $0x2FFFF;
	_ =	strace $0x9FFFFFFF  }
0xc9: {  	(tm) =	ssettm $0x7FFFFFFF  }
tec
execute0_lowered:
.L_overlay_start_1:
0x0: {  	(tag) =	ssettag $0x1  }
0x1: {  	s6 =	rddreg [dreg:$0x0]  }
0x2: {  	s7 =	rddreg [dreg:$0x1]  }
0x3: {  	s1 =	rddreg [dreg:$0x2];
	s2 =	simm.s32 $0x0  }
0x4: {  	s4 =	srdreg.scid;
	s0 =	stileid.u32;
	s29 =	simm.s32 $0x300  }
0x5: {  	s30 =	simm.s32 $0x180;
	s31 =	simm.s32 $0x50;
	[smem:$0x7FF] =	sst s2  }
0x6: {  	s3 =	sadd.s32 $0x3FA00, s6;
	s9 =	sand.u32 $0x1, s4;
	s4 =	sadd.s32 $0xEA00, s6  }
0x7: {  	s10 =	smul.u32 $0x4E000, s0;
	s5 =	sadd.s32 $0x4C00, s6;
	s6 =	sadd.s32 $0x66C00, s6  }
0x8: {  	s13 =	smul.u32 $0x13800, s0;
	s16 =	sshll.u32 s0, $0x6;
	s18 =	sadd.s32 $0x138000, s1  }
0x9: {  	p0 =	sne.s32 s0, $0x0;
	_ =	strace $0x8000004D;
	s8 =	ssub.s32 $0x2, s9  }
0xa: {  	s12 =	sshll.u32 s9, $0x4;
	[dreg:$0xe] =	wrdreg s18;
	s20 =	smul.u32 $0x138800, s9  }
0xb: {  	s9 =	smul.u32 $0x27100, s9;
	s11 =	sshrl.u32 s8, $0x1;
	s10 =	sshrl.u32 s10, $0x2  }
0xc: {  	s14 =	sor.u32 s0, s12;
	s15 =	sshrl.u32 s13, $0x3;
	s11 =	ssub.s32 s8, s11  }
0xd: {  	s10 =	sadd.s32 s10, s1;
	s14 =	smul.u32 $0x2710, s14;
	s17 =	sadd.s32 s7, s15  }
0xe: {  	s8 =	sor.u32 $0x1C09, s16;
	s7 =	sadd.s32 $0x27000, s7;
	[dreg:$0xb] =	wrdreg s10  }
0xf: {  	s15 =	smul.u32 $0x2710, s0;
	s26 =	sadd.s32 s13, s20;
	[dreg:$0xc] =	wrdreg s17  }
0x10: {  	s0 =	simm.s32 $0x5;
	[dreg:$0xf] =	wrdreg s7;
	s19 =	sshrl.u32 s14, $0x3  }
0x11: {  	s10 =	sshrl.u32 s20, $0x3;
	[dreg:$0xd] =	wrdreg s8;
	s21 =	sadd.s32 s4, s19  }
0x12: {  	s22 =	sadd.s32 s5, s19;
	s23 =	sadd.s32 $0xA, s19;
	[dreg:$0x10] =	wrdreg s21  }
0x13: {  	s9 =	sadd.s32 s15, s9;
	[dreg:$0x11] =	wrdreg s22;
	s16 =	sadd.s32 s4, s23  }
0x14: {  	s14 =	sadd.s32 $0x14, s19;
	s12 =	sadd.s32 s5, s23;
	[dreg:$0x12] =	wrdreg s16  }
0x15: {  	s7 =	sadd.s32 $0x1E, s19;
	s24 =	sadd.s32 s4, s14;
	[dreg:$0x13] =	wrdreg s12  }
0x16: {  	s28 =	sadd.s32 $0x230, s9;
	s25 =	sadd.s32 s5, s14;
	[dreg:$0x14] =	wrdreg s24  }
0x17: {  	s15 =	sadd.s32 $0x1E0, s9;
	s22 =	sadd.s32 s4, s7;
	[dreg:$0x15] =	wrdreg s25  }
0x18: {  	s19 =	sadd.s32 $0x190, s9;
	s7 =	sadd.s32 s5, s7;
	[dreg:$0x17] =	wrdreg s22  }
0x19: {  	s13 =	sshrl.u32 s28, $0x3;
	s28 =	simm.s32 $0x7C00;
	[dreg:$0x18] =	wrdreg s7  }
0x1a: {  	s17 =	sshrl.u32 s15, $0x3;
	s14 =	sadd.s32 s13, s5;
	[dreg:$0xa] =	wrdreg s28  }
0x1b: {  	s21 =	sshrl.u32 s19, $0x3;
	s16 =	sadd.s32 s13, s4;
	[dreg:$0x4] =	wrdreg s14  }
0x1c: {  	s15 =	simm.s32 $0x3;
	s18 =	sadd.s32 s17, s5;
	[dreg:$0x5] =	wrdreg s16  }
0x1d: {  	s12 =	sshrl.u32 s26, $0x3;
	s20 =	sadd.s32 s17, s4;
	[dreg:$0x6] =	wrdreg s18  }
0x1e: {  	s23 =	sadd.s32 s21, s5;
	s24 =	sadd.s32 s21, s4;
	[dreg:$0x7] =	wrdreg s20  }
0x1f: {  	s25 =	smax.u32 s11, $0x1;
	s26 =	sadd.s32 $0x140, s9;
	[dreg:$0x8] =	wrdreg s23  }
0x20: {  	s9 =	simm.s32 $0x2C00;
	s11 =	simm.s32 $0x5400;
	[dreg:$0x1a] =	wrdreg s25  }
0x21: {  	s13 =	simm.s32 $0x8;
	s12 =	sadd.s32 s6, s12;
	[dreg:$0x9] =	wrdreg s24  }
0x22: {  	s6 =	sadd.s32 s6, s10;
	[dreg:$0x1b] =	wrdreg s26;
	s23 =	simm.s32 $0x9  }
0x23: {  	s24 =	simm.s32 $0x200;
	s26 =	simm.s32 $0x280;
	s14 =	simm.s32 $0x2  }
0x24: {  	s16 =	simm.s32 $0x0;
	[dreg:$0x16] =	wrdreg s12;
	s6 =	sadd.s32 $0x27000, s6  }
0x25: {  	s12 =	simm.s32 $0x1;
	[dreg:$0x19] =	wrdreg s6;
	s6 =	simm.s32 $0x400  }
.LBB2_1:
0x26: {  	s7 =	rddreg [dreg:$0xb]  }
0x27: {  	s22 =	rddreg [dreg:$0xc];
	s10 =	sshrl.u32 s7, $0x3  }
0x28: {  	[dreg:$0x1c] =	wrdreg s10  }
0x29: {  	[spmem:s10], [sflag:s8] =	dma.local [hbm:s22], $0x2700  }
0x2a: {  	_ =	swait.ge [sflag:s23], $0x2700  }
0x2b: {  	s7 =	rddreg [dreg:$0xe]  }
0x2c: {  	[sflag:s23] =	ssyncset.done $0x0;
	s10 =	sshrl.u32 @!p0 s7, $0x3;
	s7 =	rddreg [dreg:$0xf]  }
0x2d: {  	[sflag:s23] =	ssyncadd.s32 $0xFFFFD900;
	[dreg:$0x1d] =	wrdreg s10  }
0x2e: {  	[spmem:s10], [sflag:s8] =	dma.local @!p0 [hbm:s7], $0x100  }
0x2f: {  	s7 =	simm.s32 @!p0 $0x9  }
0x30: {  	_ =	swait.ge @!p0 [sflag:s7], $0x100  }
0x31: {  	[sflag:s7] =	ssyncset.done @!p0 $0x0  }
0x32: {  	[sflag:s7] =	ssyncadd.s32 @!p0 $0xFFFFFF00  }
0x33: {  	[bflag:$0x0] =	sbarrier.arrive $0xFFFF  }
0x34: {  	s25 =	rddreg [dreg:$0x10]  }
0x35: {  	[tilespmem:s2], [sflag:$0x5] =	stream.linear.gather [hbm4b:s25+s2], $0x50, $0x38;
	[tilespmem:$0x1DC80] =	vst v63  }
0x36: {  	s28 =	rddreg [dreg:$0x11]  }
0x37: {  	[tilespmem:s24], [sflag:$0x5] =	stream.linear.gather [hbm4b:s28+s2], $0x50, $0x38;
	[tilespmem:$0x1DC80] =	vst v63  }
0x38: {  	s10 =	simm.s32 $0x80;
	s8 =	rddreg [dreg:$0x12]  }
0x39: {  	[tilespmem:s10], [sflag:$0x6] =	stream.linear.gather [hbm4b:s8+s2], $0x50, $0x38;
	[tilespmem:$0x1DC80] =	vst v63  }
0x3a: {  	s18 =	rddreg [dreg:$0x13]  }
0x3b: {  	[tilespmem:s26], [sflag:$0x6] =	stream.linear.gather [hbm4b:s18+s2], $0x50, $0x38;
	[tilespmem:$0x1DC80] =	vst v63  }
0x3c: {  	s20 =	simm.s32 $0x100;
	s19 =	rddreg [dreg:$0x14]  }
0x3d: {  	[tilespmem:s20], [sflag:$0x7] =	stream.linear.gather [hbm4b:s19+s2], $0x50, $0x38;
	[tilespmem:$0x1DC80] =	vst v63  }
0x3e: {  	s21 =	rddreg [dreg:$0x15]  }
0x3f: {  	[tilespmem:s29], [sflag:$0x7] =	stream.linear.gather [hbm4b:s21+s2], $0x50, $0x38;
	[tilespmem:$0x1DC80] =	vst v63  }
0x40: {  	s22 =	rddreg [dreg:$0x17]  }
0x41: {  	[tilespmem:s30], [sflag:$0x8] =	stream.linear.gather [hbm4b:s22+s2], $0x50, $0x38;
	[tilespmem:$0x1DC80] =	vst v63  }
0x42: {  	s17 =	simm.s32 $0x380;
	s25 =	rddreg [dreg:$0x18]  }
0x43: {  	[tilespmem:s17], [sflag:$0x8] =	stream.linear.gather [hbm4b:s25+s2], $0x50, $0x38;
	[tilespmem:$0x1DC80] =	vst v63  }
0x44: {  	_ =	swait.ge [sflag:s0], $0x50  }
0x45: {  	[sflag:s0] =	ssyncset.done $0x0  }
0x46: {  	[sflag:s0] =	ssyncadd.s32 $0xFFFFFFB0  }
0x47: {  	_ =	swait.ge [sflag:s0], $0x50  }
0x48: {  	[sflag:s0] =	ssyncset.done $0x0  }
0x49: {  	s28 =	simm.s32 $0x6;
	[sflag:s0] =	ssyncadd.s32 $0xFFFFFFB0  }
0x4a: {  	[tilespmem:s6], [sflag:$0x1] =	stream.indirect.gather [hbm4b:s3+s31], $0x80, s2, s31, $0xb8;
	[tilespmem:$0x1DC80] =	vst v63  }
0x4b: {  	_ =	swait.ge [sflag:s28], $0x50  }
0x4c: {  	[sflag:s28] =	ssyncset.done $0x0  }
0x4d: {  	[sflag:s28] =	ssyncadd.s32 $0xFFFFFFB0  }
0x4e: {  	_ =	swait.ge [sflag:s28], $0x50  }
0x4f: {  	[sflag:s28] =	ssyncset.done $0x0  }
0x50: {  	s17 =	simm.s32 $0x7;
	[sflag:s28] =	ssyncadd.s32 $0xFFFFFFB0  }
0x51: {  	[tilespmem:s9], [sflag:$0x2] =	stream.indirect.gather [hbm4b:s3+s31], $0x80, s10, s31, $0xb8;
	[tilespmem:$0x1DC80] =	vst v63  }
0x52: {  	_ =	swait.ge [sflag:s17], $0x50  }
0x53: {  	[sflag:s17] =	ssyncset.done $0x0  }
0x54: {  	[sflag:s17] =	ssyncadd.s32 $0xFFFFFFB0  }
0x55: {  	_ =	swait.ge [sflag:s17], $0x50  }
0x56: {  	[sflag:s17] =	ssyncset.done $0x0  }
0x57: {  	[sflag:s17] =	ssyncadd.s32 $0xFFFFFFB0  }
0x58: {  	[tilespmem:s11], [sflag:$0x3] =	stream.indirect.gather [hbm4b:s3+s31], $0x80, s20, s31, $0xb8;
	[tilespmem:$0x1DC80] =	vst v63  }
0x59: {  	_ =	swait.ge [sflag:s12], $0x2800  }
0x5a: {  	[sflag:s12] =	ssyncset.done $0x0  }
0x5b: {  	[sflag:s12] =	ssyncadd.s32 $0xFFFFD800  }
0x5c: {  	[spmem:s1] =	stream.indirect.scatter.add.f32 [tilespmem:s6], [sflag:$0x9], $0x80, s24, s31, $0xb8;
	[tilespmem:$0x1DC80] =	vst v63  }
0x5d: {  	_ =	swait.ge [sflag:s23], $0x2800  }
0x5e: {  	s18 =	rddreg [dreg:$0x1b]  }
0x5f: {  	[sflag:s23] =	ssyncset.done $0x0;
	s25 =	sshrl.u32 s18, $0x3  }
0x60: {  	[sflag:s23] =	ssyncadd.s32 $0xFFFFD800;
	s19 =	sadd.s32 s4, s25  }
0x61: {  	[tilespmem:s2], [sflag:$0x5] =	stream.linear.gather [hbm4b:s19+s2], $0x50, $0x38;
	[tilespmem:$0x1DC80] =	vst v63  }
0x62: {  	s7 =	sadd.s32 s5, s25  }
0x63: {  	[tilespmem:s24], [sflag:$0x5] =	stream.linear.gather [hbm4b:s7+s2], $0x50, $0x38;
	[tilespmem:$0x1DC80] =	vst v63  }
0x64: {  	_ =	swait.ge [sflag:s13], $0x50  }
0x65: {  	[sflag:s13] =	ssyncset.done $0x0  }
0x66: {  	[sflag:s13] =	ssyncadd.s32 $0xFFFFFFB0  }
0x67: {  	_ =	swait.ge [sflag:s13], $0x50  }
0x68: {  	[sflag:s13] =	ssyncset.done $0x0  }
0x69: {  	s28 =	rddreg [dreg:$0xa];
	[sflag:s13] =	ssyncadd.s32 $0xFFFFFFB0  }
0x6a: {  	[tilespmem:s28], [sflag:$0x4] =	stream.indirect.gather [hbm4b:s3+s31], $0x80, s30, s31, $0xb8;
	[tilespmem:$0x1DC80] =	vst v63  }
0x6b: {  	_ =	swait.ge [sflag:s14], $0x2800  }
0x6c: {  	[sflag:s14] =	ssyncset.done $0x0  }
0x6d: {  	p1 =	por $0x0, $0x0;
	[sflag:s14] =	ssyncadd.s32 $0xFFFFD800  }
0x6e: {  	[spmem:s1] =	stream.indirect.scatter.add.f32 [tilespmem:s9], [sflag:$0x9], $0x80, s26, s31, $0xb8;
	[tilespmem:$0x1DC80] =	vst v63  }
0x6f: {  	s21 =	simm.s32 @!p1 $0x80;
	_ =	swait.ge [sflag:s23], $0x2800  }
0x70: {  	s7 =	simm.s32 @!p1 $0x0;
	s19 =	rddreg [dreg:$0x9];
	[sflag:s23] =	ssyncset.done $0x0  }
0x71: {  	s20 =	rddreg [dreg:$0x8];
	[sflag:s23] =	ssyncadd.s32 $0xFFFFD800;
	s19 =	sadd.s32 @!p1 $0x0, s19  }
0x72: {  	[tilespmem:s21], [sflag:$0x6] =	stream.linear.gather @!p1 [hbm4b:s19+s7], $0x50, $0x38;
	[tilespmem:$0x1DC80] =	vst v63  }
0x73: {  	s20 =	sadd.s32 @!p1 $0x0, s20;
	s19 =	simm.s32 @!p1 $0x280  }
0x74: {  	[tilespmem:s19], [sflag:$0x6] =	stream.linear.gather @!p1 [hbm4b:s20+s7], $0x50, $0x38;
	[tilespmem:$0x1DC80] =	vst v63  }
0x75: {  	_ =	swait.ge [sflag:s0], $0x50  }
0x76: {  	[sflag:s0] =	ssyncset.done $0x0  }
0x77: {  	[sflag:s0] =	ssyncadd.s32 $0xFFFFFFB0  }
0x78: {  	_ =	swait.ge [sflag:s0], $0x50  }
0x79: {  	[sflag:s0] =	ssyncset.done $0x0  }
0x7a: {  	[sflag:s0] =	ssyncadd.s32 $0xFFFFFFB0  }
0x7b: {  	[tilespmem:s6], [sflag:$0x1] =	stream.indirect.gather [hbm4b:s3+s31], $0x80, s2, s31, $0xb8;
	[tilespmem:$0x1DC80] =	vst v63  }
0x7c: {  	_ =	swait.ge [sflag:s15], $0x2800  }
0x7d: {  	[sflag:s15] =	ssyncset.done $0x0  }
0x7e: {  	[sflag:s15] =	ssyncadd.s32 $0xFFFFD800  }
0x7f: {  	[spmem:s1] =	stream.indirect.scatter.add.f32 [tilespmem:s11], [sflag:$0x9], $0x80, s29, s31, $0xb8;
	[tilespmem:$0x1DC80] =	vst v63  }
0x80: {  	_ =	swait.ge [sflag:s23], $0x2800  }
0x81: {  	[sflag:s23] =	ssyncset.done $0x0  }
0x82: {  	s19 =	simm.s32 @p1 $0x4;
	[sflag:s23] =	ssyncadd.s32 $0xFFFFD800  }
0x83: {  	_ =	swait.ge @p1 [sflag:s19], $0x2800  }
0x84: {  	s22 =	simm.s32 @p1 $0x50;
	s25 =	simm.s32 @p1 $0x380;
	[sflag:s19] =	ssyncset.done @p1 $0x0  }
0x85: {  	s20 =	simm.s32 @p1 $0x7C00;
	[sflag:s19] =	ssyncadd.s32 @p1 $0xFFFFD800;
	s19 =	simm.s32 @p1 $0x9  }
0x86: {  	[spmem:s1] =	stream.indirect.scatter.add.f32 @p1 [tilespmem:s20], [sflag:$0x9], $0x80, s25, s22, $0xb8;
	[tilespmem:$0x1DC80] =	vst v63  }
0x87: {  	_ =	swait.ge @p1 [sflag:s19], $0x2800  }
0x88: {  	s20 =	rddreg [dreg:$0x7]  }
0x89: {  	[sflag:s19] =	ssyncset.done @p1 $0x0;
	s22 =	rddreg [dreg:$0x6]  }
0x8a: {  	[sflag:s19] =	ssyncadd.s32 @p1 $0xFFFFD800;
	s19 =	sadd.s32 @!p1 $0x0, s20;
	s20 =	simm.s32 @!p1 $0x100  }
0x8b: {  	[tilespmem:s20], [sflag:$0x7] =	stream.linear.gather @!p1 [hbm4b:s19+s7], $0x50, $0x38;
	[tilespmem:$0x1DC80] =	vst v63  }
0x8c: {  	s25 =	simm.s32 @!p1 $0x6;
	s22 =	sadd.s32 @!p1 $0x0, s22;
	s19 =	simm.s32 @!p1 $0x300  }
0x8d: {  	[tilespmem:s19], [sflag:$0x7] =	stream.linear.gather @!p1 [hbm4b:s22+s7], $0x50, $0x38;
	[tilespmem:$0x1DC80] =	vst v63  }
0x8e: {  	_ =	swait.ge @!p1 [sflag:s25], $0x50  }
0x8f: {  	[sflag:s25] =	ssyncset.done @!p1 $0x0  }
0x90: {  	[sflag:s25] =	ssyncadd.s32 @!p1 $0xFFFFFFB0  }
0x91: {  	_ =	swait.ge @!p1 [sflag:s25], $0x50  }
0x92: {  	s19 =	simm.s32 @!p1 $0x50;
	[sflag:s25] =	ssyncset.done @!p1 $0x0  }
0x93: {  	s22 =	simm.s32 @!p1 $0x2C00;
	[sflag:s25] =	ssyncadd.s32 @!p1 $0xFFFFFFB0;
	s25 =	simm.s32 @!p1 $0x4  }
0x94: {  	[tilespmem:s22], [sflag:$0x2] =	stream.indirect.gather @!p1 [hbm4b:s3+s19], $0x80, s21, s19, $0xb8;
	[tilespmem:$0x1DC80] =	vst v63  }
0x95: {  	_ =	swait.ge @!p1 [sflag:s25], $0x2800  }
0x96: {  	s21 =	simm.s32 @!p1 $0x380;
	[sflag:s25] =	ssyncset.done @!p1 $0x0  }
0x97: {  	s22 =	simm.s32 @!p1 $0x7C00;
	[sflag:s25] =	ssyncadd.s32 @!p1 $0xFFFFD800;
	s25 =	simm.s32 @!p1 $0x9  }
0x98: {  	[spmem:s1] =	stream.indirect.scatter.add.f32 @!p1 [tilespmem:s22], [sflag:$0x9], $0x80, s21, s19, $0xb8;
	[tilespmem:$0x1DC80] =	vst v63  }
0x99: {  	_ =	swait.ge @!p1 [sflag:s25], $0x2800  }
0x9a: {  	s22 =	rddreg [dreg:$0x5]  }
0x9b: {  	[sflag:s25] =	ssyncset.done @!p1 $0x0;
	s28 =	rddreg [dreg:$0x4]  }
0x9c: {  	[sflag:s25] =	ssyncadd.s32 @!p1 $0xFFFFD800;
	s22 =	sadd.s32 @!p1 $0x0, s22;
	s25 =	simm.s32 @!p1 $0x180  }
0x9d: {  	[tilespmem:s25], [sflag:$0x8] =	stream.linear.gather @!p1 [hbm4b:s22+s7], $0x50, $0x38;
	[tilespmem:$0x1DC80] =	vst v63  }
0x9e: {  	s22 =	sadd.s32 @!p1 $0x0, s28  }
0x9f: {  	[tilespmem:s21], [sflag:$0x8] =	stream.linear.gather @!p1 [hbm4b:s22+s7], $0x50, $0x38;
	[tilespmem:$0x1DC80] =	vst v63  }
0xa0: {  	s7 =	simm.s32 @!p1 $0x7  }
0xa1: {  	_ =	swait.ge @!p1 [sflag:s7], $0x50  }
0xa2: {  	[sflag:s7] =	ssyncset.done @!p1 $0x0  }
0xa3: {  	[sflag:s7] =	ssyncadd.s32 @!p1 $0xFFFFFFB0  }
0xa4: {  	_ =	swait.ge @!p1 [sflag:s7], $0x50  }
0xa5: {  	[sflag:s7] =	ssyncset.done @!p1 $0x0  }
0xa6: {  	s21 =	simm.s32 @!p1 $0x5400;
	[sflag:s7] =	ssyncadd.s32 @!p1 $0xFFFFFFB0  }
0xa7: {  	[tilespmem:s21], [sflag:$0x3] =	stream.indirect.gather @!p1 [hbm4b:s3+s19], $0x80, s20, s19, $0xb8;
	[tilespmem:$0x1DC80] =	vst v63  }
0xa8: {  	_ =	swait.ge [sflag:s12], $0x2800  }
0xa9: {  	[sflag:s12] =	ssyncset.done $0x0  }
0xaa: {  	s25 =	simm.s32 $0x50;
	s20 =	sadd.s32 $0x140, s18;
	[sflag:s12] =	ssyncadd.s32 $0xFFFFD800  }
0xab: {  	[spmem:s1] =	stream.indirect.scatter.add.f32 [tilespmem:s6], [sflag:$0x9], $0x80, s24, s31, $0xb8;
	[tilespmem:$0x1DC80] =	vst v63  }
0xac: {  	s19 =	simm.s32 $0x28;
	s7 =	sshrl.u32 s20, $0x3;
	_ =	swait.ge [sflag:s23], $0x2800  }
.LBB2_2:
0xad: {  	[sflag:s23] =	ssyncset.done $0x0  }
0xae: {  	s22 =	sadd.s32 s4, s7;
	[sflag:s23] =	ssyncadd.s32 $0xFFFFD800  }
0xaf: {  	[tilespmem:s2], [sflag:$0x5] =	stream.linear.gather [hbm4b:s22+s2], $0x50, $0x38;
	[tilespmem:$0x1DC80] =	vst v63  }
0xb0: {  	s22 =	sadd.s32 s5, s7  }
0xb1: {  	[tilespmem:s24], [sflag:$0x5] =	stream.linear.gather [hbm4b:s22+s2], $0x50, $0x38;
	[tilespmem:$0x1DC80] =	vst v63  }
0xb2: {  	_ =	swait.ge [sflag:s13], $0x50  }
0xb3: {  	[sflag:s13] =	ssyncset.done $0x0  }
0xb4: {  	[sflag:s13] =	ssyncadd.s32 $0xFFFFFFB0  }
0xb5: {  	_ =	swait.ge [sflag:s13], $0x50  }
0xb6: {  	[sflag:s13] =	ssyncset.done $0x0  }
0xb7: {  	s28 =	rddreg [dreg:$0xa];
	[sflag:s13] =	ssyncadd.s32 $0xFFFFFFB0  }
0xb8: {  	[tilespmem:s28], [sflag:$0x4] =	stream.indirect.gather [hbm4b:s3+s31], $0x80, s30, s31, $0xb8;
	[tilespmem:$0x1DC80] =	vst v63  }
0xb9: {  	_ =	swait.ge [sflag:s14], $0x2800  }
0xba: {  	[sflag:s14] =	ssyncset.done $0x0  }
0xbb: {  	p2 =	seq.s32 s19, $0x4B0;
	[sflag:s14] =	ssyncadd.s32 $0xFFFFD800  }
0xbc: {  	[spmem:s1] =	stream.indirect.scatter.add.f32 [tilespmem:s9], [sflag:$0x9], $0x80, s26, s31, $0xb8;
	[tilespmem:$0x1DC80] =	vst v63  }
0xbd: {  	s22 =	simm.s32 @!p2 $0x80;
	_ =	swait.ge [sflag:s23], $0x2800  }
0xbe: {  	s28 =	simm.s32 @!p2 $0x0;
	s7 =	rddreg [dreg:$0x9];
	[sflag:s23] =	ssyncset.done $0x0  }
0xbf: {  	s10 =	rddreg [dreg:$0x8];
	[sflag:s23] =	ssyncadd.s32 $0xFFFFD800;
	s7 =	sadd.s32 @!p2 s19, s7  }
0xc0: {  	[tilespmem:s22], [sflag:$0x6] =	stream.linear.gather @!p2 [hbm4b:s7+s28], $0x50, $0x38;
	[tilespmem:$0x1DC80] =	vst v63  }
0xc1: {  	s17 =	simm.s32 @!p2 $0x280;
	s7 =	sadd.s32 @!p2 s19, s10  }
0xc2: {  	[tilespmem:s17], [sflag:$0x6] =	stream.linear.gather @!p2 [hbm4b:s7+s28], $0x50, $0x38;
	[tilespmem:$0x1DC80] =	vst v63  }
0xc3: {  	_ =	swait.ge [sflag:s0], $0x50  }
0xc4: {  	[sflag:s0] =	ssyncset.done $0x0  }
0xc5: {  	[sflag:s0] =	ssyncadd.s32 $0xFFFFFFB0  }
0xc6: {  	_ =	swait.ge [sflag:s0], $0x50  }
0xc7: {  	[sflag:s0] =	ssyncset.done $0x0  }
0xc8: {  	[sflag:s0] =	ssyncadd.s32 $0xFFFFFFB0  }
0xc9: {  	[tilespmem:s6], [sflag:$0x1] =	stream.indirect.gather [hbm4b:s3+s31], $0x80, s2, s31, $0xb8;
	[tilespmem:$0x1DC80] =	vst v63  }
0xca: {  	_ =	swait.ge [sflag:s15], $0x2800  }
0xcb: {  	[sflag:s15] =	ssyncset.done $0x0  }
0xcc: {  	[sflag:s15] =	ssyncadd.s32 $0xFFFFD800  }
0xcd: {  	[spmem:s1] =	stream.indirect.scatter.add.f32 [tilespmem:s11], [sflag:$0x9], $0x80, s29, s31, $0xb8;
	[tilespmem:$0x1DC80] =	vst v63  }
0xce: {  	_ =	swait.ge [sflag:s23], $0x2800  }
0xcf: {  	[sflag:s23] =	ssyncset.done $0x0  }
0xd0: {  	s7 =	simm.s32 @p2 $0x4;
	[sflag:s23] =	ssyncadd.s32 $0xFFFFD800  }
0xd1: {  	_ =	swait.ge @p2 [sflag:s7], $0x2800  }
0xd2: {  	s18 =	simm.s32 @p2 $0x380;
	s10 =	simm.s32 @p2 $0x7C00;
	[sflag:s7] =	ssyncset.done @p2 $0x0  }
0xd3: {  	s17 =	simm.s32 @p2 $0x50;
	[sflag:s7] =	ssyncadd.s32 @p2 $0xFFFFD800;
	s7 =	simm.s32 @p2 $0x9  }
0xd4: {  	[spmem:s1] =	stream.indirect.scatter.add.f32 @p2 [tilespmem:s10], [sflag:$0x9], $0x80, s18, s17, $0xb8;
	[tilespmem:$0x1DC80] =	vst v63  }
0xd5: {  	_ =	swait.ge @p2 [sflag:s7], $0x2800  }
0xd6: {  	s10 =	rddreg [dreg:$0x7]  }
0xd7: {  	[sflag:s7] =	ssyncset.done @p2 $0x0;
	s17 =	rddreg [dreg:$0x6]  }
0xd8: {  	[sflag:s7] =	ssyncadd.s32 @p2 $0xFFFFD800;
	s10 =	sadd.s32 @!p2 s19, s10;
	s7 =	simm.s32 @!p2 $0x100  }
0xd9: {  	[tilespmem:s7], [sflag:$0x7] =	stream.linear.gather @!p2 [hbm4b:s10+s28], $0x50, $0x38;
	[tilespmem:$0x1DC80] =	vst v63  }
0xda: {  	s18 =	simm.s32 @!p2 $0x300;
	s10 =	sadd.s32 @!p2 s19, s17;
	s17 =	simm.s32 @!p2 $0x6  }
0xdb: {  	[tilespmem:s18], [sflag:$0x7] =	stream.linear.gather @!p2 [hbm4b:s10+s28], $0x50, $0x38;
	[tilespmem:$0x1DC80] =	vst v63  }
0xdc: {  	_ =	swait.ge @!p2 [sflag:s17], $0x50  }
0xdd: {  	[sflag:s17] =	ssyncset.done @!p2 $0x0  }
0xde: {  	[sflag:s17] =	ssyncadd.s32 @!p2 $0xFFFFFFB0  }
0xdf: {  	_ =	swait.ge @!p2 [sflag:s17], $0x50  }
0xe0: {  	s10 =	simm.s32 @!p2 $0x50;
	[sflag:s17] =	ssyncset.done @!p2 $0x0  }
0xe1: {  	s18 =	simm.s32 @!p2 $0x2C00;
	[sflag:s17] =	ssyncadd.s32 @!p2 $0xFFFFFFB0;
	s17 =	simm.s32 @!p2 $0x4  }
0xe2: {  	[tilespmem:s18], [sflag:$0x2] =	stream.indirect.gather @!p2 [hbm4b:s3+s10], $0x80, s22, s10, $0xb8;
	[tilespmem:$0x1DC80] =	vst v63  }
0xe3: {  	_ =	swait.ge @!p2 [sflag:s17], $0x2800  }
0xe4: {  	s18 =	simm.s32 @!p2 $0x380;
	[sflag:s17] =	ssyncset.done @!p2 $0x0  }
0xe5: {  	s22 =	simm.s32 @!p2 $0x7C00;
	[sflag:s17] =	ssyncadd.s32 @!p2 $0xFFFFD800;
	s17 =	simm.s32 @!p2 $0x9  }
0xe6: {  	[spmem:s1] =	stream.indirect.scatter.add.f32 @!p2 [tilespmem:s22], [sflag:$0x9], $0x80, s18, s10, $0xb8;
	[tilespmem:$0x1DC80] =	vst v63  }
0xe7: {  	_ =	swait.ge @!p2 [sflag:s17], $0x2800  }
0xe8: {  	s22 =	rddreg [dreg:$0x5]  }
0xe9: {  	[sflag:s17] =	ssyncset.done @!p2 $0x0;
	s8 =	rddreg [dreg:$0x4]  }
0xea: {  	[sflag:s17] =	ssyncadd.s32 @!p2 $0xFFFFD800;
	s17 =	sadd.s32 @!p2 s19, s22;
	s22 =	simm.s32 @!p2 $0x180  }
0xeb: {  	[tilespmem:s22], [sflag:$0x8] =	stream.linear.gather @!p2 [hbm4b:s17+s28], $0x50, $0x38;
	[tilespmem:$0x1DC80] =	vst v63  }
0xec: {  	s8 =	sadd.s32 @!p2 s19, s8;
	s17 =	simm.s32 @!p2 $0x7  }
0xed: {  	[tilespmem:s18], [sflag:$0x8] =	stream.linear.gather @!p2 [hbm4b:s8+s28], $0x50, $0x38;
	[tilespmem:$0x1DC80] =	vst v63  }
0xee: {  	_ =	swait.ge @!p2 [sflag:s17], $0x50  }
0xef: {  	[sflag:s17] =	ssyncset.done @!p2 $0x0  }
0xf0: {  	[sflag:s17] =	ssyncadd.s32 @!p2 $0xFFFFFFB0  }
0xf1: {  	_ =	swait.ge @!p2 [sflag:s17], $0x50  }
0xf2: {  	s21 =	smov.u32 s25;
	s25 =	sadd.s32 $0x28, s25;
	[sflag:s17] =	ssyncset.done @!p2 $0x0  }
0xf3: {  	p1 =	sne.s32 s25, $0x4D8;
	s8 =	simm.s32 @!p2 $0x5400;
	[sflag:s17] =	ssyncadd.s32 @!p2 $0xFFFFFFB0  }
0xf4: {  	[tilespmem:s8], [sflag:$0x3] =	stream.indirect.gather @!p2 [hbm4b:s3+s10], $0x80, s7, s10, $0xb8;
	[tilespmem:$0x1DC80] =	vst v63  }
.Ltmp0:
0xf5: {  	_ =	swait.ge [sflag:s12], $0x2800;
	(pc) =	sbr.rel @p1 .LBB2_2-.Ltmp0, $4  }
0xf6: {  	[sflag:s12] =	ssyncset.done $0x0  }
0xf7: {  	s20 =	sadd.s32 $0x140, s20;
	[sflag:s12] =	ssyncadd.s32 $0xFFFFD800  }
0xf8: {  	[spmem:s1] =	stream.indirect.scatter.add.f32 [tilespmem:s6], [sflag:$0x9], $0x80, s24, s31, $0xb8;
	[tilespmem:$0x1DC80] =	vst v63  }
0xf9: {  	s19 =	smov.u32 s21;
	s7 =	sshrl.u32 s20, $0x3;
	_ =	swait.ge [sflag:s23], $0x2800  }
0xfa: {  	[sflag:s23] =	ssyncset.done $0x0  }
0xfb: {  	s8 =	sadd.s32 s4, s7;
	[sflag:s23] =	ssyncadd.s32 $0xFFFFD800  }
0xfc: {  	[tilespmem:s2], [sflag:$0x5] =	stream.linear.gather [hbm4b:s8+s2], $0x50, $0x38;
	[tilespmem:$0x1DC80] =	vst v63  }
0xfd: {  	s20 =	sadd.s32 s5, s7  }
0xfe: {  	[tilespmem:s24], [sflag:$0x5] =	stream.linear.gather [hbm4b:s20+s2], $0x50, $0x38;
	[tilespmem:$0x1DC80] =	vst v63  }
0xff: {  	_ =	swait.ge [sflag:s13], $0x50  }
0x100: {  	[sflag:s13] =	ssyncset.done $0x0  }
0x101: {  	[sflag:s13] =	ssyncadd.s32 $0xFFFFFFB0  }
0x102: {  	_ =	swait.ge [sflag:s13], $0x50  }
0x103: {  	[sflag:s13] =	ssyncset.done $0x0  }
0x104: {  	s21 =	rddreg [dreg:$0xa];
	[sflag:s13] =	ssyncadd.s32 $0xFFFFFFB0  }
0x105: {  	[tilespmem:s21], [sflag:$0x4] =	stream.indirect.gather [hbm4b:s3+s31], $0x80, s30, s31, $0xb8;
	[tilespmem:$0x1DC80] =	vst v63  }
0x106: {  	_ =	swait.ge [sflag:s14], $0x2800  }
0x107: {  	[sflag:s14] =	ssyncset.done $0x0  }
0x108: {  	p1 =	seq.s32 s19, $0x4B0;
	[sflag:s14] =	ssyncadd.s32 $0xFFFFD800  }
0x109: {  	[spmem:s1] =	stream.indirect.scatter.add.f32 [tilespmem:s9], [sflag:$0x9], $0x80, s26, s31, $0xb8;
	[tilespmem:$0x1DC80] =	vst v63  }
0x10a: {  	s7 =	simm.s32 @!p1 $0x0;
	_ =	swait.ge [sflag:s23], $0x2800  }
0x10b: {  	s17 =	simm.s32 @!p1 $0x80;
	s8 =	rddreg [dreg:$0x9];
	[sflag:s23] =	ssyncset.done $0x0  }
0x10c: {  	s10 =	rddreg [dreg:$0x8];
	[sflag:s23] =	ssyncadd.s32 $0xFFFFD800;
	s8 =	sadd.s32 @!p1 s19, s8  }
0x10d: {  	[tilespmem:s17], [sflag:$0x6] =	stream.linear.gather @!p1 [hbm4b:s8+s7], $0x50, $0x38;
	[tilespmem:$0x1DC80] =	vst v63  }
0x10e: {  	s10 =	sadd.s32 @!p1 s19, s10;
	s8 =	simm.s32 @!p1 $0x280  }
0x10f: {  	[tilespmem:s8], [sflag:$0x6] =	stream.linear.gather @!p1 [hbm4b:s10+s7], $0x50, $0x38;
	[tilespmem:$0x1DC80] =	vst v63  }
0x110: {  	_ =	swait.ge [sflag:s0], $0x50  }
0x111: {  	[sflag:s0] =	ssyncset.done $0x0  }
0x112: {  	[sflag:s0] =	ssyncadd.s32 $0xFFFFFFB0  }
0x113: {  	_ =	swait.ge [sflag:s0], $0x50  }
0x114: {  	[sflag:s0] =	ssyncset.done $0x0  }
0x115: {  	[sflag:s0] =	ssyncadd.s32 $0xFFFFFFB0  }
0x116: {  	[tilespmem:s6], [sflag:$0x1] =	stream.indirect.gather [hbm4b:s3+s31], $0x80, s2, s31, $0xb8;
	[tilespmem:$0x1DC80] =	vst v63  }
0x117: {  	_ =	swait.ge [sflag:s15], $0x2800  }
0x118: {  	[sflag:s15] =	ssyncset.done $0x0  }
0x119: {  	[sflag:s15] =	ssyncadd.s32 $0xFFFFD800  }
0x11a: {  	[spmem:s1] =	stream.indirect.scatter.add.f32 [tilespmem:s11], [sflag:$0x9], $0x80, s29, s31, $0xb8;
	[tilespmem:$0x1DC80] =	vst v63  }
0x11b: {  	_ =	swait.ge [sflag:s23], $0x2800  }
0x11c: {  	[sflag:s23] =	ssyncset.done $0x0  }
0x11d: {  	s8 =	simm.s32 @p1 $0x4;
	[sflag:s23] =	ssyncadd.s32 $0xFFFFD800  }
0x11e: {  	_ =	swait.ge @p1 [sflag:s8], $0x2800  }
0x11f: {  	s18 =	simm.s32 @p1 $0x50;
	s20 =	simm.s32 @p1 $0x380;
	[sflag:s8] =	ssyncset.done @p1 $0x0  }
0x120: {  	s10 =	simm.s32 @p1 $0x7C00;
	[sflag:s8] =	ssyncadd.s32 @p1 $0xFFFFD800;
	s8 =	simm.s32 @p1 $0x9  }
0x121: {  	[spmem:s1] =	stream.indirect.scatter.add.f32 @p1 [tilespmem:s10], [sflag:$0x9], $0x80, s20, s18, $0xb8;
	[tilespmem:$0x1DC80] =	vst v63  }
0x122: {  	_ =	swait.ge @p1 [sflag:s8], $0x2800  }
0x123: {  	s10 =	rddreg [dreg:$0x7]  }
0x124: {  	[sflag:s8] =	ssyncset.done @p1 $0x0;
	s18 =	rddreg [dreg:$0x6]  }
0x125: {  	[sflag:s8] =	ssyncadd.s32 @p1 $0xFFFFD800;
	s8 =	sadd.s32 @!p1 s19, s10;
	s10 =	simm.s32 @!p1 $0x100  }
0x126: {  	[tilespmem:s10], [sflag:$0x7] =	stream.linear.gather @!p1 [hbm4b:s8+s7], $0x50, $0x38;
	[tilespmem:$0x1DC80] =	vst v63  }
0x127: {  	s20 =	simm.s32 @!p1 $0x6;
	s18 =	sadd.s32 @!p1 s19, s18;
	s8 =	simm.s32 @!p1 $0x300  }
0x128: {  	[tilespmem:s8], [sflag:$0x7] =	stream.linear.gather @!p1 [hbm4b:s18+s7], $0x50, $0x38;
	[tilespmem:$0x1DC80] =	vst v63  }
0x129: {  	_ =	swait.ge @!p1 [sflag:s20], $0x50  }
0x12a: {  	[sflag:s20] =	ssyncset.done @!p1 $0x0  }
0x12b: {  	[sflag:s20] =	ssyncadd.s32 @!p1 $0xFFFFFFB0  }
0x12c: {  	_ =	swait.ge @!p1 [sflag:s20], $0x50  }
0x12d: {  	s8 =	simm.s32 @!p1 $0x50;
	[sflag:s20] =	ssyncset.done @!p1 $0x0  }
0x12e: {  	s18 =	simm.s32 @!p1 $0x2C00;
	[sflag:s20] =	ssyncadd.s32 @!p1 $0xFFFFFFB0;
	s20 =	simm.s32 @!p1 $0x4  }
0x12f: {  	[tilespmem:s18], [sflag:$0x2] =	stream.indirect.gather @!p1 [hbm4b:s3+s8], $0x80, s17, s8, $0xb8;
	[tilespmem:$0x1DC80] =	vst v63  }
0x130: {  	_ =	swait.ge @!p1 [sflag:s20], $0x2800  }
0x131: {  	s17 =	simm.s32 @!p1 $0x380;
	[sflag:s20] =	ssyncset.done @!p1 $0x0  }
0x132: {  	s18 =	simm.s32 @!p1 $0x7C00;
	[sflag:s20] =	ssyncadd.s32 @!p1 $0xFFFFD800;
	s20 =	simm.s32 @!p1 $0x9  }
0x133: {  	[spmem:s1] =	stream.indirect.scatter.add.f32 @!p1 [tilespmem:s18], [sflag:$0x9], $0x80, s17, s8, $0xb8;
	[tilespmem:$0x1DC80] =	vst v63  }
0x134: {  	_ =	swait.ge @!p1 [sflag:s20], $0x2800  }
0x135: {  	s18 =	rddreg [dreg:$0x5]  }
0x136: {  	[sflag:s20] =	ssyncset.done @!p1 $0x0;
	s21 =	rddreg [dreg:$0x4]  }
0x137: {  	[sflag:s20] =	ssyncadd.s32 @!p1 $0xFFFFD800;
	s18 =	sadd.s32 @!p1 s19, s18;
	s20 =	simm.s32 @!p1 $0x180  }
0x138: {  	[tilespmem:s20], [sflag:$0x8] =	stream.linear.gather @!p1 [hbm4b:s18+s7], $0x50, $0x38;
	[tilespmem:$0x1DC80] =	vst v63  }
0x139: {  	s18 =	sadd.s32 @!p1 s19, s21  }
0x13a: {  	[tilespmem:s17], [sflag:$0x8] =	stream.linear.gather @!p1 [hbm4b:s18+s7], $0x50, $0x38;
	[tilespmem:$0x1DC80] =	vst v63  }
0x13b: {  	s7 =	simm.s32 @!p1 $0x7  }
0x13c: {  	_ =	swait.ge @!p1 [sflag:s7], $0x50  }
0x13d: {  	[sflag:s7] =	ssyncset.done @!p1 $0x0  }
0x13e: {  	[sflag:s7] =	ssyncadd.s32 @!p1 $0xFFFFFFB0  }
0x13f: {  	_ =	swait.ge @!p1 [sflag:s7], $0x50  }
0x140: {  	[sflag:s7] =	ssyncset.done @!p1 $0x0  }
0x141: {  	[sflag:s7] =	ssyncadd.s32 @!p1 $0xFFFFFFB0;
	s7 =	simm.s32 @!p1 $0x5400  }
0x142: {  	[tilespmem:s7], [sflag:$0x3] =	stream.indirect.gather @!p1 [hbm4b:s3+s8], $0x80, s10, s8, $0xb8;
	[tilespmem:$0x1DC80] =	vst v63  }
0x143: {  	_ =	swait.ge [sflag:s12], $0x2800  }
0x144: {  	[sflag:s12] =	ssyncset.done $0x0  }
0x145: {  	[sflag:s12] =	ssyncadd.s32 $0xFFFFD800  }
0x146: {  	[spmem:s1] =	stream.indirect.scatter.add.f32 [tilespmem:s6], [sflag:$0x9], $0x80, s24, s31, $0xb8;
	[tilespmem:$0x1DC80] =	vst v63  }
0x147: {  	_ =	swait.ge [sflag:s23], $0x2800  }
0x148: {  	[sflag:s23] =	ssyncset.done $0x0  }
0x149: {  	[sflag:s23] =	ssyncadd.s32 $0xFFFFD800  }
0x14a: {  	[bflag:$0x0] =	sbarrier.arrive $0xFFFF  }
0x14b: {  	s8 =	rddreg [dreg:$0xd]  }
0x14c: {  	s22 =	rddreg [dreg:$0x16]  }
0x14d: {  	s25 =	rddreg [dreg:$0x1c]  }
0x14e: {  	[hbm:s22], [sflag:s8] =	dma.local [spmem:s25], $0x2700  }
0x14f: {  	_ =	swait.ge [sflag:s23], $0x2700  }
0x150: {  	[sflag:s23] =	ssyncset.done $0x0;
	s7 =	rddreg [dreg:$0x19]  }
0x151: {  	s10 =	rddreg [dreg:$0x1d];
	[sflag:s23] =	ssyncadd.s32 $0xFFFFD900  }
0x152: {  	[hbm:s7], [sflag:s8] =	dma.local @!p0 [spmem:s10], $0x100  }
0x153: {  	s7 =	simm.s32 @!p0 $0x9  }
0x154: {  	_ =	swait.ge @!p0 [sflag:s7], $0x100  }
0x155: {  	s16 =	sadd.s32 $0x1, s16;
	s28 =	rddreg [dreg:$0x1a]  }
0x156: {  	p1 =	sne.s32 s16, s28  }
.Ltmp1:
0x157: {  	_ = 	snop;
	(pc) =	sbr.rel @p1 .LBB2_1-.Ltmp1, $3  }
0x158: {  	_ =	sdelay $0x1  }
0x159: {  	[sflag:s7] =	ssyncset.done @!p0 $0x0  }
0x15a: {  	[sflag:s7] =	ssyncadd.s32 @!p0 $0xFFFFFF00  }
0x15b: {  	_ =	sfence.sel $0x180000  }
0x15c: {  	[bflag:$0x0] =	sbarrier.arrive $0xFFFF  }
0x15d: {  	_ =	strace $0x9000004D  }
0x15e: {  	[bflag:$0x2] =	sbarrier.arrive $0xFFFF  }
0x15f: {  	s0 =	rddreg [dreg:$0x3]  }
0x160: {  	s0 =	sadd.s32 @!p0 $0x100000, s0  }
0x161: {  	[sflag:s0] =	ssyncadd.tile.s32 @!p0 $0x1;
	_ =	shalt  }
.Lfunc_end2:
_tile_overlayer_lowered:
.L_overlay_start_2:
0x162: {  	(tag) =	ssettag $0x2  }
0x163: {  	s0 =	rddreg [dreg:$0x0];
	s2 =	stileid.u32  }
0x164: {  	s1 =	rddreg [dreg:$0x1];
	p0 =	sne.s32 s2, $0x0  }
0x165: {  	s3 =	rddreg [dreg:$0x2];
	[bflag:$0x3] =	sbarrier.arrive $0xFFFF;
	s2 =	simm.s32 @!p0 $0x1C09  }
0x166: {  	[timem:s3], [sflag:s2] =	dma.local @!p0 [hbm:s0], s1  }
0x167: {  	s0 =	simm.s32 @!p0 $0x9  }
0x168: {  	_ =	swait.ge @!p0 [sflag:s0], s1  }
0x169: {  	s1 =	ssub.s32 @!p0 $0x0, s1;
	[sflag:s0] =	ssyncset.done @!p0 $0x0  }
0x16a: {  	[sflag:s0] =	ssyncadd.s32 @!p0 s1  }
0x16b: {  	[bflag:$0x3] =	sbarrier.arrive $0xFFFF  }
0x16c: {  	_ =	shalt  }

// kernel: kernel.22.cloned.1.call-start
scs
__scs_entry_jumppad:
0x0: {  	(pc) =	sbr.rel $0x88, $3  }
0x1: {  	(tag) =	ssettag $0x0;
	lr =	simm.s32 $0x1  }
0x2: {  	[smem:$0x3F8C] =	sst lr;
	_ =	strace $0xD0000000  }
0x3: {  	_ = 	snop  }
0x4: {  	_ = 	snop  }
0x5: {  	_ = 	snop  }
0x6: {  	_ = 	snop  }
0x7: {  	_ = 	snop  }
__scs_overlays_trampoline_lowered:
0x8: {  	[smem:$0x3F9B] =	sst s0  }
0x9: {  	[smem:$0x3F9C] =	sst s1  }
0xa: {  	[smem:$0x3F9D] =	sst s2  }
0xb: {  	[smem:$0x3F9E] =	sst s3  }
0xc: {  	[smem:$0x3F9F] =	sst s4  }
0xd: {  	[smem:$0x3FA0] =	sst s5  }
0xe: {  	[smem:$0x3FA1] =	sst s6  }
0xf: {  	[smem:$0x3FA2] =	sst s7  }
0x10: {  	[smem:$0x3FA3] =	sst s8  }
0x11: {  	[smem:$0x3FA4] =	sst s9;
	s0 =	simm.s32 @!p0 $0x0  }
0x12: {  	s1 =	sld [smem:$0x3F8A];
	s0 =	simm.s32 @p0 $0x1  }
0x13: {  	[smem:$0x3FA5] =	sst s0;
	s0 =	simm.s32 @!p1 $0x0  }
0x14: {  	s2 =	sld [smem:$0x3F89];
	s0 =	simm.s32 @p1 $0x1  }
0x15: {  	[smem:$0x3FA6] =	sst s0;
	s0 =	simm.s32 @!p2 $0x0  }
0x16: {  	s3 =	sld [smem:$0x3FDB];
	s0 =	simm.s32 @p2 $0x1  }
0x17: {  	s4 =	simm.s32 $0x1BF5;
	[smem:$0x3FA8] =	sst s0  }
0x18: {  	s0 =	sld [smem:$0x3F8B];
	_ =	swait.ge [sflag:s4], $0x0  }
0x19: {  	s7 =	sld [smem:$0x3F8C]  }
0x1a: {  	s8 =	sadd.s32 $0xFFFFE003, lr  }
0x1b: {  	s9 =	sadd.s32 $0xFFFFFEF7, lr;
	s5 =	simm.s32 $0xFFFFFFFF;
	p2 =	slt.u32 s8, $0xFFFFF086  }
0x1c: {  	p1 =	slt.u32 s9, $0xF7A;
	s5 =	simm.s32 @!p2 $0x0  }
0x1d: {  	s5 =	simm.s32 @p1 $0x1;
	p0 =	seq.s32 s7, s2  }
0x1e: {  	s7 =	smul.u32 @!p0 $0xF7A, s2;
	p2 =	seq.s32 @!p0 s5, $0x0  }
0x1f: {  	s9 =	smul.u32 $0xF7A, s1;
	s8 =	simm.s32 @!p0 $0x1BF5;
	p2 =	por !p2, p0  }
0x20: {  	[sflag:s8] =	ssyncset.s32 @!p0 $0xFFFFF086;
	s6 =	sadd.s32 @!p0 s3, s7;
	s7 =	simm.s32 @!p0 $0x108  }
0x21: {  	s3 =	sadd.s32 s3, s9;
	s6 =	sadd.s32 @!p0 $0x88, s6;
	s7 =	simm.s32 @p2 $0x1082  }
0x22: {  	[simem:s7], [sflag:s8] =	dma.local @!p0 [hbm:s6], $0xF7A  }
0x23: {  	s9 =	sor.u32 $0xD0000000, s2;
	s6 =	simm.s32 $0x108;
	_ =	swait.ge @!p0 [sflag:s8], $0x0  }
0x24: {  	s3 =	sadd.s32 $0x88, s3;
	s6 =	simm.s32 @!p1 $0x1082;
	[sflag:s4] =	ssyncset.s32 $0xFFFFF086  }
0x25: {  	[simem:s6], [sflag:s4] =	dma.local [hbm:s3], $0xF7A  }
0x26: {  	[smem:$0x3F8C] =	sst s1;
	(tag) =	ssettag s2;
	_ =	strace s9  }
0x27: {  	s1 =	sld [smem:$0x3F9C]  }
0x28: {  	s2 =	sld [smem:$0x3F9D]  }
0x29: {  	s4 =	sld [smem:$0x3F9F]  }
0x2a: {  	p0 =	seq.s32 s5, $0x0;
	s5 =	sld [smem:$0x3FA0]  }
0x2b: {  	s6 =	sld [smem:$0x3FA1]  }
0x2c: {  	s7 =	sld [smem:$0x3FA2]  }
0x2d: {  	s3 =	simm.s32 $0x108;
	s8 =	sld [smem:$0x3FA3]  }
0x2e: {  	s3 =	simm.s32 @!p0 $0x1082;
	s9 =	sld [smem:$0x3FA4]  }
0x2f: {  	lr =	sadd.s32 s0, s3;
	s0 =	sld [smem:$0x3F9B]  }
0x30: {  	s3 =	sld [smem:$0x3F9E]  }
0x31: {  	[smem:$0x3FA7] =	sst s10  }
0x32: {  	s10 =	sld [smem:$0x3FA5];
	_ =	sdelay $0x3  }
0x33: {  	p0 =	seq.s32 s10, $0x1;
	s10 =	sld [smem:$0x3FA7];
	_ =	sdelay $0x3  }
0x34: {  	[smem:$0x3FA7] =	sst s10  }
0x35: {  	s10 =	sld [smem:$0x3FA6];
	_ =	sdelay $0x3  }
0x36: {  	p1 =	seq.s32 s10, $0x1;
	s10 =	sld [smem:$0x3FA7];
	_ =	sdelay $0x3  }
0x37: {  	[smem:$0x3FA7] =	sst s10  }
0x38: {  	s10 =	sld [smem:$0x3FA8]  }
0x39: {  	_ = 	snop;
	(pc) =	sbr.ind lr, $3  }
0x3a: {  	_ = 	snop  }
0x3b: {  	_ = 	snop  }
0x3c: {  	p2 =	seq.s32 s10, $0x1;
	s10 =	sld [smem:$0x3FA7]  }
0x3d: {  	_ =	shalt  }
0x3e: {  	_ =	shalt  }
0x3f: {  	_ =	shalt  }
0x40: {  	_ =	shalt  }
0x41: {  	_ =	shalt  }
0x42: {  	_ =	shalt  }
0x43: {  	_ =	shalt  }
0x44: {  	_ =	shalt  }
0x45: {  	_ =	shalt  }
0x46: {  	_ =	shalt  }
0x47: {  	_ =	shalt  }
0x48: {  	_ =	shalt  }
0x49: {  	_ =	shalt  }
0x4a: {  	_ =	shalt  }
0x4b: {  	_ =	shalt  }
0x4c: {  	_ =	shalt  }
0x4d: {  	_ =	shalt  }
0x4e: {  	_ =	shalt  }
0x4f: {  	_ =	shalt  }
0x50: {  	_ =	shalt  }
0x51: {  	_ =	shalt  }
0x52: {  	_ =	shalt  }
0x53: {  	_ =	shalt  }
0x54: {  	_ =	shalt  }
0x55: {  	_ =	shalt  }
0x56: {  	_ =	shalt  }
0x57: {  	_ =	shalt  }
0x58: {  	_ =	shalt  }
0x59: {  	_ =	shalt  }
0x5a: {  	_ =	shalt  }
0x5b: {  	_ =	shalt  }
0x5c: {  	_ =	shalt  }
0x5d: {  	_ =	shalt  }
0x5e: {  	_ =	shalt  }
0x5f: {  	_ =	shalt  }
0x60: {  	_ =	shalt  }
0x61: {  	_ =	shalt  }
0x62: {  	_ =	shalt  }
0x63: {  	_ =	shalt  }
0x64: {  	_ =	shalt  }
0x65: {  	_ =	shalt  }
0x66: {  	_ =	shalt  }
0x67: {  	_ =	shalt  }
0x68: {  	_ =	shalt  }
0x69: {  	_ =	shalt  }
0x6a: {  	_ =	shalt  }
0x6b: {  	_ =	shalt  }
0x6c: {  	_ =	shalt  }
0x6d: {  	_ =	shalt  }
0x6e: {  	_ =	shalt  }
0x6f: {  	_ =	shalt  }
0x70: {  	_ =	shalt  }
0x71: {  	_ =	shalt  }
0x72: {  	_ =	shalt  }
0x73: {  	_ =	shalt  }
0x74: {  	_ =	shalt  }
0x75: {  	_ =	shalt  }
0x76: {  	_ =	shalt  }
0x77: {  	_ =	shalt  }
0x78: {  	_ =	shalt  }
0x79: {  	_ =	shalt  }
0x7a: {  	_ =	shalt  }
0x7b: {  	_ =	shalt  }
0x7c: {  	_ =	shalt  }
0x7d: {  	_ =	shalt  }
0x7e: {  	_ =	shalt  }
0x7f: {  	_ =	shalt  }
0x80: {  	_ =	shalt  }
0x81: {  	_ =	shalt  }
0x82: {  	_ =	shalt  }
0x83: {  	_ =	shalt  }
0x84: {  	_ =	shalt  }
0x85: {  	_ =	shalt  }
0x86: {  	_ =	shalt  }
0x87: {  	_ =	shalt  }
.Lfunc_end0:
.L_simem_size_0:
called_computation.3_lowered:
.L_overlay_start_0:
0x88: {  	s2 =	sld [smem:$0x3FD9]  }
0x89: {  	s3 =	sld [smem:$0x3FFE];
	_ =	sdelay $0x1  }
0x8a: {  	s1 =	srdreg.scid  }
0x8b: {  	s0 =	sand.u32 $0x1, s1  }
0x8c: {  	s14 =	sshll.u32 s0, $0xA;
	s2 =	sadd.s32 s3, s2  }
0x8d: {  	s2 =	sadd.s32 s2, s14  }
0x8e: {  	[smem:$0x3FB3] =	sst s2  }
0x8f: {  	_ = 	snop  }
0x90: {  	s2 =	sld [smem:$0x3FD0];
	_ =	sdelay $0x2  }
0x91: {  	s15 =	simm.s32 $0xB;
	s4 =	simm.s32 $0x10  }
0x92: {  	[smem:s4], [sflag:s15] =	dma.local [hbm:s2], $0x1  }
0x93: {  	_ =	swait.eq [sflag:s15], $0x1  }
0x94: {  	[sflag:s15] =	ssyncset.done $0x0  }
0x95: {  	[sflag:s15] =	ssyncadd.s32 $0xFFFFFFFF  }
0x96: {  	s16 =	sld [smem:$0x10];
	(tm) =	ssettm $0x1  }
0x97: {  	s17 =	sld [smem:$0x3FFB];
	_ =	sdelay $0x3  }
0x98: {  	_ =	strace s17  }
0x99: {  	s3 =	sld [smem:$0x3FFC];
	_ =	sdelay $0x3  }
0x9a: {  	_ =	strace s3  }
0x9b: {  	s3 =	sld [smem:$0x3FFD];
	_ =	sdelay $0x3  }
0x9c: {  	_ =	strace s3  }
0x9d: {  	_ =	strace $0x8FFFFFFF  }
0x9e: {  	s18 =	sld [smem:$0x3FDB];
	_ =	sdelay $0x1  }
0x9f: {  	s19 =	simm.s32 $_scs_section_size  }
0xa0: {  	s5 =	simm.s32 $_size__tile_overlayer_lowered;
	s6 =	simm.s32 $_tile_overlayer_lowered  }
0xa1: {  	s22 =	simm.s32 $0x1BFF;
	s21 =	sshll.u32 s6, $0x1;
	s3 =	sadd.s32 s19, s18  }
0xa2: {  	s7 =	simm.s32 $0x0;
	s20 =	sshll.u32 s5, $0x1;
	s5 =	sadd.s32 s21, s3  }
0xa3: {  	[timem:s7], [sflag:s22] =	dma.local [hbm:s5], s20  }
0xa4: {  	_ =	swait.ge [sflag:s22], s20  }
0xa5: {  	s4 =	ssub.s32 $0x0, s20;
	[sflag:s22] =	ssyncset.done $0x0  }
0xa6: {  	[sflag:s22] =	ssyncadd.s32 s4;
	_ =	sdelay $0x1  }
0xa7: {  	s23 =	simm.s32 $0x1B8B  }
0xa8: {  	_ =	swait.ge [sflag:s23], $0x1  }
0xa9: {  	[sflag:s23] =	ssyncset.done $0x0  }
0xaa: {  	s25 =	simm.s32 $0x1B8E;
	s24 =	sld [smem:$0x3FFE];
	[sflag:s23] =	ssyncadd.s32 $0xFFFFFFFF  }
0xab: {  	s26 =	simm.s32 $execute0_lowered;
	[smem:$0x3FD2] =	sst s25  }
0xac: {  	s5 =	sshll.u32 s26, $0x1;
	_ =	strace $0x8000004F;
	[dreg:$0x1] =	wrdreg $0xFFFFFFFF  }
0xad: {  	s28 =	simm.s32 $_size_execute0_lowered;
	s3 =	sadd.s32 s3, s5;
	[dreg:$0x0] =	wrdreg $0x0  }
0xae: {  	s5 =	sshll.u32 s28, $0x1;
	[dreg:$0x2] =	wrdreg s3  }
0xaf: {  	[dreg:$0x3] =	wrdreg s5  }
0xb0: {  	[dreg:$0x4] =	wrdreg $0xC0  }
0xb1: {  	_ =	task [dreg:s7], $0x5FFFF  }
0xb2: {  	[dreg:$0x1] =	wrdreg $0xFFFFFFFF  }
0xb3: {  	[dreg:$0x0] =	wrdreg $0x60  }
0xb4: {  	[dreg:$0x2] =	wrdreg s24  }
0xb5: {  	[dreg:$0x3] =	wrdreg s16  }
0xb6: {  	[dreg:$0x4] =	wrdreg $0xA4000  }
0xb7: {  	[dreg:$0x5] =	wrdreg $0x9  }
0xb8: {  	_ =	task.clear_ibuf [dreg:s7], $0x6FFFF;
	_ =	strace $0x9000004F  }
0xb9: {  	s29 =	simm.s32 $0x9;
	_ =	strace $0x80000051  }
0xba: {  	_ =	swait.ge [sflag:s29], $0x1  }
0xbb: {  	[sflag:s29] =	ssyncadd.s32 $0xFFFFFFFF  }
0xbc: {  	_ =	strace $0x90000051  }
0xbd: {  	_ =	sfence  }
0xbe: {  	s30 =	sld [smem:$0x0];
	_ =	sdelay $0x2  }
0xbf: {  	s31 =	sshll.u32 s1, $0xD;
	s1 =	sshrl.u32 s1, $0x2  }
0xc0: {  	s3 =	sand.u32 $0x4000, s31;
	s1 =	sadd.s32 s1, s30  }
0xc1: {  	s0 =	sor.u32 s3, s0;
	s1 =	sshll.u32 s1, $0x11  }
0xc2: {  	s0 =	sor.u32 s1, s0  }
0xc3: {  	s0 =	sadd.s32 $0x8F2B, s0  }
0xc4: {  	[sflag:s0] =	ssyncadd.remote.s32 $0x1  }
0xc5: {  	_ =	sfence.sel $0xFFFF  }
0xc6: {  	[dreg:$0x0] =	wrdreg $0xFFFFFFFF;
	(pc) =	sbr.abs _section_cstart, $3  }
0xc7: {  	[dreg:$0x1] =	wrdreg $0xFFFFFFFF  }
0xc8: {  	_ =	task.clear_ibuf [dreg:s7], $0x2FFFF;
	_ =	strace $0x9FFFFFFF  }
0xc9: {  	(tm) =	ssettm $0x7FFFFFFF  }
tec
execute0_lowered:
.L_overlay_start_1:
0x0: {  	(tag) =	ssettag $0x1  }
0x1: {  	s6 =	rddreg [dreg:$0x0]  }
0x2: {  	s7 =	rddreg [dreg:$0x1]  }
0x3: {  	s1 =	rddreg [dreg:$0x2];
	s2 =	simm.s32 $0x0  }
0x4: {  	s4 =	srdreg.scid;
	s0 =	stileid.u32;
	s29 =	simm.s32 $0x300  }
0x5: {  	s30 =	simm.s32 $0x180;
	s31 =	simm.s32 $0x50;
	[smem:$0x7FF] =	sst s2  }
0x6: {  	s3 =	sadd.s32 $0x18800, s6;
	s9 =	sand.u32 $0x1, s4;
	s4 =	sadd.s32 $0xEA00, s6  }
0x7: {  	s10 =	smul.u32 $0x4E000, s0;
	s5 =	sadd.s32 $0x4C00, s6;
	s6 =	sadd.s32 $0x3FA00, s6  }
0x8: {  	s13 =	smul.u32 $0x13800, s0;
	s16 =	sshll.u32 s0, $0x6;
	s18 =	sadd.s32 $0x138000, s1  }
0x9: {  	p0 =	sne.s32 s0, $0x0;
	_ =	strace $0x80000050;
	s8 =	ssub.s32 $0x2, s9  }
0xa: {  	s12 =	sshll.u32 s9, $0x4;
	[dreg:$0xe] =	wrdreg s18;
	s20 =	smul.u32 $0x138800, s9  }
0xb: {  	s9 =	smul.u32 $0x27100, s9;
	s11 =	sshrl.u32 s8, $0x1;
	s10 =	sshrl.u32 s10, $0x2  }
0xc: {  	s14 =	sor.u32 s0, s12;
	s15 =	sshrl.u32 s13, $0x3;
	s11 =	ssub.s32 s8, s11  }
0xd: {  	s10 =	sadd.s32 s10, s1;
	s14 =	smul.u32 $0x2710, s14;
	s17 =	sadd.s32 s7, s15  }
0xe: {  	s8 =	sor.u32 $0x1C09, s16;
	s7 =	sadd.s32 $0x27000, s7;
	[dreg:$0xb] =	wrdreg s10  }
0xf: {  	s15 =	smul.u32 $0x2710, s0;
	s26 =	sadd.s32 s13, s20;
	[dreg:$0xc] =	wrdreg s17  }
0x10: {  	s0 =	simm.s32 $0x5;
	[dreg:$0xf] =	wrdreg s7;
	s19 =	sshrl.u32 s14, $0x3  }
0x11: {  	s10 =	sshrl.u32 s20, $0x3;
	[dreg:$0xd] =	wrdreg s8;
	s21 =	sadd.s32 s4, s19  }
0x12: {  	s22 =	sadd.s32 s5, s19;
	s23 =	sadd.s32 $0xA, s19;
	[dreg:$0x10] =	wrdreg s21  }
0x13: {  	s9 =	sadd.s32 s15, s9;
	[dreg:$0x11] =	wrdreg s22;
	s16 =	sadd.s32 s4, s23  }
0x14: {  	s14 =	sadd.s32 $0x14, s19;
	s12 =	sadd.s32 s5, s23;
	[dreg:$0x12] =	wrdreg s16  }
0x15: {  	s7 =	sadd.s32 $0x1E, s19;
	s24 =	sadd.s32 s4, s14;
	[dreg:$0x13] =	wrdreg s12  }
0x16: {  	s28 =	sadd.s32 $0x230, s9;
	s25 =	sadd.s32 s5, s14;
	[dreg:$0x14] =	wrdreg s24  }
0x17: {  	s15 =	sadd.s32 $0x1E0, s9;
	s22 =	sadd.s32 s4, s7;
	[dreg:$0x15] =	wrdreg s25  }
0x18: {  	s19 =	sadd.s32 $0x190, s9;
	s7 =	sadd.s32 s5, s7;
	[dreg:$0x17] =	wrdreg s22  }
0x19: {  	s13 =	sshrl.u32 s28, $0x3;
	s28 =	simm.s32 $0x7C00;
	[dreg:$0x18] =	wrdreg s7  }
0x1a: {  	s17 =	sshrl.u32 s15, $0x3;
	s14 =	sadd.s32 s13, s5;
	[dreg:$0xa] =	wrdreg s28  }
0x1b: {  	s21 =	sshrl.u32 s19, $0x3;
	s16 =	sadd.s32 s13, s4;
	[dreg:$0x4] =	wrdreg s14  }
0x1c: {  	s15 =	simm.s32 $0x3;
	s18 =	sadd.s32 s17, s5;
	[dreg:$0x5] =	wrdreg s16  }
0x1d: {  	s12 =	sshrl.u32 s26, $0x3;
	s20 =	sadd.s32 s17, s4;
	[dreg:$0x6] =	wrdreg s18  }
0x1e: {  	s23 =	sadd.s32 s21, s5;
	s24 =	sadd.s32 s21, s4;
	[dreg:$0x7] =	wrdreg s20  }
0x1f: {  	s25 =	smax.u32 s11, $0x1;
	s26 =	sadd.s32 $0x140, s9;
	[dreg:$0x8] =	wrdreg s23  }
0x20: {  	s9 =	simm.s32 $0x2C00;
	s11 =	simm.s32 $0x5400;
	[dreg:$0x1a] =	wrdreg s25  }
0x21: {  	s13 =	simm.s32 $0x8;
	s12 =	sadd.s32 s6, s12;
	[dreg:$0x9] =	wrdreg s24  }
0x22: {  	s6 =	sadd.s32 s6, s10;
	[dreg:$0x1b] =	wrdreg s26;
	s23 =	simm.s32 $0x9  }
0x23: {  	s24 =	simm.s32 $0x200;
	s26 =	simm.s32 $0x280;
	s14 =	simm.s32 $0x2  }
0x24: {  	s16 =	simm.s32 $0x0;
	[dreg:$0x16] =	wrdreg s12;
	s6 =	sadd.s32 $0x27000, s6  }
0x25: {  	s12 =	simm.s32 $0x1;
	[dreg:$0x19] =	wrdreg s6;
	s6 =	simm.s32 $0x400  }
.LBB2_1:
0x26: {  	s7 =	rddreg [dreg:$0xb]  }
0x27: {  	s22 =	rddreg [dreg:$0xc];
	s10 =	sshrl.u32 s7, $0x3  }
0x28: {  	[dreg:$0x1c] =	wrdreg s10  }
0x29: {  	[spmem:s10], [sflag:s8] =	dma.local [hbm:s22], $0x2700  }
0x2a: {  	_ =	swait.ge [sflag:s23], $0x2700  }
0x2b: {  	s7 =	rddreg [dreg:$0xe]  }
0x2c: {  	[sflag:s23] =	ssyncset.done $0x0;
	s10 =	sshrl.u32 @!p0 s7, $0x3;
	s7 =	rddreg [dreg:$0xf]  }
0x2d: {  	[sflag:s23] =	ssyncadd.s32 $0xFFFFD900;
	[dreg:$0x1d] =	wrdreg s10  }
0x2e: {  	[spmem:s10], [sflag:s8] =	dma.local @!p0 [hbm:s7], $0x100  }
0x2f: {  	s7 =	simm.s32 @!p0 $0x9  }
0x30: {  	_ =	swait.ge @!p0 [sflag:s7], $0x100  }
0x31: {  	[sflag:s7] =	ssyncset.done @!p0 $0x0  }
0x32: {  	[sflag:s7] =	ssyncadd.s32 @!p0 $0xFFFFFF00  }
0x33: {  	[bflag:$0x0] =	sbarrier.arrive $0xFFFF  }
0x34: {  	s25 =	rddreg [dreg:$0x10]  }
0x35: {  	[tilespmem:s2], [sflag:$0x5] =	stream.linear.gather [hbm4b:s25+s2], $0x50, $0x38;
	[tilespmem:$0x1DC80] =	vst v63  }
0x36: {  	s28 =	rddreg [dreg:$0x11]  }
0x37: {  	[tilespmem:s24], [sflag:$0x5] =	stream.linear.gather [hbm4b:s28+s2], $0x50, $0x38;
	[tilespmem:$0x1DC80] =	vst v63  }
0x38: {  	s10 =	simm.s32 $0x80;
	s8 =	rddreg [dreg:$0x12]  }
0x39: {  	[tilespmem:s10], [sflag:$0x6] =	stream.linear.gather [hbm4b:s8+s2], $0x50, $0x38;
	[tilespmem:$0x1DC80] =	vst v63  }
0x3a: {  	s18 =	rddreg [dreg:$0x13]  }
0x3b: {  	[tilespmem:s26], [sflag:$0x6] =	stream.linear.gather [hbm4b:s18+s2], $0x50, $0x38;
	[tilespmem:$0x1DC80] =	vst v63  }
0x3c: {  	s20 =	simm.s32 $0x100;
	s19 =	rddreg [dreg:$0x14]  }
0x3d: {  	[tilespmem:s20], [sflag:$0x7] =	stream.linear.gather [hbm4b:s19+s2], $0x50, $0x38;
	[tilespmem:$0x1DC80] =	vst v63  }
0x3e: {  	s21 =	rddreg [dreg:$0x15]  }
0x3f: {  	[tilespmem:s29], [sflag:$0x7] =	stream.linear.gather [hbm4b:s21+s2], $0x50, $0x38;
	[tilespmem:$0x1DC80] =	vst v63  }
0x40: {  	s22 =	rddreg [dreg:$0x17]  }
0x41: {  	[tilespmem:s30], [sflag:$0x8] =	stream.linear.gather [hbm4b:s22+s2], $0x50, $0x38;
	[tilespmem:$0x1DC80] =	vst v63  }
0x42: {  	s17 =	simm.s32 $0x380;
	s25 =	rddreg [dreg:$0x18]  }
0x43: {  	[tilespmem:s17], [sflag:$0x8] =	stream.linear.gather [hbm4b:s25+s2], $0x50, $0x38;
	[tilespmem:$0x1DC80] =	vst v63  }
0x44: {  	_ =	swait.ge [sflag:s0], $0x50  }
0x45: {  	[sflag:s0] =	ssyncset.done $0x0  }
0x46: {  	[sflag:s0] =	ssyncadd.s32 $0xFFFFFFB0  }
0x47: {  	_ =	swait.ge [sflag:s0], $0x50  }
0x48: {  	[sflag:s0] =	ssyncset.done $0x0  }
0x49: {  	s28 =	simm.s32 $0x6;
	[sflag:s0] =	ssyncadd.s32 $0xFFFFFFB0  }
0x4a: {  	[tilespmem:s6], [sflag:$0x1] =	stream.indirect.gather [hbm4b:s3+s31], $0x80, s2, s31, $0xb8;
	[tilespmem:$0x1DC80] =	vst v63  }
0x4b: {  	_ =	swait.ge [sflag:s28], $0x50  }
0x4c: {  	[sflag:s28] =	ssyncset.done $0x0  }
0x4d: {  	[sflag:s28] =	ssyncadd.s32 $0xFFFFFFB0  }
0x4e: {  	_ =	swait.ge [sflag:s28], $0x50  }
0x4f: {  	[sflag:s28] =	ssyncset.done $0x0  }
0x50: {  	s17 =	simm.s32 $0x7;
	[sflag:s28] =	ssyncadd.s32 $0xFFFFFFB0  }
0x51: {  	[tilespmem:s9], [sflag:$0x2] =	stream.indirect.gather [hbm4b:s3+s31], $0x80, s10, s31, $0xb8;
	[tilespmem:$0x1DC80] =	vst v63  }
0x52: {  	_ =	swait.ge [sflag:s17], $0x50  }
0x53: {  	[sflag:s17] =	ssyncset.done $0x0  }
0x54: {  	[sflag:s17] =	ssyncadd.s32 $0xFFFFFFB0  }
0x55: {  	_ =	swait.ge [sflag:s17], $0x50  }
0x56: {  	[sflag:s17] =	ssyncset.done $0x0  }
0x57: {  	[sflag:s17] =	ssyncadd.s32 $0xFFFFFFB0  }
0x58: {  	[tilespmem:s11], [sflag:$0x3] =	stream.indirect.gather [hbm4b:s3+s31], $0x80, s20, s31, $0xb8;
	[tilespmem:$0x1DC80] =	vst v63  }
0x59: {  	_ =	swait.ge [sflag:s12], $0x2800  }
0x5a: {  	[sflag:s12] =	ssyncset.done $0x0  }
0x5b: {  	[sflag:s12] =	ssyncadd.s32 $0xFFFFD800  }
0x5c: {  	[spmem:s1] =	stream.indirect.scatter.add.f32 [tilespmem:s6], [sflag:$0x9], $0x80, s24, s31, $0xb8;
	[tilespmem:$0x1DC80] =	vst v63  }
0x5d: {  	_ =	swait.ge [sflag:s23], $0x2800  }
0x5e: {  	s18 =	rddreg [dreg:$0x1b]  }
0x5f: {  	[sflag:s23] =	ssyncset.done $0x0;
	s25 =	sshrl.u32 s18, $0x3  }
0x60: {  	[sflag:s23] =	ssyncadd.s32 $0xFFFFD800;
	s19 =	sadd.s32 s4, s25  }
0x61: {  	[tilespmem:s2], [sflag:$0x5] =	stream.linear.gather [hbm4b:s19+s2], $0x50, $0x38;
	[tilespmem:$0x1DC80] =	vst v63  }
0x62: {  	s7 =	sadd.s32 s5, s25  }
0x63: {  	[tilespmem:s24], [sflag:$0x5] =	stream.linear.gather [hbm4b:s7+s2], $0x50, $0x38;
	[tilespmem:$0x1DC80] =	vst v63  }
0x64: {  	_ =	swait.ge [sflag:s13], $0x50  }
0x65: {  	[sflag:s13] =	ssyncset.done $0x0  }
0x66: {  	[sflag:s13] =	ssyncadd.s32 $0xFFFFFFB0  }
0x67: {  	_ =	swait.ge [sflag:s13], $0x50  }
0x68: {  	[sflag:s13] =	ssyncset.done $0x0  }
0x69: {  	s28 =	rddreg [dreg:$0xa];
	[sflag:s13] =	ssyncadd.s32 $0xFFFFFFB0  }
0x6a: {  	[tilespmem:s28], [sflag:$0x4] =	stream.indirect.gather [hbm4b:s3+s31], $0x80, s30, s31, $0xb8;
	[tilespmem:$0x1DC80] =	vst v63  }
0x6b: {  	_ =	swait.ge [sflag:s14], $0x2800  }
0x6c: {  	[sflag:s14] =	ssyncset.done $0x0  }
0x6d: {  	p1 =	por $0x0, $0x0;
	[sflag:s14] =	ssyncadd.s32 $0xFFFFD800  }
0x6e: {  	[spmem:s1] =	stream.indirect.scatter.add.f32 [tilespmem:s9], [sflag:$0x9], $0x80, s26, s31, $0xb8;
	[tilespmem:$0x1DC80] =	vst v63  }
0x6f: {  	s21 =	simm.s32 @!p1 $0x80;
	_ =	swait.ge [sflag:s23], $0x2800  }
0x70: {  	s7 =	simm.s32 @!p1 $0x0;
	s19 =	rddreg [dreg:$0x9];
	[sflag:s23] =	ssyncset.done $0x0  }
0x71: {  	s20 =	rddreg [dreg:$0x8];
	[sflag:s23] =	ssyncadd.s32 $0xFFFFD800;
	s19 =	sadd.s32 @!p1 $0x0, s19  }
0x72: {  	[tilespmem:s21], [sflag:$0x6] =	stream.linear.gather @!p1 [hbm4b:s19+s7], $0x50, $0x38;
	[tilespmem:$0x1DC80] =	vst v63  }
0x73: {  	s20 =	sadd.s32 @!p1 $0x0, s20;
	s19 =	simm.s32 @!p1 $0x280  }
0x74: {  	[tilespmem:s19], [sflag:$0x6] =	stream.linear.gather @!p1 [hbm4b:s20+s7], $0x50, $0x38;
	[tilespmem:$0x1DC80] =	vst v63  }
0x75: {  	_ =	swait.ge [sflag:s0], $0x50  }
0x76: {  	[sflag:s0] =	ssyncset.done $0x0  }
0x77: {  	[sflag:s0] =	ssyncadd.s32 $0xFFFFFFB0  }
0x78: {  	_ =	swait.ge [sflag:s0], $0x50  }
0x79: {  	[sflag:s0] =	ssyncset.done $0x0  }
0x7a: {  	[sflag:s0] =	ssyncadd.s32 $0xFFFFFFB0  }
0x7b: {  	[tilespmem:s6], [sflag:$0x1] =	stream.indirect.gather [hbm4b:s3+s31], $0x80, s2, s31, $0xb8;
	[tilespmem:$0x1DC80] =	vst v63  }
0x7c: {  	_ =	swait.ge [sflag:s15], $0x2800  }
0x7d: {  	[sflag:s15] =	ssyncset.done $0x0  }
0x7e: {  	[sflag:s15] =	ssyncadd.s32 $0xFFFFD800  }
0x7f: {  	[spmem:s1] =	stream.indirect.scatter.add.f32 [tilespmem:s11], [sflag:$0x9], $0x80, s29, s31, $0xb8;
	[tilespmem:$0x1DC80] =	vst v63  }
0x80: {  	_ =	swait.ge [sflag:s23], $0x2800  }
0x81: {  	[sflag:s23] =	ssyncset.done $0x0  }
0x82: {  	s19 =	simm.s32 @p1 $0x4;
	[sflag:s23] =	ssyncadd.s32 $0xFFFFD800  }
0x83: {  	_ =	swait.ge @p1 [sflag:s19], $0x2800  }
0x84: {  	s22 =	simm.s32 @p1 $0x50;
	s25 =	simm.s32 @p1 $0x380;
	[sflag:s19] =	ssyncset.done @p1 $0x0  }
0x85: {  	s20 =	simm.s32 @p1 $0x7C00;
	[sflag:s19] =	ssyncadd.s32 @p1 $0xFFFFD800;
	s19 =	simm.s32 @p1 $0x9  }
0x86: {  	[spmem:s1] =	stream.indirect.scatter.add.f32 @p1 [tilespmem:s20], [sflag:$0x9], $0x80, s25, s22, $0xb8;
	[tilespmem:$0x1DC80] =	vst v63  }
0x87: {  	_ =	swait.ge @p1 [sflag:s19], $0x2800  }
0x88: {  	s20 =	rddreg [dreg:$0x7]  }
0x89: {  	[sflag:s19] =	ssyncset.done @p1 $0x0;
	s22 =	rddreg [dreg:$0x6]  }
0x8a: {  	[sflag:s19] =	ssyncadd.s32 @p1 $0xFFFFD800;
	s19 =	sadd.s32 @!p1 $0x0, s20;
	s20 =	simm.s32 @!p1 $0x100  }
0x8b: {  	[tilespmem:s20], [sflag:$0x7] =	stream.linear.gather @!p1 [hbm4b:s19+s7], $0x50, $0x38;
	[tilespmem:$0x1DC80] =	vst v63  }
0x8c: {  	s25 =	simm.s32 @!p1 $0x6;
	s22 =	sadd.s32 @!p1 $0x0, s22;
	s19 =	simm.s32 @!p1 $0x300  }
0x8d: {  	[tilespmem:s19], [sflag:$0x7] =	stream.linear.gather @!p1 [hbm4b:s22+s7], $0x50, $0x38;
	[tilespmem:$0x1DC80] =	vst v63  }
0x8e: {  	_ =	swait.ge @!p1 [sflag:s25], $0x50  }
0x8f: {  	[sflag:s25] =	ssyncset.done @!p1 $0x0  }
0x90: {  	[sflag:s25] =	ssyncadd.s32 @!p1 $0xFFFFFFB0  }
0x91: {  	_ =	swait.ge @!p1 [sflag:s25], $0x50  }
0x92: {  	s19 =	simm.s32 @!p1 $0x50;
	[sflag:s25] =	ssyncset.done @!p1 $0x0  }
0x93: {  	s22 =	simm.s32 @!p1 $0x2C00;
	[sflag:s25] =	ssyncadd.s32 @!p1 $0xFFFFFFB0;
	s25 =	simm.s32 @!p1 $0x4  }
0x94: {  	[tilespmem:s22], [sflag:$0x2] =	stream.indirect.gather @!p1 [hbm4b:s3+s19], $0x80, s21, s19, $0xb8;
	[tilespmem:$0x1DC80] =	vst v63  }
0x95: {  	_ =	swait.ge @!p1 [sflag:s25], $0x2800  }
0x96: {  	s21 =	simm.s32 @!p1 $0x380;
	[sflag:s25] =	ssyncset.done @!p1 $0x0  }
0x97: {  	s22 =	simm.s32 @!p1 $0x7C00;
	[sflag:s25] =	ssyncadd.s32 @!p1 $0xFFFFD800;
	s25 =	simm.s32 @!p1 $0x9  }
0x98: {  	[spmem:s1] =	stream.indirect.scatter.add.f32 @!p1 [tilespmem:s22], [sflag:$0x9], $0x80, s21, s19, $0xb8;
	[tilespmem:$0x1DC80] =	vst v63  }
0x99: {  	_ =	swait.ge @!p1 [sflag:s25], $0x2800  }
0x9a: {  	s22 =	rddreg [dreg:$0x5]  }
0x9b: {  	[sflag:s25] =	ssyncset.done @!p1 $0x0;
	s28 =	rddreg [dreg:$0x4]  }
0x9c: {  	[sflag:s25] =	ssyncadd.s32 @!p1 $0xFFFFD800;
	s22 =	sadd.s32 @!p1 $0x0, s22;
	s25 =	simm.s32 @!p1 $0x180  }
0x9d: {  	[tilespmem:s25], [sflag:$0x8] =	stream.linear.gather @!p1 [hbm4b:s22+s7], $0x50, $0x38;
	[tilespmem:$0x1DC80] =	vst v63  }
0x9e: {  	s22 =	sadd.s32 @!p1 $0x0, s28  }
0x9f: {  	[tilespmem:s21], [sflag:$0x8] =	stream.linear.gather @!p1 [hbm4b:s22+s7], $0x50, $0x38;
	[tilespmem:$0x1DC80] =	vst v63  }
0xa0: {  	s7 =	simm.s32 @!p1 $0x7  }
0xa1: {  	_ =	swait.ge @!p1 [sflag:s7], $0x50  }
0xa2: {  	[sflag:s7] =	ssyncset.done @!p1 $0x0  }
0xa3: {  	[sflag:s7] =	ssyncadd.s32 @!p1 $0xFFFFFFB0  }
0xa4: {  	_ =	swait.ge @!p1 [sflag:s7], $0x50  }
0xa5: {  	[sflag:s7] =	ssyncset.done @!p1 $0x0  }
0xa6: {  	s21 =	simm.s32 @!p1 $0x5400;
	[sflag:s7] =	ssyncadd.s32 @!p1 $0xFFFFFFB0  }
0xa7: {  	[tilespmem:s21], [sflag:$0x3] =	stream.indirect.gather @!p1 [hbm4b:s3+s19], $0x80, s20, s19, $0xb8;
	[tilespmem:$0x1DC80] =	vst v63  }
0xa8: {  	_ =	swait.ge [sflag:s12], $0x2800  }
0xa9: {  	[sflag:s12] =	ssyncset.done $0x0  }
0xaa: {  	s25 =	simm.s32 $0x50;
	s20 =	sadd.s32 $0x140, s18;
	[sflag:s12] =	ssyncadd.s32 $0xFFFFD800  }
0xab: {  	[spmem:s1] =	stream.indirect.scatter.add.f32 [tilespmem:s6], [sflag:$0x9], $0x80, s24, s31, $0xb8;
	[tilespmem:$0x1DC80] =	vst v63  }
0xac: {  	s19 =	simm.s32 $0x28;
	s7 =	sshrl.u32 s20, $0x3;
	_ =	swait.ge [sflag:s23], $0x2800  }
.LBB2_2:
0xad: {  	[sflag:s23] =	ssyncset.done $0x0  }
0xae: {  	s22 =	sadd.s32 s4, s7;
	[sflag:s23] =	ssyncadd.s32 $0xFFFFD800  }
0xaf: {  	[tilespmem:s2], [sflag:$0x5] =	stream.linear.gather [hbm4b:s22+s2], $0x50, $0x38;
	[tilespmem:$0x1DC80] =	vst v63  }
0xb0: {  	s22 =	sadd.s32 s5, s7  }
0xb1: {  	[tilespmem:s24], [sflag:$0x5] =	stream.linear.gather [hbm4b:s22+s2], $0x50, $0x38;
	[tilespmem:$0x1DC80] =	vst v63  }
0xb2: {  	_ =	swait.ge [sflag:s13], $0x50  }
0xb3: {  	[sflag:s13] =	ssyncset.done $0x0  }
0xb4: {  	[sflag:s13] =	ssyncadd.s32 $0xFFFFFFB0  }
0xb5: {  	_ =	swait.ge [sflag:s13], $0x50  }
0xb6: {  	[sflag:s13] =	ssyncset.done $0x0  }
0xb7: {  	s28 =	rddreg [dreg:$0xa];
	[sflag:s13] =	ssyncadd.s32 $0xFFFFFFB0  }
0xb8: {  	[tilespmem:s28], [sflag:$0x4] =	stream.indirect.gather [hbm4b:s3+s31], $0x80, s30, s31, $0xb8;
	[tilespmem:$0x1DC80] =	vst v63  }
0xb9: {  	_ =	swait.ge [sflag:s14], $0x2800  }
0xba: {  	[sflag:s14] =	ssyncset.done $0x0  }
0xbb: {  	p2 =	seq.s32 s19, $0x4B0;
	[sflag:s14] =	ssyncadd.s32 $0xFFFFD800  }
0xbc: {  	[spmem:s1] =	stream.indirect.scatter.add.f32 [tilespmem:s9], [sflag:$0x9], $0x80, s26, s31, $0xb8;
	[tilespmem:$0x1DC80] =	vst v63  }
0xbd: {  	s22 =	simm.s32 @!p2 $0x80;
	_ =	swait.ge [sflag:s23], $0x2800  }
0xbe: {  	s28 =	simm.s32 @!p2 $0x0;
	s7 =	rddreg [dreg:$0x9];
	[sflag:s23] =	ssyncset.done $0x0  }
0xbf: {  	s10 =	rddreg [dreg:$0x8];
	[sflag:s23] =	ssyncadd.s32 $0xFFFFD800;
	s7 =	sadd.s32 @!p2 s19, s7  }
0xc0: {  	[tilespmem:s22], [sflag:$0x6] =	stream.linear.gather @!p2 [hbm4b:s7+s28], $0x50, $0x38;
	[tilespmem:$0x1DC80] =	vst v63  }
0xc1: {  	s17 =	simm.s32 @!p2 $0x280;
	s7 =	sadd.s32 @!p2 s19, s10  }
0xc2: {  	[tilespmem:s17], [sflag:$0x6] =	stream.linear.gather @!p2 [hbm4b:s7+s28], $0x50, $0x38;
	[tilespmem:$0x1DC80] =	vst v63  }
0xc3: {  	_ =	swait.ge [sflag:s0], $0x50  }
0xc4: {  	[sflag:s0] =	ssyncset.done $0x0  }
0xc5: {  	[sflag:s0] =	ssyncadd.s32 $0xFFFFFFB0  }
0xc6: {  	_ =	swait.ge [sflag:s0], $0x50  }
0xc7: {  	[sflag:s0] =	ssyncset.done $0x0  }
0xc8: {  	[sflag:s0] =	ssyncadd.s32 $0xFFFFFFB0  }
0xc9: {  	[tilespmem:s6], [sflag:$0x1] =	stream.indirect.gather [hbm4b:s3+s31], $0x80, s2, s31, $0xb8;
	[tilespmem:$0x1DC80] =	vst v63  }
0xca: {  	_ =	swait.ge [sflag:s15], $0x2800  }
0xcb: {  	[sflag:s15] =	ssyncset.done $0x0  }
0xcc: {  	[sflag:s15] =	ssyncadd.s32 $0xFFFFD800  }
0xcd: {  	[spmem:s1] =	stream.indirect.scatter.add.f32 [tilespmem:s11], [sflag:$0x9], $0x80, s29, s31, $0xb8;
	[tilespmem:$0x1DC80] =	vst v63  }
0xce: {  	_ =	swait.ge [sflag:s23], $0x2800  }
0xcf: {  	[sflag:s23] =	ssyncset.done $0x0  }
0xd0: {  	s7 =	simm.s32 @p2 $0x4;
	[sflag:s23] =	ssyncadd.s32 $0xFFFFD800  }
0xd1: {  	_ =	swait.ge @p2 [sflag:s7], $0x2800  }
0xd2: {  	s18 =	simm.s32 @p2 $0x380;
	s10 =	simm.s32 @p2 $0x7C00;
	[sflag:s7] =	ssyncset.done @p2 $0x0  }
0xd3: {  	s17 =	simm.s32 @p2 $0x50;
	[sflag:s7] =	ssyncadd.s32 @p2 $0xFFFFD800;
	s7 =	simm.s32 @p2 $0x9  }
0xd4: {  	[spmem:s1] =	stream.indirect.scatter.add.f32 @p2 [tilespmem:s10], [sflag:$0x9], $0x80, s18, s17, $0xb8;
	[tilespmem:$0x1DC80] =	vst v63  }
0xd5: {  	_ =	swait.ge @p2 [sflag:s7], $0x2800  }
0xd6: {  	s10 =	rddreg [dreg:$0x7]  }
0xd7: {  	[sflag:s7] =	ssyncset.done @p2 $0x0;
	s17 =	rddreg [dreg:$0x6]  }
0xd8: {  	[sflag:s7] =	ssyncadd.s32 @p2 $0xFFFFD800;
	s10 =	sadd.s32 @!p2 s19, s10;
	s7 =	simm.s32 @!p2 $0x100  }
0xd9: {  	[tilespmem:s7], [sflag:$0x7] =	stream.linear.gather @!p2 [hbm4b:s10+s28], $0x50, $0x38;
	[tilespmem:$0x1DC80] =	vst v63  }
0xda: {  	s18 =	simm.s32 @!p2 $0x300;
	s10 =	sadd.s32 @!p2 s19, s17;
	s17 =	simm.s32 @!p2 $0x6  }
0xdb: {  	[tilespmem:s18], [sflag:$0x7] =	stream.linear.gather @!p2 [hbm4b:s10+s28], $0x50, $0x38;
	[tilespmem:$0x1DC80] =	vst v63  }
0xdc: {  	_ =	swait.ge @!p2 [sflag:s17], $0x50  }
0xdd: {  	[sflag:s17] =	ssyncset.done @!p2 $0x0  }
0xde: {  	[sflag:s17] =	ssyncadd.s32 @!p2 $0xFFFFFFB0  }
0xdf: {  	_ =	swait.ge @!p2 [sflag:s17], $0x50  }
0xe0: {  	s10 =	simm.s32 @!p2 $0x50;
	[sflag:s17] =	ssyncset.done @!p2 $0x0  }
0xe1: {  	s18 =	simm.s32 @!p2 $0x2C00;
	[sflag:s17] =	ssyncadd.s32 @!p2 $0xFFFFFFB0;
	s17 =	simm.s32 @!p2 $0x4  }
0xe2: {  	[tilespmem:s18], [sflag:$0x2] =	stream.indirect.gather @!p2 [hbm4b:s3+s10], $0x80, s22, s10, $0xb8;
	[tilespmem:$0x1DC80] =	vst v63  }
0xe3: {  	_ =	swait.ge @!p2 [sflag:s17], $0x2800  }
0xe4: {  	s18 =	simm.s32 @!p2 $0x380;
	[sflag:s17] =	ssyncset.done @!p2 $0x0  }
0xe5: {  	s22 =	simm.s32 @!p2 $0x7C00;
	[sflag:s17] =	ssyncadd.s32 @!p2 $0xFFFFD800;
	s17 =	simm.s32 @!p2 $0x9  }
0xe6: {  	[spmem:s1] =	stream.indirect.scatter.add.f32 @!p2 [tilespmem:s22], [sflag:$0x9], $0x80, s18, s10, $0xb8;
	[tilespmem:$0x1DC80] =	vst v63  }
0xe7: {  	_ =	swait.ge @!p2 [sflag:s17], $0x2800  }
0xe8: {  	s22 =	rddreg [dreg:$0x5]  }
0xe9: {  	[sflag:s17] =	ssyncset.done @!p2 $0x0;
	s8 =	rddreg [dreg:$0x4]  }
0xea: {  	[sflag:s17] =	ssyncadd.s32 @!p2 $0xFFFFD800;
	s17 =	sadd.s32 @!p2 s19, s22;
	s22 =	simm.s32 @!p2 $0x180  }
0xeb: {  	[tilespmem:s22], [sflag:$0x8] =	stream.linear.gather @!p2 [hbm4b:s17+s28], $0x50, $0x38;
	[tilespmem:$0x1DC80] =	vst v63  }
0xec: {  	s8 =	sadd.s32 @!p2 s19, s8;
	s17 =	simm.s32 @!p2 $0x7  }
0xed: {  	[tilespmem:s18], [sflag:$0x8] =	stream.linear.gather @!p2 [hbm4b:s8+s28], $0x50, $0x38;
	[tilespmem:$0x1DC80] =	vst v63  }
0xee: {  	_ =	swait.ge @!p2 [sflag:s17], $0x50  }
0xef: {  	[sflag:s17] =	ssyncset.done @!p2 $0x0  }
0xf0: {  	[sflag:s17] =	ssyncadd.s32 @!p2 $0xFFFFFFB0  }
0xf1: {  	_ =	swait.ge @!p2 [sflag:s17], $0x50  }
0xf2: {  	s21 =	smov.u32 s25;
	s25 =	sadd.s32 $0x28, s25;
	[sflag:s17] =	ssyncset.done @!p2 $0x0  }
0xf3: {  	p1 =	sne.s32 s25, $0x4D8;
	s8 =	simm.s32 @!p2 $0x5400;
	[sflag:s17] =	ssyncadd.s32 @!p2 $0xFFFFFFB0  }
0xf4: {  	[tilespmem:s8], [sflag:$0x3] =	stream.indirect.gather @!p2 [hbm4b:s3+s10], $0x80, s7, s10, $0xb8;
	[tilespmem:$0x1DC80] =	vst v63  }
.Ltmp0:
0xf5: {  	_ =	swait.ge [sflag:s12], $0x2800;
	(pc) =	sbr.rel @p1 .LBB2_2-.Ltmp0, $4  }
0xf6: {  	[sflag:s12] =	ssyncset.done $0x0  }
0xf7: {  	s20 =	sadd.s32 $0x140, s20;
	[sflag:s12] =	ssyncadd.s32 $0xFFFFD800  }
0xf8: {  	[spmem:s1] =	stream.indirect.scatter.add.f32 [tilespmem:s6], [sflag:$0x9], $0x80, s24, s31, $0xb8;
	[tilespmem:$0x1DC80] =	vst v63  }
0xf9: {  	s19 =	smov.u32 s21;
	s7 =	sshrl.u32 s20, $0x3;
	_ =	swait.ge [sflag:s23], $0x2800  }
0xfa: {  	[sflag:s23] =	ssyncset.done $0x0  }
0xfb: {  	s8 =	sadd.s32 s4, s7;
	[sflag:s23] =	ssyncadd.s32 $0xFFFFD800  }
0xfc: {  	[tilespmem:s2], [sflag:$0x5] =	stream.linear.gather [hbm4b:s8+s2], $0x50, $0x38;
	[tilespmem:$0x1DC80] =	vst v63  }
0xfd: {  	s20 =	sadd.s32 s5, s7  }
0xfe: {  	[tilespmem:s24], [sflag:$0x5] =	stream.linear.gather [hbm4b:s20+s2], $0x50, $0x38;
	[tilespmem:$0x1DC80] =	vst v63  }
0xff: {  	_ =	swait.ge [sflag:s13], $0x50  }
0x100: {  	[sflag:s13] =	ssyncset.done $0x0  }
0x101: {  	[sflag:s13] =	ssyncadd.s32 $0xFFFFFFB0  }
0x102: {  	_ =	swait.ge [sflag:s13], $0x50  }
0x103: {  	[sflag:s13] =	ssyncset.done $0x0  }
0x104: {  	s21 =	rddreg [dreg:$0xa];
	[sflag:s13] =	ssyncadd.s32 $0xFFFFFFB0  }
0x105: {  	[tilespmem:s21], [sflag:$0x4] =	stream.indirect.gather [hbm4b:s3+s31], $0x80, s30, s31, $0xb8;
	[tilespmem:$0x1DC80] =	vst v63  }
0x106: {  	_ =	swait.ge [sflag:s14], $0x2800  }
0x107: {  	[sflag:s14] =	ssyncset.done $0x0  }
0x108: {  	p1 =	seq.s32 s19, $0x4B0;
	[sflag:s14] =	ssyncadd.s32 $0xFFFFD800  }
0x109: {  	[spmem:s1] =	stream.indirect.scatter.add.f32 [tilespmem:s9], [sflag:$0x9], $0x80, s26, s31, $0xb8;
	[tilespmem:$0x1DC80] =	vst v63  }
0x10a: {  	s7 =	simm.s32 @!p1 $0x0;
	_ =	swait.ge [sflag:s23], $0x2800  }
0x10b: {  	s17 =	simm.s32 @!p1 $0x80;
	s8 =	rddreg [dreg:$0x9];
	[sflag:s23] =	ssyncset.done $0x0  }
0x10c: {  	s10 =	rddreg [dreg:$0x8];
	[sflag:s23] =	ssyncadd.s32 $0xFFFFD800;
	s8 =	sadd.s32 @!p1 s19, s8  }
0x10d: {  	[tilespmem:s17], [sflag:$0x6] =	stream.linear.gather @!p1 [hbm4b:s8+s7], $0x50, $0x38;
	[tilespmem:$0x1DC80] =	vst v63  }
0x10e: {  	s10 =	sadd.s32 @!p1 s19, s10;
	s8 =	simm.s32 @!p1 $0x280  }
0x10f: {  	[tilespmem:s8], [sflag:$0x6] =	stream.linear.gather @!p1 [hbm4b:s10+s7], $0x50, $0x38;
	[tilespmem:$0x1DC80] =	vst v63  }
0x110: {  	_ =	swait.ge [sflag:s0], $0x50  }
0x111: {  	[sflag:s0] =	ssyncset.done $0x0  }
0x112: {  	[sflag:s0] =	ssyncadd.s32 $0xFFFFFFB0  }
0x113: {  	_ =	swait.ge [sflag:s0], $0x50  }
0x114: {  	[sflag:s0] =	ssyncset.done $0x0  }
0x115: {  	[sflag:s0] =	ssyncadd.s32 $0xFFFFFFB0  }
0x116: {  	[tilespmem:s6], [sflag:$0x1] =	stream.indirect.gather [hbm4b:s3+s31], $0x80, s2, s31, $0xb8;
	[tilespmem:$0x1DC80] =	vst v63  }
0x117: {  	_ =	swait.ge [sflag:s15], $0x2800  }
0x118: {  	[sflag:s15] =	ssyncset.done $0x0  }
0x119: {  	[sflag:s15] =	ssyncadd.s32 $0xFFFFD800  }
0x11a: {  	[spmem:s1] =	stream.indirect.scatter.add.f32 [tilespmem:s11], [sflag:$0x9], $0x80, s29, s31, $0xb8;
	[tilespmem:$0x1DC80] =	vst v63  }
0x11b: {  	_ =	swait.ge [sflag:s23], $0x2800  }
0x11c: {  	[sflag:s23] =	ssyncset.done $0x0  }
0x11d: {  	s8 =	simm.s32 @p1 $0x4;
	[sflag:s23] =	ssyncadd.s32 $0xFFFFD800  }
0x11e: {  	_ =	swait.ge @p1 [sflag:s8], $0x2800  }
0x11f: {  	s18 =	simm.s32 @p1 $0x50;
	s20 =	simm.s32 @p1 $0x380;
	[sflag:s8] =	ssyncset.done @p1 $0x0  }
0x120: {  	s10 =	simm.s32 @p1 $0x7C00;
	[sflag:s8] =	ssyncadd.s32 @p1 $0xFFFFD800;
	s8 =	simm.s32 @p1 $0x9  }
0x121: {  	[spmem:s1] =	stream.indirect.scatter.add.f32 @p1 [tilespmem:s10], [sflag:$0x9], $0x80, s20, s18, $0xb8;
	[tilespmem:$0x1DC80] =	vst v63  }
0x122: {  	_ =	swait.ge @p1 [sflag:s8], $0x2800  }
0x123: {  	s10 =	rddreg [dreg:$0x7]  }
0x124: {  	[sflag:s8] =	ssyncset.done @p1 $0x0;
	s18 =	rddreg [dreg:$0x6]  }
0x125: {  	[sflag:s8] =	ssyncadd.s32 @p1 $0xFFFFD800;
	s8 =	sadd.s32 @!p1 s19, s10;
	s10 =	simm.s32 @!p1 $0x100  }
0x126: {  	[tilespmem:s10], [sflag:$0x7] =	stream.linear.gather @!p1 [hbm4b:s8+s7], $0x50, $0x38;
	[tilespmem:$0x1DC80] =	vst v63  }
0x127: {  	s20 =	simm.s32 @!p1 $0x6;
	s18 =	sadd.s32 @!p1 s19, s18;
	s8 =	simm.s32 @!p1 $0x300  }
0x128: {  	[tilespmem:s8], [sflag:$0x7] =	stream.linear.gather @!p1 [hbm4b:s18+s7], $0x50, $0x38;
	[tilespmem:$0x1DC80] =	vst v63  }
0x129: {  	_ =	swait.ge @!p1 [sflag:s20], $0x50  }
0x12a: {  	[sflag:s20] =	ssyncset.done @!p1 $0x0  }
0x12b: {  	[sflag:s20] =	ssyncadd.s32 @!p1 $0xFFFFFFB0  }
0x12c: {  	_ =	swait.ge @!p1 [sflag:s20], $0x50  }
0x12d: {  	s8 =	simm.s32 @!p1 $0x50;
	[sflag:s20] =	ssyncset.done @!p1 $0x0  }
0x12e: {  	s18 =	simm.s32 @!p1 $0x2C00;
	[sflag:s20] =	ssyncadd.s32 @!p1 $0xFFFFFFB0;
	s20 =	simm.s32 @!p1 $0x4  }
0x12f: {  	[tilespmem:s18], [sflag:$0x2] =	stream.indirect.gather @!p1 [hbm4b:s3+s8], $0x80, s17, s8, $0xb8;
	[tilespmem:$0x1DC80] =	vst v63  }
0x130: {  	_ =	swait.ge @!p1 [sflag:s20], $0x2800  }
0x131: {  	s17 =	simm.s32 @!p1 $0x380;
	[sflag:s20] =	ssyncset.done @!p1 $0x0  }
0x132: {  	s18 =	simm.s32 @!p1 $0x7C00;
	[sflag:s20] =	ssyncadd.s32 @!p1 $0xFFFFD800;
	s20 =	simm.s32 @!p1 $0x9  }
0x133: {  	[spmem:s1] =	stream.indirect.scatter.add.f32 @!p1 [tilespmem:s18], [sflag:$0x9], $0x80, s17, s8, $0xb8;
	[tilespmem:$0x1DC80] =	vst v63  }
0x134: {  	_ =	swait.ge @!p1 [sflag:s20], $0x2800  }
0x135: {  	s18 =	rddreg [dreg:$0x5]  }
0x136: {  	[sflag:s20] =	ssyncset.done @!p1 $0x0;
	s21 =	rddreg [dreg:$0x4]  }
0x137: {  	[sflag:s20] =	ssyncadd.s32 @!p1 $0xFFFFD800;
	s18 =	sadd.s32 @!p1 s19, s18;
	s20 =	simm.s32 @!p1 $0x180  }
0x138: {  	[tilespmem:s20], [sflag:$0x8] =	stream.linear.gather @!p1 [hbm4b:s18+s7], $0x50, $0x38;
	[tilespmem:$0x1DC80] =	vst v63  }
0x139: {  	s18 =	sadd.s32 @!p1 s19, s21  }
0x13a: {  	[tilespmem:s17], [sflag:$0x8] =	stream.linear.gather @!p1 [hbm4b:s18+s7], $0x50, $0x38;
	[tilespmem:$0x1DC80] =	vst v63  }
0x13b: {  	s7 =	simm.s32 @!p1 $0x7  }
0x13c: {  	_ =	swait.ge @!p1 [sflag:s7], $0x50  }
0x13d: {  	[sflag:s7] =	ssyncset.done @!p1 $0x0  }
0x13e: {  	[sflag:s7] =	ssyncadd.s32 @!p1 $0xFFFFFFB0  }
0x13f: {  	_ =	swait.ge @!p1 [sflag:s7], $0x50  }
0x140: {  	[sflag:s7] =	ssyncset.done @!p1 $0x0  }
0x141: {  	[sflag:s7] =	ssyncadd.s32 @!p1 $0xFFFFFFB0;
	s7 =	simm.s32 @!p1 $0x5400  }
0x142: {  	[tilespmem:s7], [sflag:$0x3] =	stream.indirect.gather @!p1 [hbm4b:s3+s8], $0x80, s10, s8, $0xb8;
	[tilespmem:$0x1DC80] =	vst v63  }
0x143: {  	_ =	swait.ge [sflag:s12], $0x2800  }
0x144: {  	[sflag:s12] =	ssyncset.done $0x0  }
0x145: {  	[sflag:s12] =	ssyncadd.s32 $0xFFFFD800  }
0x146: {  	[spmem:s1] =	stream.indirect.scatter.add.f32 [tilespmem:s6], [sflag:$0x9], $0x80, s24, s31, $0xb8;
	[tilespmem:$0x1DC80] =	vst v63  }
0x147: {  	_ =	swait.ge [sflag:s23], $0x2800  }
0x148: {  	[sflag:s23] =	ssyncset.done $0x0  }
0x149: {  	[sflag:s23] =	ssyncadd.s32 $0xFFFFD800  }
0x14a: {  	[bflag:$0x0] =	sbarrier.arrive $0xFFFF  }
0x14b: {  	s8 =	rddreg [dreg:$0xd]  }
0x14c: {  	s22 =	rddreg [dreg:$0x16]  }
0x14d: {  	s25 =	rddreg [dreg:$0x1c]  }
0x14e: {  	[hbm:s22], [sflag:s8] =	dma.local [spmem:s25], $0x2700  }
0x14f: {  	_ =	swait.ge [sflag:s23], $0x2700  }
0x150: {  	[sflag:s23] =	ssyncset.done $0x0;
	s7 =	rddreg [dreg:$0x19]  }
0x151: {  	s10 =	rddreg [dreg:$0x1d];
	[sflag:s23] =	ssyncadd.s32 $0xFFFFD900  }
0x152: {  	[hbm:s7], [sflag:s8] =	dma.local @!p0 [spmem:s10], $0x100  }
0x153: {  	s7 =	simm.s32 @!p0 $0x9  }
0x154: {  	_ =	swait.ge @!p0 [sflag:s7], $0x100  }
0x155: {  	s16 =	sadd.s32 $0x1, s16;
	s28 =	rddreg [dreg:$0x1a]  }
0x156: {  	p1 =	sne.s32 s16, s28  }
.Ltmp1:
0x157: {  	_ = 	snop;
	(pc) =	sbr.rel @p1 .LBB2_1-.Ltmp1, $3  }
0x158: {  	_ =	sdelay $0x1  }
0x159: {  	[sflag:s7] =	ssyncset.done @!p0 $0x0  }
0x15a: {  	[sflag:s7] =	ssyncadd.s32 @!p0 $0xFFFFFF00  }
0x15b: {  	_ =	sfence.sel $0x180000  }
0x15c: {  	[bflag:$0x0] =	sbarrier.arrive $0xFFFF  }
0x15d: {  	_ =	strace $0x90000050  }
0x15e: {  	[bflag:$0x2] =	sbarrier.arrive $0xFFFF  }
0x15f: {  	s0 =	rddreg [dreg:$0x3]  }
0x160: {  	s0 =	sadd.s32 @!p0 $0x100000, s0  }
0x161: {  	[sflag:s0] =	ssyncadd.tile.s32 @!p0 $0x1;
	_ =	shalt  }
.Lfunc_end2:
_tile_overlayer_lowered:
.L_overlay_start_2:
0x162: {  	(tag) =	ssettag $0x2  }
0x163: {  	s0 =	rddreg [dreg:$0x0];
	s2 =	stileid.u32  }
0x164: {  	s1 =	rddreg [dreg:$0x1];
	p0 =	sne.s32 s2, $0x0  }
0x165: {  	s3 =	rddreg [dreg:$0x2];
	[bflag:$0x3] =	sbarrier.arrive $0xFFFF;
	s2 =	simm.s32 @!p0 $0x1C09  }
0x166: {  	[timem:s3], [sflag:s2] =	dma.local @!p0 [hbm:s0], s1  }
0x167: {  	s0 =	simm.s32 @!p0 $0x9  }
0x168: {  	_ =	swait.ge @!p0 [sflag:s0], s1  }
0x169: {  	s1 =	ssub.s32 @!p0 $0x0, s1;
	[sflag:s0] =	ssyncset.done @!p0 $0x0  }
0x16a: {  	[sflag:s0] =	ssyncadd.s32 @!p0 s1  }
0x16b: {  	[bflag:$0x3] =	sbarrier.arrive $0xFFFF  }
0x16c: {  	_ =	shalt  }

</sc_bundles>
